<compile_context>
chip_gen: v7x
topology: tpu7x:2x2x1
jax: 0.10.2.dev20260603
libtpu: 0.0.44.dev20260713+nightly
codegen_flags: <defaults>
</compile_context>

<pallas_src>
import jax
import jax.numpy as jnp
from jax import lax
from jax.experimental import pallas as pl
from jax.experimental.pallas import tpu as pltpu
from jax.experimental.pallas import tpu_sc as plsc

_N = 10000
_D = 128
_E = 320000

_NC = 2
_NS = 16
_NW = _NC * _NS
_EPW = _E // _NW
_K = 125
_NCHUNK = _EPW // _K
_NP = 10240
_RPT = _NP // _NS
_ZR = 32
_DEGN = 10240
_DPT = _DEGN // _NS

_mesh = plsc.VectorSubcoreMesh(core_axis_name="c", subcore_axis_name="s")


def _sc_deg_body(ei_hbm, out_hbm, deg_sh, didx, onesb, zbuf):
    cid = lax.axis_index("c")
    sid = lax.axis_index("s")
    wid = sid * _NC + cid

    def fill_z(i, c):
        zbuf[pl.ds(i * 16, 16)] = jnp.zeros((16,), jnp.float32)
        return c

    lax.fori_loop(0, _DPT // 16, fill_z, 0)

    def fill_one(i, c):
        onesb[pl.ds(i * 16, 16)] = jnp.ones((16,), jnp.float32)
        return c

    lax.fori_loop(0, 8, fill_one, 0)

    pltpu.sync_copy(ei_hbm.at[1, wid], didx)
    pltpu.sync_copy(zbuf, deg_sh.at[pl.ds(sid * _DPT, _DPT)])
    plsc.subcore_barrier()

    def chunk(i, c):
        pltpu.sync_copy(onesb.at[pl.ds(0, _K)], deg_sh.at[didx.at[i]],
                        add=True)
        return c

    lax.fori_loop(0, _NCHUNK, chunk, 0)
    plsc.subcore_barrier()
    pltpu.sync_copy(deg_sh.at[pl.ds(sid * _DPT, _DPT)],
                    out_hbm.at[pl.ds(cid * _DEGN + sid * _DPT, _DPT)])


_sc_deg = pl.kernel(
    _sc_deg_body,
    out_type=jax.ShapeDtypeStruct((_NC * _DEGN,), jnp.float32),
    mesh=_mesh,
    scratch_types=[
        pltpu.VMEM_SHARED((_DEGN,), jnp.float32),
        pltpu.VMEM((_NCHUNK, _K), jnp.int32),
        pltpu.VMEM((128,), jnp.float32),
        pltpu.VMEM((_DPT,), jnp.float32),
    ],
)


def _sc_agg_body(y_hbm, ei_hbm, out_hbm, acc_sh, ib0, ib1, ib2, ib3,
                 rows0, rows1, zbuf, gsem0, gsem1, ssem0, ssem1,
                 isem0, isem1, isem2, isem3):
    cid = lax.axis_index("c")
    sid = lax.axis_index("s")
    wid = sid * _NC + cid
    ib = [ib0, ib1, ib2, ib3]
    isem = [isem0, isem1, isem2, isem3]
    rows = [rows0, rows1]
    gsem = [gsem0, gsem1]
    ssem = [ssem0, ssem1]

    def zrow(i, c):
        def zcol(j, c2):
            zbuf[i, pl.ds(j * 16, 16)] = jnp.zeros((16,), jnp.float32)
            return c2
        return lax.fori_loop(0, _D // 16, zcol, c)

    pltpu.async_copy(ei_hbm.at[0, wid, 0], ib0.at[0], isem0)
    pltpu.async_copy(ei_hbm.at[1, wid, 0], ib0.at[1], isem0)
    pltpu.async_copy(ei_hbm.at[0, wid, 1], ib1.at[0], isem1)
    pltpu.async_copy(ei_hbm.at[1, wid, 1], ib1.at[1], isem1)
    lax.fori_loop(0, _ZR, zrow, 0)
    for z in range(_RPT // _ZR):
        pltpu.sync_copy(zbuf, acc_sh.at[pl.ds(sid * _RPT + z * _ZR, _ZR)])
    plsc.subcore_barrier()

    def slot(j, s, skip_ssem=False, skip_idx=False, skip_prev=False):
        b, q = s % 2, s % 4
        if not skip_ssem:
            pltpu.make_async_copy(rows[b], acc_sh.at[ib[q].at[1]],
                                  ssem[b]).wait()
        pltpu.make_async_copy(ei_hbm.at[0, wid, 0], ib[q].at[0],
                              isem[q]).wait()
        pltpu.make_async_copy(ei_hbm.at[1, wid, 0], ib[q].at[1],
                              isem[q]).wait()
        pltpu.async_copy(y_hbm.at[ib[q].at[0]], rows[b], gsem[b])
        if not skip_idx:
            q2 = (q + 2) % 4
            pltpu.async_copy(ei_hbm.at[0, wid, j + 2], ib[q2].at[0],
                             isem[q2])
            pltpu.async_copy(ei_hbm.at[1, wid, j + 2], ib[q2].at[1],
                             isem[q2])
        if not skip_prev:
            pb, pq = (s - 1) % 2, (s - 1) % 4
            pltpu.make_async_copy(y_hbm.at[ib[pq].at[0]], rows[pb],
                                  gsem[pb]).wait()
            pltpu.async_copy(rows[pb], acc_sh.at[ib[pq].at[1]], ssem[pb],
                             add=True)

    slot(0, 0, skip_ssem=True, skip_prev=True)
    slot(1, 1, skip_ssem=True)
    slot(2, 2)
    slot(3, 3)

    def body(t, c):
        for s in range(4):
            slot(4 * t + s, s)
        return c

    lax.fori_loop(1, _NCHUNK // 4 - 1, body, 0)

    tl = _NCHUNK - 4
    slot(tl, 0)
    slot(tl + 1, 1)
    slot(tl + 2, 2, skip_idx=True)
    slot(tl + 3, 3, skip_idx=True)

    pltpu.make_async_copy(y_hbm.at[ib3.at[0]], rows1, gsem1).wait()
    pltpu.async_copy(rows1, acc_sh.at[ib3.at[1]], ssem1, add=True)
    pltpu.make_async_copy(rows0, acc_sh.at[ib2.at[1]], ssem0).wait()
    pltpu.make_async_copy(rows1, acc_sh.at[ib3.at[1]], ssem1).wait()

    plsc.subcore_barrier()
    pltpu.sync_copy(acc_sh.at[pl.ds(sid * _RPT, _RPT)],
                    out_hbm.at[pl.ds(cid * _NP + sid * _RPT, _RPT)])


_sc_agg = pl.kernel(
    _sc_agg_body,
    out_type=jax.ShapeDtypeStruct((_NC * _NP, _D), jnp.float32),
    mesh=_mesh,
    scratch_types=[
        pltpu.VMEM_SHARED((_NP, _D), jnp.float32),
        pltpu.VMEM((2, _K), jnp.int32),
        pltpu.VMEM((2, _K), jnp.int32),
        pltpu.VMEM((2, _K), jnp.int32),
        pltpu.VMEM((2, _K), jnp.int32),
        pltpu.VMEM((_K, _D), jnp.float32),
        pltpu.VMEM((_K, _D), jnp.float32),
        pltpu.VMEM((_ZR, _D), jnp.float32),
        pltpu.SemaphoreType.DMA,
        pltpu.SemaphoreType.DMA,
        pltpu.SemaphoreType.DMA,
        pltpu.SemaphoreType.DMA,
        pltpu.SemaphoreType.DMA,
        pltpu.SemaphoreType.DMA,
        pltpu.SemaphoreType.DMA,
        pltpu.SemaphoreType.DMA,
    ],
)


_BN = 2048
_GRID = _NP // _BN


def _tc_prep_body(x_ref, w_ref, dg_ref, d1_ref, y_ref):
    d0_ref = dg_ref
    dinv = lax.rsqrt(d0_ref[...] + d1_ref[...] + 1.0)
    y_ref[...] = jnp.dot(x_ref[...], w_ref[...],
                         preferred_element_type=jnp.float32) * dinv


_tc_prep = pl.pallas_call(
    _tc_prep_body,
    grid=(_GRID,),
    in_specs=[
        pl.BlockSpec((_BN, _D), lambda i: (i, 0)),
        pl.BlockSpec((_D, _D), lambda i: (0, 0)),
        pl.BlockSpec((_BN, 1), lambda i: (i, 0)),
        pl.BlockSpec((_BN, 1), lambda i: (i + _GRID, 0)),
    ],
    out_specs=pl.BlockSpec((_BN, _D), lambda i: (i, 0)),
    out_shape=jax.ShapeDtypeStruct((_NP, _D), jnp.float32),
)


def _tc_mid_body(a0_ref, a1_ref, y_ref, d0_ref, d1_ref, b_ref, w_ref,
                 o_ref):
    dinv = lax.rsqrt(d0_ref[...] + d1_ref[...] + 1.0)
    h = dinv * (a0_ref[...] + a1_ref[...] + y_ref[...]) + b_ref[...]
    h = jnp.maximum(h, 0.0)
    o_ref[...] = jnp.dot(h, w_ref[...],
                         preferred_element_type=jnp.float32) * dinv


_tc_mid = pl.pallas_call(
    _tc_mid_body,
    grid=(_GRID,),
    in_specs=[
        pl.BlockSpec((_BN, _D), lambda i: (i, 0)),
        pl.BlockSpec((_BN, _D), lambda i: (i + _GRID, 0)),
        pl.BlockSpec((_BN, _D), lambda i: (i, 0)),
        pl.BlockSpec((_BN, 1), lambda i: (i, 0)),
        pl.BlockSpec((_BN, 1), lambda i: (i + _GRID, 0)),
        pl.BlockSpec((1, _D), lambda i: (0, 0)),
        pl.BlockSpec((_D, _D), lambda i: (0, 0)),
    ],
    out_specs=pl.BlockSpec((_BN, _D), lambda i: (i, 0)),
    out_shape=jax.ShapeDtypeStruct((_NP, _D), jnp.float32),
)


def _tc_out_body(a0_ref, a1_ref, y_ref, d0_ref, d1_ref, b_ref, o_ref):
    dinv = lax.rsqrt(d0_ref[...] + d1_ref[...] + 1.0)
    h = dinv * (a0_ref[...] + a1_ref[...] + y_ref[...]) + b_ref[...]
    o_ref[...] = jnp.maximum(h, 0.0)


_tc_out = pl.pallas_call(
    _tc_out_body,
    grid=(_GRID,),
    in_specs=[
        pl.BlockSpec((_BN, _D), lambda i: (i, 0)),
        pl.BlockSpec((_BN, _D), lambda i: (i + _GRID, 0)),
        pl.BlockSpec((_BN, _D), lambda i: (i, 0)),
        pl.BlockSpec((_BN, 1), lambda i: (i, 0)),
        pl.BlockSpec((_BN, 1), lambda i: (i + _GRID, 0)),
        pl.BlockSpec((1, _D), lambda i: (0, 0)),
    ],
    out_specs=pl.BlockSpec((_BN, _D), lambda i: (i, 0)),
    out_shape=jax.ShapeDtypeStruct((_NP, _D), jnp.float32),
)


@jax.jit
def kernel(x, edge_index, W1, b1, W2, b2):
    ei = edge_index.reshape(2, _NW, _NCHUNK, _K)
    xp = jnp.pad(x, ((0, _NP - _N), (0, 0)))
    degp = _sc_deg(ei).reshape(_NC * _DEGN, 1)
    y1 = _tc_prep(xp, W1, degp, degp)
    accp1 = _sc_agg(y1, ei)
    y2 = _tc_mid(accp1, accp1, y1, degp, degp, b1.reshape(1, _D), W2)
    accp2 = _sc_agg(y2, ei)
    out = _tc_out(accp2, accp2, y2, degp, degp, b2.reshape(1, _D))
    return out[:_N]

# --- scband reference (transcript-rebuilt; emitter-appended) ---
"""Pipeline reference for scband-gcnbackbone-55817394979590 (READ-ONLY COPY).

The authoritative reference and input builder live on the scoring server;
editing this copy changes nothing except your own understanding.
"""

import jax, jax.numpy as jnp
import numpy as np

N = 10000
E = 320000
D = 128


def setup_inputs(seed: int = 0) -> dict:
    key = jax.random.key(seed)
    k1, k2, k3, k4 = jax.random.split(key, 4)
    x = jax.random.normal(k1, (N, D), dtype=jnp.float32)
    edge_index = jax.random.randint(k2, (2, E), 0, N, dtype=jnp.int32)
    scale = 1.0 / np.sqrt(D)
    W1 = jax.random.normal(k3, (D, D), dtype=jnp.float32) * scale
    b1 = jnp.zeros((D,), dtype=jnp.float32)
    W2 = jax.random.normal(k4, (D, D), dtype=jnp.float32) * scale
    b2 = jnp.zeros((D,), dtype=jnp.float32)
    return {"x": x, "edge_index": edge_index, "W1": W1, "b1": b1, "W2": W2, "b2": b2}


def _gcn_conv(x, src, dst, W, b, n):
    # PyG GCNConv: add self-loops, symmetric normalization D^-1/2 (A+I) D^-1/2, then (x W) aggregation + bias
    loop = jnp.arange(n, dtype=src.dtype)
    s = jnp.concatenate([src, loop])
    d = jnp.concatenate([dst, loop])
    deg = jax.ops.segment_sum(jnp.ones_like(s, dtype=x.dtype), d, num_segments=n)
    dinv = jnp.where(deg > 0, jax.lax.rsqrt(jnp.maximum(deg, 1e-12)), 0.0)
    norm = dinv[s] * dinv[d]
    xw = x @ W
    msg = xw[s] * norm[:, None]
    out = jax.ops.segment_sum(msg, d, num_segments=n)
    return out + b


def reference(x, edge_index, W1, b1, W2, b2):
    # GCNBackbone forward with norm='none' (Identity), drop=0.0, plus=False,
    # residual=None (sum_residual is a no-op), n_layers=2:
    #   h = relu(GCNConv1(x, ei)); h = relu(GCNConv2(h, ei))
    src = edge_index[0]
    dst = edge_index[1]
    n = x.shape[0]
    h = jax.nn.relu(_gcn_conv(x, src, dst, W1, b1, n))
    h = jax.nn.relu(_gcn_conv(h, src, dst, W2, b2, n))
    return h

if __name__ == "__main__":
    import jax
    _d = setup_inputs()
    print(jax.jit(kernel)(*tuple(_d.values())))

</pallas_src>

<mosaic_0001>
#map = affine_map<(d0, d1) -> (0, 0)>
#map1 = affine_map<(d0, d1) -> (0, 0, 0, 0)>
module attributes {stable_mosaic.version = 14 : i64} {
  func.func @_sc_agg_body(%arg0: i32, %arg1: i32, %arg2: memref<10240x128xf32, #tpu.memory_space<hbm>>, %arg3: memref<2x32x80x125xi32, #tpu.memory_space<hbm>>, %arg4: memref<20480x128xf32, #tpu.memory_space<hbm>>, %arg5: memref<10240x128xf32, #tpu.memory_space<vmem_shared>>, %arg6: memref<2x125xi32, #tpu.memory_space<vmem>>, %arg7: memref<2x125xi32, #tpu.memory_space<vmem>>, %arg8: memref<2x125xi32, #tpu.memory_space<vmem>>, %arg9: memref<2x125xi32, #tpu.memory_space<vmem>>, %arg10: memref<125x128xf32, #tpu.memory_space<vmem>>, %arg11: memref<125x128xf32, #tpu.memory_space<vmem>>, %arg12: memref<32x128xf32, #tpu.memory_space<vmem>>, %arg13: memref<!tpu.dma_semaphore, #tpu.memory_space<semaphore_mem>>, %arg14: memref<!tpu.dma_semaphore, #tpu.memory_space<semaphore_mem>>, %arg15: memref<!tpu.dma_semaphore, #tpu.memory_space<semaphore_mem>>, %arg16: memref<!tpu.dma_semaphore, #tpu.memory_space<semaphore_mem>>, %arg17: memref<!tpu.dma_semaphore, #tpu.memory_space<semaphore_mem>>, %arg18: memref<!tpu.dma_semaphore, #tpu.memory_space<semaphore_mem>>, %arg19: memref<!tpu.dma_semaphore, #tpu.memory_space<semaphore_mem>>, %arg20: memref<!tpu.dma_semaphore, #tpu.memory_space<semaphore_mem>>) attributes {dimension_semantics = [#tpu.dimension_semantics<core_parallel>, #tpu.dimension_semantics<subcore_parallel>], iteration_bounds = array<i64: 2, 16>, scalar_prefetch = 0 : i64, scratch_operands = 16 : i64, tpu.core_type = #tpu.core_type<sc_vector_subcore>, window_params = [{transform_indices = #map}, {transform_indices = #map1}, {transform_indices = #map}]} {
    %mul3A = arith.constant 2 : i32
    %mul3A_0 = arith.muli %arg1, %mul3A : i32
    %add3A = arith.addi %mul3A_0, %arg0 : i32
    %dma_start3A = arith.constant 0 : i32
    %dma_start3A_1 = arith.constant 0 : i32
    %dma_start3A_2 = arith.constant 0 : i32
    %dma_start3A_3 = arith.constant 0 : i32
    %dma_start3A_4 = tpu.memref_slice %arg6[%dma_start3A_2, %dma_start3A_3] : memref<2x125xi32, #tpu.memory_space<vmem>> -> memref<1x125xi32, #tpu.memory_space<vmem>>
    %dma_start3A_5 = tpu.memref_squeeze %dma_start3A_4 : memref<1x125xi32, #tpu.memory_space<vmem>> -> memref<125xi32, #tpu.memory_space<vmem>>
    %dma_start3A_6 = arith.constant 0 : i32
    %dma_start3A_7 = tpu.memref_slice %arg3[%dma_start3A, %add3A, %dma_start3A_1, %dma_start3A_6] : memref<2x32x80x125xi32, #tpu.memory_space<hbm>> -> memref<1x1x1x125xi32, #tpu.memory_space<hbm>>
    %dma_start3A_8 = tpu.memref_squeeze %dma_start3A_7 : memref<1x1x1x125xi32, #tpu.memory_space<hbm>> -> memref<125xi32, #tpu.memory_space<hbm>>
    %dma_start3A_9 = arith.constant 0 : i32
    %dma_start3A_10 = tpu.memref_slice %arg6[%dma_start3A_2, %dma_start3A_9] : memref<2x125xi32, #tpu.memory_space<vmem>> -> memref<1x125xi32, #tpu.memory_space<vmem>>
    %dma_start3A_11 = tpu.memref_squeeze %dma_start3A_10 : memref<1x125xi32, #tpu.memory_space<vmem>> -> memref<125xi32, #tpu.memory_space<vmem>>
    %dma_start3A_12 = arith.constant 0 : i32
    %dma_start3A_13 = tpu.memref_slice %arg3[%dma_start3A, %add3A, %dma_start3A_1, %dma_start3A_12] : memref<2x32x80x125xi32, #tpu.memory_space<hbm>> -> memref<1x1x1x125xi32, #tpu.memory_space<hbm>>
    %dma_start3A_14 = tpu.memref_squeeze %dma_start3A_13 : memref<1x1x1x125xi32, #tpu.memory_space<hbm>> -> memref<125xi32, #tpu.memory_space<hbm>>
    tpu.enqueue_dma source(%dma_start3A_14 : memref<125xi32, #tpu.memory_space<hbm>>) target(%dma_start3A_11 : memref<125xi32, #tpu.memory_space<vmem>>) target_semaphore(%arg17 : memref<!tpu.dma_semaphore, #tpu.memory_space<semaphore_mem>>)
    %dma_start3A_15 = arith.constant 1 : i32
    %dma_start3A_16 = arith.constant 0 : i32
    %dma_start3A_17 = arith.constant 1 : i32
    %dma_start3A_18 = arith.constant 0 : i32
    %dma_start3A_19 = tpu.memref_slice %arg6[%dma_start3A_17, %dma_start3A_18] : memref<2x125xi32, #tpu.memory_space<vmem>> -> memref<1x125xi32, #tpu.memory_space<vmem>>
    %dma_start3A_20 = tpu.memref_squeeze %dma_start3A_19 : memref<1x125xi32, #tpu.memory_space<vmem>> -> memref<125xi32, #tpu.memory_space<vmem>>
    %dma_start3A_21 = arith.constant 0 : i32
    %dma_start3A_22 = tpu.memref_slice %arg3[%dma_start3A_15, %add3A, %dma_start3A_16, %dma_start3A_21] : memref<2x32x80x125xi32, #tpu.memory_space<hbm>> -> memref<1x1x1x125xi32, #tpu.memory_space<hbm>>
    %dma_start3A_23 = tpu.memref_squeeze %dma_start3A_22 : memref<1x1x1x125xi32, #tpu.memory_space<hbm>> -> memref<125xi32, #tpu.memory_space<hbm>>
    %dma_start3A_24 = arith.constant 0 : i32
    %dma_start3A_25 = tpu.memref_slice %arg6[%dma_start3A_17, %dma_start3A_24] : memref<2x125xi32, #tpu.memory_space<vmem>> -> memref<1x125xi32, #tpu.memory_space<vmem>>
    %dma_start3A_26 = tpu.memref_squeeze %dma_start3A_25 : memref<1x125xi32, #tpu.memory_space<vmem>> -> memref<125xi32, #tpu.memory_space<vmem>>
    %dma_start3A_27 = arith.constant 0 : i32
    %dma_start3A_28 = tpu.memref_slice %arg3[%dma_start3A_15, %add3A, %dma_start3A_16, %dma_start3A_27] : memref<2x32x80x125xi32, #tpu.memory_space<hbm>> -> memref<1x1x1x125xi32, #tpu.memory_space<hbm>>
    %dma_start3A_29 = tpu.memref_squeeze %dma_start3A_28 : memref<1x1x1x125xi32, #tpu.memory_space<hbm>> -> memref<125xi32, #tpu.memory_space<hbm>>
    tpu.enqueue_dma source(%dma_start3A_29 : memref<125xi32, #tpu.memory_space<hbm>>) target(%dma_start3A_26 : memref<125xi32, #tpu.memory_space<vmem>>) target_semaphore(%arg17 : memref<!tpu.dma_semaphore, #tpu.memory_space<semaphore_mem>>)
    %dma_start3A_30 = arith.constant 0 : i32
    %dma_start3A_31 = arith.constant 1 : i32
    %dma_start3A_32 = arith.constant 0 : i32
    %dma_start3A_33 = arith.constant 0 : i32
    %dma_start3A_34 = tpu.memref_slice %arg7[%dma_start3A_32, %dma_start3A_33] : memref<2x125xi32, #tpu.memory_space<vmem>> -> memref<1x125xi32, #tpu.memory_space<vmem>>
    %dma_start3A_35 = tpu.memref_squeeze %dma_start3A_34 : memref<1x125xi32, #tpu.memory_space<vmem>> -> memref<125xi32, #tpu.memory_space<vmem>>
    %dma_start3A_36 = arith.constant 0 : i32
    %dma_start3A_37 = tpu.memref_slice %arg3[%dma_start3A_30, %add3A, %dma_start3A_31, %dma_start3A_36] : memref<2x32x80x125xi32, #tpu.memory_space<hbm>> -> memref<1x1x1x125xi32, #tpu.memory_space<hbm>>
    %dma_start3A_38 = tpu.memref_squeeze %dma_start3A_37 : memref<1x1x1x125xi32, #tpu.memory_space<hbm>> -> memref<125xi32, #tpu.memory_space<hbm>>
    %dma_start3A_39 = arith.constant 0 : i32
    %dma_start3A_40 = tpu.memref_slice %arg7[%dma_start3A_32, %dma_start3A_39] : memref<2x125xi32, #tpu.memory_space<vmem>> -> memref<1x125xi32, #tpu.memory_space<vmem>>
    %dma_start3A_41 = tpu.memref_squeeze %dma_start3A_40 : memref<1x125xi32, #tpu.memory_space<vmem>> -> memref<125xi32, #tpu.memory_space<vmem>>
    %dma_start3A_42 = arith.constant 0 : i32
    %dma_start3A_43 = tpu.memref_slice %arg3[%dma_start3A_30, %add3A, %dma_start3A_31, %dma_start3A_42] : memref<2x32x80x125xi32, #tpu.memory_space<hbm>> -> memref<1x1x1x125xi32, #tpu.memory_space<hbm>>
    %dma_start3A_44 = tpu.memref_squeeze %dma_start3A_43 : memref<1x1x1x125xi32, #tpu.memory_space<hbm>> -> memref<125xi32, #tpu.memory_space<hbm>>
    tpu.enqueue_dma source(%dma_start3A_44 : memref<125xi32, #tpu.memory_space<hbm>>) target(%dma_start3A_41 : memref<125xi32, #tpu.memory_space<vmem>>) target_semaphore(%arg18 : memref<!tpu.dma_semaphore, #tpu.memory_space<semaphore_mem>>)
    %dma_start3A_45 = arith.constant 1 : i32
    %dma_start3A_46 = arith.constant 1 : i32
    %dma_start3A_47 = arith.constant 1 : i32
    %dma_start3A_48 = arith.constant 0 : i32
    %dma_start3A_49 = tpu.memref_slice %arg7[%dma_start3A_47, %dma_start3A_48] : memref<2x125xi32, #tpu.memory_space<vmem>> -> memref<1x125xi32, #tpu.memory_space<vmem>>
    %dma_start3A_50 = tpu.memref_squeeze %dma_start3A_49 : memref<1x125xi32, #tpu.memory_space<vmem>> -> memref<125xi32, #tpu.memory_space<vmem>>
    %dma_start3A_51 = arith.constant 0 : i32
    %dma_start3A_52 = tpu.memref_slice %arg3[%dma_start3A_45, %add3A, %dma_start3A_46, %dma_start3A_51] : memref<2x32x80x125xi32, #tpu.memory_space<hbm>> -> memref<1x1x1x125xi32, #tpu.memory_space<hbm>>
    %dma_start3A_53 = tpu.memref_squeeze %dma_start3A_52 : memref<1x1x1x125xi32, #tpu.memory_space<hbm>> -> memref<125xi32, #tpu.memory_space<hbm>>
    %dma_start3A_54 = arith.constant 0 : i32
    %dma_start3A_55 = tpu.memref_slice %arg7[%dma_start3A_47, %dma_start3A_54] : memref<2x125xi32, #tpu.memory_space<vmem>> -> memref<1x125xi32, #tpu.memory_space<vmem>>
    %dma_start3A_56 = tpu.memref_squeeze %dma_start3A_55 : memref<1x125xi32, #tpu.memory_space<vmem>> -> memref<125xi32, #tpu.memory_space<vmem>>
    %dma_start3A_57 = arith.constant 0 : i32
    %dma_start3A_58 = tpu.memref_slice %arg3[%dma_start3A_45, %add3A, %dma_start3A_46, %dma_start3A_57] : memref<2x32x80x125xi32, #tpu.memory_space<hbm>> -> memref<1x1x1x125xi32, #tpu.memory_space<hbm>>
    %dma_start3A_59 = tpu.memref_squeeze %dma_start3A_58 : memref<1x1x1x125xi32, #tpu.memory_space<hbm>> -> memref<125xi32, #tpu.memory_space<hbm>>
    tpu.enqueue_dma source(%dma_start3A_59 : memref<125xi32, #tpu.memory_space<hbm>>) target(%dma_start3A_56 : memref<125xi32, #tpu.memory_space<vmem>>) target_semaphore(%arg18 : memref<!tpu.dma_semaphore, #tpu.memory_space<semaphore_mem>>)
    %scan3A = arith.constant 0 : i32
    %scan3A_60 = arith.constant 0 : i32
    %scan3A_61 = arith.constant 32 : i32
    %scan3A_62 = arith.addi %scan3A_60, %scan3A_61 : i32
    %scan3A_63 = arith.constant 1 : i32
    scf.for %scan3A_802 = %scan3A_60 to %scan3A_62 step %scan3A_63  : i32 {
      %scan3A_803 = arith.constant 0 : i32
      %scan3A_804 = arith.constant 8 : i32
      %scan3A_805 = arith.addi %scan3A_803, %scan3A_804 : i32
      %scan3A_806 = arith.constant 1 : i32
      scf.for %scan3A_808 = %scan3A_803 to %scan3A_805 step %scan3A_806  : i32 {
        %broadcast_in_dim3A = arith.constant 0.000000e+00 : f32
        %broadcast_in_dim3A_809 = vector.broadcast %broadcast_in_dim3A : f32 to vector<16xf32>
        %mul3A_810 = arith.constant 16 : i32
        %mul3A_811 = arith.muli %scan3A_808, %mul3A_810 : i32
        %swap3A = arith.index_cast %scan3A_802 : i32 to index
        %swap3A_812 = arith.index_cast %mul3A_811 : i32 to index
        %swap3A_813 = tpu.vector_load %arg12[%swap3A, %swap3A_812] {strides = array<i32>} : memref<32x128xf32, #tpu.memory_space<vmem>>, vector<1x16xf32>,
        %swap3A_814 = vector.shape_cast %swap3A_813 : vector<1x16xf32> to vector<16xf32>
        %swap3A_815 = vector.shape_cast %broadcast_in_dim3A_809 : vector<16xf32> to vector<1x16xf32>
        tpu.vector_store %arg12[%swap3A, %swap3A_812], %swap3A_815 {strides = array<i32>} : memref<32x128xf32, #tpu.memory_space<vmem>>, vector<1x16xf32>,
      }
      %scan3A_807 = arith.constant 8 : i32
    }
    %scan3A_64 = arith.constant 32 : i32
    %mul3A_65 = arith.constant 640 : i32
    %mul3A_66 = arith.muli %arg1, %mul3A_65 : i32
    %add3A_67 = arith.constant 0 : i32
    %add3A_68 = arith.addi %mul3A_66, %add3A_67 : i32
    "tpu.region"() ({
      %run_scoped3A = tpu.sem_alloc : memref<!tpu.dma_semaphore, #tpu.memory_space<semaphore_mem>>
      %dma_start3A_802 = arith.constant 0 : i32
      %dma_start3A_803 = tpu.memref_slice %arg5[%add3A_68, %dma_start3A_802] : memref<10240x128xf32, #tpu.memory_space<vmem_shared>> -> memref<32x128xf32, #tpu.memory_space<vmem_shared>>
      %dma_start3A_804 = arith.constant 0 : i32
      %dma_start3A_805 = tpu.memref_slice %arg5[%add3A_68, %dma_start3A_804] : memref<10240x128xf32, #tpu.memory_space<vmem_shared>> -> memref<32x128xf32, #tpu.memory_space<vmem_shared>>
      tpu.enqueue_dma source(%arg12 : memref<32x128xf32, #tpu.memory_space<vmem>>) target(%dma_start3A_805 : memref<32x128xf32, #tpu.memory_space<vmem_shared>>) target_semaphore(%run_scoped3A : memref<!tpu.dma_semaphore, #tpu.memory_space<semaphore_mem>>)
      %dma_wait3A_806 = arith.constant 0 : i32
      %dma_wait3A_807 = tpu.memref_slice %arg5[%add3A_68, %dma_wait3A_806] : memref<10240x128xf32, #tpu.memory_space<vmem_shared>> -> memref<32x128xf32, #tpu.memory_space<vmem_shared>>
      %dma_wait3A_808 = arith.constant 0 : i32
      %dma_wait3A_809 = tpu.memref_slice %arg5[%add3A_68, %dma_wait3A_808] : memref<10240x128xf32, #tpu.memory_space<vmem_shared>> -> memref<32x128xf32, #tpu.memory_space<vmem_shared>>
      tpu.wait_dma2 semaphore(%run_scoped3A : memref<!tpu.dma_semaphore, #tpu.memory_space<semaphore_mem>>) src(%arg12 : memref<32x128xf32, #tpu.memory_space<vmem>>) dst(%dma_wait3A_809 : memref<32x128xf32, #tpu.memory_space<vmem_shared>>)
      tpu.yield
    }) : () -> ()
    %mul3A_69 = arith.constant 640 : i32
    %mul3A_70 = arith.muli %arg1, %mul3A_69 : i32
    %add3A_71 = arith.constant 32 : i32
    %add3A_72 = arith.addi %mul3A_70, %add3A_71 : i32
    "tpu.region"() ({
      %run_scoped3A = tpu.sem_alloc : memref<!tpu.dma_semaphore, #tpu.memory_space<semaphore_mem>>
      %dma_start3A_802 = arith.constant 0 : i32
      %dma_start3A_803 = tpu.memref_slice %arg5[%add3A_72, %dma_start3A_802] : memref<10240x128xf32, #tpu.memory_space<vmem_shared>> -> memref<32x128xf32, #tpu.memory_space<vmem_shared>>
      %dma_start3A_804 = arith.constant 0 : i32
      %dma_start3A_805 = tpu.memref_slice %arg5[%add3A_72, %dma_start3A_804] : memref<10240x128xf32, #tpu.memory_space<vmem_shared>> -> memref<32x128xf32, #tpu.memory_space<vmem_shared>>
      tpu.enqueue_dma source(%arg12 : memref<32x128xf32, #tpu.memory_space<vmem>>) target(%dma_start3A_805 : memref<32x128xf32, #tpu.memory_space<vmem_shared>>) target_semaphore(%run_scoped3A : memref<!tpu.dma_semaphore, #tpu.memory_space<semaphore_mem>>)
      %dma_wait3A_806 = arith.constant 0 : i32
      %dma_wait3A_807 = tpu.memref_slice %arg5[%add3A_72, %dma_wait3A_806] : memref<10240x128xf32, #tpu.memory_space<vmem_shared>> -> memref<32x128xf32, #tpu.memory_space<vmem_shared>>
      %dma_wait3A_808 = arith.constant 0 : i32
      %dma_wait3A_809 = tpu.memref_slice %arg5[%add3A_72, %dma_wait3A_808] : memref<10240x128xf32, #tpu.memory_space<vmem_shared>> -> memref<32x128xf32, #tpu.memory_space<vmem_shared>>
      tpu.wait_dma2 semaphore(%run_scoped3A : memref<!tpu.dma_semaphore, #tpu.memory_space<semaphore_mem>>) src(%arg12 : memref<32x128xf32, #tpu.memory_space<vmem>>) dst(%dma_wait3A_809 : memref<32x128xf32, #tpu.memory_space<vmem_shared>>)
      tpu.yield
    }) : () -> ()
    %mul3A_73 = arith.constant 640 : i32
    %mul3A_74 = arith.muli %arg1, %mul3A_73 : i32
    %add3A_75 = arith.constant 64 : i32
    %add3A_76 = arith.addi %mul3A_74, %add3A_75 : i32
    "tpu.region"() ({
      %run_scoped3A = tpu.sem_alloc : memref<!tpu.dma_semaphore, #tpu.memory_space<semaphore_mem>>
      %dma_start3A_802 = arith.constant 0 : i32
      %dma_start3A_803 = tpu.memref_slice %arg5[%add3A_76, %dma_start3A_802] : memref<10240x128xf32, #tpu.memory_space<vmem_shared>> -> memref<32x128xf32, #tpu.memory_space<vmem_shared>>
      %dma_start3A_804 = arith.constant 0 : i32
      %dma_start3A_805 = tpu.memref_slice %arg5[%add3A_76, %dma_start3A_804] : memref<10240x128xf32, #tpu.memory_space<vmem_shared>> -> memref<32x128xf32, #tpu.memory_space<vmem_shared>>
      tpu.enqueue_dma source(%arg12 : memref<32x128xf32, #tpu.memory_space<vmem>>) target(%dma_start3A_805 : memref<32x128xf32, #tpu.memory_space<vmem_shared>>) target_semaphore(%run_scoped3A : memref<!tpu.dma_semaphore, #tpu.memory_space<semaphore_mem>>)
      %dma_wait3A_806 = arith.constant 0 : i32
      %dma_wait3A_807 = tpu.memref_slice %arg5[%add3A_76, %dma_wait3A_806] : memref<10240x128xf32, #tpu.memory_space<vmem_shared>> -> memref<32x128xf32, #tpu.memory_space<vmem_shared>>
      %dma_wait3A_808 = arith.constant 0 : i32
      %dma_wait3A_809 = tpu.memref_slice %arg5[%add3A_76, %dma_wait3A_808] : memref<10240x128xf32, #tpu.memory_space<vmem_shared>> -> memref<32x128xf32, #tpu.memory_space<vmem_shared>>
      tpu.wait_dma2 semaphore(%run_scoped3A : memref<!tpu.dma_semaphore, #tpu.memory_space<semaphore_mem>>) src(%arg12 : memref<32x128xf32, #tpu.memory_space<vmem>>) dst(%dma_wait3A_809 : memref<32x128xf32, #tpu.memory_space<vmem_shared>>)
      tpu.yield
    }) : () -> ()
    %mul3A_77 = arith.constant 640 : i32
    %mul3A_78 = arith.muli %arg1, %mul3A_77 : i32
    %add3A_79 = arith.constant 96 : i32
    %add3A_80 = arith.addi %mul3A_78, %add3A_79 : i32
    "tpu.region"() ({
      %run_scoped3A = tpu.sem_alloc : memref<!tpu.dma_semaphore, #tpu.memory_space<semaphore_mem>>
      %dma_start3A_802 = arith.constant 0 : i32
      %dma_start3A_803 = tpu.memref_slice %arg5[%add3A_80, %dma_start3A_802] : memref<10240x128xf32, #tpu.memory_space<vmem_shared>> -> memref<32x128xf32, #tpu.memory_space<vmem_shared>>
      %dma_start3A_804 = arith.constant 0 : i32
      %dma_start3A_805 = tpu.memref_slice %arg5[%add3A_80, %dma_start3A_804] : memref<10240x128xf32, #tpu.memory_space<vmem_shared>> -> memref<32x128xf32, #tpu.memory_space<vmem_shared>>
      tpu.enqueue_dma source(%arg12 : memref<32x128xf32, #tpu.memory_space<vmem>>) target(%dma_start3A_805 : memref<32x128xf32, #tpu.memory_space<vmem_shared>>) target_semaphore(%run_scoped3A : memref<!tpu.dma_semaphore, #tpu.memory_space<semaphore_mem>>)
      %dma_wait3A_806 = arith.constant 0 : i32
      %dma_wait3A_807 = tpu.memref_slice %arg5[%add3A_80, %dma_wait3A_806] : memref<10240x128xf32, #tpu.memory_space<vmem_shared>> -> memref<32x128xf32, #tpu.memory_space<vmem_shared>>
      %dma_wait3A_808 = arith.constant 0 : i32
      %dma_wait3A_809 = tpu.memref_slice %arg5[%add3A_80, %dma_wait3A_808] : memref<10240x128xf32, #tpu.memory_space<vmem_shared>> -> memref<32x128xf32, #tpu.memory_space<vmem_shared>>
      tpu.wait_dma2 semaphore(%run_scoped3A : memref<!tpu.dma_semaphore, #tpu.memory_space<semaphore_mem>>) src(%arg12 : memref<32x128xf32, #tpu.memory_space<vmem>>) dst(%dma_wait3A_809 : memref<32x128xf32, #tpu.memory_space<vmem_shared>>)
      tpu.yield
    }) : () -> ()
    %mul3A_81 = arith.constant 640 : i32
    %mul3A_82 = arith.muli %arg1, %mul3A_81 : i32
    %add3A_83 = arith.constant 128 : i32
    %add3A_84 = arith.addi %mul3A_82, %add3A_83 : i32
    "tpu.region"() ({
      %run_scoped3A = tpu.sem_alloc : memref<!tpu.dma_semaphore, #tpu.memory_space<semaphore_mem>>
      %dma_start3A_802 = arith.constant 0 : i32
      %dma_start3A_803 = tpu.memref_slice %arg5[%add3A_84, %dma_start3A_802] : memref<10240x128xf32, #tpu.memory_space<vmem_shared>> -> memref<32x128xf32, #tpu.memory_space<vmem_shared>>
      %dma_start3A_804 = arith.constant 0 : i32
      %dma_start3A_805 = tpu.memref_slice %arg5[%add3A_84, %dma_start3A_804] : memref<10240x128xf32, #tpu.memory_space<vmem_shared>> -> memref<32x128xf32, #tpu.memory_space<vmem_shared>>
      tpu.enqueue_dma source(%arg12 : memref<32x128xf32, #tpu.memory_space<vmem>>) target(%dma_start3A_805 : memref<32x128xf32, #tpu.memory_space<vmem_shared>>) target_semaphore(%run_scoped3A : memref<!tpu.dma_semaphore, #tpu.memory_space<semaphore_mem>>)
      %dma_wait3A_806 = arith.constant 0 : i32
      %dma_wait3A_807 = tpu.memref_slice %arg5[%add3A_84, %dma_wait3A_806] : memref<10240x128xf32, #tpu.memory_space<vmem_shared>> -> memref<32x128xf32, #tpu.memory_space<vmem_shared>>
      %dma_wait3A_808 = arith.constant 0 : i32
      %dma_wait3A_809 = tpu.memref_slice %arg5[%add3A_84, %dma_wait3A_808] : memref<10240x128xf32, #tpu.memory_space<vmem_shared>> -> memref<32x128xf32, #tpu.memory_space<vmem_shared>>
      tpu.wait_dma2 semaphore(%run_scoped3A : memref<!tpu.dma_semaphore, #tpu.memory_space<semaphore_mem>>) src(%arg12 : memref<32x128xf32, #tpu.memory_space<vmem>>) dst(%dma_wait3A_809 : memref<32x128xf32, #tpu.memory_space<vmem_shared>>)
      tpu.yield
    }) : () -> ()
    %mul3A_85 = arith.constant 640 : i32
    %mul3A_86 = arith.muli %arg1, %mul3A_85 : i32
    %add3A_87 = arith.constant 160 : i32
    %add3A_88 = arith.addi %mul3A_86, %add3A_87 : i32
    "tpu.region"() ({
      %run_scoped3A = tpu.sem_alloc : memref<!tpu.dma_semaphore, #tpu.memory_space<semaphore_mem>>
      %dma_start3A_802 = arith.constant 0 : i32
      %dma_start3A_803 = tpu.memref_slice %arg5[%add3A_88, %dma_start3A_802] : memref<10240x128xf32, #tpu.memory_space<vmem_shared>> -> memref<32x128xf32, #tpu.memory_space<vmem_shared>>
      %dma_start3A_804 = arith.constant 0 : i32
      %dma_start3A_805 = tpu.memref_slice %arg5[%add3A_88, %dma_start3A_804] : memref<10240x128xf32, #tpu.memory_space<vmem_shared>> -> memref<32x128xf32, #tpu.memory_space<vmem_shared>>
      tpu.enqueue_dma source(%arg12 : memref<32x128xf32, #tpu.memory_space<vmem>>) target(%dma_start3A_805 : memref<32x128xf32, #tpu.memory_space<vmem_shared>>) target_semaphore(%run_scoped3A : memref<!tpu.dma_semaphore, #tpu.memory_space<semaphore_mem>>)
      %dma_wait3A_806 = arith.constant 0 : i32
      %dma_wait3A_807 = tpu.memref_slice %arg5[%add3A_88, %dma_wait3A_806] : memref<10240x128xf32, #tpu.memory_space<vmem_shared>> -> memref<32x128xf32, #tpu.memory_space<vmem_shared>>
      %dma_wait3A_808 = arith.constant 0 : i32
      %dma_wait3A_809 = tpu.memref_slice %arg5[%add3A_88, %dma_wait3A_808] : memref<10240x128xf32, #tpu.memory_space<vmem_shared>> -> memref<32x128xf32, #tpu.memory_space<vmem_shared>>
      tpu.wait_dma2 semaphore(%run_scoped3A : memref<!tpu.dma_semaphore, #tpu.memory_space<semaphore_mem>>) src(%arg12 : memref<32x128xf32, #tpu.memory_space<vmem>>) dst(%dma_wait3A_809 : memref<32x128xf32, #tpu.memory_space<vmem_shared>>)
      tpu.yield
    }) : () -> ()
    %mul3A_89 = arith.constant 640 : i32
    %mul3A_90 = arith.muli %arg1, %mul3A_89 : i32
    %add3A_91 = arith.constant 192 : i32
    %add3A_92 = arith.addi %mul3A_90, %add3A_91 : i32
    "tpu.region"() ({
      %run_scoped3A = tpu.sem_alloc : memref<!tpu.dma_semaphore, #tpu.memory_space<semaphore_mem>>
      %dma_start3A_802 = arith.constant 0 : i32
      %dma_start3A_803 = tpu.memref_slice %arg5[%add3A_92, %dma_start3A_802] : memref<10240x128xf32, #tpu.memory_space<vmem_shared>> -> memref<32x128xf32, #tpu.memory_space<vmem_shared>>
      %dma_start3A_804 = arith.constant 0 : i32
      %dma_start3A_805 = tpu.memref_slice %arg5[%add3A_92, %dma_start3A_804] : memref<10240x128xf32, #tpu.memory_space<vmem_shared>> -> memref<32x128xf32, #tpu.memory_space<vmem_shared>>
      tpu.enqueue_dma source(%arg12 : memref<32x128xf32, #tpu.memory_space<vmem>>) target(%dma_start3A_805 : memref<32x128xf32, #tpu.memory_space<vmem_shared>>) target_semaphore(%run_scoped3A : memref<!tpu.dma_semaphore, #tpu.memory_space<semaphore_mem>>)
      %dma_wait3A_806 = arith.constant 0 : i32
      %dma_wait3A_807 = tpu.memref_slice %arg5[%add3A_92, %dma_wait3A_806] : memref<10240x128xf32, #tpu.memory_space<vmem_shared>> -> memref<32x128xf32, #tpu.memory_space<vmem_shared>>
      %dma_wait3A_808 = arith.constant 0 : i32
      %dma_wait3A_809 = tpu.memref_slice %arg5[%add3A_92, %dma_wait3A_808] : memref<10240x128xf32, #tpu.memory_space<vmem_shared>> -> memref<32x128xf32, #tpu.memory_space<vmem_shared>>
      tpu.wait_dma2 semaphore(%run_scoped3A : memref<!tpu.dma_semaphore, #tpu.memory_space<semaphore_mem>>) src(%arg12 : memref<32x128xf32, #tpu.memory_space<vmem>>) dst(%dma_wait3A_809 : memref<32x128xf32, #tpu.memory_space<vmem_shared>>)
      tpu.yield
    }) : () -> ()
    %mul3A_93 = arith.constant 640 : i32
    %mul3A_94 = arith.muli %arg1, %mul3A_93 : i32
    %add3A_95 = arith.constant 224 : i32
    %add3A_96 = arith.addi %mul3A_94, %add3A_95 : i32
    "tpu.region"() ({
      %run_scoped3A = tpu.sem_alloc : memref<!tpu.dma_semaphore, #tpu.memory_space<semaphore_mem>>
      %dma_start3A_802 = arith.constant 0 : i32
      %dma_start3A_803 = tpu.memref_slice %arg5[%add3A_96, %dma_start3A_802] : memref<10240x128xf32, #tpu.memory_space<vmem_shared>> -> memref<32x128xf32, #tpu.memory_space<vmem_shared>>
      %dma_start3A_804 = arith.constant 0 : i32
      %dma_start3A_805 = tpu.memref_slice %arg5[%add3A_96, %dma_start3A_804] : memref<10240x128xf32, #tpu.memory_space<vmem_shared>> -> memref<32x128xf32, #tpu.memory_space<vmem_shared>>
      tpu.enqueue_dma source(%arg12 : memref<32x128xf32, #tpu.memory_space<vmem>>) target(%dma_start3A_805 : memref<32x128xf32, #tpu.memory_space<vmem_shared>>) target_semaphore(%run_scoped3A : memref<!tpu.dma_semaphore, #tpu.memory_space<semaphore_mem>>)
      %dma_wait3A_806 = arith.constant 0 : i32
      %dma_wait3A_807 = tpu.memref_slice %arg5[%add3A_96, %dma_wait3A_806] : memref<10240x128xf32, #tpu.memory_space<vmem_shared>> -> memref<32x128xf32, #tpu.memory_space<vmem_shared>>
      %dma_wait3A_808 = arith.constant 0 : i32
      %dma_wait3A_809 = tpu.memref_slice %arg5[%add3A_96, %dma_wait3A_808] : memref<10240x128xf32, #tpu.memory_space<vmem_shared>> -> memref<32x128xf32, #tpu.memory_space<vmem_shared>>
      tpu.wait_dma2 semaphore(%run_scoped3A : memref<!tpu.dma_semaphore, #tpu.memory_space<semaphore_mem>>) src(%arg12 : memref<32x128xf32, #tpu.memory_space<vmem>>) dst(%dma_wait3A_809 : memref<32x128xf32, #tpu.memory_space<vmem_shared>>)
      tpu.yield
    }) : () -> ()
    %mul3A_97 = arith.constant 640 : i32
    %mul3A_98 = arith.muli %arg1, %mul3A_97 : i32
    %add3A_99 = arith.constant 256 : i32
    %add3A_100 = arith.addi %mul3A_98, %add3A_99 : i32
    "tpu.region"() ({
      %run_scoped3A = tpu.sem_alloc : memref<!tpu.dma_semaphore, #tpu.memory_space<semaphore_mem>>
      %dma_start3A_802 = arith.constant 0 : i32
      %dma_start3A_803 = tpu.memref_slice %arg5[%add3A_100, %dma_start3A_802] : memref<10240x128xf32, #tpu.memory_space<vmem_shared>> -> memref<32x128xf32, #tpu.memory_space<vmem_shared>>
      %dma_start3A_804 = arith.constant 0 : i32
      %dma_start3A_805 = tpu.memref_slice %arg5[%add3A_100, %dma_start3A_804] : memref<10240x128xf32, #tpu.memory_space<vmem_shared>> -> memref<32x128xf32, #tpu.memory_space<vmem_shared>>
      tpu.enqueue_dma source(%arg12 : memref<32x128xf32, #tpu.memory_space<vmem>>) target(%dma_start3A_805 : memref<32x128xf32, #tpu.memory_space<vmem_shared>>) target_semaphore(%run_scoped3A : memref<!tpu.dma_semaphore, #tpu.memory_space<semaphore_mem>>)
      %dma_wait3A_806 = arith.constant 0 : i32
      %dma_wait3A_807 = tpu.memref_slice %arg5[%add3A_100, %dma_wait3A_806] : memref<10240x128xf32, #tpu.memory_space<vmem_shared>> -> memref<32x128xf32, #tpu.memory_space<vmem_shared>>
      %dma_wait3A_808 = arith.constant 0 : i32
      %dma_wait3A_809 = tpu.memref_slice %arg5[%add3A_100, %dma_wait3A_808] : memref<10240x128xf32, #tpu.memory_space<vmem_shared>> -> memref<32x128xf32, #tpu.memory_space<vmem_shared>>
      tpu.wait_dma2 semaphore(%run_scoped3A : memref<!tpu.dma_semaphore, #tpu.memory_space<semaphore_mem>>) src(%arg12 : memref<32x128xf32, #tpu.memory_space<vmem>>) dst(%dma_wait3A_809 : memref<32x128xf32, #tpu.memory_space<vmem_shared>>)
      tpu.yield
    }) : () -> ()
    %mul3A_101 = arith.constant 640 : i32
    %mul3A_102 = arith.muli %arg1, %mul3A_101 : i32
    %add3A_103 = arith.constant 288 : i32
    %add3A_104 = arith.addi %mul3A_102, %add3A_103 : i32
    "tpu.region"() ({
      %run_scoped3A = tpu.sem_alloc : memref<!tpu.dma_semaphore, #tpu.memory_space<semaphore_mem>>
      %dma_start3A_802 = arith.constant 0 : i32
      %dma_start3A_803 = tpu.memref_slice %arg5[%add3A_104, %dma_start3A_802] : memref<10240x128xf32, #tpu.memory_space<vmem_shared>> -> memref<32x128xf32, #tpu.memory_space<vmem_shared>>
      %dma_start3A_804 = arith.constant 0 : i32
      %dma_start3A_805 = tpu.memref_slice %arg5[%add3A_104, %dma_start3A_804] : memref<10240x128xf32, #tpu.memory_space<vmem_shared>> -> memref<32x128xf32, #tpu.memory_space<vmem_shared>>
      tpu.enqueue_dma source(%arg12 : memref<32x128xf32, #tpu.memory_space<vmem>>) target(%dma_start3A_805 : memref<32x128xf32, #tpu.memory_space<vmem_shared>>) target_semaphore(%run_scoped3A : memref<!tpu.dma_semaphore, #tpu.memory_space<semaphore_mem>>)
      %dma_wait3A_806 = arith.constant 0 : i32
      %dma_wait3A_807 = tpu.memref_slice %arg5[%add3A_104, %dma_wait3A_806] : memref<10240x128xf32, #tpu.memory_space<vmem_shared>> -> memref<32x128xf32, #tpu.memory_space<vmem_shared>>
      %dma_wait3A_808 = arith.constant 0 : i32
      %dma_wait3A_809 = tpu.memref_slice %arg5[%add3A_104, %dma_wait3A_808] : memref<10240x128xf32, #tpu.memory_space<vmem_shared>> -> memref<32x128xf32, #tpu.memory_space<vmem_shared>>
      tpu.wait_dma2 semaphore(%run_scoped3A : memref<!tpu.dma_semaphore, #tpu.memory_space<semaphore_mem>>) src(%arg12 : memref<32x128xf32, #tpu.memory_space<vmem>>) dst(%dma_wait3A_809 : memref<32x128xf32, #tpu.memory_space<vmem_shared>>)
      tpu.yield
    }) : () -> ()
    %mul3A_105 = arith.constant 640 : i32
    %mul3A_106 = arith.muli %arg1, %mul3A_105 : i32
    %add3A_107 = arith.constant 320 : i32
    %add3A_108 = arith.addi %mul3A_106, %add3A_107 : i32
    "tpu.region"() ({
      %run_scoped3A = tpu.sem_alloc : memref<!tpu.dma_semaphore, #tpu.memory_space<semaphore_mem>>
      %dma_start3A_802 = arith.constant 0 : i32
      %dma_start3A_803 = tpu.memref_slice %arg5[%add3A_108, %dma_start3A_802] : memref<10240x128xf32, #tpu.memory_space<vmem_shared>> -> memref<32x128xf32, #tpu.memory_space<vmem_shared>>
      %dma_start3A_804 = arith.constant 0 : i32
      %dma_start3A_805 = tpu.memref_slice %arg5[%add3A_108, %dma_start3A_804] : memref<10240x128xf32, #tpu.memory_space<vmem_shared>> -> memref<32x128xf32, #tpu.memory_space<vmem_shared>>
      tpu.enqueue_dma source(%arg12 : memref<32x128xf32, #tpu.memory_space<vmem>>) target(%dma_start3A_805 : memref<32x128xf32, #tpu.memory_space<vmem_shared>>) target_semaphore(%run_scoped3A : memref<!tpu.dma_semaphore, #tpu.memory_space<semaphore_mem>>)
      %dma_wait3A_806 = arith.constant 0 : i32
      %dma_wait3A_807 = tpu.memref_slice %arg5[%add3A_108, %dma_wait3A_806] : memref<10240x128xf32, #tpu.memory_space<vmem_shared>> -> memref<32x128xf32, #tpu.memory_space<vmem_shared>>
      %dma_wait3A_808 = arith.constant 0 : i32
      %dma_wait3A_809 = tpu.memref_slice %arg5[%add3A_108, %dma_wait3A_808] : memref<10240x128xf32, #tpu.memory_space<vmem_shared>> -> memref<32x128xf32, #tpu.memory_space<vmem_shared>>
      tpu.wait_dma2 semaphore(%run_scoped3A : memref<!tpu.dma_semaphore, #tpu.memory_space<semaphore_mem>>) src(%arg12 : memref<32x128xf32, #tpu.memory_space<vmem>>) dst(%dma_wait3A_809 : memref<32x128xf32, #tpu.memory_space<vmem_shared>>)
      tpu.yield
    }) : () -> ()
    %mul3A_109 = arith.constant 640 : i32
    %mul3A_110 = arith.muli %arg1, %mul3A_109 : i32
    %add3A_111 = arith.constant 352 : i32
    %add3A_112 = arith.addi %mul3A_110, %add3A_111 : i32
    "tpu.region"() ({
      %run_scoped3A = tpu.sem_alloc : memref<!tpu.dma_semaphore, #tpu.memory_space<semaphore_mem>>
      %dma_start3A_802 = arith.constant 0 : i32
      %dma_start3A_803 = tpu.memref_slice %arg5[%add3A_112, %dma_start3A_802] : memref<10240x128xf32, #tpu.memory_space<vmem_shared>> -> memref<32x128xf32, #tpu.memory_space<vmem_shared>>
      %dma_start3A_804 = arith.constant 0 : i32
      %dma_start3A_805 = tpu.memref_slice %arg5[%add3A_112, %dma_start3A_804] : memref<10240x128xf32, #tpu.memory_space<vmem_shared>> -> memref<32x128xf32, #tpu.memory_space<vmem_shared>>
      tpu.enqueue_dma source(%arg12 : memref<32x128xf32, #tpu.memory_space<vmem>>) target(%dma_start3A_805 : memref<32x128xf32, #tpu.memory_space<vmem_shared>>) target_semaphore(%run_scoped3A : memref<!tpu.dma_semaphore, #tpu.memory_space<semaphore_mem>>)
      %dma_wait3A_806 = arith.constant 0 : i32
      %dma_wait3A_807 = tpu.memref_slice %arg5[%add3A_112, %dma_wait3A_806] : memref<10240x128xf32, #tpu.memory_space<vmem_shared>> -> memref<32x128xf32, #tpu.memory_space<vmem_shared>>
      %dma_wait3A_808 = arith.constant 0 : i32
      %dma_wait3A_809 = tpu.memref_slice %arg5[%add3A_112, %dma_wait3A_808] : memref<10240x128xf32, #tpu.memory_space<vmem_shared>> -> memref<32x128xf32, #tpu.memory_space<vmem_shared>>
      tpu.wait_dma2 semaphore(%run_scoped3A : memref<!tpu.dma_semaphore, #tpu.memory_space<semaphore_mem>>) src(%arg12 : memref<32x128xf32, #tpu.memory_space<vmem>>) dst(%dma_wait3A_809 : memref<32x128xf32, #tpu.memory_space<vmem_shared>>)
      tpu.yield
    }) : () -> ()
    %mul3A_113 = arith.constant 640 : i32
    %mul3A_114 = arith.muli %arg1, %mul3A_113 : i32
    %add3A_115 = arith.constant 384 : i32
    %add3A_116 = arith.addi %mul3A_114, %add3A_115 : i32
    "tpu.region"() ({
      %run_scoped3A = tpu.sem_alloc : memref<!tpu.dma_semaphore, #tpu.memory_space<semaphore_mem>>
      %dma_start3A_802 = arith.constant 0 : i32
      %dma_start3A_803 = tpu.memref_slice %arg5[%add3A_116, %dma_start3A_802] : memref<10240x128xf32, #tpu.memory_space<vmem_shared>> -> memref<32x128xf32, #tpu.memory_space<vmem_shared>>
      %dma_start3A_804 = arith.constant 0 : i32
      %dma_start3A_805 = tpu.memref_slice %arg5[%add3A_116, %dma_start3A_804] : memref<10240x128xf32, #tpu.memory_space<vmem_shared>> -> memref<32x128xf32, #tpu.memory_space<vmem_shared>>
      tpu.enqueue_dma source(%arg12 : memref<32x128xf32, #tpu.memory_space<vmem>>) target(%dma_start3A_805 : memref<32x128xf32, #tpu.memory_space<vmem_shared>>) target_semaphore(%run_scoped3A : memref<!tpu.dma_semaphore, #tpu.memory_space<semaphore_mem>>)
      %dma_wait3A_806 = arith.constant 0 : i32
      %dma_wait3A_807 = tpu.memref_slice %arg5[%add3A_116, %dma_wait3A_806] : memref<10240x128xf32, #tpu.memory_space<vmem_shared>> -> memref<32x128xf32, #tpu.memory_space<vmem_shared>>
      %dma_wait3A_808 = arith.constant 0 : i32
      %dma_wait3A_809 = tpu.memref_slice %arg5[%add3A_116, %dma_wait3A_808] : memref<10240x128xf32, #tpu.memory_space<vmem_shared>> -> memref<32x128xf32, #tpu.memory_space<vmem_shared>>
      tpu.wait_dma2 semaphore(%run_scoped3A : memref<!tpu.dma_semaphore, #tpu.memory_space<semaphore_mem>>) src(%arg12 : memref<32x128xf32, #tpu.memory_space<vmem>>) dst(%dma_wait3A_809 : memref<32x128xf32, #tpu.memory_space<vmem_shared>>)
      tpu.yield
    }) : () -> ()
    %mul3A_117 = arith.constant 640 : i32
    %mul3A_118 = arith.muli %arg1, %mul3A_117 : i32
    %add3A_119 = arith.constant 416 : i32
    %add3A_120 = arith.addi %mul3A_118, %add3A_119 : i32
    "tpu.region"() ({
      %run_scoped3A = tpu.sem_alloc : memref<!tpu.dma_semaphore, #tpu.memory_space<semaphore_mem>>
      %dma_start3A_802 = arith.constant 0 : i32
      %dma_start3A_803 = tpu.memref_slice %arg5[%add3A_120, %dma_start3A_802] : memref<10240x128xf32, #tpu.memory_space<vmem_shared>> -> memref<32x128xf32, #tpu.memory_space<vmem_shared>>
      %dma_start3A_804 = arith.constant 0 : i32
      %dma_start3A_805 = tpu.memref_slice %arg5[%add3A_120, %dma_start3A_804] : memref<10240x128xf32, #tpu.memory_space<vmem_shared>> -> memref<32x128xf32, #tpu.memory_space<vmem_shared>>
      tpu.enqueue_dma source(%arg12 : memref<32x128xf32, #tpu.memory_space<vmem>>) target(%dma_start3A_805 : memref<32x128xf32, #tpu.memory_space<vmem_shared>>) target_semaphore(%run_scoped3A : memref<!tpu.dma_semaphore, #tpu.memory_space<semaphore_mem>>)
      %dma_wait3A_806 = arith.constant 0 : i32
      %dma_wait3A_807 = tpu.memref_slice %arg5[%add3A_120, %dma_wait3A_806] : memref<10240x128xf32, #tpu.memory_space<vmem_shared>> -> memref<32x128xf32, #tpu.memory_space<vmem_shared>>
      %dma_wait3A_808 = arith.constant 0 : i32
      %dma_wait3A_809 = tpu.memref_slice %arg5[%add3A_120, %dma_wait3A_808] : memref<10240x128xf32, #tpu.memory_space<vmem_shared>> -> memref<32x128xf32, #tpu.memory_space<vmem_shared>>
      tpu.wait_dma2 semaphore(%run_scoped3A : memref<!tpu.dma_semaphore, #tpu.memory_space<semaphore_mem>>) src(%arg12 : memref<32x128xf32, #tpu.memory_space<vmem>>) dst(%dma_wait3A_809 : memref<32x128xf32, #tpu.memory_space<vmem_shared>>)
      tpu.yield
    }) : () -> ()
    %mul3A_121 = arith.constant 640 : i32
    %mul3A_122 = arith.muli %arg1, %mul3A_121 : i32
    %add3A_123 = arith.constant 448 : i32
    %add3A_124 = arith.addi %mul3A_122, %add3A_123 : i32
    "tpu.region"() ({
      %run_scoped3A = tpu.sem_alloc : memref<!tpu.dma_semaphore, #tpu.memory_space<semaphore_mem>>
      %dma_start3A_802 = arith.constant 0 : i32
      %dma_start3A_803 = tpu.memref_slice %arg5[%add3A_124, %dma_start3A_802] : memref<10240x128xf32, #tpu.memory_space<vmem_shared>> -> memref<32x128xf32, #tpu.memory_space<vmem_shared>>
      %dma_start3A_804 = arith.constant 0 : i32
      %dma_start3A_805 = tpu.memref_slice %arg5[%add3A_124, %dma_start3A_804] : memref<10240x128xf32, #tpu.memory_space<vmem_shared>> -> memref<32x128xf32, #tpu.memory_space<vmem_shared>>
      tpu.enqueue_dma source(%arg12 : memref<32x128xf32, #tpu.memory_space<vmem>>) target(%dma_start3A_805 : memref<32x128xf32, #tpu.memory_space<vmem_shared>>) target_semaphore(%run_scoped3A : memref<!tpu.dma_semaphore, #tpu.memory_space<semaphore_mem>>)
      %dma_wait3A_806 = arith.constant 0 : i32
      %dma_wait3A_807 = tpu.memref_slice %arg5[%add3A_124, %dma_wait3A_806] : memref<10240x128xf32, #tpu.memory_space<vmem_shared>> -> memref<32x128xf32, #tpu.memory_space<vmem_shared>>
      %dma_wait3A_808 = arith.constant 0 : i32
      %dma_wait3A_809 = tpu.memref_slice %arg5[%add3A_124, %dma_wait3A_808] : memref<10240x128xf32, #tpu.memory_space<vmem_shared>> -> memref<32x128xf32, #tpu.memory_space<vmem_shared>>
      tpu.wait_dma2 semaphore(%run_scoped3A : memref<!tpu.dma_semaphore, #tpu.memory_space<semaphore_mem>>) src(%arg12 : memref<32x128xf32, #tpu.memory_space<vmem>>) dst(%dma_wait3A_809 : memref<32x128xf32, #tpu.memory_space<vmem_shared>>)
      tpu.yield
    }) : () -> ()
    %mul3A_125 = arith.constant 640 : i32
    %mul3A_126 = arith.muli %arg1, %mul3A_125 : i32
    %add3A_127 = arith.constant 480 : i32
    %add3A_128 = arith.addi %mul3A_126, %add3A_127 : i32
    "tpu.region"() ({
      %run_scoped3A = tpu.sem_alloc : memref<!tpu.dma_semaphore, #tpu.memory_space<semaphore_mem>>
      %dma_start3A_802 = arith.constant 0 : i32
      %dma_start3A_803 = tpu.memref_slice %arg5[%add3A_128, %dma_start3A_802] : memref<10240x128xf32, #tpu.memory_space<vmem_shared>> -> memref<32x128xf32, #tpu.memory_space<vmem_shared>>
      %dma_start3A_804 = arith.constant 0 : i32
      %dma_start3A_805 = tpu.memref_slice %arg5[%add3A_128, %dma_start3A_804] : memref<10240x128xf32, #tpu.memory_space<vmem_shared>> -> memref<32x128xf32, #tpu.memory_space<vmem_shared>>
      tpu.enqueue_dma source(%arg12 : memref<32x128xf32, #tpu.memory_space<vmem>>) target(%dma_start3A_805 : memref<32x128xf32, #tpu.memory_space<vmem_shared>>) target_semaphore(%run_scoped3A : memref<!tpu.dma_semaphore, #tpu.memory_space<semaphore_mem>>)
      %dma_wait3A_806 = arith.constant 0 : i32
      %dma_wait3A_807 = tpu.memref_slice %arg5[%add3A_128, %dma_wait3A_806] : memref<10240x128xf32, #tpu.memory_space<vmem_shared>> -> memref<32x128xf32, #tpu.memory_space<vmem_shared>>
      %dma_wait3A_808 = arith.constant 0 : i32
      %dma_wait3A_809 = tpu.memref_slice %arg5[%add3A_128, %dma_wait3A_808] : memref<10240x128xf32, #tpu.memory_space<vmem_shared>> -> memref<32x128xf32, #tpu.memory_space<vmem_shared>>
      tpu.wait_dma2 semaphore(%run_scoped3A : memref<!tpu.dma_semaphore, #tpu.memory_space<semaphore_mem>>) src(%arg12 : memref<32x128xf32, #tpu.memory_space<vmem>>) dst(%dma_wait3A_809 : memref<32x128xf32, #tpu.memory_space<vmem_shared>>)
      tpu.yield
    }) : () -> ()
    %mul3A_129 = arith.constant 640 : i32
    %mul3A_130 = arith.muli %arg1, %mul3A_129 : i32
    %add3A_131 = arith.constant 512 : i32
    %add3A_132 = arith.addi %mul3A_130, %add3A_131 : i32
    "tpu.region"() ({
      %run_scoped3A = tpu.sem_alloc : memref<!tpu.dma_semaphore, #tpu.memory_space<semaphore_mem>>
      %dma_start3A_802 = arith.constant 0 : i32
      %dma_start3A_803 = tpu.memref_slice %arg5[%add3A_132, %dma_start3A_802] : memref<10240x128xf32, #tpu.memory_space<vmem_shared>> -> memref<32x128xf32, #tpu.memory_space<vmem_shared>>
      %dma_start3A_804 = arith.constant 0 : i32
      %dma_start3A_805 = tpu.memref_slice %arg5[%add3A_132, %dma_start3A_804] : memref<10240x128xf32, #tpu.memory_space<vmem_shared>> -> memref<32x128xf32, #tpu.memory_space<vmem_shared>>
      tpu.enqueue_dma source(%arg12 : memref<32x128xf32, #tpu.memory_space<vmem>>) target(%dma_start3A_805 : memref<32x128xf32, #tpu.memory_space<vmem_shared>>) target_semaphore(%run_scoped3A : memref<!tpu.dma_semaphore, #tpu.memory_space<semaphore_mem>>)
      %dma_wait3A_806 = arith.constant 0 : i32
      %dma_wait3A_807 = tpu.memref_slice %arg5[%add3A_132, %dma_wait3A_806] : memref<10240x128xf32, #tpu.memory_space<vmem_shared>> -> memref<32x128xf32, #tpu.memory_space<vmem_shared>>
      %dma_wait3A_808 = arith.constant 0 : i32
      %dma_wait3A_809 = tpu.memref_slice %arg5[%add3A_132, %dma_wait3A_808] : memref<10240x128xf32, #tpu.memory_space<vmem_shared>> -> memref<32x128xf32, #tpu.memory_space<vmem_shared>>
      tpu.wait_dma2 semaphore(%run_scoped3A : memref<!tpu.dma_semaphore, #tpu.memory_space<semaphore_mem>>) src(%arg12 : memref<32x128xf32, #tpu.memory_space<vmem>>) dst(%dma_wait3A_809 : memref<32x128xf32, #tpu.memory_space<vmem_shared>>)
      tpu.yield
    }) : () -> ()
    %mul3A_133 = arith.constant 640 : i32
    %mul3A_134 = arith.muli %arg1, %mul3A_133 : i32
    %add3A_135 = arith.constant 544 : i32
    %add3A_136 = arith.addi %mul3A_134, %add3A_135 : i32
    "tpu.region"() ({
      %run_scoped3A = tpu.sem_alloc : memref<!tpu.dma_semaphore, #tpu.memory_space<semaphore_mem>>
      %dma_start3A_802 = arith.constant 0 : i32
      %dma_start3A_803 = tpu.memref_slice %arg5[%add3A_136, %dma_start3A_802] : memref<10240x128xf32, #tpu.memory_space<vmem_shared>> -> memref<32x128xf32, #tpu.memory_space<vmem_shared>>
      %dma_start3A_804 = arith.constant 0 : i32
      %dma_start3A_805 = tpu.memref_slice %arg5[%add3A_136, %dma_start3A_804] : memref<10240x128xf32, #tpu.memory_space<vmem_shared>> -> memref<32x128xf32, #tpu.memory_space<vmem_shared>>
      tpu.enqueue_dma source(%arg12 : memref<32x128xf32, #tpu.memory_space<vmem>>) target(%dma_start3A_805 : memref<32x128xf32, #tpu.memory_space<vmem_shared>>) target_semaphore(%run_scoped3A : memref<!tpu.dma_semaphore, #tpu.memory_space<semaphore_mem>>)
      %dma_wait3A_806 = arith.constant 0 : i32
      %dma_wait3A_807 = tpu.memref_slice %arg5[%add3A_136, %dma_wait3A_806] : memref<10240x128xf32, #tpu.memory_space<vmem_shared>> -> memref<32x128xf32, #tpu.memory_space<vmem_shared>>
      %dma_wait3A_808 = arith.constant 0 : i32
      %dma_wait3A_809 = tpu.memref_slice %arg5[%add3A_136, %dma_wait3A_808] : memref<10240x128xf32, #tpu.memory_space<vmem_shared>> -> memref<32x128xf32, #tpu.memory_space<vmem_shared>>
      tpu.wait_dma2 semaphore(%run_scoped3A : memref<!tpu.dma_semaphore, #tpu.memory_space<semaphore_mem>>) src(%arg12 : memref<32x128xf32, #tpu.memory_space<vmem>>) dst(%dma_wait3A_809 : memref<32x128xf32, #tpu.memory_space<vmem_shared>>)
      tpu.yield
    }) : () -> ()
    %mul3A_137 = arith.constant 640 : i32
    %mul3A_138 = arith.muli %arg1, %mul3A_137 : i32
    %add3A_139 = arith.constant 576 : i32
    %add3A_140 = arith.addi %mul3A_138, %add3A_139 : i32
    "tpu.region"() ({
      %run_scoped3A = tpu.sem_alloc : memref<!tpu.dma_semaphore, #tpu.memory_space<semaphore_mem>>
      %dma_start3A_802 = arith.constant 0 : i32
      %dma_start3A_803 = tpu.memref_slice %arg5[%add3A_140, %dma_start3A_802] : memref<10240x128xf32, #tpu.memory_space<vmem_shared>> -> memref<32x128xf32, #tpu.memory_space<vmem_shared>>
      %dma_start3A_804 = arith.constant 0 : i32
      %dma_start3A_805 = tpu.memref_slice %arg5[%add3A_140, %dma_start3A_804] : memref<10240x128xf32, #tpu.memory_space<vmem_shared>> -> memref<32x128xf32, #tpu.memory_space<vmem_shared>>
      tpu.enqueue_dma source(%arg12 : memref<32x128xf32, #tpu.memory_space<vmem>>) target(%dma_start3A_805 : memref<32x128xf32, #tpu.memory_space<vmem_shared>>) target_semaphore(%run_scoped3A : memref<!tpu.dma_semaphore, #tpu.memory_space<semaphore_mem>>)
      %dma_wait3A_806 = arith.constant 0 : i32
      %dma_wait3A_807 = tpu.memref_slice %arg5[%add3A_140, %dma_wait3A_806] : memref<10240x128xf32, #tpu.memory_space<vmem_shared>> -> memref<32x128xf32, #tpu.memory_space<vmem_shared>>
      %dma_wait3A_808 = arith.constant 0 : i32
      %dma_wait3A_809 = tpu.memref_slice %arg5[%add3A_140, %dma_wait3A_808] : memref<10240x128xf32, #tpu.memory_space<vmem_shared>> -> memref<32x128xf32, #tpu.memory_space<vmem_shared>>
      tpu.wait_dma2 semaphore(%run_scoped3A : memref<!tpu.dma_semaphore, #tpu.memory_space<semaphore_mem>>) src(%arg12 : memref<32x128xf32, #tpu.memory_space<vmem>>) dst(%dma_wait3A_809 : memref<32x128xf32, #tpu.memory_space<vmem_shared>>)
      tpu.yield
    }) : () -> ()
    %mul3A_141 = arith.constant 640 : i32
    %mul3A_142 = arith.muli %arg1, %mul3A_141 : i32
    %add3A_143 = arith.constant 608 : i32
    %add3A_144 = arith.addi %mul3A_142, %add3A_143 : i32
    "tpu.region"() ({
      %run_scoped3A = tpu.sem_alloc : memref<!tpu.dma_semaphore, #tpu.memory_space<semaphore_mem>>
      %dma_start3A_802 = arith.constant 0 : i32
      %dma_start3A_803 = tpu.memref_slice %arg5[%add3A_144, %dma_start3A_802] : memref<10240x128xf32, #tpu.memory_space<vmem_shared>> -> memref<32x128xf32, #tpu.memory_space<vmem_shared>>
      %dma_start3A_804 = arith.constant 0 : i32
      %dma_start3A_805 = tpu.memref_slice %arg5[%add3A_144, %dma_start3A_804] : memref<10240x128xf32, #tpu.memory_space<vmem_shared>> -> memref<32x128xf32, #tpu.memory_space<vmem_shared>>
      tpu.enqueue_dma source(%arg12 : memref<32x128xf32, #tpu.memory_space<vmem>>) target(%dma_start3A_805 : memref<32x128xf32, #tpu.memory_space<vmem_shared>>) target_semaphore(%run_scoped3A : memref<!tpu.dma_semaphore, #tpu.memory_space<semaphore_mem>>)
      %dma_wait3A_806 = arith.constant 0 : i32
      %dma_wait3A_807 = tpu.memref_slice %arg5[%add3A_144, %dma_wait3A_806] : memref<10240x128xf32, #tpu.memory_space<vmem_shared>> -> memref<32x128xf32, #tpu.memory_space<vmem_shared>>
      %dma_wait3A_808 = arith.constant 0 : i32
      %dma_wait3A_809 = tpu.memref_slice %arg5[%add3A_144, %dma_wait3A_808] : memref<10240x128xf32, #tpu.memory_space<vmem_shared>> -> memref<32x128xf32, #tpu.memory_space<vmem_shared>>
      tpu.wait_dma2 semaphore(%run_scoped3A : memref<!tpu.dma_semaphore, #tpu.memory_space<semaphore_mem>>) src(%arg12 : memref<32x128xf32, #tpu.memory_space<vmem>>) dst(%dma_wait3A_809 : memref<32x128xf32, #tpu.memory_space<vmem_shared>>)
      tpu.yield
    }) : () -> ()
    %barrier3A = arith.constant 0 : index
    tpu.barrier barrier_id(%barrier3A)
    %dma_wait3A = arith.constant 0 : i32
    %dma_wait3A_145 = arith.constant 0 : i32
    %dma_wait3A_146 = arith.constant 0 : i32
    %dma_wait3A_147 = arith.constant 0 : i32
    %dma_wait3A_148 = tpu.memref_slice %arg6[%dma_wait3A_146, %dma_wait3A_147] : memref<2x125xi32, #tpu.memory_space<vmem>> -> memref<1x125xi32, #tpu.memory_space<vmem>>
    %dma_wait3A_149 = tpu.memref_squeeze %dma_wait3A_148 : memref<1x125xi32, #tpu.memory_space<vmem>> -> memref<125xi32, #tpu.memory_space<vmem>>
    %dma_wait3A_150 = arith.constant 0 : i32
    %dma_wait3A_151 = tpu.memref_slice %arg3[%dma_wait3A, %add3A, %dma_wait3A_145, %dma_wait3A_150] : memref<2x32x80x125xi32, #tpu.memory_space<hbm>> -> memref<1x1x1x125xi32, #tpu.memory_space<hbm>>
    %dma_wait3A_152 = tpu.memref_squeeze %dma_wait3A_151 : memref<1x1x1x125xi32, #tpu.memory_space<hbm>> -> memref<125xi32, #tpu.memory_space<hbm>>
    %dma_wait3A_153 = arith.constant 0 : i32
    %dma_wait3A_154 = tpu.memref_slice %arg6[%dma_wait3A_146, %dma_wait3A_153] : memref<2x125xi32, #tpu.memory_space<vmem>> -> memref<1x125xi32, #tpu.memory_space<vmem>>
    %dma_wait3A_155 = tpu.memref_squeeze %dma_wait3A_154 : memref<1x125xi32, #tpu.memory_space<vmem>> -> memref<125xi32, #tpu.memory_space<vmem>>
    %dma_wait3A_156 = arith.constant 0 : i32
    %dma_wait3A_157 = tpu.memref_slice %arg3[%dma_wait3A, %add3A, %dma_wait3A_145, %dma_wait3A_156] : memref<2x32x80x125xi32, #tpu.memory_space<hbm>> -> memref<1x1x1x125xi32, #tpu.memory_space<hbm>>
    %dma_wait3A_158 = tpu.memref_squeeze %dma_wait3A_157 : memref<1x1x1x125xi32, #tpu.memory_space<hbm>> -> memref<125xi32, #tpu.memory_space<hbm>>
    tpu.wait_dma2 semaphore(%arg17 : memref<!tpu.dma_semaphore, #tpu.memory_space<semaphore_mem>>) src(%dma_wait3A_158 : memref<125xi32, #tpu.memory_space<hbm>>) dst(%dma_wait3A_155 : memref<125xi32, #tpu.memory_space<vmem>>)
    %dma_wait3A_159 = arith.constant 1 : i32
    %dma_wait3A_160 = arith.constant 0 : i32
    %dma_wait3A_161 = arith.constant 1 : i32
    %dma_wait3A_162 = arith.constant 0 : i32
    %dma_wait3A_163 = tpu.memref_slice %arg6[%dma_wait3A_161, %dma_wait3A_162] : memref<2x125xi32, #tpu.memory_space<vmem>> -> memref<1x125xi32, #tpu.memory_space<vmem>>
    %dma_wait3A_164 = tpu.memref_squeeze %dma_wait3A_163 : memref<1x125xi32, #tpu.memory_space<vmem>> -> memref<125xi32, #tpu.memory_space<vmem>>
    %dma_wait3A_165 = arith.constant 0 : i32
    %dma_wait3A_166 = tpu.memref_slice %arg3[%dma_wait3A_159, %add3A, %dma_wait3A_160, %dma_wait3A_165] : memref<2x32x80x125xi32, #tpu.memory_space<hbm>> -> memref<1x1x1x125xi32, #tpu.memory_space<hbm>>
    %dma_wait3A_167 = tpu.memref_squeeze %dma_wait3A_166 : memref<1x1x1x125xi32, #tpu.memory_space<hbm>> -> memref<125xi32, #tpu.memory_space<hbm>>
    %dma_wait3A_168 = arith.constant 0 : i32
    %dma_wait3A_169 = tpu.memref_slice %arg6[%dma_wait3A_161, %dma_wait3A_168] : memref<2x125xi32, #tpu.memory_space<vmem>> -> memref<1x125xi32, #tpu.memory_space<vmem>>
    %dma_wait3A_170 = tpu.memref_squeeze %dma_wait3A_169 : memref<1x125xi32, #tpu.memory_space<vmem>> -> memref<125xi32, #tpu.memory_space<vmem>>
    %dma_wait3A_171 = arith.constant 0 : i32
    %dma_wait3A_172 = tpu.memref_slice %arg3[%dma_wait3A_159, %add3A, %dma_wait3A_160, %dma_wait3A_171] : memref<2x32x80x125xi32, #tpu.memory_space<hbm>> -> memref<1x1x1x125xi32, #tpu.memory_space<hbm>>
    %dma_wait3A_173 = tpu.memref_squeeze %dma_wait3A_172 : memref<1x1x1x125xi32, #tpu.memory_space<hbm>> -> memref<125xi32, #tpu.memory_space<hbm>>
    tpu.wait_dma2 semaphore(%arg17 : memref<!tpu.dma_semaphore, #tpu.memory_space<semaphore_mem>>) src(%dma_wait3A_173 : memref<125xi32, #tpu.memory_space<hbm>>) dst(%dma_wait3A_170 : memref<125xi32, #tpu.memory_space<vmem>>)
    %dma_start3A_174 = arith.constant 0 : i32
    %dma_start3A_175 = arith.constant 0 : i32
    %dma_start3A_176 = tpu.memref_slice %arg6[%dma_start3A_174, %dma_start3A_175] : memref<2x125xi32, #tpu.memory_space<vmem>> -> memref<1x125xi32, #tpu.memory_space<vmem>>
    %dma_start3A_177 = tpu.memref_squeeze %dma_start3A_176 : memref<1x125xi32, #tpu.memory_space<vmem>> -> memref<125xi32, #tpu.memory_space<vmem>>
    %dma_start3A_178 = arith.constant 0 : i32
    %dma_start3A_179 = arith.constant 0 : i32
    %dma_start3A_180 = tpu.memref_slice %arg2[%dma_start3A_178, %dma_start3A_179] : memref<10240x128xf32, #tpu.memory_space<hbm>> -> memref<10240x128xf32, #tpu.memory_space<hbm>>
    tpu.enqueue_indirect_dma source(%dma_start3A_180 : memref<10240x128xf32, #tpu.memory_space<hbm>>) target(%arg10 : memref<125x128xf32, #tpu.memory_space<vmem>>) offsets(%dma_start3A_177 : memref<125xi32, #tpu.memory_space<vmem>>) semaphore(%arg13 : memref<!tpu.dma_semaphore, #tpu.memory_space<semaphore_mem>>)
    %dma_start3A_181 = arith.constant 0 : i32
    %dma_start3A_182 = arith.constant 2 : i32
    %dma_start3A_183 = arith.constant 0 : i32
    %dma_start3A_184 = arith.constant 0 : i32
    %dma_start3A_185 = tpu.memref_slice %arg8[%dma_start3A_183, %dma_start3A_184] : memref<2x125xi32, #tpu.memory_space<vmem>> -> memref<1x125xi32, #tpu.memory_space<vmem>>
    %dma_start3A_186 = tpu.memref_squeeze %dma_start3A_185 : memref<1x125xi32, #tpu.memory_space<vmem>> -> memref<125xi32, #tpu.memory_space<vmem>>
    %dma_start3A_187 = arith.constant 0 : i32
    %dma_start3A_188 = tpu.memref_slice %arg3[%dma_start3A_181, %add3A, %dma_start3A_182, %dma_start3A_187] : memref<2x32x80x125xi32, #tpu.memory_space<hbm>> -> memref<1x1x1x125xi32, #tpu.memory_space<hbm>>
    %dma_start3A_189 = tpu.memref_squeeze %dma_start3A_188 : memref<1x1x1x125xi32, #tpu.memory_space<hbm>> -> memref<125xi32, #tpu.memory_space<hbm>>
    %dma_start3A_190 = arith.constant 0 : i32
    %dma_start3A_191 = tpu.memref_slice %arg8[%dma_start3A_183, %dma_start3A_190] : memref<2x125xi32, #tpu.memory_space<vmem>> -> memref<1x125xi32, #tpu.memory_space<vmem>>
    %dma_start3A_192 = tpu.memref_squeeze %dma_start3A_191 : memref<1x125xi32, #tpu.memory_space<vmem>> -> memref<125xi32, #tpu.memory_space<vmem>>
    %dma_start3A_193 = arith.constant 0 : i32
    %dma_start3A_194 = tpu.memref_slice %arg3[%dma_start3A_181, %add3A, %dma_start3A_182, %dma_start3A_193] : memref<2x32x80x125xi32, #tpu.memory_space<hbm>> -> memref<1x1x1x125xi32, #tpu.memory_space<hbm>>
    %dma_start3A_195 = tpu.memref_squeeze %dma_start3A_194 : memref<1x1x1x125xi32, #tpu.memory_space<hbm>> -> memref<125xi32, #tpu.memory_space<hbm>>
    tpu.enqueue_dma source(%dma_start3A_195 : memref<125xi32, #tpu.memory_space<hbm>>) target(%dma_start3A_192 : memref<125xi32, #tpu.memory_space<vmem>>) target_semaphore(%arg19 : memref<!tpu.dma_semaphore, #tpu.memory_space<semaphore_mem>>)
    %dma_start3A_196 = arith.constant 1 : i32
    %dma_start3A_197 = arith.constant 2 : i32
    %dma_start3A_198 = arith.constant 1 : i32
    %dma_start3A_199 = arith.constant 0 : i32
    %dma_start3A_200 = tpu.memref_slice %arg8[%dma_start3A_198, %dma_start3A_199] : memref<2x125xi32, #tpu.memory_space<vmem>> -> memref<1x125xi32, #tpu.memory_space<vmem>>
    %dma_start3A_201 = tpu.memref_squeeze %dma_start3A_200 : memref<1x125xi32, #tpu.memory_space<vmem>> -> memref<125xi32, #tpu.memory_space<vmem>>
    %dma_start3A_202 = arith.constant 0 : i32
    %dma_start3A_203 = tpu.memref_slice %arg3[%dma_start3A_196, %add3A, %dma_start3A_197, %dma_start3A_202] : memref<2x32x80x125xi32, #tpu.memory_space<hbm>> -> memref<1x1x1x125xi32, #tpu.memory_space<hbm>>
    %dma_start3A_204 = tpu.memref_squeeze %dma_start3A_203 : memref<1x1x1x125xi32, #tpu.memory_space<hbm>> -> memref<125xi32, #tpu.memory_space<hbm>>
    %dma_start3A_205 = arith.constant 0 : i32
    %dma_start3A_206 = tpu.memref_slice %arg8[%dma_start3A_198, %dma_start3A_205] : memref<2x125xi32, #tpu.memory_space<vmem>> -> memref<1x125xi32, #tpu.memory_space<vmem>>
    %dma_start3A_207 = tpu.memref_squeeze %dma_start3A_206 : memref<1x125xi32, #tpu.memory_space<vmem>> -> memref<125xi32, #tpu.memory_space<vmem>>
    %dma_start3A_208 = arith.constant 0 : i32
    %dma_start3A_209 = tpu.memref_slice %arg3[%dma_start3A_196, %add3A, %dma_start3A_197, %dma_start3A_208] : memref<2x32x80x125xi32, #tpu.memory_space<hbm>> -> memref<1x1x1x125xi32, #tpu.memory_space<hbm>>
    %dma_start3A_210 = tpu.memref_squeeze %dma_start3A_209 : memref<1x1x1x125xi32, #tpu.memory_space<hbm>> -> memref<125xi32, #tpu.memory_space<hbm>>
    tpu.enqueue_dma source(%dma_start3A_210 : memref<125xi32, #tpu.memory_space<hbm>>) target(%dma_start3A_207 : memref<125xi32, #tpu.memory_space<vmem>>) target_semaphore(%arg19 : memref<!tpu.dma_semaphore, #tpu.memory_space<semaphore_mem>>)
    %dma_wait3A_211 = arith.constant 0 : i32
    %dma_wait3A_212 = arith.constant 0 : i32
    %dma_wait3A_213 = arith.constant 0 : i32
    %dma_wait3A_214 = arith.constant 0 : i32
    %dma_wait3A_215 = tpu.memref_slice %arg7[%dma_wait3A_213, %dma_wait3A_214] : memref<2x125xi32, #tpu.memory_space<vmem>> -> memref<1x125xi32, #tpu.memory_space<vmem>>
    %dma_wait3A_216 = tpu.memref_squeeze %dma_wait3A_215 : memref<1x125xi32, #tpu.memory_space<vmem>> -> memref<125xi32, #tpu.memory_space<vmem>>
    %dma_wait3A_217 = arith.constant 0 : i32
    %dma_wait3A_218 = tpu.memref_slice %arg3[%dma_wait3A_211, %add3A, %dma_wait3A_212, %dma_wait3A_217] : memref<2x32x80x125xi32, #tpu.memory_space<hbm>> -> memref<1x1x1x125xi32, #tpu.memory_space<hbm>>
    %dma_wait3A_219 = tpu.memref_squeeze %dma_wait3A_218 : memref<1x1x1x125xi32, #tpu.memory_space<hbm>> -> memref<125xi32, #tpu.memory_space<hbm>>
    %dma_wait3A_220 = arith.constant 0 : i32
    %dma_wait3A_221 = tpu.memref_slice %arg7[%dma_wait3A_213, %dma_wait3A_220] : memref<2x125xi32, #tpu.memory_space<vmem>> -> memref<1x125xi32, #tpu.memory_space<vmem>>
    %dma_wait3A_222 = tpu.memref_squeeze %dma_wait3A_221 : memref<1x125xi32, #tpu.memory_space<vmem>> -> memref<125xi32, #tpu.memory_space<vmem>>
    %dma_wait3A_223 = arith.constant 0 : i32
    %dma_wait3A_224 = tpu.memref_slice %arg3[%dma_wait3A_211, %add3A, %dma_wait3A_212, %dma_wait3A_223] : memref<2x32x80x125xi32, #tpu.memory_space<hbm>> -> memref<1x1x1x125xi32, #tpu.memory_space<hbm>>
    %dma_wait3A_225 = tpu.memref_squeeze %dma_wait3A_224 : memref<1x1x1x125xi32, #tpu.memory_space<hbm>> -> memref<125xi32, #tpu.memory_space<hbm>>
    tpu.wait_dma2 semaphore(%arg18 : memref<!tpu.dma_semaphore, #tpu.memory_space<semaphore_mem>>) src(%dma_wait3A_225 : memref<125xi32, #tpu.memory_space<hbm>>) dst(%dma_wait3A_222 : memref<125xi32, #tpu.memory_space<vmem>>)
    %dma_wait3A_226 = arith.constant 1 : i32
    %dma_wait3A_227 = arith.constant 0 : i32
    %dma_wait3A_228 = arith.constant 1 : i32
    %dma_wait3A_229 = arith.constant 0 : i32
    %dma_wait3A_230 = tpu.memref_slice %arg7[%dma_wait3A_228, %dma_wait3A_229] : memref<2x125xi32, #tpu.memory_space<vmem>> -> memref<1x125xi32, #tpu.memory_space<vmem>>
    %dma_wait3A_231 = tpu.memref_squeeze %dma_wait3A_230 : memref<1x125xi32, #tpu.memory_space<vmem>> -> memref<125xi32, #tpu.memory_space<vmem>>
    %dma_wait3A_232 = arith.constant 0 : i32
    %dma_wait3A_233 = tpu.memref_slice %arg3[%dma_wait3A_226, %add3A, %dma_wait3A_227, %dma_wait3A_232] : memref<2x32x80x125xi32, #tpu.memory_space<hbm>> -> memref<1x1x1x125xi32, #tpu.memory_space<hbm>>
    %dma_wait3A_234 = tpu.memref_squeeze %dma_wait3A_233 : memref<1x1x1x125xi32, #tpu.memory_space<hbm>> -> memref<125xi32, #tpu.memory_space<hbm>>
    %dma_wait3A_235 = arith.constant 0 : i32
    %dma_wait3A_236 = tpu.memref_slice %arg7[%dma_wait3A_228, %dma_wait3A_235] : memref<2x125xi32, #tpu.memory_space<vmem>> -> memref<1x125xi32, #tpu.memory_space<vmem>>
    %dma_wait3A_237 = tpu.memref_squeeze %dma_wait3A_236 : memref<1x125xi32, #tpu.memory_space<vmem>> -> memref<125xi32, #tpu.memory_space<vmem>>
    %dma_wait3A_238 = arith.constant 0 : i32
    %dma_wait3A_239 = tpu.memref_slice %arg3[%dma_wait3A_226, %add3A, %dma_wait3A_227, %dma_wait3A_238] : memref<2x32x80x125xi32, #tpu.memory_space<hbm>> -> memref<1x1x1x125xi32, #tpu.memory_space<hbm>>
    %dma_wait3A_240 = tpu.memref_squeeze %dma_wait3A_239 : memref<1x1x1x125xi32, #tpu.memory_space<hbm>> -> memref<125xi32, #tpu.memory_space<hbm>>
    tpu.wait_dma2 semaphore(%arg18 : memref<!tpu.dma_semaphore, #tpu.memory_space<semaphore_mem>>) src(%dma_wait3A_240 : memref<125xi32, #tpu.memory_space<hbm>>) dst(%dma_wait3A_237 : memref<125xi32, #tpu.memory_space<vmem>>)
    %dma_start3A_241 = arith.constant 0 : i32
    %dma_start3A_242 = arith.constant 0 : i32
    %dma_start3A_243 = tpu.memref_slice %arg7[%dma_start3A_241, %dma_start3A_242] : memref<2x125xi32, #tpu.memory_space<vmem>> -> memref<1x125xi32, #tpu.memory_space<vmem>>
    %dma_start3A_244 = tpu.memref_squeeze %dma_start3A_243 : memref<1x125xi32, #tpu.memory_space<vmem>> -> memref<125xi32, #tpu.memory_space<vmem>>
    %dma_start3A_245 = arith.constant 0 : i32
    %dma_start3A_246 = arith.constant 0 : i32
    %dma_start3A_247 = tpu.memref_slice %arg2[%dma_start3A_245, %dma_start3A_246] : memref<10240x128xf32, #tpu.memory_space<hbm>> -> memref<10240x128xf32, #tpu.memory_space<hbm>>
    tpu.enqueue_indirect_dma source(%dma_start3A_247 : memref<10240x128xf32, #tpu.memory_space<hbm>>) target(%arg11 : memref<125x128xf32, #tpu.memory_space<vmem>>) offsets(%dma_start3A_244 : memref<125xi32, #tpu.memory_space<vmem>>) semaphore(%arg14 : memref<!tpu.dma_semaphore, #tpu.memory_space<semaphore_mem>>)
    %dma_start3A_248 = arith.constant 0 : i32
    %dma_start3A_249 = arith.constant 3 : i32
    %dma_start3A_250 = arith.constant 0 : i32
    %dma_start3A_251 = arith.constant 0 : i32
    %dma_start3A_252 = tpu.memref_slice %arg9[%dma_start3A_250, %dma_start3A_251] : memref<2x125xi32, #tpu.memory_space<vmem>> -> memref<1x125xi32, #tpu.memory_space<vmem>>
    %dma_start3A_253 = tpu.memref_squeeze %dma_start3A_252 : memref<1x125xi32, #tpu.memory_space<vmem>> -> memref<125xi32, #tpu.memory_space<vmem>>
    %dma_start3A_254 = arith.constant 0 : i32
    %dma_start3A_255 = tpu.memref_slice %arg3[%dma_start3A_248, %add3A, %dma_start3A_249, %dma_start3A_254] : memref<2x32x80x125xi32, #tpu.memory_space<hbm>> -> memref<1x1x1x125xi32, #tpu.memory_space<hbm>>
    %dma_start3A_256 = tpu.memref_squeeze %dma_start3A_255 : memref<1x1x1x125xi32, #tpu.memory_space<hbm>> -> memref<125xi32, #tpu.memory_space<hbm>>
    %dma_start3A_257 = arith.constant 0 : i32
    %dma_start3A_258 = tpu.memref_slice %arg9[%dma_start3A_250, %dma_start3A_257] : memref<2x125xi32, #tpu.memory_space<vmem>> -> memref<1x125xi32, #tpu.memory_space<vmem>>
    %dma_start3A_259 = tpu.memref_squeeze %dma_start3A_258 : memref<1x125xi32, #tpu.memory_space<vmem>> -> memref<125xi32, #tpu.memory_space<vmem>>
    %dma_start3A_260 = arith.constant 0 : i32
    %dma_start3A_261 = tpu.memref_slice %arg3[%dma_start3A_248, %add3A, %dma_start3A_249, %dma_start3A_260] : memref<2x32x80x125xi32, #tpu.memory_space<hbm>> -> memref<1x1x1x125xi32, #tpu.memory_space<hbm>>
    %dma_start3A_262 = tpu.memref_squeeze %dma_start3A_261 : memref<1x1x1x125xi32, #tpu.memory_space<hbm>> -> memref<125xi32, #tpu.memory_space<hbm>>
    tpu.enqueue_dma source(%dma_start3A_262 : memref<125xi32, #tpu.memory_space<hbm>>) target(%dma_start3A_259 : memref<125xi32, #tpu.memory_space<vmem>>) target_semaphore(%arg20 : memref<!tpu.dma_semaphore, #tpu.memory_space<semaphore_mem>>)
    %dma_start3A_263 = arith.constant 1 : i32
    %dma_start3A_264 = arith.constant 3 : i32
    %dma_start3A_265 = arith.constant 1 : i32
    %dma_start3A_266 = arith.constant 0 : i32
    %dma_start3A_267 = tpu.memref_slice %arg9[%dma_start3A_265, %dma_start3A_266] : memref<2x125xi32, #tpu.memory_space<vmem>> -> memref<1x125xi32, #tpu.memory_space<vmem>>
    %dma_start3A_268 = tpu.memref_squeeze %dma_start3A_267 : memref<1x125xi32, #tpu.memory_space<vmem>> -> memref<125xi32, #tpu.memory_space<vmem>>
    %dma_start3A_269 = arith.constant 0 : i32
    %dma_start3A_270 = tpu.memref_slice %arg3[%dma_start3A_263, %add3A, %dma_start3A_264, %dma_start3A_269] : memref<2x32x80x125xi32, #tpu.memory_space<hbm>> -> memref<1x1x1x125xi32, #tpu.memory_space<hbm>>
    %dma_start3A_271 = tpu.memref_squeeze %dma_start3A_270 : memref<1x1x1x125xi32, #tpu.memory_space<hbm>> -> memref<125xi32, #tpu.memory_space<hbm>>
    %dma_start3A_272 = arith.constant 0 : i32
    %dma_start3A_273 = tpu.memref_slice %arg9[%dma_start3A_265, %dma_start3A_272] : memref<2x125xi32, #tpu.memory_space<vmem>> -> memref<1x125xi32, #tpu.memory_space<vmem>>
    %dma_start3A_274 = tpu.memref_squeeze %dma_start3A_273 : memref<1x125xi32, #tpu.memory_space<vmem>> -> memref<125xi32, #tpu.memory_space<vmem>>
    %dma_start3A_275 = arith.constant 0 : i32
    %dma_start3A_276 = tpu.memref_slice %arg3[%dma_start3A_263, %add3A, %dma_start3A_264, %dma_start3A_275] : memref<2x32x80x125xi32, #tpu.memory_space<hbm>> -> memref<1x1x1x125xi32, #tpu.memory_space<hbm>>
    %dma_start3A_277 = tpu.memref_squeeze %dma_start3A_276 : memref<1x1x1x125xi32, #tpu.memory_space<hbm>> -> memref<125xi32, #tpu.memory_space<hbm>>
    tpu.enqueue_dma source(%dma_start3A_277 : memref<125xi32, #tpu.memory_space<hbm>>) target(%dma_start3A_274 : memref<125xi32, #tpu.memory_space<vmem>>) target_semaphore(%arg20 : memref<!tpu.dma_semaphore, #tpu.memory_space<semaphore_mem>>)
    %dma_wait3A_278 = arith.constant 0 : i32
    %dma_wait3A_279 = arith.constant 0 : i32
    %dma_wait3A_280 = tpu.memref_slice %arg6[%dma_wait3A_278, %dma_wait3A_279] : memref<2x125xi32, #tpu.memory_space<vmem>> -> memref<1x125xi32, #tpu.memory_space<vmem>>
    %dma_wait3A_281 = tpu.memref_squeeze %dma_wait3A_280 : memref<1x125xi32, #tpu.memory_space<vmem>> -> memref<125xi32, #tpu.memory_space<vmem>>
    %dma_wait3A_282 = arith.constant 0 : i32
    %dma_wait3A_283 = arith.constant 0 : i32
    %dma_wait3A_284 = tpu.memref_slice %arg2[%dma_wait3A_282, %dma_wait3A_283] : memref<10240x128xf32, #tpu.memory_space<hbm>> -> memref<10240x128xf32, #tpu.memory_space<hbm>>
    tpu.wait_indirect_dma semaphore(%arg13 : memref<!tpu.dma_semaphore, #tpu.memory_space<semaphore_mem>>) src(%dma_wait3A_284 : memref<10240x128xf32, #tpu.memory_space<hbm>>) dst(%arg10 : memref<125x128xf32, #tpu.memory_space<vmem>>)
    %dma_start3A_285 = arith.constant 1 : i32
    %dma_start3A_286 = arith.constant 0 : i32
    %dma_start3A_287 = tpu.memref_slice %arg6[%dma_start3A_285, %dma_start3A_286] : memref<2x125xi32, #tpu.memory_space<vmem>> -> memref<1x125xi32, #tpu.memory_space<vmem>>
    %dma_start3A_288 = tpu.memref_squeeze %dma_start3A_287 : memref<1x125xi32, #tpu.memory_space<vmem>> -> memref<125xi32, #tpu.memory_space<vmem>>
    %dma_start3A_289 = arith.constant 0 : i32
    %dma_start3A_290 = arith.constant 0 : i32
    %dma_start3A_291 = tpu.memref_slice %arg5[%dma_start3A_289, %dma_start3A_290] : memref<10240x128xf32, #tpu.memory_space<vmem_shared>> -> memref<10240x128xf32, #tpu.memory_space<vmem_shared>>
    tpu.enqueue_indirect_dma source(%arg10 : memref<125x128xf32, #tpu.memory_space<vmem>>) target(%dma_start3A_291 : memref<10240x128xf32, #tpu.memory_space<vmem_shared>>) offsets(%dma_start3A_288 : memref<125xi32, #tpu.memory_space<vmem>>) semaphore(%arg15 : memref<!tpu.dma_semaphore, #tpu.memory_space<semaphore_mem>>) {add = true}
    %dma_wait3A_292 = arith.constant 1 : i32
    %dma_wait3A_293 = arith.constant 0 : i32
    %dma_wait3A_294 = tpu.memref_slice %arg8[%dma_wait3A_292, %dma_wait3A_293] : memref<2x125xi32, #tpu.memory_space<vmem>> -> memref<1x125xi32, #tpu.memory_space<vmem>>
    %dma_wait3A_295 = tpu.memref_squeeze %dma_wait3A_294 : memref<1x125xi32, #tpu.memory_space<vmem>> -> memref<125xi32, #tpu.memory_space<vmem>>
    %dma_wait3A_296 = arith.constant 0 : i32
    %dma_wait3A_297 = arith.constant 0 : i32
    %dma_wait3A_298 = tpu.memref_slice %arg5[%dma_wait3A_296, %dma_wait3A_297] : memref<10240x128xf32, #tpu.memory_space<vmem_shared>> -> memref<10240x128xf32, #tpu.memory_space<vmem_shared>>
    tpu.wait_indirect_dma semaphore(%arg15 : memref<!tpu.dma_semaphore, #tpu.memory_space<semaphore_mem>>) src(%arg10 : memref<125x128xf32, #tpu.memory_space<vmem>>) dst(%dma_wait3A_298 : memref<10240x128xf32, #tpu.memory_space<vmem_shared>>)
    %dma_wait3A_299 = arith.constant 0 : i32
    %dma_wait3A_300 = arith.constant 0 : i32
    %dma_wait3A_301 = arith.constant 0 : i32
    %dma_wait3A_302 = arith.constant 0 : i32
    %dma_wait3A_303 = tpu.memref_slice %arg8[%dma_wait3A_301, %dma_wait3A_302] : memref<2x125xi32, #tpu.memory_space<vmem>> -> memref<1x125xi32, #tpu.memory_space<vmem>>
    %dma_wait3A_304 = tpu.memref_squeeze %dma_wait3A_303 : memref<1x125xi32, #tpu.memory_space<vmem>> -> memref<125xi32, #tpu.memory_space<vmem>>
    %dma_wait3A_305 = arith.constant 0 : i32
    %dma_wait3A_306 = tpu.memref_slice %arg3[%dma_wait3A_299, %add3A, %dma_wait3A_300, %dma_wait3A_305] : memref<2x32x80x125xi32, #tpu.memory_space<hbm>> -> memref<1x1x1x125xi32, #tpu.memory_space<hbm>>
    %dma_wait3A_307 = tpu.memref_squeeze %dma_wait3A_306 : memref<1x1x1x125xi32, #tpu.memory_space<hbm>> -> memref<125xi32, #tpu.memory_space<hbm>>
    %dma_wait3A_308 = arith.constant 0 : i32
    %dma_wait3A_309 = tpu.memref_slice %arg8[%dma_wait3A_301, %dma_wait3A_308] : memref<2x125xi32, #tpu.memory_space<vmem>> -> memref<1x125xi32, #tpu.memory_space<vmem>>
    %dma_wait3A_310 = tpu.memref_squeeze %dma_wait3A_309 : memref<1x125xi32, #tpu.memory_space<vmem>> -> memref<125xi32, #tpu.memory_space<vmem>>
    %dma_wait3A_311 = arith.constant 0 : i32
    %dma_wait3A_312 = tpu.memref_slice %arg3[%dma_wait3A_299, %add3A, %dma_wait3A_300, %dma_wait3A_311] : memref<2x32x80x125xi32, #tpu.memory_space<hbm>> -> memref<1x1x1x125xi32, #tpu.memory_space<hbm>>
    %dma_wait3A_313 = tpu.memref_squeeze %dma_wait3A_312 : memref<1x1x1x125xi32, #tpu.memory_space<hbm>> -> memref<125xi32, #tpu.memory_space<hbm>>
    tpu.wait_dma2 semaphore(%arg19 : memref<!tpu.dma_semaphore, #tpu.memory_space<semaphore_mem>>) src(%dma_wait3A_313 : memref<125xi32, #tpu.memory_space<hbm>>) dst(%dma_wait3A_310 : memref<125xi32, #tpu.memory_space<vmem>>)
    %dma_wait3A_314 = arith.constant 1 : i32
    %dma_wait3A_315 = arith.constant 0 : i32
    %dma_wait3A_316 = arith.constant 1 : i32
    %dma_wait3A_317 = arith.constant 0 : i32
    %dma_wait3A_318 = tpu.memref_slice %arg8[%dma_wait3A_316, %dma_wait3A_317] : memref<2x125xi32, #tpu.memory_space<vmem>> -> memref<1x125xi32, #tpu.memory_space<vmem>>
    %dma_wait3A_319 = tpu.memref_squeeze %dma_wait3A_318 : memref<1x125xi32, #tpu.memory_space<vmem>> -> memref<125xi32, #tpu.memory_space<vmem>>
    %dma_wait3A_320 = arith.constant 0 : i32
    %dma_wait3A_321 = tpu.memref_slice %arg3[%dma_wait3A_314, %add3A, %dma_wait3A_315, %dma_wait3A_320] : memref<2x32x80x125xi32, #tpu.memory_space<hbm>> -> memref<1x1x1x125xi32, #tpu.memory_space<hbm>>
    %dma_wait3A_322 = tpu.memref_squeeze %dma_wait3A_321 : memref<1x1x1x125xi32, #tpu.memory_space<hbm>> -> memref<125xi32, #tpu.memory_space<hbm>>
    %dma_wait3A_323 = arith.constant 0 : i32
    %dma_wait3A_324 = tpu.memref_slice %arg8[%dma_wait3A_316, %dma_wait3A_323] : memref<2x125xi32, #tpu.memory_space<vmem>> -> memref<1x125xi32, #tpu.memory_space<vmem>>
    %dma_wait3A_325 = tpu.memref_squeeze %dma_wait3A_324 : memref<1x125xi32, #tpu.memory_space<vmem>> -> memref<125xi32, #tpu.memory_space<vmem>>
    %dma_wait3A_326 = arith.constant 0 : i32
    %dma_wait3A_327 = tpu.memref_slice %arg3[%dma_wait3A_314, %add3A, %dma_wait3A_315, %dma_wait3A_326] : memref<2x32x80x125xi32, #tpu.memory_space<hbm>> -> memref<1x1x1x125xi32, #tpu.memory_space<hbm>>
    %dma_wait3A_328 = tpu.memref_squeeze %dma_wait3A_327 : memref<1x1x1x125xi32, #tpu.memory_space<hbm>> -> memref<125xi32, #tpu.memory_space<hbm>>
    tpu.wait_dma2 semaphore(%arg19 : memref<!tpu.dma_semaphore, #tpu.memory_space<semaphore_mem>>) src(%dma_wait3A_328 : memref<125xi32, #tpu.memory_space<hbm>>) dst(%dma_wait3A_325 : memref<125xi32, #tpu.memory_space<vmem>>)
    %dma_start3A_329 = arith.constant 0 : i32
    %dma_start3A_330 = arith.constant 0 : i32
    %dma_start3A_331 = tpu.memref_slice %arg8[%dma_start3A_329, %dma_start3A_330] : memref<2x125xi32, #tpu.memory_space<vmem>> -> memref<1x125xi32, #tpu.memory_space<vmem>>
    %dma_start3A_332 = tpu.memref_squeeze %dma_start3A_331 : memref<1x125xi32, #tpu.memory_space<vmem>> -> memref<125xi32, #tpu.memory_space<vmem>>
    %dma_start3A_333 = arith.constant 0 : i32
    %dma_start3A_334 = arith.constant 0 : i32
    %dma_start3A_335 = tpu.memref_slice %arg2[%dma_start3A_333, %dma_start3A_334] : memref<10240x128xf32, #tpu.memory_space<hbm>> -> memref<10240x128xf32, #tpu.memory_space<hbm>>
    tpu.enqueue_indirect_dma source(%dma_start3A_335 : memref<10240x128xf32, #tpu.memory_space<hbm>>) target(%arg10 : memref<125x128xf32, #tpu.memory_space<vmem>>) offsets(%dma_start3A_332 : memref<125xi32, #tpu.memory_space<vmem>>) semaphore(%arg13 : memref<!tpu.dma_semaphore, #tpu.memory_space<semaphore_mem>>)
    %dma_start3A_336 = arith.constant 0 : i32
    %dma_start3A_337 = arith.constant 4 : i32
    %dma_start3A_338 = arith.constant 0 : i32
    %dma_start3A_339 = arith.constant 0 : i32
    %dma_start3A_340 = tpu.memref_slice %arg6[%dma_start3A_338, %dma_start3A_339] : memref<2x125xi32, #tpu.memory_space<vmem>> -> memref<1x125xi32, #tpu.memory_space<vmem>>
    %dma_start3A_341 = tpu.memref_squeeze %dma_start3A_340 : memref<1x125xi32, #tpu.memory_space<vmem>> -> memref<125xi32, #tpu.memory_space<vmem>>
    %dma_start3A_342 = arith.constant 0 : i32
    %dma_start3A_343 = tpu.memref_slice %arg3[%dma_start3A_336, %add3A, %dma_start3A_337, %dma_start3A_342] : memref<2x32x80x125xi32, #tpu.memory_space<hbm>> -> memref<1x1x1x125xi32, #tpu.memory_space<hbm>>
    %dma_start3A_344 = tpu.memref_squeeze %dma_start3A_343 : memref<1x1x1x125xi32, #tpu.memory_space<hbm>> -> memref<125xi32, #tpu.memory_space<hbm>>
    %dma_start3A_345 = arith.constant 0 : i32
    %dma_start3A_346 = tpu.memref_slice %arg6[%dma_start3A_338, %dma_start3A_345] : memref<2x125xi32, #tpu.memory_space<vmem>> -> memref<1x125xi32, #tpu.memory_space<vmem>>
    %dma_start3A_347 = tpu.memref_squeeze %dma_start3A_346 : memref<1x125xi32, #tpu.memory_space<vmem>> -> memref<125xi32, #tpu.memory_space<vmem>>
    %dma_start3A_348 = arith.constant 0 : i32
    %dma_start3A_349 = tpu.memref_slice %arg3[%dma_start3A_336, %add3A, %dma_start3A_337, %dma_start3A_348] : memref<2x32x80x125xi32, #tpu.memory_space<hbm>> -> memref<1x1x1x125xi32, #tpu.memory_space<hbm>>
    %dma_start3A_350 = tpu.memref_squeeze %dma_start3A_349 : memref<1x1x1x125xi32, #tpu.memory_space<hbm>> -> memref<125xi32, #tpu.memory_space<hbm>>
    tpu.enqueue_dma source(%dma_start3A_350 : memref<125xi32, #tpu.memory_space<hbm>>) target(%dma_start3A_347 : memref<125xi32, #tpu.memory_space<vmem>>) target_semaphore(%arg17 : memref<!tpu.dma_semaphore, #tpu.memory_space<semaphore_mem>>)
    %dma_start3A_351 = arith.constant 1 : i32
    %dma_start3A_352 = arith.constant 4 : i32
    %dma_start3A_353 = arith.constant 1 : i32
    %dma_start3A_354 = arith.constant 0 : i32
    %dma_start3A_355 = tpu.memref_slice %arg6[%dma_start3A_353, %dma_start3A_354] : memref<2x125xi32, #tpu.memory_space<vmem>> -> memref<1x125xi32, #tpu.memory_space<vmem>>
    %dma_start3A_356 = tpu.memref_squeeze %dma_start3A_355 : memref<1x125xi32, #tpu.memory_space<vmem>> -> memref<125xi32, #tpu.memory_space<vmem>>
    %dma_start3A_357 = arith.constant 0 : i32
    %dma_start3A_358 = tpu.memref_slice %arg3[%dma_start3A_351, %add3A, %dma_start3A_352, %dma_start3A_357] : memref<2x32x80x125xi32, #tpu.memory_space<hbm>> -> memref<1x1x1x125xi32, #tpu.memory_space<hbm>>
    %dma_start3A_359 = tpu.memref_squeeze %dma_start3A_358 : memref<1x1x1x125xi32, #tpu.memory_space<hbm>> -> memref<125xi32, #tpu.memory_space<hbm>>
    %dma_start3A_360 = arith.constant 0 : i32
    %dma_start3A_361 = tpu.memref_slice %arg6[%dma_start3A_353, %dma_start3A_360] : memref<2x125xi32, #tpu.memory_space<vmem>> -> memref<1x125xi32, #tpu.memory_space<vmem>>
    %dma_start3A_362 = tpu.memref_squeeze %dma_start3A_361 : memref<1x125xi32, #tpu.memory_space<vmem>> -> memref<125xi32, #tpu.memory_space<vmem>>
    %dma_start3A_363 = arith.constant 0 : i32
    %dma_start3A_364 = tpu.memref_slice %arg3[%dma_start3A_351, %add3A, %dma_start3A_352, %dma_start3A_363] : memref<2x32x80x125xi32, #tpu.memory_space<hbm>> -> memref<1x1x1x125xi32, #tpu.memory_space<hbm>>
    %dma_start3A_365 = tpu.memref_squeeze %dma_start3A_364 : memref<1x1x1x125xi32, #tpu.memory_space<hbm>> -> memref<125xi32, #tpu.memory_space<hbm>>
    tpu.enqueue_dma source(%dma_start3A_365 : memref<125xi32, #tpu.memory_space<hbm>>) target(%dma_start3A_362 : memref<125xi32, #tpu.memory_space<vmem>>) target_semaphore(%arg17 : memref<!tpu.dma_semaphore, #tpu.memory_space<semaphore_mem>>)
    %dma_wait3A_366 = arith.constant 0 : i32
    %dma_wait3A_367 = arith.constant 0 : i32
    %dma_wait3A_368 = tpu.memref_slice %arg7[%dma_wait3A_366, %dma_wait3A_367] : memref<2x125xi32, #tpu.memory_space<vmem>> -> memref<1x125xi32, #tpu.memory_space<vmem>>
    %dma_wait3A_369 = tpu.memref_squeeze %dma_wait3A_368 : memref<1x125xi32, #tpu.memory_space<vmem>> -> memref<125xi32, #tpu.memory_space<vmem>>
    %dma_wait3A_370 = arith.constant 0 : i32
    %dma_wait3A_371 = arith.constant 0 : i32
    %dma_wait3A_372 = tpu.memref_slice %arg2[%dma_wait3A_370, %dma_wait3A_371] : memref<10240x128xf32, #tpu.memory_space<hbm>> -> memref<10240x128xf32, #tpu.memory_space<hbm>>
    tpu.wait_indirect_dma semaphore(%arg14 : memref<!tpu.dma_semaphore, #tpu.memory_space<semaphore_mem>>) src(%dma_wait3A_372 : memref<10240x128xf32, #tpu.memory_space<hbm>>) dst(%arg11 : memref<125x128xf32, #tpu.memory_space<vmem>>)
    %dma_start3A_373 = arith.constant 1 : i32
    %dma_start3A_374 = arith.constant 0 : i32
    %dma_start3A_375 = tpu.memref_slice %arg7[%dma_start3A_373, %dma_start3A_374] : memref<2x125xi32, #tpu.memory_space<vmem>> -> memref<1x125xi32, #tpu.memory_space<vmem>>
    %dma_start3A_376 = tpu.memref_squeeze %dma_start3A_375 : memref<1x125xi32, #tpu.memory_space<vmem>> -> memref<125xi32, #tpu.memory_space<vmem>>
    %dma_start3A_377 = arith.constant 0 : i32
    %dma_start3A_378 = arith.constant 0 : i32
    %dma_start3A_379 = tpu.memref_slice %arg5[%dma_start3A_377, %dma_start3A_378] : memref<10240x128xf32, #tpu.memory_space<vmem_shared>> -> memref<10240x128xf32, #tpu.memory_space<vmem_shared>>
    tpu.enqueue_indirect_dma source(%arg11 : memref<125x128xf32, #tpu.memory_space<vmem>>) target(%dma_start3A_379 : memref<10240x128xf32, #tpu.memory_space<vmem_shared>>) offsets(%dma_start3A_376 : memref<125xi32, #tpu.memory_space<vmem>>) semaphore(%arg16 : memref<!tpu.dma_semaphore, #tpu.memory_space<semaphore_mem>>) {add = true}
    %dma_wait3A_380 = arith.constant 1 : i32
    %dma_wait3A_381 = arith.constant 0 : i32
    %dma_wait3A_382 = tpu.memref_slice %arg9[%dma_wait3A_380, %dma_wait3A_381] : memref<2x125xi32, #tpu.memory_space<vmem>> -> memref<1x125xi32, #tpu.memory_space<vmem>>
    %dma_wait3A_383 = tpu.memref_squeeze %dma_wait3A_382 : memref<1x125xi32, #tpu.memory_space<vmem>> -> memref<125xi32, #tpu.memory_space<vmem>>
    %dma_wait3A_384 = arith.constant 0 : i32
    %dma_wait3A_385 = arith.constant 0 : i32
    %dma_wait3A_386 = tpu.memref_slice %arg5[%dma_wait3A_384, %dma_wait3A_385] : memref<10240x128xf32, #tpu.memory_space<vmem_shared>> -> memref<10240x128xf32, #tpu.memory_space<vmem_shared>>
    tpu.wait_indirect_dma semaphore(%arg16 : memref<!tpu.dma_semaphore, #tpu.memory_space<semaphore_mem>>) src(%arg11 : memref<125x128xf32, #tpu.memory_space<vmem>>) dst(%dma_wait3A_386 : memref<10240x128xf32, #tpu.memory_space<vmem_shared>>)
    %dma_wait3A_387 = arith.constant 0 : i32
    %dma_wait3A_388 = arith.constant 0 : i32
    %dma_wait3A_389 = arith.constant 0 : i32
    %dma_wait3A_390 = arith.constant 0 : i32
    %dma_wait3A_391 = tpu.memref_slice %arg9[%dma_wait3A_389, %dma_wait3A_390] : memref<2x125xi32, #tpu.memory_space<vmem>> -> memref<1x125xi32, #tpu.memory_space<vmem>>
    %dma_wait3A_392 = tpu.memref_squeeze %dma_wait3A_391 : memref<1x125xi32, #tpu.memory_space<vmem>> -> memref<125xi32, #tpu.memory_space<vmem>>
    %dma_wait3A_393 = arith.constant 0 : i32
    %dma_wait3A_394 = tpu.memref_slice %arg3[%dma_wait3A_387, %add3A, %dma_wait3A_388, %dma_wait3A_393] : memref<2x32x80x125xi32, #tpu.memory_space<hbm>> -> memref<1x1x1x125xi32, #tpu.memory_space<hbm>>
    %dma_wait3A_395 = tpu.memref_squeeze %dma_wait3A_394 : memref<1x1x1x125xi32, #tpu.memory_space<hbm>> -> memref<125xi32, #tpu.memory_space<hbm>>
    %dma_wait3A_396 = arith.constant 0 : i32
    %dma_wait3A_397 = tpu.memref_slice %arg9[%dma_wait3A_389, %dma_wait3A_396] : memref<2x125xi32, #tpu.memory_space<vmem>> -> memref<1x125xi32, #tpu.memory_space<vmem>>
    %dma_wait3A_398 = tpu.memref_squeeze %dma_wait3A_397 : memref<1x125xi32, #tpu.memory_space<vmem>> -> memref<125xi32, #tpu.memory_space<vmem>>
    %dma_wait3A_399 = arith.constant 0 : i32
    %dma_wait3A_400 = tpu.memref_slice %arg3[%dma_wait3A_387, %add3A, %dma_wait3A_388, %dma_wait3A_399] : memref<2x32x80x125xi32, #tpu.memory_space<hbm>> -> memref<1x1x1x125xi32, #tpu.memory_space<hbm>>
    %dma_wait3A_401 = tpu.memref_squeeze %dma_wait3A_400 : memref<1x1x1x125xi32, #tpu.memory_space<hbm>> -> memref<125xi32, #tpu.memory_space<hbm>>
    tpu.wait_dma2 semaphore(%arg20 : memref<!tpu.dma_semaphore, #tpu.memory_space<semaphore_mem>>) src(%dma_wait3A_401 : memref<125xi32, #tpu.memory_space<hbm>>) dst(%dma_wait3A_398 : memref<125xi32, #tpu.memory_space<vmem>>)
    %dma_wait3A_402 = arith.constant 1 : i32
    %dma_wait3A_403 = arith.constant 0 : i32
    %dma_wait3A_404 = arith.constant 1 : i32
    %dma_wait3A_405 = arith.constant 0 : i32
    %dma_wait3A_406 = tpu.memref_slice %arg9[%dma_wait3A_404, %dma_wait3A_405] : memref<2x125xi32, #tpu.memory_space<vmem>> -> memref<1x125xi32, #tpu.memory_space<vmem>>
    %dma_wait3A_407 = tpu.memref_squeeze %dma_wait3A_406 : memref<1x125xi32, #tpu.memory_space<vmem>> -> memref<125xi32, #tpu.memory_space<vmem>>
    %dma_wait3A_408 = arith.constant 0 : i32
    %dma_wait3A_409 = tpu.memref_slice %arg3[%dma_wait3A_402, %add3A, %dma_wait3A_403, %dma_wait3A_408] : memref<2x32x80x125xi32, #tpu.memory_space<hbm>> -> memref<1x1x1x125xi32, #tpu.memory_space<hbm>>
    %dma_wait3A_410 = tpu.memref_squeeze %dma_wait3A_409 : memref<1x1x1x125xi32, #tpu.memory_space<hbm>> -> memref<125xi32, #tpu.memory_space<hbm>>
    %dma_wait3A_411 = arith.constant 0 : i32
    %dma_wait3A_412 = tpu.memref_slice %arg9[%dma_wait3A_404, %dma_wait3A_411] : memref<2x125xi32, #tpu.memory_space<vmem>> -> memref<1x125xi32, #tpu.memory_space<vmem>>
    %dma_wait3A_413 = tpu.memref_squeeze %dma_wait3A_412 : memref<1x125xi32, #tpu.memory_space<vmem>> -> memref<125xi32, #tpu.memory_space<vmem>>
    %dma_wait3A_414 = arith.constant 0 : i32
    %dma_wait3A_415 = tpu.memref_slice %arg3[%dma_wait3A_402, %add3A, %dma_wait3A_403, %dma_wait3A_414] : memref<2x32x80x125xi32, #tpu.memory_space<hbm>> -> memref<1x1x1x125xi32, #tpu.memory_space<hbm>>
    %dma_wait3A_416 = tpu.memref_squeeze %dma_wait3A_415 : memref<1x1x1x125xi32, #tpu.memory_space<hbm>> -> memref<125xi32, #tpu.memory_space<hbm>>
    tpu.wait_dma2 semaphore(%arg20 : memref<!tpu.dma_semaphore, #tpu.memory_space<semaphore_mem>>) src(%dma_wait3A_416 : memref<125xi32, #tpu.memory_space<hbm>>) dst(%dma_wait3A_413 : memref<125xi32, #tpu.memory_space<vmem>>)
    %dma_start3A_417 = arith.constant 0 : i32
    %dma_start3A_418 = arith.constant 0 : i32
    %dma_start3A_419 = tpu.memref_slice %arg9[%dma_start3A_417, %dma_start3A_418] : memref<2x125xi32, #tpu.memory_space<vmem>> -> memref<1x125xi32, #tpu.memory_space<vmem>>
    %dma_start3A_420 = tpu.memref_squeeze %dma_start3A_419 : memref<1x125xi32, #tpu.memory_space<vmem>> -> memref<125xi32, #tpu.memory_space<vmem>>
    %dma_start3A_421 = arith.constant 0 : i32
    %dma_start3A_422 = arith.constant 0 : i32
    %dma_start3A_423 = tpu.memref_slice %arg2[%dma_start3A_421, %dma_start3A_422] : memref<10240x128xf32, #tpu.memory_space<hbm>> -> memref<10240x128xf32, #tpu.memory_space<hbm>>
    tpu.enqueue_indirect_dma source(%dma_start3A_423 : memref<10240x128xf32, #tpu.memory_space<hbm>>) target(%arg11 : memref<125x128xf32, #tpu.memory_space<vmem>>) offsets(%dma_start3A_420 : memref<125xi32, #tpu.memory_space<vmem>>) semaphore(%arg14 : memref<!tpu.dma_semaphore, #tpu.memory_space<semaphore_mem>>)
    %dma_start3A_424 = arith.constant 0 : i32
    %dma_start3A_425 = arith.constant 5 : i32
    %dma_start3A_426 = arith.constant 0 : i32
    %dma_start3A_427 = arith.constant 0 : i32
    %dma_start3A_428 = tpu.memref_slice %arg7[%dma_start3A_426, %dma_start3A_427] : memref<2x125xi32, #tpu.memory_space<vmem>> -> memref<1x125xi32, #tpu.memory_space<vmem>>
    %dma_start3A_429 = tpu.memref_squeeze %dma_start3A_428 : memref<1x125xi32, #tpu.memory_space<vmem>> -> memref<125xi32, #tpu.memory_space<vmem>>
    %dma_start3A_430 = arith.constant 0 : i32
    %dma_start3A_431 = tpu.memref_slice %arg3[%dma_start3A_424, %add3A, %dma_start3A_425, %dma_start3A_430] : memref<2x32x80x125xi32, #tpu.memory_space<hbm>> -> memref<1x1x1x125xi32, #tpu.memory_space<hbm>>
    %dma_start3A_432 = tpu.memref_squeeze %dma_start3A_431 : memref<1x1x1x125xi32, #tpu.memory_space<hbm>> -> memref<125xi32, #tpu.memory_space<hbm>>
    %dma_start3A_433 = arith.constant 0 : i32
    %dma_start3A_434 = tpu.memref_slice %arg7[%dma_start3A_426, %dma_start3A_433] : memref<2x125xi32, #tpu.memory_space<vmem>> -> memref<1x125xi32, #tpu.memory_space<vmem>>
    %dma_start3A_435 = tpu.memref_squeeze %dma_start3A_434 : memref<1x125xi32, #tpu.memory_space<vmem>> -> memref<125xi32, #tpu.memory_space<vmem>>
    %dma_start3A_436 = arith.constant 0 : i32
    %dma_start3A_437 = tpu.memref_slice %arg3[%dma_start3A_424, %add3A, %dma_start3A_425, %dma_start3A_436] : memref<2x32x80x125xi32, #tpu.memory_space<hbm>> -> memref<1x1x1x125xi32, #tpu.memory_space<hbm>>
    %dma_start3A_438 = tpu.memref_squeeze %dma_start3A_437 : memref<1x1x1x125xi32, #tpu.memory_space<hbm>> -> memref<125xi32, #tpu.memory_space<hbm>>
    tpu.enqueue_dma source(%dma_start3A_438 : memref<125xi32, #tpu.memory_space<hbm>>) target(%dma_start3A_435 : memref<125xi32, #tpu.memory_space<vmem>>) target_semaphore(%arg18 : memref<!tpu.dma_semaphore, #tpu.memory_space<semaphore_mem>>)
    %dma_start3A_439 = arith.constant 1 : i32
    %dma_start3A_440 = arith.constant 5 : i32
    %dma_start3A_441 = arith.constant 1 : i32
    %dma_start3A_442 = arith.constant 0 : i32
    %dma_start3A_443 = tpu.memref_slice %arg7[%dma_start3A_441, %dma_start3A_442] : memref<2x125xi32, #tpu.memory_space<vmem>> -> memref<1x125xi32, #tpu.memory_space<vmem>>
    %dma_start3A_444 = tpu.memref_squeeze %dma_start3A_443 : memref<1x125xi32, #tpu.memory_space<vmem>> -> memref<125xi32, #tpu.memory_space<vmem>>
    %dma_start3A_445 = arith.constant 0 : i32
    %dma_start3A_446 = tpu.memref_slice %arg3[%dma_start3A_439, %add3A, %dma_start3A_440, %dma_start3A_445] : memref<2x32x80x125xi32, #tpu.memory_space<hbm>> -> memref<1x1x1x125xi32, #tpu.memory_space<hbm>>
    %dma_start3A_447 = tpu.memref_squeeze %dma_start3A_446 : memref<1x1x1x125xi32, #tpu.memory_space<hbm>> -> memref<125xi32, #tpu.memory_space<hbm>>
    %dma_start3A_448 = arith.constant 0 : i32
    %dma_start3A_449 = tpu.memref_slice %arg7[%dma_start3A_441, %dma_start3A_448] : memref<2x125xi32, #tpu.memory_space<vmem>> -> memref<1x125xi32, #tpu.memory_space<vmem>>
    %dma_start3A_450 = tpu.memref_squeeze %dma_start3A_449 : memref<1x125xi32, #tpu.memory_space<vmem>> -> memref<125xi32, #tpu.memory_space<vmem>>
    %dma_start3A_451 = arith.constant 0 : i32
    %dma_start3A_452 = tpu.memref_slice %arg3[%dma_start3A_439, %add3A, %dma_start3A_440, %dma_start3A_451] : memref<2x32x80x125xi32, #tpu.memory_space<hbm>> -> memref<1x1x1x125xi32, #tpu.memory_space<hbm>>
    %dma_start3A_453 = tpu.memref_squeeze %dma_start3A_452 : memref<1x1x1x125xi32, #tpu.memory_space<hbm>> -> memref<125xi32, #tpu.memory_space<hbm>>
    tpu.enqueue_dma source(%dma_start3A_453 : memref<125xi32, #tpu.memory_space<hbm>>) target(%dma_start3A_450 : memref<125xi32, #tpu.memory_space<vmem>>) target_semaphore(%arg18 : memref<!tpu.dma_semaphore, #tpu.memory_space<semaphore_mem>>)
    %dma_wait3A_454 = arith.constant 0 : i32
    %dma_wait3A_455 = arith.constant 0 : i32
    %dma_wait3A_456 = tpu.memref_slice %arg8[%dma_wait3A_454, %dma_wait3A_455] : memref<2x125xi32, #tpu.memory_space<vmem>> -> memref<1x125xi32, #tpu.memory_space<vmem>>
    %dma_wait3A_457 = tpu.memref_squeeze %dma_wait3A_456 : memref<1x125xi32, #tpu.memory_space<vmem>> -> memref<125xi32, #tpu.memory_space<vmem>>
    %dma_wait3A_458 = arith.constant 0 : i32
    %dma_wait3A_459 = arith.constant 0 : i32
    %dma_wait3A_460 = tpu.memref_slice %arg2[%dma_wait3A_458, %dma_wait3A_459] : memref<10240x128xf32, #tpu.memory_space<hbm>> -> memref<10240x128xf32, #tpu.memory_space<hbm>>
    tpu.wait_indirect_dma semaphore(%arg13 : memref<!tpu.dma_semaphore, #tpu.memory_space<semaphore_mem>>) src(%dma_wait3A_460 : memref<10240x128xf32, #tpu.memory_space<hbm>>) dst(%arg10 : memref<125x128xf32, #tpu.memory_space<vmem>>)
    %dma_start3A_461 = arith.constant 1 : i32
    %dma_start3A_462 = arith.constant 0 : i32
    %dma_start3A_463 = tpu.memref_slice %arg8[%dma_start3A_461, %dma_start3A_462] : memref<2x125xi32, #tpu.memory_space<vmem>> -> memref<1x125xi32, #tpu.memory_space<vmem>>
    %dma_start3A_464 = tpu.memref_squeeze %dma_start3A_463 : memref<1x125xi32, #tpu.memory_space<vmem>> -> memref<125xi32, #tpu.memory_space<vmem>>
    %dma_start3A_465 = arith.constant 0 : i32
    %dma_start3A_466 = arith.constant 0 : i32
    %dma_start3A_467 = tpu.memref_slice %arg5[%dma_start3A_465, %dma_start3A_466] : memref<10240x128xf32, #tpu.memory_space<vmem_shared>> -> memref<10240x128xf32, #tpu.memory_space<vmem_shared>>
    tpu.enqueue_indirect_dma source(%arg10 : memref<125x128xf32, #tpu.memory_space<vmem>>) target(%dma_start3A_467 : memref<10240x128xf32, #tpu.memory_space<vmem_shared>>) offsets(%dma_start3A_464 : memref<125xi32, #tpu.memory_space<vmem>>) semaphore(%arg15 : memref<!tpu.dma_semaphore, #tpu.memory_space<semaphore_mem>>) {add = true}
    %scan3A_468 = arith.constant 0 : i32
    %scan3A_469 = arith.constant 1 : i32
    %scan3A_470 = arith.constant 18 : i32
    %scan3A_471 = arith.addi %scan3A_469, %scan3A_470 : i32
    %scan3A_472 = arith.constant 1 : i32
    scf.for %scan3A_802 = %scan3A_469 to %scan3A_471 step %scan3A_472  : i32 {
      %mul3A_803 = arith.constant 4 : i32
      %mul3A_804 = arith.muli %mul3A_803, %scan3A_802 : i32
      %add3A_805 = arith.constant 0 : i32
      %add3A_806 = arith.addi %mul3A_804, %add3A_805 : i32
      %dma_wait3A_807 = arith.constant 1 : i32
      %dma_wait3A_808 = arith.constant 0 : i32
      %dma_wait3A_809 = tpu.memref_slice %arg6[%dma_wait3A_807, %dma_wait3A_808] : memref<2x125xi32, #tpu.memory_space<vmem>> -> memref<1x125xi32, #tpu.memory_space<vmem>>
      %dma_wait3A_810 = tpu.memref_squeeze %dma_wait3A_809 : memref<1x125xi32, #tpu.memory_space<vmem>> -> memref<125xi32, #tpu.memory_space<vmem>>
      %dma_wait3A_811 = arith.constant 0 : i32
      %dma_wait3A_812 = arith.constant 0 : i32
      %dma_wait3A_813 = tpu.memref_slice %arg5[%dma_wait3A_811, %dma_wait3A_812] : memref<10240x128xf32, #tpu.memory_space<vmem_shared>> -> memref<10240x128xf32, #tpu.memory_space<vmem_shared>>
      tpu.wait_indirect_dma semaphore(%arg15 : memref<!tpu.dma_semaphore, #tpu.memory_space<semaphore_mem>>) src(%arg10 : memref<125x128xf32, #tpu.memory_space<vmem>>) dst(%dma_wait3A_813 : memref<10240x128xf32, #tpu.memory_space<vmem_shared>>)
      %dma_wait3A_814 = arith.constant 0 : i32
      %dma_wait3A_815 = arith.constant 0 : i32
      %dma_wait3A_816 = arith.constant 0 : i32
      %dma_wait3A_817 = arith.constant 0 : i32
      %dma_wait3A_818 = tpu.memref_slice %arg6[%dma_wait3A_816, %dma_wait3A_817] : memref<2x125xi32, #tpu.memory_space<vmem>> -> memref<1x125xi32, #tpu.memory_space<vmem>>
      %dma_wait3A_819 = tpu.memref_squeeze %dma_wait3A_818 : memref<1x125xi32, #tpu.memory_space<vmem>> -> memref<125xi32, #tpu.memory_space<vmem>>
      %dma_wait3A_820 = arith.constant 0 : i32
      %dma_wait3A_821 = tpu.memref_slice %arg3[%dma_wait3A_814, %add3A, %dma_wait3A_815, %dma_wait3A_820] : memref<2x32x80x125xi32, #tpu.memory_space<hbm>> -> memref<1x1x1x125xi32, #tpu.memory_space<hbm>>
      %dma_wait3A_822 = tpu.memref_squeeze %dma_wait3A_821 : memref<1x1x1x125xi32, #tpu.memory_space<hbm>> -> memref<125xi32, #tpu.memory_space<hbm>>
      %dma_wait3A_823 = arith.constant 0 : i32
      %dma_wait3A_824 = tpu.memref_slice %arg6[%dma_wait3A_816, %dma_wait3A_823] : memref<2x125xi32, #tpu.memory_space<vmem>> -> memref<1x125xi32, #tpu.memory_space<vmem>>
      %dma_wait3A_825 = tpu.memref_squeeze %dma_wait3A_824 : memref<1x125xi32, #tpu.memory_space<vmem>> -> memref<125xi32, #tpu.memory_space<vmem>>
      %dma_wait3A_826 = arith.constant 0 : i32
      %dma_wait3A_827 = tpu.memref_slice %arg3[%dma_wait3A_814, %add3A, %dma_wait3A_815, %dma_wait3A_826] : memref<2x32x80x125xi32, #tpu.memory_space<hbm>> -> memref<1x1x1x125xi32, #tpu.memory_space<hbm>>
      %dma_wait3A_828 = tpu.memref_squeeze %dma_wait3A_827 : memref<1x1x1x125xi32, #tpu.memory_space<hbm>> -> memref<125xi32, #tpu.memory_space<hbm>>
      tpu.wait_dma2 semaphore(%arg17 : memref<!tpu.dma_semaphore, #tpu.memory_space<semaphore_mem>>) src(%dma_wait3A_828 : memref<125xi32, #tpu.memory_space<hbm>>) dst(%dma_wait3A_825 : memref<125xi32, #tpu.memory_space<vmem>>)
      %dma_wait3A_829 = arith.constant 1 : i32
      %dma_wait3A_830 = arith.constant 0 : i32
      %dma_wait3A_831 = arith.constant 1 : i32
      %dma_wait3A_832 = arith.constant 0 : i32
      %dma_wait3A_833 = tpu.memref_slice %arg6[%dma_wait3A_831, %dma_wait3A_832] : memref<2x125xi32, #tpu.memory_space<vmem>> -> memref<1x125xi32, #tpu.memory_space<vmem>>
      %dma_wait3A_834 = tpu.memref_squeeze %dma_wait3A_833 : memref<1x125xi32, #tpu.memory_space<vmem>> -> memref<125xi32, #tpu.memory_space<vmem>>
      %dma_wait3A_835 = arith.constant 0 : i32
      %dma_wait3A_836 = tpu.memref_slice %arg3[%dma_wait3A_829, %add3A, %dma_wait3A_830, %dma_wait3A_835] : memref<2x32x80x125xi32, #tpu.memory_space<hbm>> -> memref<1x1x1x125xi32, #tpu.memory_space<hbm>>
      %dma_wait3A_837 = tpu.memref_squeeze %dma_wait3A_836 : memref<1x1x1x125xi32, #tpu.memory_space<hbm>> -> memref<125xi32, #tpu.memory_space<hbm>>
      %dma_wait3A_838 = arith.constant 0 : i32
      %dma_wait3A_839 = tpu.memref_slice %arg6[%dma_wait3A_831, %dma_wait3A_838] : memref<2x125xi32, #tpu.memory_space<vmem>> -> memref<1x125xi32, #tpu.memory_space<vmem>>
      %dma_wait3A_840 = tpu.memref_squeeze %dma_wait3A_839 : memref<1x125xi32, #tpu.memory_space<vmem>> -> memref<125xi32, #tpu.memory_space<vmem>>
      %dma_wait3A_841 = arith.constant 0 : i32
      %dma_wait3A_842 = tpu.memref_slice %arg3[%dma_wait3A_829, %add3A, %dma_wait3A_830, %dma_wait3A_841] : memref<2x32x80x125xi32, #tpu.memory_space<hbm>> -> memref<1x1x1x125xi32, #tpu.memory_space<hbm>>
      %dma_wait3A_843 = tpu.memref_squeeze %dma_wait3A_842 : memref<1x1x1x125xi32, #tpu.memory_space<hbm>> -> memref<125xi32, #tpu.memory_space<hbm>>
      tpu.wait_dma2 semaphore(%arg17 : memref<!tpu.dma_semaphore, #tpu.memory_space<semaphore_mem>>) src(%dma_wait3A_843 : memref<125xi32, #tpu.memory_space<hbm>>) dst(%dma_wait3A_840 : memref<125xi32, #tpu.memory_space<vmem>>)
      %dma_start3A_844 = arith.constant 0 : i32
      %dma_start3A_845 = arith.constant 0 : i32
      %dma_start3A_846 = tpu.memref_slice %arg6[%dma_start3A_844, %dma_start3A_845] : memref<2x125xi32, #tpu.memory_space<vmem>> -> memref<1x125xi32, #tpu.memory_space<vmem>>
      %dma_start3A_847 = tpu.memref_squeeze %dma_start3A_846 : memref<1x125xi32, #tpu.memory_space<vmem>> -> memref<125xi32, #tpu.memory_space<vmem>>
      %dma_start3A_848 = arith.constant 0 : i32
      %dma_start3A_849 = arith.constant 0 : i32
      %dma_start3A_850 = tpu.memref_slice %arg2[%dma_start3A_848, %dma_start3A_849] : memref<10240x128xf32, #tpu.memory_space<hbm>> -> memref<10240x128xf32, #tpu.memory_space<hbm>>
      tpu.enqueue_indirect_dma source(%dma_start3A_850 : memref<10240x128xf32, #tpu.memory_space<hbm>>) target(%arg10 : memref<125x128xf32, #tpu.memory_space<vmem>>) offsets(%dma_start3A_847 : memref<125xi32, #tpu.memory_space<vmem>>) semaphore(%arg13 : memref<!tpu.dma_semaphore, #tpu.memory_space<semaphore_mem>>)
      %add3A_851 = arith.constant 2 : i32
      %add3A_852 = arith.addi %add3A_806, %add3A_851 : i32
      %dma_start3A_853 = arith.constant 0 : i32
      %dma_start3A_854 = arith.constant 0 : i32
      %dma_start3A_855 = arith.constant 0 : i32
      %dma_start3A_856 = tpu.memref_slice %arg8[%dma_start3A_854, %dma_start3A_855] : memref<2x125xi32, #tpu.memory_space<vmem>> -> memref<1x125xi32, #tpu.memory_space<vmem>>
      %dma_start3A_857 = tpu.memref_squeeze %dma_start3A_856 : memref<1x125xi32, #tpu.memory_space<vmem>> -> memref<125xi32, #tpu.memory_space<vmem>>
      %dma_start3A_858 = arith.constant 0 : i32
      %dma_start3A_859 = tpu.memref_slice %arg3[%dma_start3A_853, %add3A, %add3A_852, %dma_start3A_858] : memref<2x32x80x125xi32, #tpu.memory_space<hbm>> -> memref<1x1x1x125xi32, #tpu.memory_space<hbm>>
      %dma_start3A_860 = tpu.memref_squeeze %dma_start3A_859 : memref<1x1x1x125xi32, #tpu.memory_space<hbm>> -> memref<125xi32, #tpu.memory_space<hbm>>
      %dma_start3A_861 = arith.constant 0 : i32
      %dma_start3A_862 = tpu.memref_slice %arg8[%dma_start3A_854, %dma_start3A_861] : memref<2x125xi32, #tpu.memory_space<vmem>> -> memref<1x125xi32, #tpu.memory_space<vmem>>
      %dma_start3A_863 = tpu.memref_squeeze %dma_start3A_862 : memref<1x125xi32, #tpu.memory_space<vmem>> -> memref<125xi32, #tpu.memory_space<vmem>>
      %dma_start3A_864 = arith.constant 0 : i32
      %dma_start3A_865 = tpu.memref_slice %arg3[%dma_start3A_853, %add3A, %add3A_852, %dma_start3A_864] : memref<2x32x80x125xi32, #tpu.memory_space<hbm>> -> memref<1x1x1x125xi32, #tpu.memory_space<hbm>>
      %dma_start3A_866 = tpu.memref_squeeze %dma_start3A_865 : memref<1x1x1x125xi32, #tpu.memory_space<hbm>> -> memref<125xi32, #tpu.memory_space<hbm>>
      tpu.enqueue_dma source(%dma_start3A_866 : memref<125xi32, #tpu.memory_space<hbm>>) target(%dma_start3A_863 : memref<125xi32, #tpu.memory_space<vmem>>) target_semaphore(%arg19 : memref<!tpu.dma_semaphore, #tpu.memory_space<semaphore_mem>>)
      %add3A_867 = arith.constant 2 : i32
      %add3A_868 = arith.addi %add3A_806, %add3A_867 : i32
      %dma_start3A_869 = arith.constant 1 : i32
      %dma_start3A_870 = arith.constant 1 : i32
      %dma_start3A_871 = arith.constant 0 : i32
      %dma_start3A_872 = tpu.memref_slice %arg8[%dma_start3A_870, %dma_start3A_871] : memref<2x125xi32, #tpu.memory_space<vmem>> -> memref<1x125xi32, #tpu.memory_space<vmem>>
      %dma_start3A_873 = tpu.memref_squeeze %dma_start3A_872 : memref<1x125xi32, #tpu.memory_space<vmem>> -> memref<125xi32, #tpu.memory_space<vmem>>
      %dma_start3A_874 = arith.constant 0 : i32
      %dma_start3A_875 = tpu.memref_slice %arg3[%dma_start3A_869, %add3A, %add3A_868, %dma_start3A_874] : memref<2x32x80x125xi32, #tpu.memory_space<hbm>> -> memref<1x1x1x125xi32, #tpu.memory_space<hbm>>
      %dma_start3A_876 = tpu.memref_squeeze %dma_start3A_875 : memref<1x1x1x125xi32, #tpu.memory_space<hbm>> -> memref<125xi32, #tpu.memory_space<hbm>>
      %dma_start3A_877 = arith.constant 0 : i32
      %dma_start3A_878 = tpu.memref_slice %arg8[%dma_start3A_870, %dma_start3A_877] : memref<2x125xi32, #tpu.memory_space<vmem>> -> memref<1x125xi32, #tpu.memory_space<vmem>>
      %dma_start3A_879 = tpu.memref_squeeze %dma_start3A_878 : memref<1x125xi32, #tpu.memory_space<vmem>> -> memref<125xi32, #tpu.memory_space<vmem>>
      %dma_start3A_880 = arith.constant 0 : i32
      %dma_start3A_881 = tpu.memref_slice %arg3[%dma_start3A_869, %add3A, %add3A_868, %dma_start3A_880] : memref<2x32x80x125xi32, #tpu.memory_space<hbm>> -> memref<1x1x1x125xi32, #tpu.memory_space<hbm>>
      %dma_start3A_882 = tpu.memref_squeeze %dma_start3A_881 : memref<1x1x1x125xi32, #tpu.memory_space<hbm>> -> memref<125xi32, #tpu.memory_space<hbm>>
      tpu.enqueue_dma source(%dma_start3A_882 : memref<125xi32, #tpu.memory_space<hbm>>) target(%dma_start3A_879 : memref<125xi32, #tpu.memory_space<vmem>>) target_semaphore(%arg19 : memref<!tpu.dma_semaphore, #tpu.memory_space<semaphore_mem>>)
      %dma_wait3A_883 = arith.constant 0 : i32
      %dma_wait3A_884 = arith.constant 0 : i32
      %dma_wait3A_885 = tpu.memref_slice %arg9[%dma_wait3A_883, %dma_wait3A_884] : memref<2x125xi32, #tpu.memory_space<vmem>> -> memref<1x125xi32, #tpu.memory_space<vmem>>
      %dma_wait3A_886 = tpu.memref_squeeze %dma_wait3A_885 : memref<1x125xi32, #tpu.memory_space<vmem>> -> memref<125xi32, #tpu.memory_space<vmem>>
      %dma_wait3A_887 = arith.constant 0 : i32
      %dma_wait3A_888 = arith.constant 0 : i32
      %dma_wait3A_889 = tpu.memref_slice %arg2[%dma_wait3A_887, %dma_wait3A_888] : memref<10240x128xf32, #tpu.memory_space<hbm>> -> memref<10240x128xf32, #tpu.memory_space<hbm>>
      tpu.wait_indirect_dma semaphore(%arg14 : memref<!tpu.dma_semaphore, #tpu.memory_space<semaphore_mem>>) src(%dma_wait3A_889 : memref<10240x128xf32, #tpu.memory_space<hbm>>) dst(%arg11 : memref<125x128xf32, #tpu.memory_space<vmem>>)
      %dma_start3A_890 = arith.constant 1 : i32
      %dma_start3A_891 = arith.constant 0 : i32
      %dma_start3A_892 = tpu.memref_slice %arg9[%dma_start3A_890, %dma_start3A_891] : memref<2x125xi32, #tpu.memory_space<vmem>> -> memref<1x125xi32, #tpu.memory_space<vmem>>
      %dma_start3A_893 = tpu.memref_squeeze %dma_start3A_892 : memref<1x125xi32, #tpu.memory_space<vmem>> -> memref<125xi32, #tpu.memory_space<vmem>>
      %dma_start3A_894 = arith.constant 0 : i32
      %dma_start3A_895 = arith.constant 0 : i32
      %dma_start3A_896 = tpu.memref_slice %arg5[%dma_start3A_894, %dma_start3A_895] : memref<10240x128xf32, #tpu.memory_space<vmem_shared>> -> memref<10240x128xf32, #tpu.memory_space<vmem_shared>>
      tpu.enqueue_indirect_dma source(%arg11 : memref<125x128xf32, #tpu.memory_space<vmem>>) target(%dma_start3A_896 : memref<10240x128xf32, #tpu.memory_space<vmem_shared>>) offsets(%dma_start3A_893 : memref<125xi32, #tpu.memory_space<vmem>>) semaphore(%arg16 : memref<!tpu.dma_semaphore, #tpu.memory_space<semaphore_mem>>) {add = true}
      %mul3A_897 = arith.constant 4 : i32
      %mul3A_898 = arith.muli %mul3A_897, %scan3A_802 : i32
      %add3A_899 = arith.constant 1 : i32
      %add3A_900 = arith.addi %mul3A_898, %add3A_899 : i32
      %dma_wait3A_901 = arith.constant 1 : i32
      %dma_wait3A_902 = arith.constant 0 : i32
      %dma_wait3A_903 = tpu.memref_slice %arg7[%dma_wait3A_901, %dma_wait3A_902] : memref<2x125xi32, #tpu.memory_space<vmem>> -> memref<1x125xi32, #tpu.memory_space<vmem>>
      %dma_wait3A_904 = tpu.memref_squeeze %dma_wait3A_903 : memref<1x125xi32, #tpu.memory_space<vmem>> -> memref<125xi32, #tpu.memory_space<vmem>>
      %dma_wait3A_905 = arith.constant 0 : i32
      %dma_wait3A_906 = arith.constant 0 : i32
      %dma_wait3A_907 = tpu.memref_slice %arg5[%dma_wait3A_905, %dma_wait3A_906] : memref<10240x128xf32, #tpu.memory_space<vmem_shared>> -> memref<10240x128xf32, #tpu.memory_space<vmem_shared>>
      tpu.wait_indirect_dma semaphore(%arg16 : memref<!tpu.dma_semaphore, #tpu.memory_space<semaphore_mem>>) src(%arg11 : memref<125x128xf32, #tpu.memory_space<vmem>>) dst(%dma_wait3A_907 : memref<10240x128xf32, #tpu.memory_space<vmem_shared>>)
      %dma_wait3A_908 = arith.constant 0 : i32
      %dma_wait3A_909 = arith.constant 0 : i32
      %dma_wait3A_910 = arith.constant 0 : i32
      %dma_wait3A_911 = arith.constant 0 : i32
      %dma_wait3A_912 = tpu.memref_slice %arg7[%dma_wait3A_910, %dma_wait3A_911] : memref<2x125xi32, #tpu.memory_space<vmem>> -> memref<1x125xi32, #tpu.memory_space<vmem>>
      %dma_wait3A_913 = tpu.memref_squeeze %dma_wait3A_912 : memref<1x125xi32, #tpu.memory_space<vmem>> -> memref<125xi32, #tpu.memory_space<vmem>>
      %dma_wait3A_914 = arith.constant 0 : i32
      %dma_wait3A_915 = tpu.memref_slice %arg3[%dma_wait3A_908, %add3A, %dma_wait3A_909, %dma_wait3A_914] : memref<2x32x80x125xi32, #tpu.memory_space<hbm>> -> memref<1x1x1x125xi32, #tpu.memory_space<hbm>>
      %dma_wait3A_916 = tpu.memref_squeeze %dma_wait3A_915 : memref<1x1x1x125xi32, #tpu.memory_space<hbm>> -> memref<125xi32, #tpu.memory_space<hbm>>
      %dma_wait3A_917 = arith.constant 0 : i32
      %dma_wait3A_918 = tpu.memref_slice %arg7[%dma_wait3A_910, %dma_wait3A_917] : memref<2x125xi32, #tpu.memory_space<vmem>> -> memref<1x125xi32, #tpu.memory_space<vmem>>
      %dma_wait3A_919 = tpu.memref_squeeze %dma_wait3A_918 : memref<1x125xi32, #tpu.memory_space<vmem>> -> memref<125xi32, #tpu.memory_space<vmem>>
      %dma_wait3A_920 = arith.constant 0 : i32
      %dma_wait3A_921 = tpu.memref_slice %arg3[%dma_wait3A_908, %add3A, %dma_wait3A_909, %dma_wait3A_920] : memref<2x32x80x125xi32, #tpu.memory_space<hbm>> -> memref<1x1x1x125xi32, #tpu.memory_space<hbm>>
      %dma_wait3A_922 = tpu.memref_squeeze %dma_wait3A_921 : memref<1x1x1x125xi32, #tpu.memory_space<hbm>> -> memref<125xi32, #tpu.memory_space<hbm>>
      tpu.wait_dma2 semaphore(%arg18 : memref<!tpu.dma_semaphore, #tpu.memory_space<semaphore_mem>>) src(%dma_wait3A_922 : memref<125xi32, #tpu.memory_space<hbm>>) dst(%dma_wait3A_919 : memref<125xi32, #tpu.memory_space<vmem>>)
      %dma_wait3A_923 = arith.constant 1 : i32
      %dma_wait3A_924 = arith.constant 0 : i32
      %dma_wait3A_925 = arith.constant 1 : i32
      %dma_wait3A_926 = arith.constant 0 : i32
      %dma_wait3A_927 = tpu.memref_slice %arg7[%dma_wait3A_925, %dma_wait3A_926] : memref<2x125xi32, #tpu.memory_space<vmem>> -> memref<1x125xi32, #tpu.memory_space<vmem>>
      %dma_wait3A_928 = tpu.memref_squeeze %dma_wait3A_927 : memref<1x125xi32, #tpu.memory_space<vmem>> -> memref<125xi32, #tpu.memory_space<vmem>>
      %dma_wait3A_929 = arith.constant 0 : i32
      %dma_wait3A_930 = tpu.memref_slice %arg3[%dma_wait3A_923, %add3A, %dma_wait3A_924, %dma_wait3A_929] : memref<2x32x80x125xi32, #tpu.memory_space<hbm>> -> memref<1x1x1x125xi32, #tpu.memory_space<hbm>>
      %dma_wait3A_931 = tpu.memref_squeeze %dma_wait3A_930 : memref<1x1x1x125xi32, #tpu.memory_space<hbm>> -> memref<125xi32, #tpu.memory_space<hbm>>
      %dma_wait3A_932 = arith.constant 0 : i32
      %dma_wait3A_933 = tpu.memref_slice %arg7[%dma_wait3A_925, %dma_wait3A_932] : memref<2x125xi32, #tpu.memory_space<vmem>> -> memref<1x125xi32, #tpu.memory_space<vmem>>
      %dma_wait3A_934 = tpu.memref_squeeze %dma_wait3A_933 : memref<1x125xi32, #tpu.memory_space<vmem>> -> memref<125xi32, #tpu.memory_space<vmem>>
      %dma_wait3A_935 = arith.constant 0 : i32
      %dma_wait3A_936 = tpu.memref_slice %arg3[%dma_wait3A_923, %add3A, %dma_wait3A_924, %dma_wait3A_935] : memref<2x32x80x125xi32, #tpu.memory_space<hbm>> -> memref<1x1x1x125xi32, #tpu.memory_space<hbm>>
      %dma_wait3A_937 = tpu.memref_squeeze %dma_wait3A_936 : memref<1x1x1x125xi32, #tpu.memory_space<hbm>> -> memref<125xi32, #tpu.memory_space<hbm>>
      tpu.wait_dma2 semaphore(%arg18 : memref<!tpu.dma_semaphore, #tpu.memory_space<semaphore_mem>>) src(%dma_wait3A_937 : memref<125xi32, #tpu.memory_space<hbm>>) dst(%dma_wait3A_934 : memref<125xi32, #tpu.memory_space<vmem>>)
      %dma_start3A_938 = arith.constant 0 : i32
      %dma_start3A_939 = arith.constant 0 : i32
      %dma_start3A_940 = tpu.memref_slice %arg7[%dma_start3A_938, %dma_start3A_939] : memref<2x125xi32, #tpu.memory_space<vmem>> -> memref<1x125xi32, #tpu.memory_space<vmem>>
      %dma_start3A_941 = tpu.memref_squeeze %dma_start3A_940 : memref<1x125xi32, #tpu.memory_space<vmem>> -> memref<125xi32, #tpu.memory_space<vmem>>
      %dma_start3A_942 = arith.constant 0 : i32
      %dma_start3A_943 = arith.constant 0 : i32
      %dma_start3A_944 = tpu.memref_slice %arg2[%dma_start3A_942, %dma_start3A_943] : memref<10240x128xf32, #tpu.memory_space<hbm>> -> memref<10240x128xf32, #tpu.memory_space<hbm>>
      tpu.enqueue_indirect_dma source(%dma_start3A_944 : memref<10240x128xf32, #tpu.memory_space<hbm>>) target(%arg11 : memref<125x128xf32, #tpu.memory_space<vmem>>) offsets(%dma_start3A_941 : memref<125xi32, #tpu.memory_space<vmem>>) semaphore(%arg14 : memref<!tpu.dma_semaphore, #tpu.memory_space<semaphore_mem>>)
      %add3A_945 = arith.constant 2 : i32
      %add3A_946 = arith.addi %add3A_900, %add3A_945 : i32
      %dma_start3A_947 = arith.constant 0 : i32
      %dma_start3A_948 = arith.constant 0 : i32
      %dma_start3A_949 = arith.constant 0 : i32
      %dma_start3A_950 = tpu.memref_slice %arg9[%dma_start3A_948, %dma_start3A_949] : memref<2x125xi32, #tpu.memory_space<vmem>> -> memref<1x125xi32, #tpu.memory_space<vmem>>
      %dma_start3A_951 = tpu.memref_squeeze %dma_start3A_950 : memref<1x125xi32, #tpu.memory_space<vmem>> -> memref<125xi32, #tpu.memory_space<vmem>>
      %dma_start3A_952 = arith.constant 0 : i32
      %dma_start3A_953 = tpu.memref_slice %arg3[%dma_start3A_947, %add3A, %add3A_946, %dma_start3A_952] : memref<2x32x80x125xi32, #tpu.memory_space<hbm>> -> memref<1x1x1x125xi32, #tpu.memory_space<hbm>>
      %dma_start3A_954 = tpu.memref_squeeze %dma_start3A_953 : memref<1x1x1x125xi32, #tpu.memory_space<hbm>> -> memref<125xi32, #tpu.memory_space<hbm>>
      %dma_start3A_955 = arith.constant 0 : i32
      %dma_start3A_956 = tpu.memref_slice %arg9[%dma_start3A_948, %dma_start3A_955] : memref<2x125xi32, #tpu.memory_space<vmem>> -> memref<1x125xi32, #tpu.memory_space<vmem>>
      %dma_start3A_957 = tpu.memref_squeeze %dma_start3A_956 : memref<1x125xi32, #tpu.memory_space<vmem>> -> memref<125xi32, #tpu.memory_space<vmem>>
      %dma_start3A_958 = arith.constant 0 : i32
      %dma_start3A_959 = tpu.memref_slice %arg3[%dma_start3A_947, %add3A, %add3A_946, %dma_start3A_958] : memref<2x32x80x125xi32, #tpu.memory_space<hbm>> -> memref<1x1x1x125xi32, #tpu.memory_space<hbm>>
      %dma_start3A_960 = tpu.memref_squeeze %dma_start3A_959 : memref<1x1x1x125xi32, #tpu.memory_space<hbm>> -> memref<125xi32, #tpu.memory_space<hbm>>
      tpu.enqueue_dma source(%dma_start3A_960 : memref<125xi32, #tpu.memory_space<hbm>>) target(%dma_start3A_957 : memref<125xi32, #tpu.memory_space<vmem>>) target_semaphore(%arg20 : memref<!tpu.dma_semaphore, #tpu.memory_space<semaphore_mem>>)
      %add3A_961 = arith.constant 2 : i32
      %add3A_962 = arith.addi %add3A_900, %add3A_961 : i32
      %dma_start3A_963 = arith.constant 1 : i32
      %dma_start3A_964 = arith.constant 1 : i32
      %dma_start3A_965 = arith.constant 0 : i32
      %dma_start3A_966 = tpu.memref_slice %arg9[%dma_start3A_964, %dma_start3A_965] : memref<2x125xi32, #tpu.memory_space<vmem>> -> memref<1x125xi32, #tpu.memory_space<vmem>>
      %dma_start3A_967 = tpu.memref_squeeze %dma_start3A_966 : memref<1x125xi32, #tpu.memory_space<vmem>> -> memref<125xi32, #tpu.memory_space<vmem>>
      %dma_start3A_968 = arith.constant 0 : i32
      %dma_start3A_969 = tpu.memref_slice %arg3[%dma_start3A_963, %add3A, %add3A_962, %dma_start3A_968] : memref<2x32x80x125xi32, #tpu.memory_space<hbm>> -> memref<1x1x1x125xi32, #tpu.memory_space<hbm>>
      %dma_start3A_970 = tpu.memref_squeeze %dma_start3A_969 : memref<1x1x1x125xi32, #tpu.memory_space<hbm>> -> memref<125xi32, #tpu.memory_space<hbm>>
      %dma_start3A_971 = arith.constant 0 : i32
      %dma_start3A_972 = tpu.memref_slice %arg9[%dma_start3A_964, %dma_start3A_971] : memref<2x125xi32, #tpu.memory_space<vmem>> -> memref<1x125xi32, #tpu.memory_space<vmem>>
      %dma_start3A_973 = tpu.memref_squeeze %dma_start3A_972 : memref<1x125xi32, #tpu.memory_space<vmem>> -> memref<125xi32, #tpu.memory_space<vmem>>
      %dma_start3A_974 = arith.constant 0 : i32
      %dma_start3A_975 = tpu.memref_slice %arg3[%dma_start3A_963, %add3A, %add3A_962, %dma_start3A_974] : memref<2x32x80x125xi32, #tpu.memory_space<hbm>> -> memref<1x1x1x125xi32, #tpu.memory_space<hbm>>
      %dma_start3A_976 = tpu.memref_squeeze %dma_start3A_975 : memref<1x1x1x125xi32, #tpu.memory_space<hbm>> -> memref<125xi32, #tpu.memory_space<hbm>>
      tpu.enqueue_dma source(%dma_start3A_976 : memref<125xi32, #tpu.memory_space<hbm>>) target(%dma_start3A_973 : memref<125xi32, #tpu.memory_space<vmem>>) target_semaphore(%arg20 : memref<!tpu.dma_semaphore, #tpu.memory_space<semaphore_mem>>)
      %dma_wait3A_977 = arith.constant 0 : i32
      %dma_wait3A_978 = arith.constant 0 : i32
      %dma_wait3A_979 = tpu.memref_slice %arg6[%dma_wait3A_977, %dma_wait3A_978] : memref<2x125xi32, #tpu.memory_space<vmem>> -> memref<1x125xi32, #tpu.memory_space<vmem>>
      %dma_wait3A_980 = tpu.memref_squeeze %dma_wait3A_979 : memref<1x125xi32, #tpu.memory_space<vmem>> -> memref<125xi32, #tpu.memory_space<vmem>>
      %dma_wait3A_981 = arith.constant 0 : i32
      %dma_wait3A_982 = arith.constant 0 : i32
      %dma_wait3A_983 = tpu.memref_slice %arg2[%dma_wait3A_981, %dma_wait3A_982] : memref<10240x128xf32, #tpu.memory_space<hbm>> -> memref<10240x128xf32, #tpu.memory_space<hbm>>
      tpu.wait_indirect_dma semaphore(%arg13 : memref<!tpu.dma_semaphore, #tpu.memory_space<semaphore_mem>>) src(%dma_wait3A_983 : memref<10240x128xf32, #tpu.memory_space<hbm>>) dst(%arg10 : memref<125x128xf32, #tpu.memory_space<vmem>>)
      %dma_start3A_984 = arith.constant 1 : i32
      %dma_start3A_985 = arith.constant 0 : i32
      %dma_start3A_986 = tpu.memref_slice %arg6[%dma_start3A_984, %dma_start3A_985] : memref<2x125xi32, #tpu.memory_space<vmem>> -> memref<1x125xi32, #tpu.memory_space<vmem>>
      %dma_start3A_987 = tpu.memref_squeeze %dma_start3A_986 : memref<1x125xi32, #tpu.memory_space<vmem>> -> memref<125xi32, #tpu.memory_space<vmem>>
      %dma_start3A_988 = arith.constant 0 : i32
      %dma_start3A_989 = arith.constant 0 : i32
      %dma_start3A_990 = tpu.memref_slice %arg5[%dma_start3A_988, %dma_start3A_989] : memref<10240x128xf32, #tpu.memory_space<vmem_shared>> -> memref<10240x128xf32, #tpu.memory_space<vmem_shared>>
      tpu.enqueue_indirect_dma source(%arg10 : memref<125x128xf32, #tpu.memory_space<vmem>>) target(%dma_start3A_990 : memref<10240x128xf32, #tpu.memory_space<vmem_shared>>) offsets(%dma_start3A_987 : memref<125xi32, #tpu.memory_space<vmem>>) semaphore(%arg15 : memref<!tpu.dma_semaphore, #tpu.memory_space<semaphore_mem>>) {add = true}
      %mul3A_991 = arith.constant 4 : i32
      %mul3A_992 = arith.muli %mul3A_991, %scan3A_802 : i32
      %add3A_993 = arith.constant 2 : i32
      %add3A_994 = arith.addi %mul3A_992, %add3A_993 : i32
      %dma_wait3A_995 = arith.constant 1 : i32
      %dma_wait3A_996 = arith.constant 0 : i32
      %dma_wait3A_997 = tpu.memref_slice %arg8[%dma_wait3A_995, %dma_wait3A_996] : memref<2x125xi32, #tpu.memory_space<vmem>> -> memref<1x125xi32, #tpu.memory_space<vmem>>
      %dma_wait3A_998 = tpu.memref_squeeze %dma_wait3A_997 : memref<1x125xi32, #tpu.memory_space<vmem>> -> memref<125xi32, #tpu.memory_space<vmem>>
      %dma_wait3A_999 = arith.constant 0 : i32
      %dma_wait3A_1000 = arith.constant 0 : i32
      %dma_wait3A_1001 = tpu.memref_slice %arg5[%dma_wait3A_999, %dma_wait3A_1000] : memref<10240x128xf32, #tpu.memory_space<vmem_shared>> -> memref<10240x128xf32, #tpu.memory_space<vmem_shared>>
      tpu.wait_indirect_dma semaphore(%arg15 : memref<!tpu.dma_semaphore, #tpu.memory_space<semaphore_mem>>) src(%arg10 : memref<125x128xf32, #tpu.memory_space<vmem>>) dst(%dma_wait3A_1001 : memref<10240x128xf32, #tpu.memory_space<vmem_shared>>)
      %dma_wait3A_1002 = arith.constant 0 : i32
      %dma_wait3A_1003 = arith.constant 0 : i32
      %dma_wait3A_1004 = arith.constant 0 : i32
      %dma_wait3A_1005 = arith.constant 0 : i32
      %dma_wait3A_1006 = tpu.memref_slice %arg8[%dma_wait3A_1004, %dma_wait3A_1005] : memref<2x125xi32, #tpu.memory_space<vmem>> -> memref<1x125xi32, #tpu.memory_space<vmem>>
      %dma_wait3A_1007 = tpu.memref_squeeze %dma_wait3A_1006 : memref<1x125xi32, #tpu.memory_space<vmem>> -> memref<125xi32, #tpu.memory_space<vmem>>
      %dma_wait3A_1008 = arith.constant 0 : i32
      %dma_wait3A_1009 = tpu.memref_slice %arg3[%dma_wait3A_1002, %add3A, %dma_wait3A_1003, %dma_wait3A_1008] : memref<2x32x80x125xi32, #tpu.memory_space<hbm>> -> memref<1x1x1x125xi32, #tpu.memory_space<hbm>>
      %dma_wait3A_1010 = tpu.memref_squeeze %dma_wait3A_1009 : memref<1x1x1x125xi32, #tpu.memory_space<hbm>> -> memref<125xi32, #tpu.memory_space<hbm>>
      %dma_wait3A_1011 = arith.constant 0 : i32
      %dma_wait3A_1012 = tpu.memref_slice %arg8[%dma_wait3A_1004, %dma_wait3A_1011] : memref<2x125xi32, #tpu.memory_space<vmem>> -> memref<1x125xi32, #tpu.memory_space<vmem>>
      %dma_wait3A_1013 = tpu.memref_squeeze %dma_wait3A_1012 : memref<1x125xi32, #tpu.memory_space<vmem>> -> memref<125xi32, #tpu.memory_space<vmem>>
      %dma_wait3A_1014 = arith.constant 0 : i32
      %dma_wait3A_1015 = tpu.memref_slice %arg3[%dma_wait3A_1002, %add3A, %dma_wait3A_1003, %dma_wait3A_1014] : memref<2x32x80x125xi32, #tpu.memory_space<hbm>> -> memref<1x1x1x125xi32, #tpu.memory_space<hbm>>
      %dma_wait3A_1016 = tpu.memref_squeeze %dma_wait3A_1015 : memref<1x1x1x125xi32, #tpu.memory_space<hbm>> -> memref<125xi32, #tpu.memory_space<hbm>>
      tpu.wait_dma2 semaphore(%arg19 : memref<!tpu.dma_semaphore, #tpu.memory_space<semaphore_mem>>) src(%dma_wait3A_1016 : memref<125xi32, #tpu.memory_space<hbm>>) dst(%dma_wait3A_1013 : memref<125xi32, #tpu.memory_space<vmem>>)
      %dma_wait3A_1017 = arith.constant 1 : i32
      %dma_wait3A_1018 = arith.constant 0 : i32
      %dma_wait3A_1019 = arith.constant 1 : i32
      %dma_wait3A_1020 = arith.constant 0 : i32
      %dma_wait3A_1021 = tpu.memref_slice %arg8[%dma_wait3A_1019, %dma_wait3A_1020] : memref<2x125xi32, #tpu.memory_space<vmem>> -> memref<1x125xi32, #tpu.memory_space<vmem>>
      %dma_wait3A_1022 = tpu.memref_squeeze %dma_wait3A_1021 : memref<1x125xi32, #tpu.memory_space<vmem>> -> memref<125xi32, #tpu.memory_space<vmem>>
      %dma_wait3A_1023 = arith.constant 0 : i32
      %dma_wait3A_1024 = tpu.memref_slice %arg3[%dma_wait3A_1017, %add3A, %dma_wait3A_1018, %dma_wait3A_1023] : memref<2x32x80x125xi32, #tpu.memory_space<hbm>> -> memref<1x1x1x125xi32, #tpu.memory_space<hbm>>
      %dma_wait3A_1025 = tpu.memref_squeeze %dma_wait3A_1024 : memref<1x1x1x125xi32, #tpu.memory_space<hbm>> -> memref<125xi32, #tpu.memory_space<hbm>>
      %dma_wait3A_1026 = arith.constant 0 : i32
      %dma_wait3A_1027 = tpu.memref_slice %arg8[%dma_wait3A_1019, %dma_wait3A_1026] : memref<2x125xi32, #tpu.memory_space<vmem>> -> memref<1x125xi32, #tpu.memory_space<vmem>>
      %dma_wait3A_1028 = tpu.memref_squeeze %dma_wait3A_1027 : memref<1x125xi32, #tpu.memory_space<vmem>> -> memref<125xi32, #tpu.memory_space<vmem>>
      %dma_wait3A_1029 = arith.constant 0 : i32
      %dma_wait3A_1030 = tpu.memref_slice %arg3[%dma_wait3A_1017, %add3A, %dma_wait3A_1018, %dma_wait3A_1029] : memref<2x32x80x125xi32, #tpu.memory_space<hbm>> -> memref<1x1x1x125xi32, #tpu.memory_space<hbm>>
      %dma_wait3A_1031 = tpu.memref_squeeze %dma_wait3A_1030 : memref<1x1x1x125xi32, #tpu.memory_space<hbm>> -> memref<125xi32, #tpu.memory_space<hbm>>
      tpu.wait_dma2 semaphore(%arg19 : memref<!tpu.dma_semaphore, #tpu.memory_space<semaphore_mem>>) src(%dma_wait3A_1031 : memref<125xi32, #tpu.memory_space<hbm>>) dst(%dma_wait3A_1028 : memref<125xi32, #tpu.memory_space<vmem>>)
      %dma_start3A_1032 = arith.constant 0 : i32
      %dma_start3A_1033 = arith.constant 0 : i32
      %dma_start3A_1034 = tpu.memref_slice %arg8[%dma_start3A_1032, %dma_start3A_1033] : memref<2x125xi32, #tpu.memory_space<vmem>> -> memref<1x125xi32, #tpu.memory_space<vmem>>
      %dma_start3A_1035 = tpu.memref_squeeze %dma_start3A_1034 : memref<1x125xi32, #tpu.memory_space<vmem>> -> memref<125xi32, #tpu.memory_space<vmem>>
      %dma_start3A_1036 = arith.constant 0 : i32
      %dma_start3A_1037 = arith.constant 0 : i32
      %dma_start3A_1038 = tpu.memref_slice %arg2[%dma_start3A_1036, %dma_start3A_1037] : memref<10240x128xf32, #tpu.memory_space<hbm>> -> memref<10240x128xf32, #tpu.memory_space<hbm>>
      tpu.enqueue_indirect_dma source(%dma_start3A_1038 : memref<10240x128xf32, #tpu.memory_space<hbm>>) target(%arg10 : memref<125x128xf32, #tpu.memory_space<vmem>>) offsets(%dma_start3A_1035 : memref<125xi32, #tpu.memory_space<vmem>>) semaphore(%arg13 : memref<!tpu.dma_semaphore, #tpu.memory_space<semaphore_mem>>)
      %add3A_1039 = arith.constant 2 : i32
      %add3A_1040 = arith.addi %add3A_994, %add3A_1039 : i32
      %dma_start3A_1041 = arith.constant 0 : i32
      %dma_start3A_1042 = arith.constant 0 : i32
      %dma_start3A_1043 = arith.constant 0 : i32
      %dma_start3A_1044 = tpu.memref_slice %arg6[%dma_start3A_1042, %dma_start3A_1043] : memref<2x125xi32, #tpu.memory_space<vmem>> -> memref<1x125xi32, #tpu.memory_space<vmem>>
      %dma_start3A_1045 = tpu.memref_squeeze %dma_start3A_1044 : memref<1x125xi32, #tpu.memory_space<vmem>> -> memref<125xi32, #tpu.memory_space<vmem>>
      %dma_start3A_1046 = arith.constant 0 : i32
      %dma_start3A_1047 = tpu.memref_slice %arg3[%dma_start3A_1041, %add3A, %add3A_1040, %dma_start3A_1046] : memref<2x32x80x125xi32, #tpu.memory_space<hbm>> -> memref<1x1x1x125xi32, #tpu.memory_space<hbm>>
      %dma_start3A_1048 = tpu.memref_squeeze %dma_start3A_1047 : memref<1x1x1x125xi32, #tpu.memory_space<hbm>> -> memref<125xi32, #tpu.memory_space<hbm>>
      %dma_start3A_1049 = arith.constant 0 : i32
      %dma_start3A_1050 = tpu.memref_slice %arg6[%dma_start3A_1042, %dma_start3A_1049] : memref<2x125xi32, #tpu.memory_space<vmem>> -> memref<1x125xi32, #tpu.memory_space<vmem>>
      %dma_start3A_1051 = tpu.memref_squeeze %dma_start3A_1050 : memref<1x125xi32, #tpu.memory_space<vmem>> -> memref<125xi32, #tpu.memory_space<vmem>>
      %dma_start3A_1052 = arith.constant 0 : i32
      %dma_start3A_1053 = tpu.memref_slice %arg3[%dma_start3A_1041, %add3A, %add3A_1040, %dma_start3A_1052] : memref<2x32x80x125xi32, #tpu.memory_space<hbm>> -> memref<1x1x1x125xi32, #tpu.memory_space<hbm>>
      %dma_start3A_1054 = tpu.memref_squeeze %dma_start3A_1053 : memref<1x1x1x125xi32, #tpu.memory_space<hbm>> -> memref<125xi32, #tpu.memory_space<hbm>>
      tpu.enqueue_dma source(%dma_start3A_1054 : memref<125xi32, #tpu.memory_space<hbm>>) target(%dma_start3A_1051 : memref<125xi32, #tpu.memory_space<vmem>>) target_semaphore(%arg17 : memref<!tpu.dma_semaphore, #tpu.memory_space<semaphore_mem>>)
      %add3A_1055 = arith.constant 2 : i32
      %add3A_1056 = arith.addi %add3A_994, %add3A_1055 : i32
      %dma_start3A_1057 = arith.constant 1 : i32
      %dma_start3A_1058 = arith.constant 1 : i32
      %dma_start3A_1059 = arith.constant 0 : i32
      %dma_start3A_1060 = tpu.memref_slice %arg6[%dma_start3A_1058, %dma_start3A_1059] : memref<2x125xi32, #tpu.memory_space<vmem>> -> memref<1x125xi32, #tpu.memory_space<vmem>>
      %dma_start3A_1061 = tpu.memref_squeeze %dma_start3A_1060 : memref<1x125xi32, #tpu.memory_space<vmem>> -> memref<125xi32, #tpu.memory_space<vmem>>
      %dma_start3A_1062 = arith.constant 0 : i32
      %dma_start3A_1063 = tpu.memref_slice %arg3[%dma_start3A_1057, %add3A, %add3A_1056, %dma_start3A_1062] : memref<2x32x80x125xi32, #tpu.memory_space<hbm>> -> memref<1x1x1x125xi32, #tpu.memory_space<hbm>>
      %dma_start3A_1064 = tpu.memref_squeeze %dma_start3A_1063 : memref<1x1x1x125xi32, #tpu.memory_space<hbm>> -> memref<125xi32, #tpu.memory_space<hbm>>
      %dma_start3A_1065 = arith.constant 0 : i32
      %dma_start3A_1066 = tpu.memref_slice %arg6[%dma_start3A_1058, %dma_start3A_1065] : memref<2x125xi32, #tpu.memory_space<vmem>> -> memref<1x125xi32, #tpu.memory_space<vmem>>
      %dma_start3A_1067 = tpu.memref_squeeze %dma_start3A_1066 : memref<1x125xi32, #tpu.memory_space<vmem>> -> memref<125xi32, #tpu.memory_space<vmem>>
      %dma_start3A_1068 = arith.constant 0 : i32
      %dma_start3A_1069 = tpu.memref_slice %arg3[%dma_start3A_1057, %add3A, %add3A_1056, %dma_start3A_1068] : memref<2x32x80x125xi32, #tpu.memory_space<hbm>> -> memref<1x1x1x125xi32, #tpu.memory_space<hbm>>
      %dma_start3A_1070 = tpu.memref_squeeze %dma_start3A_1069 : memref<1x1x1x125xi32, #tpu.memory_space<hbm>> -> memref<125xi32, #tpu.memory_space<hbm>>
      tpu.enqueue_dma source(%dma_start3A_1070 : memref<125xi32, #tpu.memory_space<hbm>>) target(%dma_start3A_1067 : memref<125xi32, #tpu.memory_space<vmem>>) target_semaphore(%arg17 : memref<!tpu.dma_semaphore, #tpu.memory_space<semaphore_mem>>)
      %dma_wait3A_1071 = arith.constant 0 : i32
      %dma_wait3A_1072 = arith.constant 0 : i32
      %dma_wait3A_1073 = tpu.memref_slice %arg7[%dma_wait3A_1071, %dma_wait3A_1072] : memref<2x125xi32, #tpu.memory_space<vmem>> -> memref<1x125xi32, #tpu.memory_space<vmem>>
      %dma_wait3A_1074 = tpu.memref_squeeze %dma_wait3A_1073 : memref<1x125xi32, #tpu.memory_space<vmem>> -> memref<125xi32, #tpu.memory_space<vmem>>
      %dma_wait3A_1075 = arith.constant 0 : i32
      %dma_wait3A_1076 = arith.constant 0 : i32
      %dma_wait3A_1077 = tpu.memref_slice %arg2[%dma_wait3A_1075, %dma_wait3A_1076] : memref<10240x128xf32, #tpu.memory_space<hbm>> -> memref<10240x128xf32, #tpu.memory_space<hbm>>
      tpu.wait_indirect_dma semaphore(%arg14 : memref<!tpu.dma_semaphore, #tpu.memory_space<semaphore_mem>>) src(%dma_wait3A_1077 : memref<10240x128xf32, #tpu.memory_space<hbm>>) dst(%arg11 : memref<125x128xf32, #tpu.memory_space<vmem>>)
      %dma_start3A_1078 = arith.constant 1 : i32
      %dma_start3A_1079 = arith.constant 0 : i32
      %dma_start3A_1080 = tpu.memref_slice %arg7[%dma_start3A_1078, %dma_start3A_1079] : memref<2x125xi32, #tpu.memory_space<vmem>> -> memref<1x125xi32, #tpu.memory_space<vmem>>
      %dma_start3A_1081 = tpu.memref_squeeze %dma_start3A_1080 : memref<1x125xi32, #tpu.memory_space<vmem>> -> memref<125xi32, #tpu.memory_space<vmem>>
      %dma_start3A_1082 = arith.constant 0 : i32
      %dma_start3A_1083 = arith.constant 0 : i32
      %dma_start3A_1084 = tpu.memref_slice %arg5[%dma_start3A_1082, %dma_start3A_1083] : memref<10240x128xf32, #tpu.memory_space<vmem_shared>> -> memref<10240x128xf32, #tpu.memory_space<vmem_shared>>
      tpu.enqueue_indirect_dma source(%arg11 : memref<125x128xf32, #tpu.memory_space<vmem>>) target(%dma_start3A_1084 : memref<10240x128xf32, #tpu.memory_space<vmem_shared>>) offsets(%dma_start3A_1081 : memref<125xi32, #tpu.memory_space<vmem>>) semaphore(%arg16 : memref<!tpu.dma_semaphore, #tpu.memory_space<semaphore_mem>>) {add = true}
      %mul3A_1085 = arith.constant 4 : i32
      %mul3A_1086 = arith.muli %mul3A_1085, %scan3A_802 : i32
      %add3A_1087 = arith.constant 3 : i32
      %add3A_1088 = arith.addi %mul3A_1086, %add3A_1087 : i32
      %dma_wait3A_1089 = arith.constant 1 : i32
      %dma_wait3A_1090 = arith.constant 0 : i32
      %dma_wait3A_1091 = tpu.memref_slice %arg9[%dma_wait3A_1089, %dma_wait3A_1090] : memref<2x125xi32, #tpu.memory_space<vmem>> -> memref<1x125xi32, #tpu.memory_space<vmem>>
      %dma_wait3A_1092 = tpu.memref_squeeze %dma_wait3A_1091 : memref<1x125xi32, #tpu.memory_space<vmem>> -> memref<125xi32, #tpu.memory_space<vmem>>
      %dma_wait3A_1093 = arith.constant 0 : i32
      %dma_wait3A_1094 = arith.constant 0 : i32
      %dma_wait3A_1095 = tpu.memref_slice %arg5[%dma_wait3A_1093, %dma_wait3A_1094] : memref<10240x128xf32, #tpu.memory_space<vmem_shared>> -> memref<10240x128xf32, #tpu.memory_space<vmem_shared>>
      tpu.wait_indirect_dma semaphore(%arg16 : memref<!tpu.dma_semaphore, #tpu.memory_space<semaphore_mem>>) src(%arg11 : memref<125x128xf32, #tpu.memory_space<vmem>>) dst(%dma_wait3A_1095 : memref<10240x128xf32, #tpu.memory_space<vmem_shared>>)
      %dma_wait3A_1096 = arith.constant 0 : i32
      %dma_wait3A_1097 = arith.constant 0 : i32
      %dma_wait3A_1098 = arith.constant 0 : i32
      %dma_wait3A_1099 = arith.constant 0 : i32
      %dma_wait3A_1100 = tpu.memref_slice %arg9[%dma_wait3A_1098, %dma_wait3A_1099] : memref<2x125xi32, #tpu.memory_space<vmem>> -> memref<1x125xi32, #tpu.memory_space<vmem>>
      %dma_wait3A_1101 = tpu.memref_squeeze %dma_wait3A_1100 : memref<1x125xi32, #tpu.memory_space<vmem>> -> memref<125xi32, #tpu.memory_space<vmem>>
      %dma_wait3A_1102 = arith.constant 0 : i32
      %dma_wait3A_1103 = tpu.memref_slice %arg3[%dma_wait3A_1096, %add3A, %dma_wait3A_1097, %dma_wait3A_1102] : memref<2x32x80x125xi32, #tpu.memory_space<hbm>> -> memref<1x1x1x125xi32, #tpu.memory_space<hbm>>
      %dma_wait3A_1104 = tpu.memref_squeeze %dma_wait3A_1103 : memref<1x1x1x125xi32, #tpu.memory_space<hbm>> -> memref<125xi32, #tpu.memory_space<hbm>>
      %dma_wait3A_1105 = arith.constant 0 : i32
      %dma_wait3A_1106 = tpu.memref_slice %arg9[%dma_wait3A_1098, %dma_wait3A_1105] : memref<2x125xi32, #tpu.memory_space<vmem>> -> memref<1x125xi32, #tpu.memory_space<vmem>>
      %dma_wait3A_1107 = tpu.memref_squeeze %dma_wait3A_1106 : memref<1x125xi32, #tpu.memory_space<vmem>> -> memref<125xi32, #tpu.memory_space<vmem>>
      %dma_wait3A_1108 = arith.constant 0 : i32
      %dma_wait3A_1109 = tpu.memref_slice %arg3[%dma_wait3A_1096, %add3A, %dma_wait3A_1097, %dma_wait3A_1108] : memref<2x32x80x125xi32, #tpu.memory_space<hbm>> -> memref<1x1x1x125xi32, #tpu.memory_space<hbm>>
      %dma_wait3A_1110 = tpu.memref_squeeze %dma_wait3A_1109 : memref<1x1x1x125xi32, #tpu.memory_space<hbm>> -> memref<125xi32, #tpu.memory_space<hbm>>
      tpu.wait_dma2 semaphore(%arg20 : memref<!tpu.dma_semaphore, #tpu.memory_space<semaphore_mem>>) src(%dma_wait3A_1110 : memref<125xi32, #tpu.memory_space<hbm>>) dst(%dma_wait3A_1107 : memref<125xi32, #tpu.memory_space<vmem>>)
      %dma_wait3A_1111 = arith.constant 1 : i32
      %dma_wait3A_1112 = arith.constant 0 : i32
      %dma_wait3A_1113 = arith.constant 1 : i32
      %dma_wait3A_1114 = arith.constant 0 : i32
      %dma_wait3A_1115 = tpu.memref_slice %arg9[%dma_wait3A_1113, %dma_wait3A_1114] : memref<2x125xi32, #tpu.memory_space<vmem>> -> memref<1x125xi32, #tpu.memory_space<vmem>>
      %dma_wait3A_1116 = tpu.memref_squeeze %dma_wait3A_1115 : memref<1x125xi32, #tpu.memory_space<vmem>> -> memref<125xi32, #tpu.memory_space<vmem>>
      %dma_wait3A_1117 = arith.constant 0 : i32
      %dma_wait3A_1118 = tpu.memref_slice %arg3[%dma_wait3A_1111, %add3A, %dma_wait3A_1112, %dma_wait3A_1117] : memref<2x32x80x125xi32, #tpu.memory_space<hbm>> -> memref<1x1x1x125xi32, #tpu.memory_space<hbm>>
      %dma_wait3A_1119 = tpu.memref_squeeze %dma_wait3A_1118 : memref<1x1x1x125xi32, #tpu.memory_space<hbm>> -> memref<125xi32, #tpu.memory_space<hbm>>
      %dma_wait3A_1120 = arith.constant 0 : i32
      %dma_wait3A_1121 = tpu.memref_slice %arg9[%dma_wait3A_1113, %dma_wait3A_1120] : memref<2x125xi32, #tpu.memory_space<vmem>> -> memref<1x125xi32, #tpu.memory_space<vmem>>
      %dma_wait3A_1122 = tpu.memref_squeeze %dma_wait3A_1121 : memref<1x125xi32, #tpu.memory_space<vmem>> -> memref<125xi32, #tpu.memory_space<vmem>>
      %dma_wait3A_1123 = arith.constant 0 : i32
      %dma_wait3A_1124 = tpu.memref_slice %arg3[%dma_wait3A_1111, %add3A, %dma_wait3A_1112, %dma_wait3A_1123] : memref<2x32x80x125xi32, #tpu.memory_space<hbm>> -> memref<1x1x1x125xi32, #tpu.memory_space<hbm>>
      %dma_wait3A_1125 = tpu.memref_squeeze %dma_wait3A_1124 : memref<1x1x1x125xi32, #tpu.memory_space<hbm>> -> memref<125xi32, #tpu.memory_space<hbm>>
      tpu.wait_dma2 semaphore(%arg20 : memref<!tpu.dma_semaphore, #tpu.memory_space<semaphore_mem>>) src(%dma_wait3A_1125 : memref<125xi32, #tpu.memory_space<hbm>>) dst(%dma_wait3A_1122 : memref<125xi32, #tpu.memory_space<vmem>>)
      %dma_start3A_1126 = arith.constant 0 : i32
      %dma_start3A_1127 = arith.constant 0 : i32
      %dma_start3A_1128 = tpu.memref_slice %arg9[%dma_start3A_1126, %dma_start3A_1127] : memref<2x125xi32, #tpu.memory_space<vmem>> -> memref<1x125xi32, #tpu.memory_space<vmem>>
      %dma_start3A_1129 = tpu.memref_squeeze %dma_start3A_1128 : memref<1x125xi32, #tpu.memory_space<vmem>> -> memref<125xi32, #tpu.memory_space<vmem>>
      %dma_start3A_1130 = arith.constant 0 : i32
      %dma_start3A_1131 = arith.constant 0 : i32
      %dma_start3A_1132 = tpu.memref_slice %arg2[%dma_start3A_1130, %dma_start3A_1131] : memref<10240x128xf32, #tpu.memory_space<hbm>> -> memref<10240x128xf32, #tpu.memory_space<hbm>>
      tpu.enqueue_indirect_dma source(%dma_start3A_1132 : memref<10240x128xf32, #tpu.memory_space<hbm>>) target(%arg11 : memref<125x128xf32, #tpu.memory_space<vmem>>) offsets(%dma_start3A_1129 : memref<125xi32, #tpu.memory_space<vmem>>) semaphore(%arg14 : memref<!tpu.dma_semaphore, #tpu.memory_space<semaphore_mem>>)
      %add3A_1133 = arith.constant 2 : i32
      %add3A_1134 = arith.addi %add3A_1088, %add3A_1133 : i32
      %dma_start3A_1135 = arith.constant 0 : i32
      %dma_start3A_1136 = arith.constant 0 : i32
      %dma_start3A_1137 = arith.constant 0 : i32
      %dma_start3A_1138 = tpu.memref_slice %arg7[%dma_start3A_1136, %dma_start3A_1137] : memref<2x125xi32, #tpu.memory_space<vmem>> -> memref<1x125xi32, #tpu.memory_space<vmem>>
      %dma_start3A_1139 = tpu.memref_squeeze %dma_start3A_1138 : memref<1x125xi32, #tpu.memory_space<vmem>> -> memref<125xi32, #tpu.memory_space<vmem>>
      %dma_start3A_1140 = arith.constant 0 : i32
      %dma_start3A_1141 = tpu.memref_slice %arg3[%dma_start3A_1135, %add3A, %add3A_1134, %dma_start3A_1140] : memref<2x32x80x125xi32, #tpu.memory_space<hbm>> -> memref<1x1x1x125xi32, #tpu.memory_space<hbm>>
      %dma_start3A_1142 = tpu.memref_squeeze %dma_start3A_1141 : memref<1x1x1x125xi32, #tpu.memory_space<hbm>> -> memref<125xi32, #tpu.memory_space<hbm>>
      %dma_start3A_1143 = arith.constant 0 : i32
      %dma_start3A_1144 = tpu.memref_slice %arg7[%dma_start3A_1136, %dma_start3A_1143] : memref<2x125xi32, #tpu.memory_space<vmem>> -> memref<1x125xi32, #tpu.memory_space<vmem>>
      %dma_start3A_1145 = tpu.memref_squeeze %dma_start3A_1144 : memref<1x125xi32, #tpu.memory_space<vmem>> -> memref<125xi32, #tpu.memory_space<vmem>>
      %dma_start3A_1146 = arith.constant 0 : i32
      %dma_start3A_1147 = tpu.memref_slice %arg3[%dma_start3A_1135, %add3A, %add3A_1134, %dma_start3A_1146] : memref<2x32x80x125xi32, #tpu.memory_space<hbm>> -> memref<1x1x1x125xi32, #tpu.memory_space<hbm>>
      %dma_start3A_1148 = tpu.memref_squeeze %dma_start3A_1147 : memref<1x1x1x125xi32, #tpu.memory_space<hbm>> -> memref<125xi32, #tpu.memory_space<hbm>>
      tpu.enqueue_dma source(%dma_start3A_1148 : memref<125xi32, #tpu.memory_space<hbm>>) target(%dma_start3A_1145 : memref<125xi32, #tpu.memory_space<vmem>>) target_semaphore(%arg18 : memref<!tpu.dma_semaphore, #tpu.memory_space<semaphore_mem>>)
      %add3A_1149 = arith.constant 2 : i32
      %add3A_1150 = arith.addi %add3A_1088, %add3A_1149 : i32
      %dma_start3A_1151 = arith.constant 1 : i32
      %dma_start3A_1152 = arith.constant 1 : i32
      %dma_start3A_1153 = arith.constant 0 : i32
      %dma_start3A_1154 = tpu.memref_slice %arg7[%dma_start3A_1152, %dma_start3A_1153] : memref<2x125xi32, #tpu.memory_space<vmem>> -> memref<1x125xi32, #tpu.memory_space<vmem>>
      %dma_start3A_1155 = tpu.memref_squeeze %dma_start3A_1154 : memref<1x125xi32, #tpu.memory_space<vmem>> -> memref<125xi32, #tpu.memory_space<vmem>>
      %dma_start3A_1156 = arith.constant 0 : i32
      %dma_start3A_1157 = tpu.memref_slice %arg3[%dma_start3A_1151, %add3A, %add3A_1150, %dma_start3A_1156] : memref<2x32x80x125xi32, #tpu.memory_space<hbm>> -> memref<1x1x1x125xi32, #tpu.memory_space<hbm>>
      %dma_start3A_1158 = tpu.memref_squeeze %dma_start3A_1157 : memref<1x1x1x125xi32, #tpu.memory_space<hbm>> -> memref<125xi32, #tpu.memory_space<hbm>>
      %dma_start3A_1159 = arith.constant 0 : i32
      %dma_start3A_1160 = tpu.memref_slice %arg7[%dma_start3A_1152, %dma_start3A_1159] : memref<2x125xi32, #tpu.memory_space<vmem>> -> memref<1x125xi32, #tpu.memory_space<vmem>>
      %dma_start3A_1161 = tpu.memref_squeeze %dma_start3A_1160 : memref<1x125xi32, #tpu.memory_space<vmem>> -> memref<125xi32, #tpu.memory_space<vmem>>
      %dma_start3A_1162 = arith.constant 0 : i32
      %dma_start3A_1163 = tpu.memref_slice %arg3[%dma_start3A_1151, %add3A, %add3A_1150, %dma_start3A_1162] : memref<2x32x80x125xi32, #tpu.memory_space<hbm>> -> memref<1x1x1x125xi32, #tpu.memory_space<hbm>>
      %dma_start3A_1164 = tpu.memref_squeeze %dma_start3A_1163 : memref<1x1x1x125xi32, #tpu.memory_space<hbm>> -> memref<125xi32, #tpu.memory_space<hbm>>
      tpu.enqueue_dma source(%dma_start3A_1164 : memref<125xi32, #tpu.memory_space<hbm>>) target(%dma_start3A_1161 : memref<125xi32, #tpu.memory_space<vmem>>) target_semaphore(%arg18 : memref<!tpu.dma_semaphore, #tpu.memory_space<semaphore_mem>>)
      %dma_wait3A_1165 = arith.constant 0 : i32
      %dma_wait3A_1166 = arith.constant 0 : i32
      %dma_wait3A_1167 = tpu.memref_slice %arg8[%dma_wait3A_1165, %dma_wait3A_1166] : memref<2x125xi32, #tpu.memory_space<vmem>> -> memref<1x125xi32, #tpu.memory_space<vmem>>
      %dma_wait3A_1168 = tpu.memref_squeeze %dma_wait3A_1167 : memref<1x125xi32, #tpu.memory_space<vmem>> -> memref<125xi32, #tpu.memory_space<vmem>>
      %dma_wait3A_1169 = arith.constant 0 : i32
      %dma_wait3A_1170 = arith.constant 0 : i32
      %dma_wait3A_1171 = tpu.memref_slice %arg2[%dma_wait3A_1169, %dma_wait3A_1170] : memref<10240x128xf32, #tpu.memory_space<hbm>> -> memref<10240x128xf32, #tpu.memory_space<hbm>>
      tpu.wait_indirect_dma semaphore(%arg13 : memref<!tpu.dma_semaphore, #tpu.memory_space<semaphore_mem>>) src(%dma_wait3A_1171 : memref<10240x128xf32, #tpu.memory_space<hbm>>) dst(%arg10 : memref<125x128xf32, #tpu.memory_space<vmem>>)
      %dma_start3A_1172 = arith.constant 1 : i32
      %dma_start3A_1173 = arith.constant 0 : i32
      %dma_start3A_1174 = tpu.memref_slice %arg8[%dma_start3A_1172, %dma_start3A_1173] : memref<2x125xi32, #tpu.memory_space<vmem>> -> memref<1x125xi32, #tpu.memory_space<vmem>>
      %dma_start3A_1175 = tpu.memref_squeeze %dma_start3A_1174 : memref<1x125xi32, #tpu.memory_space<vmem>> -> memref<125xi32, #tpu.memory_space<vmem>>
      %dma_start3A_1176 = arith.constant 0 : i32
      %dma_start3A_1177 = arith.constant 0 : i32
      %dma_start3A_1178 = tpu.memref_slice %arg5[%dma_start3A_1176, %dma_start3A_1177] : memref<10240x128xf32, #tpu.memory_space<vmem_shared>> -> memref<10240x128xf32, #tpu.memory_space<vmem_shared>>
      tpu.enqueue_indirect_dma source(%arg10 : memref<125x128xf32, #tpu.memory_space<vmem>>) target(%dma_start3A_1178 : memref<10240x128xf32, #tpu.memory_space<vmem_shared>>) offsets(%dma_start3A_1175 : memref<125xi32, #tpu.memory_space<vmem>>) semaphore(%arg15 : memref<!tpu.dma_semaphore, #tpu.memory_space<semaphore_mem>>) {add = true}
    }
    %scan3A_473 = arith.constant 18 : i32
    %dma_wait3A_474 = arith.constant 1 : i32
    %dma_wait3A_475 = arith.constant 0 : i32
    %dma_wait3A_476 = tpu.memref_slice %arg6[%dma_wait3A_474, %dma_wait3A_475] : memref<2x125xi32, #tpu.memory_space<vmem>> -> memref<1x125xi32, #tpu.memory_space<vmem>>
    %dma_wait3A_477 = tpu.memref_squeeze %dma_wait3A_476 : memref<1x125xi32, #tpu.memory_space<vmem>> -> memref<125xi32, #tpu.memory_space<vmem>>
    %dma_wait3A_478 = arith.constant 0 : i32
    %dma_wait3A_479 = arith.constant 0 : i32
    %dma_wait3A_480 = tpu.memref_slice %arg5[%dma_wait3A_478, %dma_wait3A_479] : memref<10240x128xf32, #tpu.memory_space<vmem_shared>> -> memref<10240x128xf32, #tpu.memory_space<vmem_shared>>
    tpu.wait_indirect_dma semaphore(%arg15 : memref<!tpu.dma_semaphore, #tpu.memory_space<semaphore_mem>>) src(%arg10 : memref<125x128xf32, #tpu.memory_space<vmem>>) dst(%dma_wait3A_480 : memref<10240x128xf32, #tpu.memory_space<vmem_shared>>)
    %dma_wait3A_481 = arith.constant 0 : i32
    %dma_wait3A_482 = arith.constant 0 : i32
    %dma_wait3A_483 = arith.constant 0 : i32
    %dma_wait3A_484 = arith.constant 0 : i32
    %dma_wait3A_485 = tpu.memref_slice %arg6[%dma_wait3A_483, %dma_wait3A_484] : memref<2x125xi32, #tpu.memory_space<vmem>> -> memref<1x125xi32, #tpu.memory_space<vmem>>
    %dma_wait3A_486 = tpu.memref_squeeze %dma_wait3A_485 : memref<1x125xi32, #tpu.memory_space<vmem>> -> memref<125xi32, #tpu.memory_space<vmem>>
    %dma_wait3A_487 = arith.constant 0 : i32
    %dma_wait3A_488 = tpu.memref_slice %arg3[%dma_wait3A_481, %add3A, %dma_wait3A_482, %dma_wait3A_487] : memref<2x32x80x125xi32, #tpu.memory_space<hbm>> -> memref<1x1x1x125xi32, #tpu.memory_space<hbm>>
    %dma_wait3A_489 = tpu.memref_squeeze %dma_wait3A_488 : memref<1x1x1x125xi32, #tpu.memory_space<hbm>> -> memref<125xi32, #tpu.memory_space<hbm>>
    %dma_wait3A_490 = arith.constant 0 : i32
    %dma_wait3A_491 = tpu.memref_slice %arg6[%dma_wait3A_483, %dma_wait3A_490] : memref<2x125xi32, #tpu.memory_space<vmem>> -> memref<1x125xi32, #tpu.memory_space<vmem>>
    %dma_wait3A_492 = tpu.memref_squeeze %dma_wait3A_491 : memref<1x125xi32, #tpu.memory_space<vmem>> -> memref<125xi32, #tpu.memory_space<vmem>>
    %dma_wait3A_493 = arith.constant 0 : i32
    %dma_wait3A_494 = tpu.memref_slice %arg3[%dma_wait3A_481, %add3A, %dma_wait3A_482, %dma_wait3A_493] : memref<2x32x80x125xi32, #tpu.memory_space<hbm>> -> memref<1x1x1x125xi32, #tpu.memory_space<hbm>>
    %dma_wait3A_495 = tpu.memref_squeeze %dma_wait3A_494 : memref<1x1x1x125xi32, #tpu.memory_space<hbm>> -> memref<125xi32, #tpu.memory_space<hbm>>
    tpu.wait_dma2 semaphore(%arg17 : memref<!tpu.dma_semaphore, #tpu.memory_space<semaphore_mem>>) src(%dma_wait3A_495 : memref<125xi32, #tpu.memory_space<hbm>>) dst(%dma_wait3A_492 : memref<125xi32, #tpu.memory_space<vmem>>)
    %dma_wait3A_496 = arith.constant 1 : i32
    %dma_wait3A_497 = arith.constant 0 : i32
    %dma_wait3A_498 = arith.constant 1 : i32
    %dma_wait3A_499 = arith.constant 0 : i32
    %dma_wait3A_500 = tpu.memref_slice %arg6[%dma_wait3A_498, %dma_wait3A_499] : memref<2x125xi32, #tpu.memory_space<vmem>> -> memref<1x125xi32, #tpu.memory_space<vmem>>
    %dma_wait3A_501 = tpu.memref_squeeze %dma_wait3A_500 : memref<1x125xi32, #tpu.memory_space<vmem>> -> memref<125xi32, #tpu.memory_space<vmem>>
    %dma_wait3A_502 = arith.constant 0 : i32
    %dma_wait3A_503 = tpu.memref_slice %arg3[%dma_wait3A_496, %add3A, %dma_wait3A_497, %dma_wait3A_502] : memref<2x32x80x125xi32, #tpu.memory_space<hbm>> -> memref<1x1x1x125xi32, #tpu.memory_space<hbm>>
    %dma_wait3A_504 = tpu.memref_squeeze %dma_wait3A_503 : memref<1x1x1x125xi32, #tpu.memory_space<hbm>> -> memref<125xi32, #tpu.memory_space<hbm>>
    %dma_wait3A_505 = arith.constant 0 : i32
    %dma_wait3A_506 = tpu.memref_slice %arg6[%dma_wait3A_498, %dma_wait3A_505] : memref<2x125xi32, #tpu.memory_space<vmem>> -> memref<1x125xi32, #tpu.memory_space<vmem>>
    %dma_wait3A_507 = tpu.memref_squeeze %dma_wait3A_506 : memref<1x125xi32, #tpu.memory_space<vmem>> -> memref<125xi32, #tpu.memory_space<vmem>>
    %dma_wait3A_508 = arith.constant 0 : i32
    %dma_wait3A_509 = tpu.memref_slice %arg3[%dma_wait3A_496, %add3A, %dma_wait3A_497, %dma_wait3A_508] : memref<2x32x80x125xi32, #tpu.memory_space<hbm>> -> memref<1x1x1x125xi32, #tpu.memory_space<hbm>>
    %dma_wait3A_510 = tpu.memref_squeeze %dma_wait3A_509 : memref<1x1x1x125xi32, #tpu.memory_space<hbm>> -> memref<125xi32, #tpu.memory_space<hbm>>
    tpu.wait_dma2 semaphore(%arg17 : memref<!tpu.dma_semaphore, #tpu.memory_space<semaphore_mem>>) src(%dma_wait3A_510 : memref<125xi32, #tpu.memory_space<hbm>>) dst(%dma_wait3A_507 : memref<125xi32, #tpu.memory_space<vmem>>)
    %dma_start3A_511 = arith.constant 0 : i32
    %dma_start3A_512 = arith.constant 0 : i32
    %dma_start3A_513 = tpu.memref_slice %arg6[%dma_start3A_511, %dma_start3A_512] : memref<2x125xi32, #tpu.memory_space<vmem>> -> memref<1x125xi32, #tpu.memory_space<vmem>>
    %dma_start3A_514 = tpu.memref_squeeze %dma_start3A_513 : memref<1x125xi32, #tpu.memory_space<vmem>> -> memref<125xi32, #tpu.memory_space<vmem>>
    %dma_start3A_515 = arith.constant 0 : i32
    %dma_start3A_516 = arith.constant 0 : i32
    %dma_start3A_517 = tpu.memref_slice %arg2[%dma_start3A_515, %dma_start3A_516] : memref<10240x128xf32, #tpu.memory_space<hbm>> -> memref<10240x128xf32, #tpu.memory_space<hbm>>
    tpu.enqueue_indirect_dma source(%dma_start3A_517 : memref<10240x128xf32, #tpu.memory_space<hbm>>) target(%arg10 : memref<125x128xf32, #tpu.memory_space<vmem>>) offsets(%dma_start3A_514 : memref<125xi32, #tpu.memory_space<vmem>>) semaphore(%arg13 : memref<!tpu.dma_semaphore, #tpu.memory_space<semaphore_mem>>)
    %dma_start3A_518 = arith.constant 0 : i32
    %dma_start3A_519 = arith.constant 78 : i32
    %dma_start3A_520 = arith.constant 0 : i32
    %dma_start3A_521 = arith.constant 0 : i32
    %dma_start3A_522 = tpu.memref_slice %arg8[%dma_start3A_520, %dma_start3A_521] : memref<2x125xi32, #tpu.memory_space<vmem>> -> memref<1x125xi32, #tpu.memory_space<vmem>>
    %dma_start3A_523 = tpu.memref_squeeze %dma_start3A_522 : memref<1x125xi32, #tpu.memory_space<vmem>> -> memref<125xi32, #tpu.memory_space<vmem>>
    %dma_start3A_524 = arith.constant 0 : i32
    %dma_start3A_525 = tpu.memref_slice %arg3[%dma_start3A_518, %add3A, %dma_start3A_519, %dma_start3A_524] : memref<2x32x80x125xi32, #tpu.memory_space<hbm>> -> memref<1x1x1x125xi32, #tpu.memory_space<hbm>>
    %dma_start3A_526 = tpu.memref_squeeze %dma_start3A_525 : memref<1x1x1x125xi32, #tpu.memory_space<hbm>> -> memref<125xi32, #tpu.memory_space<hbm>>
    %dma_start3A_527 = arith.constant 0 : i32
    %dma_start3A_528 = tpu.memref_slice %arg8[%dma_start3A_520, %dma_start3A_527] : memref<2x125xi32, #tpu.memory_space<vmem>> -> memref<1x125xi32, #tpu.memory_space<vmem>>
    %dma_start3A_529 = tpu.memref_squeeze %dma_start3A_528 : memref<1x125xi32, #tpu.memory_space<vmem>> -> memref<125xi32, #tpu.memory_space<vmem>>
    %dma_start3A_530 = arith.constant 0 : i32
    %dma_start3A_531 = tpu.memref_slice %arg3[%dma_start3A_518, %add3A, %dma_start3A_519, %dma_start3A_530] : memref<2x32x80x125xi32, #tpu.memory_space<hbm>> -> memref<1x1x1x125xi32, #tpu.memory_space<hbm>>
    %dma_start3A_532 = tpu.memref_squeeze %dma_start3A_531 : memref<1x1x1x125xi32, #tpu.memory_space<hbm>> -> memref<125xi32, #tpu.memory_space<hbm>>
    tpu.enqueue_dma source(%dma_start3A_532 : memref<125xi32, #tpu.memory_space<hbm>>) target(%dma_start3A_529 : memref<125xi32, #tpu.memory_space<vmem>>) target_semaphore(%arg19 : memref<!tpu.dma_semaphore, #tpu.memory_space<semaphore_mem>>)
    %dma_start3A_533 = arith.constant 1 : i32
    %dma_start3A_534 = arith.constant 78 : i32
    %dma_start3A_535 = arith.constant 1 : i32
    %dma_start3A_536 = arith.constant 0 : i32
    %dma_start3A_537 = tpu.memref_slice %arg8[%dma_start3A_535, %dma_start3A_536] : memref<2x125xi32, #tpu.memory_space<vmem>> -> memref<1x125xi32, #tpu.memory_space<vmem>>
    %dma_start3A_538 = tpu.memref_squeeze %dma_start3A_537 : memref<1x125xi32, #tpu.memory_space<vmem>> -> memref<125xi32, #tpu.memory_space<vmem>>
    %dma_start3A_539 = arith.constant 0 : i32
    %dma_start3A_540 = tpu.memref_slice %arg3[%dma_start3A_533, %add3A, %dma_start3A_534, %dma_start3A_539] : memref<2x32x80x125xi32, #tpu.memory_space<hbm>> -> memref<1x1x1x125xi32, #tpu.memory_space<hbm>>
    %dma_start3A_541 = tpu.memref_squeeze %dma_start3A_540 : memref<1x1x1x125xi32, #tpu.memory_space<hbm>> -> memref<125xi32, #tpu.memory_space<hbm>>
    %dma_start3A_542 = arith.constant 0 : i32
    %dma_start3A_543 = tpu.memref_slice %arg8[%dma_start3A_535, %dma_start3A_542] : memref<2x125xi32, #tpu.memory_space<vmem>> -> memref<1x125xi32, #tpu.memory_space<vmem>>
    %dma_start3A_544 = tpu.memref_squeeze %dma_start3A_543 : memref<1x125xi32, #tpu.memory_space<vmem>> -> memref<125xi32, #tpu.memory_space<vmem>>
    %dma_start3A_545 = arith.constant 0 : i32
    %dma_start3A_546 = tpu.memref_slice %arg3[%dma_start3A_533, %add3A, %dma_start3A_534, %dma_start3A_545] : memref<2x32x80x125xi32, #tpu.memory_space<hbm>> -> memref<1x1x1x125xi32, #tpu.memory_space<hbm>>
    %dma_start3A_547 = tpu.memref_squeeze %dma_start3A_546 : memref<1x1x1x125xi32, #tpu.memory_space<hbm>> -> memref<125xi32, #tpu.memory_space<hbm>>
    tpu.enqueue_dma source(%dma_start3A_547 : memref<125xi32, #tpu.memory_space<hbm>>) target(%dma_start3A_544 : memref<125xi32, #tpu.memory_space<vmem>>) target_semaphore(%arg19 : memref<!tpu.dma_semaphore, #tpu.memory_space<semaphore_mem>>)
    %dma_wait3A_548 = arith.constant 0 : i32
    %dma_wait3A_549 = arith.constant 0 : i32
    %dma_wait3A_550 = tpu.memref_slice %arg9[%dma_wait3A_548, %dma_wait3A_549] : memref<2x125xi32, #tpu.memory_space<vmem>> -> memref<1x125xi32, #tpu.memory_space<vmem>>
    %dma_wait3A_551 = tpu.memref_squeeze %dma_wait3A_550 : memref<1x125xi32, #tpu.memory_space<vmem>> -> memref<125xi32, #tpu.memory_space<vmem>>
    %dma_wait3A_552 = arith.constant 0 : i32
    %dma_wait3A_553 = arith.constant 0 : i32
    %dma_wait3A_554 = tpu.memref_slice %arg2[%dma_wait3A_552, %dma_wait3A_553] : memref<10240x128xf32, #tpu.memory_space<hbm>> -> memref<10240x128xf32, #tpu.memory_space<hbm>>
    tpu.wait_indirect_dma semaphore(%arg14 : memref<!tpu.dma_semaphore, #tpu.memory_space<semaphore_mem>>) src(%dma_wait3A_554 : memref<10240x128xf32, #tpu.memory_space<hbm>>) dst(%arg11 : memref<125x128xf32, #tpu.memory_space<vmem>>)
    %dma_start3A_555 = arith.constant 1 : i32
    %dma_start3A_556 = arith.constant 0 : i32
    %dma_start3A_557 = tpu.memref_slice %arg9[%dma_start3A_555, %dma_start3A_556] : memref<2x125xi32, #tpu.memory_space<vmem>> -> memref<1x125xi32, #tpu.memory_space<vmem>>
    %dma_start3A_558 = tpu.memref_squeeze %dma_start3A_557 : memref<1x125xi32, #tpu.memory_space<vmem>> -> memref<125xi32, #tpu.memory_space<vmem>>
    %dma_start3A_559 = arith.constant 0 : i32
    %dma_start3A_560 = arith.constant 0 : i32
    %dma_start3A_561 = tpu.memref_slice %arg5[%dma_start3A_559, %dma_start3A_560] : memref<10240x128xf32, #tpu.memory_space<vmem_shared>> -> memref<10240x128xf32, #tpu.memory_space<vmem_shared>>
    tpu.enqueue_indirect_dma source(%arg11 : memref<125x128xf32, #tpu.memory_space<vmem>>) target(%dma_start3A_561 : memref<10240x128xf32, #tpu.memory_space<vmem_shared>>) offsets(%dma_start3A_558 : memref<125xi32, #tpu.memory_space<vmem>>) semaphore(%arg16 : memref<!tpu.dma_semaphore, #tpu.memory_space<semaphore_mem>>) {add = true}
    %dma_wait3A_562 = arith.constant 1 : i32
    %dma_wait3A_563 = arith.constant 0 : i32
    %dma_wait3A_564 = tpu.memref_slice %arg7[%dma_wait3A_562, %dma_wait3A_563] : memref<2x125xi32, #tpu.memory_space<vmem>> -> memref<1x125xi32, #tpu.memory_space<vmem>>
    %dma_wait3A_565 = tpu.memref_squeeze %dma_wait3A_564 : memref<1x125xi32, #tpu.memory_space<vmem>> -> memref<125xi32, #tpu.memory_space<vmem>>
    %dma_wait3A_566 = arith.constant 0 : i32
    %dma_wait3A_567 = arith.constant 0 : i32
    %dma_wait3A_568 = tpu.memref_slice %arg5[%dma_wait3A_566, %dma_wait3A_567] : memref<10240x128xf32, #tpu.memory_space<vmem_shared>> -> memref<10240x128xf32, #tpu.memory_space<vmem_shared>>
    tpu.wait_indirect_dma semaphore(%arg16 : memref<!tpu.dma_semaphore, #tpu.memory_space<semaphore_mem>>) src(%arg11 : memref<125x128xf32, #tpu.memory_space<vmem>>) dst(%dma_wait3A_568 : memref<10240x128xf32, #tpu.memory_space<vmem_shared>>)
    %dma_wait3A_569 = arith.constant 0 : i32
    %dma_wait3A_570 = arith.constant 0 : i32
    %dma_wait3A_571 = arith.constant 0 : i32
    %dma_wait3A_572 = arith.constant 0 : i32
    %dma_wait3A_573 = tpu.memref_slice %arg7[%dma_wait3A_571, %dma_wait3A_572] : memref<2x125xi32, #tpu.memory_space<vmem>> -> memref<1x125xi32, #tpu.memory_space<vmem>>
    %dma_wait3A_574 = tpu.memref_squeeze %dma_wait3A_573 : memref<1x125xi32, #tpu.memory_space<vmem>> -> memref<125xi32, #tpu.memory_space<vmem>>
    %dma_wait3A_575 = arith.constant 0 : i32
    %dma_wait3A_576 = tpu.memref_slice %arg3[%dma_wait3A_569, %add3A, %dma_wait3A_570, %dma_wait3A_575] : memref<2x32x80x125xi32, #tpu.memory_space<hbm>> -> memref<1x1x1x125xi32, #tpu.memory_space<hbm>>
    %dma_wait3A_577 = tpu.memref_squeeze %dma_wait3A_576 : memref<1x1x1x125xi32, #tpu.memory_space<hbm>> -> memref<125xi32, #tpu.memory_space<hbm>>
    %dma_wait3A_578 = arith.constant 0 : i32
    %dma_wait3A_579 = tpu.memref_slice %arg7[%dma_wait3A_571, %dma_wait3A_578] : memref<2x125xi32, #tpu.memory_space<vmem>> -> memref<1x125xi32, #tpu.memory_space<vmem>>
    %dma_wait3A_580 = tpu.memref_squeeze %dma_wait3A_579 : memref<1x125xi32, #tpu.memory_space<vmem>> -> memref<125xi32, #tpu.memory_space<vmem>>
    %dma_wait3A_581 = arith.constant 0 : i32
    %dma_wait3A_582 = tpu.memref_slice %arg3[%dma_wait3A_569, %add3A, %dma_wait3A_570, %dma_wait3A_581] : memref<2x32x80x125xi32, #tpu.memory_space<hbm>> -> memref<1x1x1x125xi32, #tpu.memory_space<hbm>>
    %dma_wait3A_583 = tpu.memref_squeeze %dma_wait3A_582 : memref<1x1x1x125xi32, #tpu.memory_space<hbm>> -> memref<125xi32, #tpu.memory_space<hbm>>
    tpu.wait_dma2 semaphore(%arg18 : memref<!tpu.dma_semaphore, #tpu.memory_space<semaphore_mem>>) src(%dma_wait3A_583 : memref<125xi32, #tpu.memory_space<hbm>>) dst(%dma_wait3A_580 : memref<125xi32, #tpu.memory_space<vmem>>)
    %dma_wait3A_584 = arith.constant 1 : i32
    %dma_wait3A_585 = arith.constant 0 : i32
    %dma_wait3A_586 = arith.constant 1 : i32
    %dma_wait3A_587 = arith.constant 0 : i32
    %dma_wait3A_588 = tpu.memref_slice %arg7[%dma_wait3A_586, %dma_wait3A_587] : memref<2x125xi32, #tpu.memory_space<vmem>> -> memref<1x125xi32, #tpu.memory_space<vmem>>
    %dma_wait3A_589 = tpu.memref_squeeze %dma_wait3A_588 : memref<1x125xi32, #tpu.memory_space<vmem>> -> memref<125xi32, #tpu.memory_space<vmem>>
    %dma_wait3A_590 = arith.constant 0 : i32
    %dma_wait3A_591 = tpu.memref_slice %arg3[%dma_wait3A_584, %add3A, %dma_wait3A_585, %dma_wait3A_590] : memref<2x32x80x125xi32, #tpu.memory_space<hbm>> -> memref<1x1x1x125xi32, #tpu.memory_space<hbm>>
    %dma_wait3A_592 = tpu.memref_squeeze %dma_wait3A_591 : memref<1x1x1x125xi32, #tpu.memory_space<hbm>> -> memref<125xi32, #tpu.memory_space<hbm>>
    %dma_wait3A_593 = arith.constant 0 : i32
    %dma_wait3A_594 = tpu.memref_slice %arg7[%dma_wait3A_586, %dma_wait3A_593] : memref<2x125xi32, #tpu.memory_space<vmem>> -> memref<1x125xi32, #tpu.memory_space<vmem>>
    %dma_wait3A_595 = tpu.memref_squeeze %dma_wait3A_594 : memref<1x125xi32, #tpu.memory_space<vmem>> -> memref<125xi32, #tpu.memory_space<vmem>>
    %dma_wait3A_596 = arith.constant 0 : i32
    %dma_wait3A_597 = tpu.memref_slice %arg3[%dma_wait3A_584, %add3A, %dma_wait3A_585, %dma_wait3A_596] : memref<2x32x80x125xi32, #tpu.memory_space<hbm>> -> memref<1x1x1x125xi32, #tpu.memory_space<hbm>>
    %dma_wait3A_598 = tpu.memref_squeeze %dma_wait3A_597 : memref<1x1x1x125xi32, #tpu.memory_space<hbm>> -> memref<125xi32, #tpu.memory_space<hbm>>
    tpu.wait_dma2 semaphore(%arg18 : memref<!tpu.dma_semaphore, #tpu.memory_space<semaphore_mem>>) src(%dma_wait3A_598 : memref<125xi32, #tpu.memory_space<hbm>>) dst(%dma_wait3A_595 : memref<125xi32, #tpu.memory_space<vmem>>)
    %dma_start3A_599 = arith.constant 0 : i32
    %dma_start3A_600 = arith.constant 0 : i32
    %dma_start3A_601 = tpu.memref_slice %arg7[%dma_start3A_599, %dma_start3A_600] : memref<2x125xi32, #tpu.memory_space<vmem>> -> memref<1x125xi32, #tpu.memory_space<vmem>>
    %dma_start3A_602 = tpu.memref_squeeze %dma_start3A_601 : memref<1x125xi32, #tpu.memory_space<vmem>> -> memref<125xi32, #tpu.memory_space<vmem>>
    %dma_start3A_603 = arith.constant 0 : i32
    %dma_start3A_604 = arith.constant 0 : i32
    %dma_start3A_605 = tpu.memref_slice %arg2[%dma_start3A_603, %dma_start3A_604] : memref<10240x128xf32, #tpu.memory_space<hbm>> -> memref<10240x128xf32, #tpu.memory_space<hbm>>
    tpu.enqueue_indirect_dma source(%dma_start3A_605 : memref<10240x128xf32, #tpu.memory_space<hbm>>) target(%arg11 : memref<125x128xf32, #tpu.memory_space<vmem>>) offsets(%dma_start3A_602 : memref<125xi32, #tpu.memory_space<vmem>>) semaphore(%arg14 : memref<!tpu.dma_semaphore, #tpu.memory_space<semaphore_mem>>)
    %dma_start3A_606 = arith.constant 0 : i32
    %dma_start3A_607 = arith.constant 79 : i32
    %dma_start3A_608 = arith.constant 0 : i32
    %dma_start3A_609 = arith.constant 0 : i32
    %dma_start3A_610 = tpu.memref_slice %arg9[%dma_start3A_608, %dma_start3A_609] : memref<2x125xi32, #tpu.memory_space<vmem>> -> memref<1x125xi32, #tpu.memory_space<vmem>>
    %dma_start3A_611 = tpu.memref_squeeze %dma_start3A_610 : memref<1x125xi32, #tpu.memory_space<vmem>> -> memref<125xi32, #tpu.memory_space<vmem>>
    %dma_start3A_612 = arith.constant 0 : i32
    %dma_start3A_613 = tpu.memref_slice %arg3[%dma_start3A_606, %add3A, %dma_start3A_607, %dma_start3A_612] : memref<2x32x80x125xi32, #tpu.memory_space<hbm>> -> memref<1x1x1x125xi32, #tpu.memory_space<hbm>>
    %dma_start3A_614 = tpu.memref_squeeze %dma_start3A_613 : memref<1x1x1x125xi32, #tpu.memory_space<hbm>> -> memref<125xi32, #tpu.memory_space<hbm>>
    %dma_start3A_615 = arith.constant 0 : i32
    %dma_start3A_616 = tpu.memref_slice %arg9[%dma_start3A_608, %dma_start3A_615] : memref<2x125xi32, #tpu.memory_space<vmem>> -> memref<1x125xi32, #tpu.memory_space<vmem>>
    %dma_start3A_617 = tpu.memref_squeeze %dma_start3A_616 : memref<1x125xi32, #tpu.memory_space<vmem>> -> memref<125xi32, #tpu.memory_space<vmem>>
    %dma_start3A_618 = arith.constant 0 : i32
    %dma_start3A_619 = tpu.memref_slice %arg3[%dma_start3A_606, %add3A, %dma_start3A_607, %dma_start3A_618] : memref<2x32x80x125xi32, #tpu.memory_space<hbm>> -> memref<1x1x1x125xi32, #tpu.memory_space<hbm>>
    %dma_start3A_620 = tpu.memref_squeeze %dma_start3A_619 : memref<1x1x1x125xi32, #tpu.memory_space<hbm>> -> memref<125xi32, #tpu.memory_space<hbm>>
    tpu.enqueue_dma source(%dma_start3A_620 : memref<125xi32, #tpu.memory_space<hbm>>) target(%dma_start3A_617 : memref<125xi32, #tpu.memory_space<vmem>>) target_semaphore(%arg20 : memref<!tpu.dma_semaphore, #tpu.memory_space<semaphore_mem>>)
    %dma_start3A_621 = arith.constant 1 : i32
    %dma_start3A_622 = arith.constant 79 : i32
    %dma_start3A_623 = arith.constant 1 : i32
    %dma_start3A_624 = arith.constant 0 : i32
    %dma_start3A_625 = tpu.memref_slice %arg9[%dma_start3A_623, %dma_start3A_624] : memref<2x125xi32, #tpu.memory_space<vmem>> -> memref<1x125xi32, #tpu.memory_space<vmem>>
    %dma_start3A_626 = tpu.memref_squeeze %dma_start3A_625 : memref<1x125xi32, #tpu.memory_space<vmem>> -> memref<125xi32, #tpu.memory_space<vmem>>
    %dma_start3A_627 = arith.constant 0 : i32
    %dma_start3A_628 = tpu.memref_slice %arg3[%dma_start3A_621, %add3A, %dma_start3A_622, %dma_start3A_627] : memref<2x32x80x125xi32, #tpu.memory_space<hbm>> -> memref<1x1x1x125xi32, #tpu.memory_space<hbm>>
    %dma_start3A_629 = tpu.memref_squeeze %dma_start3A_628 : memref<1x1x1x125xi32, #tpu.memory_space<hbm>> -> memref<125xi32, #tpu.memory_space<hbm>>
    %dma_start3A_630 = arith.constant 0 : i32
    %dma_start3A_631 = tpu.memref_slice %arg9[%dma_start3A_623, %dma_start3A_630] : memref<2x125xi32, #tpu.memory_space<vmem>> -> memref<1x125xi32, #tpu.memory_space<vmem>>
    %dma_start3A_632 = tpu.memref_squeeze %dma_start3A_631 : memref<1x125xi32, #tpu.memory_space<vmem>> -> memref<125xi32, #tpu.memory_space<vmem>>
    %dma_start3A_633 = arith.constant 0 : i32
    %dma_start3A_634 = tpu.memref_slice %arg3[%dma_start3A_621, %add3A, %dma_start3A_622, %dma_start3A_633] : memref<2x32x80x125xi32, #tpu.memory_space<hbm>> -> memref<1x1x1x125xi32, #tpu.memory_space<hbm>>
    %dma_start3A_635 = tpu.memref_squeeze %dma_start3A_634 : memref<1x1x1x125xi32, #tpu.memory_space<hbm>> -> memref<125xi32, #tpu.memory_space<hbm>>
    tpu.enqueue_dma source(%dma_start3A_635 : memref<125xi32, #tpu.memory_space<hbm>>) target(%dma_start3A_632 : memref<125xi32, #tpu.memory_space<vmem>>) target_semaphore(%arg20 : memref<!tpu.dma_semaphore, #tpu.memory_space<semaphore_mem>>)
    %dma_wait3A_636 = arith.constant 0 : i32
    %dma_wait3A_637 = arith.constant 0 : i32
    %dma_wait3A_638 = tpu.memref_slice %arg6[%dma_wait3A_636, %dma_wait3A_637] : memref<2x125xi32, #tpu.memory_space<vmem>> -> memref<1x125xi32, #tpu.memory_space<vmem>>
    %dma_wait3A_639 = tpu.memref_squeeze %dma_wait3A_638 : memref<1x125xi32, #tpu.memory_space<vmem>> -> memref<125xi32, #tpu.memory_space<vmem>>
    %dma_wait3A_640 = arith.constant 0 : i32
    %dma_wait3A_641 = arith.constant 0 : i32
    %dma_wait3A_642 = tpu.memref_slice %arg2[%dma_wait3A_640, %dma_wait3A_641] : memref<10240x128xf32, #tpu.memory_space<hbm>> -> memref<10240x128xf32, #tpu.memory_space<hbm>>
    tpu.wait_indirect_dma semaphore(%arg13 : memref<!tpu.dma_semaphore, #tpu.memory_space<semaphore_mem>>) src(%dma_wait3A_642 : memref<10240x128xf32, #tpu.memory_space<hbm>>) dst(%arg10 : memref<125x128xf32, #tpu.memory_space<vmem>>)
    %dma_start3A_643 = arith.constant 1 : i32
    %dma_start3A_644 = arith.constant 0 : i32
    %dma_start3A_645 = tpu.memref_slice %arg6[%dma_start3A_643, %dma_start3A_644] : memref<2x125xi32, #tpu.memory_space<vmem>> -> memref<1x125xi32, #tpu.memory_space<vmem>>
    %dma_start3A_646 = tpu.memref_squeeze %dma_start3A_645 : memref<1x125xi32, #tpu.memory_space<vmem>> -> memref<125xi32, #tpu.memory_space<vmem>>
    %dma_start3A_647 = arith.constant 0 : i32
    %dma_start3A_648 = arith.constant 0 : i32
    %dma_start3A_649 = tpu.memref_slice %arg5[%dma_start3A_647, %dma_start3A_648] : memref<10240x128xf32, #tpu.memory_space<vmem_shared>> -> memref<10240x128xf32, #tpu.memory_space<vmem_shared>>
    tpu.enqueue_indirect_dma source(%arg10 : memref<125x128xf32, #tpu.memory_space<vmem>>) target(%dma_start3A_649 : memref<10240x128xf32, #tpu.memory_space<vmem_shared>>) offsets(%dma_start3A_646 : memref<125xi32, #tpu.memory_space<vmem>>) semaphore(%arg15 : memref<!tpu.dma_semaphore, #tpu.memory_space<semaphore_mem>>) {add = true}
    %dma_wait3A_650 = arith.constant 1 : i32
    %dma_wait3A_651 = arith.constant 0 : i32
    %dma_wait3A_652 = tpu.memref_slice %arg8[%dma_wait3A_650, %dma_wait3A_651] : memref<2x125xi32, #tpu.memory_space<vmem>> -> memref<1x125xi32, #tpu.memory_space<vmem>>
    %dma_wait3A_653 = tpu.memref_squeeze %dma_wait3A_652 : memref<1x125xi32, #tpu.memory_space<vmem>> -> memref<125xi32, #tpu.memory_space<vmem>>
    %dma_wait3A_654 = arith.constant 0 : i32
    %dma_wait3A_655 = arith.constant 0 : i32
    %dma_wait3A_656 = tpu.memref_slice %arg5[%dma_wait3A_654, %dma_wait3A_655] : memref<10240x128xf32, #tpu.memory_space<vmem_shared>> -> memref<10240x128xf32, #tpu.memory_space<vmem_shared>>
    tpu.wait_indirect_dma semaphore(%arg15 : memref<!tpu.dma_semaphore, #tpu.memory_space<semaphore_mem>>) src(%arg10 : memref<125x128xf32, #tpu.memory_space<vmem>>) dst(%dma_wait3A_656 : memref<10240x128xf32, #tpu.memory_space<vmem_shared>>)
    %dma_wait3A_657 = arith.constant 0 : i32
    %dma_wait3A_658 = arith.constant 0 : i32
    %dma_wait3A_659 = arith.constant 0 : i32
    %dma_wait3A_660 = arith.constant 0 : i32
    %dma_wait3A_661 = tpu.memref_slice %arg8[%dma_wait3A_659, %dma_wait3A_660] : memref<2x125xi32, #tpu.memory_space<vmem>> -> memref<1x125xi32, #tpu.memory_space<vmem>>
    %dma_wait3A_662 = tpu.memref_squeeze %dma_wait3A_661 : memref<1x125xi32, #tpu.memory_space<vmem>> -> memref<125xi32, #tpu.memory_space<vmem>>
    %dma_wait3A_663 = arith.constant 0 : i32
    %dma_wait3A_664 = tpu.memref_slice %arg3[%dma_wait3A_657, %add3A, %dma_wait3A_658, %dma_wait3A_663] : memref<2x32x80x125xi32, #tpu.memory_space<hbm>> -> memref<1x1x1x125xi32, #tpu.memory_space<hbm>>
    %dma_wait3A_665 = tpu.memref_squeeze %dma_wait3A_664 : memref<1x1x1x125xi32, #tpu.memory_space<hbm>> -> memref<125xi32, #tpu.memory_space<hbm>>
    %dma_wait3A_666 = arith.constant 0 : i32
    %dma_wait3A_667 = tpu.memref_slice %arg8[%dma_wait3A_659, %dma_wait3A_666] : memref<2x125xi32, #tpu.memory_space<vmem>> -> memref<1x125xi32, #tpu.memory_space<vmem>>
    %dma_wait3A_668 = tpu.memref_squeeze %dma_wait3A_667 : memref<1x125xi32, #tpu.memory_space<vmem>> -> memref<125xi32, #tpu.memory_space<vmem>>
    %dma_wait3A_669 = arith.constant 0 : i32
    %dma_wait3A_670 = tpu.memref_slice %arg3[%dma_wait3A_657, %add3A, %dma_wait3A_658, %dma_wait3A_669] : memref<2x32x80x125xi32, #tpu.memory_space<hbm>> -> memref<1x1x1x125xi32, #tpu.memory_space<hbm>>
    %dma_wait3A_671 = tpu.memref_squeeze %dma_wait3A_670 : memref<1x1x1x125xi32, #tpu.memory_space<hbm>> -> memref<125xi32, #tpu.memory_space<hbm>>
    tpu.wait_dma2 semaphore(%arg19 : memref<!tpu.dma_semaphore, #tpu.memory_space<semaphore_mem>>) src(%dma_wait3A_671 : memref<125xi32, #tpu.memory_space<hbm>>) dst(%dma_wait3A_668 : memref<125xi32, #tpu.memory_space<vmem>>)
    %dma_wait3A_672 = arith.constant 1 : i32
    %dma_wait3A_673 = arith.constant 0 : i32
    %dma_wait3A_674 = arith.constant 1 : i32
    %dma_wait3A_675 = arith.constant 0 : i32
    %dma_wait3A_676 = tpu.memref_slice %arg8[%dma_wait3A_674, %dma_wait3A_675] : memref<2x125xi32, #tpu.memory_space<vmem>> -> memref<1x125xi32, #tpu.memory_space<vmem>>
    %dma_wait3A_677 = tpu.memref_squeeze %dma_wait3A_676 : memref<1x125xi32, #tpu.memory_space<vmem>> -> memref<125xi32, #tpu.memory_space<vmem>>
    %dma_wait3A_678 = arith.constant 0 : i32
    %dma_wait3A_679 = tpu.memref_slice %arg3[%dma_wait3A_672, %add3A, %dma_wait3A_673, %dma_wait3A_678] : memref<2x32x80x125xi32, #tpu.memory_space<hbm>> -> memref<1x1x1x125xi32, #tpu.memory_space<hbm>>
    %dma_wait3A_680 = tpu.memref_squeeze %dma_wait3A_679 : memref<1x1x1x125xi32, #tpu.memory_space<hbm>> -> memref<125xi32, #tpu.memory_space<hbm>>
    %dma_wait3A_681 = arith.constant 0 : i32
    %dma_wait3A_682 = tpu.memref_slice %arg8[%dma_wait3A_674, %dma_wait3A_681] : memref<2x125xi32, #tpu.memory_space<vmem>> -> memref<1x125xi32, #tpu.memory_space<vmem>>
    %dma_wait3A_683 = tpu.memref_squeeze %dma_wait3A_682 : memref<1x125xi32, #tpu.memory_space<vmem>> -> memref<125xi32, #tpu.memory_space<vmem>>
    %dma_wait3A_684 = arith.constant 0 : i32
    %dma_wait3A_685 = tpu.memref_slice %arg3[%dma_wait3A_672, %add3A, %dma_wait3A_673, %dma_wait3A_684] : memref<2x32x80x125xi32, #tpu.memory_space<hbm>> -> memref<1x1x1x125xi32, #tpu.memory_space<hbm>>
    %dma_wait3A_686 = tpu.memref_squeeze %dma_wait3A_685 : memref<1x1x1x125xi32, #tpu.memory_space<hbm>> -> memref<125xi32, #tpu.memory_space<hbm>>
    tpu.wait_dma2 semaphore(%arg19 : memref<!tpu.dma_semaphore, #tpu.memory_space<semaphore_mem>>) src(%dma_wait3A_686 : memref<125xi32, #tpu.memory_space<hbm>>) dst(%dma_wait3A_683 : memref<125xi32, #tpu.memory_space<vmem>>)
    %dma_start3A_687 = arith.constant 0 : i32
    %dma_start3A_688 = arith.constant 0 : i32
    %dma_start3A_689 = tpu.memref_slice %arg8[%dma_start3A_687, %dma_start3A_688] : memref<2x125xi32, #tpu.memory_space<vmem>> -> memref<1x125xi32, #tpu.memory_space<vmem>>
    %dma_start3A_690 = tpu.memref_squeeze %dma_start3A_689 : memref<1x125xi32, #tpu.memory_space<vmem>> -> memref<125xi32, #tpu.memory_space<vmem>>
    %dma_start3A_691 = arith.constant 0 : i32
    %dma_start3A_692 = arith.constant 0 : i32
    %dma_start3A_693 = tpu.memref_slice %arg2[%dma_start3A_691, %dma_start3A_692] : memref<10240x128xf32, #tpu.memory_space<hbm>> -> memref<10240x128xf32, #tpu.memory_space<hbm>>
    tpu.enqueue_indirect_dma source(%dma_start3A_693 : memref<10240x128xf32, #tpu.memory_space<hbm>>) target(%arg10 : memref<125x128xf32, #tpu.memory_space<vmem>>) offsets(%dma_start3A_690 : memref<125xi32, #tpu.memory_space<vmem>>) semaphore(%arg13 : memref<!tpu.dma_semaphore, #tpu.memory_space<semaphore_mem>>)
    %dma_wait3A_694 = arith.constant 0 : i32
    %dma_wait3A_695 = arith.constant 0 : i32
    %dma_wait3A_696 = tpu.memref_slice %arg7[%dma_wait3A_694, %dma_wait3A_695] : memref<2x125xi32, #tpu.memory_space<vmem>> -> memref<1x125xi32, #tpu.memory_space<vmem>>
    %dma_wait3A_697 = tpu.memref_squeeze %dma_wait3A_696 : memref<1x125xi32, #tpu.memory_space<vmem>> -> memref<125xi32, #tpu.memory_space<vmem>>
    %dma_wait3A_698 = arith.constant 0 : i32
    %dma_wait3A_699 = arith.constant 0 : i32
    %dma_wait3A_700 = tpu.memref_slice %arg2[%dma_wait3A_698, %dma_wait3A_699] : memref<10240x128xf32, #tpu.memory_space<hbm>> -> memref<10240x128xf32, #tpu.memory_space<hbm>>
    tpu.wait_indirect_dma semaphore(%arg14 : memref<!tpu.dma_semaphore, #tpu.memory_space<semaphore_mem>>) src(%dma_wait3A_700 : memref<10240x128xf32, #tpu.memory_space<hbm>>) dst(%arg11 : memref<125x128xf32, #tpu.memory_space<vmem>>)
    %dma_start3A_701 = arith.constant 1 : i32
    %dma_start3A_702 = arith.constant 0 : i32
    %dma_start3A_703 = tpu.memref_slice %arg7[%dma_start3A_701, %dma_start3A_702] : memref<2x125xi32, #tpu.memory_space<vmem>> -> memref<1x125xi32, #tpu.memory_space<vmem>>
    %dma_start3A_704 = tpu.memref_squeeze %dma_start3A_703 : memref<1x125xi32, #tpu.memory_space<vmem>> -> memref<125xi32, #tpu.memory_space<vmem>>
    %dma_start3A_705 = arith.constant 0 : i32
    %dma_start3A_706 = arith.constant 0 : i32
    %dma_start3A_707 = tpu.memref_slice %arg5[%dma_start3A_705, %dma_start3A_706] : memref<10240x128xf32, #tpu.memory_space<vmem_shared>> -> memref<10240x128xf32, #tpu.memory_space<vmem_shared>>
    tpu.enqueue_indirect_dma source(%arg11 : memref<125x128xf32, #tpu.memory_space<vmem>>) target(%dma_start3A_707 : memref<10240x128xf32, #tpu.memory_space<vmem_shared>>) offsets(%dma_start3A_704 : memref<125xi32, #tpu.memory_space<vmem>>) semaphore(%arg16 : memref<!tpu.dma_semaphore, #tpu.memory_space<semaphore_mem>>) {add = true}
    %dma_wait3A_708 = arith.constant 1 : i32
    %dma_wait3A_709 = arith.constant 0 : i32
    %dma_wait3A_710 = tpu.memref_slice %arg9[%dma_wait3A_708, %dma_wait3A_709] : memref<2x125xi32, #tpu.memory_space<vmem>> -> memref<1x125xi32, #tpu.memory_space<vmem>>
    %dma_wait3A_711 = tpu.memref_squeeze %dma_wait3A_710 : memref<1x125xi32, #tpu.memory_space<vmem>> -> memref<125xi32, #tpu.memory_space<vmem>>
    %dma_wait3A_712 = arith.constant 0 : i32
    %dma_wait3A_713 = arith.constant 0 : i32
    %dma_wait3A_714 = tpu.memref_slice %arg5[%dma_wait3A_712, %dma_wait3A_713] : memref<10240x128xf32, #tpu.memory_space<vmem_shared>> -> memref<10240x128xf32, #tpu.memory_space<vmem_shared>>
    tpu.wait_indirect_dma semaphore(%arg16 : memref<!tpu.dma_semaphore, #tpu.memory_space<semaphore_mem>>) src(%arg11 : memref<125x128xf32, #tpu.memory_space<vmem>>) dst(%dma_wait3A_714 : memref<10240x128xf32, #tpu.memory_space<vmem_shared>>)
    %dma_wait3A_715 = arith.constant 0 : i32
    %dma_wait3A_716 = arith.constant 0 : i32
    %dma_wait3A_717 = arith.constant 0 : i32
    %dma_wait3A_718 = arith.constant 0 : i32
    %dma_wait3A_719 = tpu.memref_slice %arg9[%dma_wait3A_717, %dma_wait3A_718] : memref<2x125xi32, #tpu.memory_space<vmem>> -> memref<1x125xi32, #tpu.memory_space<vmem>>
    %dma_wait3A_720 = tpu.memref_squeeze %dma_wait3A_719 : memref<1x125xi32, #tpu.memory_space<vmem>> -> memref<125xi32, #tpu.memory_space<vmem>>
    %dma_wait3A_721 = arith.constant 0 : i32
    %dma_wait3A_722 = tpu.memref_slice %arg3[%dma_wait3A_715, %add3A, %dma_wait3A_716, %dma_wait3A_721] : memref<2x32x80x125xi32, #tpu.memory_space<hbm>> -> memref<1x1x1x125xi32, #tpu.memory_space<hbm>>
    %dma_wait3A_723 = tpu.memref_squeeze %dma_wait3A_722 : memref<1x1x1x125xi32, #tpu.memory_space<hbm>> -> memref<125xi32, #tpu.memory_space<hbm>>
    %dma_wait3A_724 = arith.constant 0 : i32
    %dma_wait3A_725 = tpu.memref_slice %arg9[%dma_wait3A_717, %dma_wait3A_724] : memref<2x125xi32, #tpu.memory_space<vmem>> -> memref<1x125xi32, #tpu.memory_space<vmem>>
    %dma_wait3A_726 = tpu.memref_squeeze %dma_wait3A_725 : memref<1x125xi32, #tpu.memory_space<vmem>> -> memref<125xi32, #tpu.memory_space<vmem>>
    %dma_wait3A_727 = arith.constant 0 : i32
    %dma_wait3A_728 = tpu.memref_slice %arg3[%dma_wait3A_715, %add3A, %dma_wait3A_716, %dma_wait3A_727] : memref<2x32x80x125xi32, #tpu.memory_space<hbm>> -> memref<1x1x1x125xi32, #tpu.memory_space<hbm>>
    %dma_wait3A_729 = tpu.memref_squeeze %dma_wait3A_728 : memref<1x1x1x125xi32, #tpu.memory_space<hbm>> -> memref<125xi32, #tpu.memory_space<hbm>>
    tpu.wait_dma2 semaphore(%arg20 : memref<!tpu.dma_semaphore, #tpu.memory_space<semaphore_mem>>) src(%dma_wait3A_729 : memref<125xi32, #tpu.memory_space<hbm>>) dst(%dma_wait3A_726 : memref<125xi32, #tpu.memory_space<vmem>>)
    %dma_wait3A_730 = arith.constant 1 : i32
    %dma_wait3A_731 = arith.constant 0 : i32
    %dma_wait3A_732 = arith.constant 1 : i32
    %dma_wait3A_733 = arith.constant 0 : i32
    %dma_wait3A_734 = tpu.memref_slice %arg9[%dma_wait3A_732, %dma_wait3A_733] : memref<2x125xi32, #tpu.memory_space<vmem>> -> memref<1x125xi32, #tpu.memory_space<vmem>>
    %dma_wait3A_735 = tpu.memref_squeeze %dma_wait3A_734 : memref<1x125xi32, #tpu.memory_space<vmem>> -> memref<125xi32, #tpu.memory_space<vmem>>
    %dma_wait3A_736 = arith.constant 0 : i32
    %dma_wait3A_737 = tpu.memref_slice %arg3[%dma_wait3A_730, %add3A, %dma_wait3A_731, %dma_wait3A_736] : memref<2x32x80x125xi32, #tpu.memory_space<hbm>> -> memref<1x1x1x125xi32, #tpu.memory_space<hbm>>
    %dma_wait3A_738 = tpu.memref_squeeze %dma_wait3A_737 : memref<1x1x1x125xi32, #tpu.memory_space<hbm>> -> memref<125xi32, #tpu.memory_space<hbm>>
    %dma_wait3A_739 = arith.constant 0 : i32
    %dma_wait3A_740 = tpu.memref_slice %arg9[%dma_wait3A_732, %dma_wait3A_739] : memref<2x125xi32, #tpu.memory_space<vmem>> -> memref<1x125xi32, #tpu.memory_space<vmem>>
    %dma_wait3A_741 = tpu.memref_squeeze %dma_wait3A_740 : memref<1x125xi32, #tpu.memory_space<vmem>> -> memref<125xi32, #tpu.memory_space<vmem>>
    %dma_wait3A_742 = arith.constant 0 : i32
    %dma_wait3A_743 = tpu.memref_slice %arg3[%dma_wait3A_730, %add3A, %dma_wait3A_731, %dma_wait3A_742] : memref<2x32x80x125xi32, #tpu.memory_space<hbm>> -> memref<1x1x1x125xi32, #tpu.memory_space<hbm>>
    %dma_wait3A_744 = tpu.memref_squeeze %dma_wait3A_743 : memref<1x1x1x125xi32, #tpu.memory_space<hbm>> -> memref<125xi32, #tpu.memory_space<hbm>>
    tpu.wait_dma2 semaphore(%arg20 : memref<!tpu.dma_semaphore, #tpu.memory_space<semaphore_mem>>) src(%dma_wait3A_744 : memref<125xi32, #tpu.memory_space<hbm>>) dst(%dma_wait3A_741 : memref<125xi32, #tpu.memory_space<vmem>>)
    %dma_start3A_745 = arith.constant 0 : i32
    %dma_start3A_746 = arith.constant 0 : i32
    %dma_start3A_747 = tpu.memref_slice %arg9[%dma_start3A_745, %dma_start3A_746] : memref<2x125xi32, #tpu.memory_space<vmem>> -> memref<1x125xi32, #tpu.memory_space<vmem>>
    %dma_start3A_748 = tpu.memref_squeeze %dma_start3A_747 : memref<1x125xi32, #tpu.memory_space<vmem>> -> memref<125xi32, #tpu.memory_space<vmem>>
    %dma_start3A_749 = arith.constant 0 : i32
    %dma_start3A_750 = arith.constant 0 : i32
    %dma_start3A_751 = tpu.memref_slice %arg2[%dma_start3A_749, %dma_start3A_750] : memref<10240x128xf32, #tpu.memory_space<hbm>> -> memref<10240x128xf32, #tpu.memory_space<hbm>>
    tpu.enqueue_indirect_dma source(%dma_start3A_751 : memref<10240x128xf32, #tpu.memory_space<hbm>>) target(%arg11 : memref<125x128xf32, #tpu.memory_space<vmem>>) offsets(%dma_start3A_748 : memref<125xi32, #tpu.memory_space<vmem>>) semaphore(%arg14 : memref<!tpu.dma_semaphore, #tpu.memory_space<semaphore_mem>>)
    %dma_wait3A_752 = arith.constant 0 : i32
    %dma_wait3A_753 = arith.constant 0 : i32
    %dma_wait3A_754 = tpu.memref_slice %arg8[%dma_wait3A_752, %dma_wait3A_753] : memref<2x125xi32, #tpu.memory_space<vmem>> -> memref<1x125xi32, #tpu.memory_space<vmem>>
    %dma_wait3A_755 = tpu.memref_squeeze %dma_wait3A_754 : memref<1x125xi32, #tpu.memory_space<vmem>> -> memref<125xi32, #tpu.memory_space<vmem>>
    %dma_wait3A_756 = arith.constant 0 : i32
    %dma_wait3A_757 = arith.constant 0 : i32
    %dma_wait3A_758 = tpu.memref_slice %arg2[%dma_wait3A_756, %dma_wait3A_757] : memref<10240x128xf32, #tpu.memory_space<hbm>> -> memref<10240x128xf32, #tpu.memory_space<hbm>>
    tpu.wait_indirect_dma semaphore(%arg13 : memref<!tpu.dma_semaphore, #tpu.memory_space<semaphore_mem>>) src(%dma_wait3A_758 : memref<10240x128xf32, #tpu.memory_space<hbm>>) dst(%arg10 : memref<125x128xf32, #tpu.memory_space<vmem>>)
    %dma_start3A_759 = arith.constant 1 : i32
    %dma_start3A_760 = arith.constant 0 : i32
    %dma_start3A_761 = tpu.memref_slice %arg8[%dma_start3A_759, %dma_start3A_760] : memref<2x125xi32, #tpu.memory_space<vmem>> -> memref<1x125xi32, #tpu.memory_space<vmem>>
    %dma_start3A_762 = tpu.memref_squeeze %dma_start3A_761 : memref<1x125xi32, #tpu.memory_space<vmem>> -> memref<125xi32, #tpu.memory_space<vmem>>
    %dma_start3A_763 = arith.constant 0 : i32
    %dma_start3A_764 = arith.constant 0 : i32
    %dma_start3A_765 = tpu.memref_slice %arg5[%dma_start3A_763, %dma_start3A_764] : memref<10240x128xf32, #tpu.memory_space<vmem_shared>> -> memref<10240x128xf32, #tpu.memory_space<vmem_shared>>
    tpu.enqueue_indirect_dma source(%arg10 : memref<125x128xf32, #tpu.memory_space<vmem>>) target(%dma_start3A_765 : memref<10240x128xf32, #tpu.memory_space<vmem_shared>>) offsets(%dma_start3A_762 : memref<125xi32, #tpu.memory_space<vmem>>) semaphore(%arg15 : memref<!tpu.dma_semaphore, #tpu.memory_space<semaphore_mem>>) {add = true}
    %dma_wait3A_766 = arith.constant 0 : i32
    %dma_wait3A_767 = arith.constant 0 : i32
    %dma_wait3A_768 = tpu.memref_slice %arg9[%dma_wait3A_766, %dma_wait3A_767] : memref<2x125xi32, #tpu.memory_space<vmem>> -> memref<1x125xi32, #tpu.memory_space<vmem>>
    %dma_wait3A_769 = tpu.memref_squeeze %dma_wait3A_768 : memref<1x125xi32, #tpu.memory_space<vmem>> -> memref<125xi32, #tpu.memory_space<vmem>>
    %dma_wait3A_770 = arith.constant 0 : i32
    %dma_wait3A_771 = arith.constant 0 : i32
    %dma_wait3A_772 = tpu.memref_slice %arg2[%dma_wait3A_770, %dma_wait3A_771] : memref<10240x128xf32, #tpu.memory_space<hbm>> -> memref<10240x128xf32, #tpu.memory_space<hbm>>
    tpu.wait_indirect_dma semaphore(%arg14 : memref<!tpu.dma_semaphore, #tpu.memory_space<semaphore_mem>>) src(%dma_wait3A_772 : memref<10240x128xf32, #tpu.memory_space<hbm>>) dst(%arg11 : memref<125x128xf32, #tpu.memory_space<vmem>>)
    %dma_start3A_773 = arith.constant 1 : i32
    %dma_start3A_774 = arith.constant 0 : i32
    %dma_start3A_775 = tpu.memref_slice %arg9[%dma_start3A_773, %dma_start3A_774] : memref<2x125xi32, #tpu.memory_space<vmem>> -> memref<1x125xi32, #tpu.memory_space<vmem>>
    %dma_start3A_776 = tpu.memref_squeeze %dma_start3A_775 : memref<1x125xi32, #tpu.memory_space<vmem>> -> memref<125xi32, #tpu.memory_space<vmem>>
    %dma_start3A_777 = arith.constant 0 : i32
    %dma_start3A_778 = arith.constant 0 : i32
    %dma_start3A_779 = tpu.memref_slice %arg5[%dma_start3A_777, %dma_start3A_778] : memref<10240x128xf32, #tpu.memory_space<vmem_shared>> -> memref<10240x128xf32, #tpu.memory_space<vmem_shared>>
    tpu.enqueue_indirect_dma source(%arg11 : memref<125x128xf32, #tpu.memory_space<vmem>>) target(%dma_start3A_779 : memref<10240x128xf32, #tpu.memory_space<vmem_shared>>) offsets(%dma_start3A_776 : memref<125xi32, #tpu.memory_space<vmem>>) semaphore(%arg16 : memref<!tpu.dma_semaphore, #tpu.memory_space<semaphore_mem>>) {add = true}
    %dma_wait3A_780 = arith.constant 1 : i32
    %dma_wait3A_781 = arith.constant 0 : i32
    %dma_wait3A_782 = tpu.memref_slice %arg8[%dma_wait3A_780, %dma_wait3A_781] : memref<2x125xi32, #tpu.memory_space<vmem>> -> memref<1x125xi32, #tpu.memory_space<vmem>>
    %dma_wait3A_783 = tpu.memref_squeeze %dma_wait3A_782 : memref<1x125xi32, #tpu.memory_space<vmem>> -> memref<125xi32, #tpu.memory_space<vmem>>
    %dma_wait3A_784 = arith.constant 0 : i32
    %dma_wait3A_785 = arith.constant 0 : i32
    %dma_wait3A_786 = tpu.memref_slice %arg5[%dma_wait3A_784, %dma_wait3A_785] : memref<10240x128xf32, #tpu.memory_space<vmem_shared>> -> memref<10240x128xf32, #tpu.memory_space<vmem_shared>>
    tpu.wait_indirect_dma semaphore(%arg15 : memref<!tpu.dma_semaphore, #tpu.memory_space<semaphore_mem>>) src(%arg10 : memref<125x128xf32, #tpu.memory_space<vmem>>) dst(%dma_wait3A_786 : memref<10240x128xf32, #tpu.memory_space<vmem_shared>>)
    %dma_wait3A_787 = arith.constant 1 : i32
    %dma_wait3A_788 = arith.constant 0 : i32
    %dma_wait3A_789 = tpu.memref_slice %arg9[%dma_wait3A_787, %dma_wait3A_788] : memref<2x125xi32, #tpu.memory_space<vmem>> -> memref<1x125xi32, #tpu.memory_space<vmem>>
    %dma_wait3A_790 = tpu.memref_squeeze %dma_wait3A_789 : memref<1x125xi32, #tpu.memory_space<vmem>> -> memref<125xi32, #tpu.memory_space<vmem>>
    %dma_wait3A_791 = arith.constant 0 : i32
    %dma_wait3A_792 = arith.constant 0 : i32
    %dma_wait3A_793 = tpu.memref_slice %arg5[%dma_wait3A_791, %dma_wait3A_792] : memref<10240x128xf32, #tpu.memory_space<vmem_shared>> -> memref<10240x128xf32, #tpu.memory_space<vmem_shared>>
    tpu.wait_indirect_dma semaphore(%arg16 : memref<!tpu.dma_semaphore, #tpu.memory_space<semaphore_mem>>) src(%arg11 : memref<125x128xf32, #tpu.memory_space<vmem>>) dst(%dma_wait3A_793 : memref<10240x128xf32, #tpu.memory_space<vmem_shared>>)
    %barrier3A_794 = arith.constant 0 : index
    tpu.barrier barrier_id(%barrier3A_794)
    %mul3A_795 = arith.constant 640 : i32
    %mul3A_796 = arith.muli %arg1, %mul3A_795 : i32
    %mul3A_797 = arith.constant 10240 : i32
    %mul3A_798 = arith.muli %arg0, %mul3A_797 : i32
    %mul3A_799 = arith.constant 640 : i32
    %mul3A_800 = arith.muli %arg1, %mul3A_799 : i32
    %add3A_801 = arith.addi %mul3A_798, %mul3A_800 : i32
    "tpu.region"() ({
      %run_scoped3A = tpu.sem_alloc : memref<!tpu.dma_semaphore, #tpu.memory_space<semaphore_mem>>
      %dma_start3A_802 = arith.constant 0 : i32
      %dma_start3A_803 = tpu.memref_slice %arg4[%add3A_801, %dma_start3A_802] : memref<20480x128xf32, #tpu.memory_space<hbm>> -> memref<640x128xf32, #tpu.memory_space<hbm>>
      %dma_start3A_804 = arith.constant 0 : i32
      %dma_start3A_805 = tpu.memref_slice %arg5[%mul3A_796, %dma_start3A_804] : memref<10240x128xf32, #tpu.memory_space<vmem_shared>> -> memref<640x128xf32, #tpu.memory_space<vmem_shared>>
      tpu.enqueue_dma source(%dma_start3A_805 : memref<640x128xf32, #tpu.memory_space<vmem_shared>>) target(%dma_start3A_803 : memref<640x128xf32, #tpu.memory_space<hbm>>) target_semaphore(%run_scoped3A : memref<!tpu.dma_semaphore, #tpu.memory_space<semaphore_mem>>)
      %dma_wait3A_806 = arith.constant 0 : i32
      %dma_wait3A_807 = tpu.memref_slice %arg4[%add3A_801, %dma_wait3A_806] : memref<20480x128xf32, #tpu.memory_space<hbm>> -> memref<640x128xf32, #tpu.memory_space<hbm>>
      %dma_wait3A_808 = arith.constant 0 : i32
      %dma_wait3A_809 = tpu.memref_slice %arg5[%mul3A_796, %dma_wait3A_808] : memref<10240x128xf32, #tpu.memory_space<vmem_shared>> -> memref<640x128xf32, #tpu.memory_space<vmem_shared>>
      tpu.wait_dma2 semaphore(%run_scoped3A : memref<!tpu.dma_semaphore, #tpu.memory_space<semaphore_mem>>) src(%dma_wait3A_809 : memref<640x128xf32, #tpu.memory_space<vmem_shared>>) dst(%dma_wait3A_807 : memref<640x128xf32, #tpu.memory_space<hbm>>)
      tpu.yield
    }) : () -> ()
    return
  }
}

#map = affine_map<(d0, d1) -> (0, 0)>
#map1 = affine_map<(d0, d1) -> (0, 0, 0, 0)>
module attributes {stable_mosaic.version = 14 : i64} {
  func.func @_sc_agg_body(%arg0: i32, %arg1: i32, %arg2: memref<10240x128xf32, #tpu.memory_space<hbm>>, %arg3: memref<2x32x80x125xi32, #tpu.memory_space<hbm>>, %arg4: memref<20480x128xf32, #tpu.memory_space<hbm>>, %arg5: memref<10240x128xf32, #tpu.memory_space<vmem_shared>>, %arg6: memref<2x125xi32, #tpu.memory_space<vmem>>, %arg7: memref<2x125xi32, #tpu.memory_space<vmem>>, %arg8: memref<2x125xi32, #tpu.memory_space<vmem>>, %arg9: memref<2x125xi32, #tpu.memory_space<vmem>>, %arg10: memref<125x128xf32, #tpu.memory_space<vmem>>, %arg11: memref<125x128xf32, #tpu.memory_space<vmem>>, %arg12: memref<32x128xf32, #tpu.memory_space<vmem>>, %arg13: memref<!tpu.dma_semaphore, #tpu.memory_space<semaphore_mem>>, %arg14: memref<!tpu.dma_semaphore, #tpu.memory_space<semaphore_mem>>, %arg15: memref<!tpu.dma_semaphore, #tpu.memory_space<semaphore_mem>>, %arg16: memref<!tpu.dma_semaphore, #tpu.memory_space<semaphore_mem>>, %arg17: memref<!tpu.dma_semaphore, #tpu.memory_space<semaphore_mem>>, %arg18: memref<!tpu.dma_semaphore, #tpu.memory_space<semaphore_mem>>, %arg19: memref<!tpu.dma_semaphore, #tpu.memory_space<semaphore_mem>>, %arg20: memref<!tpu.dma_semaphore, #tpu.memory_space<semaphore_mem>>) attributes {dimension_semantics = [#tpu.dimension_semantics<core_parallel>, #tpu.dimension_semantics<subcore_parallel>], iteration_bounds = array<i64: 2, 16>, scalar_prefetch = 0 : i64, scratch_operands = 16 : i64, tpu.core_type = #tpu.core_type<sc_vector_subcore>, window_params = [{transform_indices = #map}, {transform_indices = #map1}, {transform_indices = #map}]} {
    %mul3A = arith.constant 2 : i32
    %mul3A_0 = arith.muli %arg1, %mul3A : i32
    %add3A = arith.addi %mul3A_0, %arg0 : i32
    %dma_start3A = arith.constant 0 : i32
    %dma_start3A_1 = arith.constant 0 : i32
    %dma_start3A_2 = arith.constant 0 : i32
    %dma_start3A_3 = arith.constant 0 : i32
    %dma_start3A_4 = tpu.memref_slice %arg6[%dma_start3A_2, %dma_start3A_3] : memref<2x125xi32, #tpu.memory_space<vmem>> -> memref<1x125xi32, #tpu.memory_space<vmem>>
    %dma_start3A_5 = tpu.memref_squeeze %dma_start3A_4 : memref<1x125xi32, #tpu.memory_space<vmem>> -> memref<125xi32, #tpu.memory_space<vmem>>
    %dma_start3A_6 = arith.constant 0 : i32
    %dma_start3A_7 = tpu.memref_slice %arg3[%dma_start3A, %add3A, %dma_start3A_1, %dma_start3A_6] : memref<2x32x80x125xi32, #tpu.memory_space<hbm>> -> memref<1x1x1x125xi32, #tpu.memory_space<hbm>>
    %dma_start3A_8 = tpu.memref_squeeze %dma_start3A_7 : memref<1x1x1x125xi32, #tpu.memory_space<hbm>> -> memref<125xi32, #tpu.memory_space<hbm>>
    %dma_start3A_9 = arith.constant 0 : i32
    %dma_start3A_10 = tpu.memref_slice %arg6[%dma_start3A_2, %dma_start3A_9] : memref<2x125xi32, #tpu.memory_space<vmem>> -> memref<1x125xi32, #tpu.memory_space<vmem>>
    %dma_start3A_11 = tpu.memref_squeeze %dma_start3A_10 : memref<1x125xi32, #tpu.memory_space<vmem>> -> memref<125xi32, #tpu.memory_space<vmem>>
    %dma_start3A_12 = arith.constant 0 : i32
    %dma_start3A_13 = tpu.memref_slice %arg3[%dma_start3A, %add3A, %dma_start3A_1, %dma_start3A_12] : memref<2x32x80x125xi32, #tpu.memory_space<hbm>> -> memref<1x1x1x125xi32, #tpu.memory_space<hbm>>
    %dma_start3A_14 = tpu.memref_squeeze %dma_start3A_13 : memref<1x1x1x125xi32, #tpu.memory_space<hbm>> -> memref<125xi32, #tpu.memory_space<hbm>>
    tpu.enqueue_dma source(%dma_start3A_14 : memref<125xi32, #tpu.memory_space<hbm>>) target(%dma_start3A_11 : memref<125xi32, #tpu.memory_space<vmem>>) target_semaphore(%arg17 : memref<!tpu.dma_semaphore, #tpu.memory_space<semaphore_mem>>)
    %dma_start3A_15 = arith.constant 1 : i32
    %dma_start3A_16 = arith.constant 0 : i32
    %dma_start3A_17 = arith.constant 1 : i32
    %dma_start3A_18 = arith.constant 0 : i32
    %dma_start3A_19 = tpu.memref_slice %arg6[%dma_start3A_17, %dma_start3A_18] : memref<2x125xi32, #tpu.memory_space<vmem>> -> memref<1x125xi32, #tpu.memory_space<vmem>>
    %dma_start3A_20 = tpu.memref_squeeze %dma_start3A_19 : memref<1x125xi32, #tpu.memory_space<vmem>> -> memref<125xi32, #tpu.memory_space<vmem>>
    %dma_start3A_21 = arith.constant 0 : i32
    %dma_start3A_22 = tpu.memref_slice %arg3[%dma_start3A_15, %add3A, %dma_start3A_16, %dma_start3A_21] : memref<2x32x80x125xi32, #tpu.memory_space<hbm>> -> memref<1x1x1x125xi32, #tpu.memory_space<hbm>>
    %dma_start3A_23 = tpu.memref_squeeze %dma_start3A_22 : memref<1x1x1x125xi32, #tpu.memory_space<hbm>> -> memref<125xi32, #tpu.memory_space<hbm>>
    %dma_start3A_24 = arith.constant 0 : i32
    %dma_start3A_25 = tpu.memref_slice %arg6[%dma_start3A_17, %dma_start3A_24] : memref<2x125xi32, #tpu.memory_space<vmem>> -> memref<1x125xi32, #tpu.memory_space<vmem>>
    %dma_start3A_26 = tpu.memref_squeeze %dma_start3A_25 : memref<1x125xi32, #tpu.memory_space<vmem>> -> memref<125xi32, #tpu.memory_space<vmem>>
    %dma_start3A_27 = arith.constant 0 : i32
    %dma_start3A_28 = tpu.memref_slice %arg3[%dma_start3A_15, %add3A, %dma_start3A_16, %dma_start3A_27] : memref<2x32x80x125xi32, #tpu.memory_space<hbm>> -> memref<1x1x1x125xi32, #tpu.memory_space<hbm>>
    %dma_start3A_29 = tpu.memref_squeeze %dma_start3A_28 : memref<1x1x1x125xi32, #tpu.memory_space<hbm>> -> memref<125xi32, #tpu.memory_space<hbm>>
    tpu.enqueue_dma source(%dma_start3A_29 : memref<125xi32, #tpu.memory_space<hbm>>) target(%dma_start3A_26 : memref<125xi32, #tpu.memory_space<vmem>>) target_semaphore(%arg17 : memref<!tpu.dma_semaphore, #tpu.memory_space<semaphore_mem>>)
    %dma_start3A_30 = arith.constant 0 : i32
    %dma_start3A_31 = arith.constant 1 : i32
    %dma_start3A_32 = arith.constant 0 : i32
    %dma_start3A_33 = arith.constant 0 : i32
    %dma_start3A_34 = tpu.memref_slice %arg7[%dma_start3A_32, %dma_start3A_33] : memref<2x125xi32, #tpu.memory_space<vmem>> -> memref<1x125xi32, #tpu.memory_space<vmem>>
    %dma_start3A_35 = tpu.memref_squeeze %dma_start3A_34 : memref<1x125xi32, #tpu.memory_space<vmem>> -> memref<125xi32, #tpu.memory_space<vmem>>
    %dma_start3A_36 = arith.constant 0 : i32
    %dma_start3A_37 = tpu.memref_slice %arg3[%dma_start3A_30, %add3A, %dma_start3A_31, %dma_start3A_36] : memref<2x32x80x125xi32, #tpu.memory_space<hbm>> -> memref<1x1x1x125xi32, #tpu.memory_space<hbm>>
    %dma_start3A_38 = tpu.memref_squeeze %dma_start3A_37 : memref<1x1x1x125xi32, #tpu.memory_space<hbm>> -> memref<125xi32, #tpu.memory_space<hbm>>
    %dma_start3A_39 = arith.constant 0 : i32
    %dma_start3A_40 = tpu.memref_slice %arg7[%dma_start3A_32, %dma_start3A_39] : memref<2x125xi32, #tpu.memory_space<vmem>> -> memref<1x125xi32, #tpu.memory_space<vmem>>
    %dma_start3A_41 = tpu.memref_squeeze %dma_start3A_40 : memref<1x125xi32, #tpu.memory_space<vmem>> -> memref<125xi32, #tpu.memory_space<vmem>>
    %dma_start3A_42 = arith.constant 0 : i32
    %dma_start3A_43 = tpu.memref_slice %arg3[%dma_start3A_30, %add3A, %dma_start3A_31, %dma_start3A_42] : memref<2x32x80x125xi32, #tpu.memory_space<hbm>> -> memref<1x1x1x125xi32, #tpu.memory_space<hbm>>
    %dma_start3A_44 = tpu.memref_squeeze %dma_start3A_43 : memref<1x1x1x125xi32, #tpu.memory_space<hbm>> -> memref<125xi32, #tpu.memory_space<hbm>>
    tpu.enqueue_dma source(%dma_start3A_44 : memref<125xi32, #tpu.memory_space<hbm>>) target(%dma_start3A_41 : memref<125xi32, #tpu.memory_space<vmem>>) target_semaphore(%arg18 : memref<!tpu.dma_semaphore, #tpu.memory_space<semaphore_mem>>)
    %dma_start3A_45 = arith.constant 1 : i32
    %dma_start3A_46 = arith.constant 1 : i32
    %dma_start3A_47 = arith.constant 1 : i32
    %dma_start3A_48 = arith.constant 0 : i32
    %dma_start3A_49 = tpu.memref_slice %arg7[%dma_start3A_47, %dma_start3A_48] : memref<2x125xi32, #tpu.memory_space<vmem>> -> memref<1x125xi32, #tpu.memory_space<vmem>>
    %dma_start3A_50 = tpu.memref_squeeze %dma_start3A_49 : memref<1x125xi32, #tpu.memory_space<vmem>> -> memref<125xi32, #tpu.memory_space<vmem>>
    %dma_start3A_51 = arith.constant 0 : i32
    %dma_start3A_52 = tpu.memref_slice %arg3[%dma_start3A_45, %add3A, %dma_start3A_46, %dma_start3A_51] : memref<2x32x80x125xi32, #tpu.memory_space<hbm>> -> memref<1x1x1x125xi32, #tpu.memory_space<hbm>>
    %dma_start3A_53 = tpu.memref_squeeze %dma_start3A_52 : memref<1x1x1x125xi32, #tpu.memory_space<hbm>> -> memref<125xi32, #tpu.memory_space<hbm>>
    %dma_start3A_54 = arith.constant 0 : i32
    %dma_start3A_55 = tpu.memref_slice %arg7[%dma_start3A_47, %dma_start3A_54] : memref<2x125xi32, #tpu.memory_space<vmem>> -> memref<1x125xi32, #tpu.memory_space<vmem>>
    %dma_start3A_56 = tpu.memref_squeeze %dma_start3A_55 : memref<1x125xi32, #tpu.memory_space<vmem>> -> memref<125xi32, #tpu.memory_space<vmem>>
    %dma_start3A_57 = arith.constant 0 : i32
    %dma_start3A_58 = tpu.memref_slice %arg3[%dma_start3A_45, %add3A, %dma_start3A_46, %dma_start3A_57] : memref<2x32x80x125xi32, #tpu.memory_space<hbm>> -> memref<1x1x1x125xi32, #tpu.memory_space<hbm>>
    %dma_start3A_59 = tpu.memref_squeeze %dma_start3A_58 : memref<1x1x1x125xi32, #tpu.memory_space<hbm>> -> memref<125xi32, #tpu.memory_space<hbm>>
    tpu.enqueue_dma source(%dma_start3A_59 : memref<125xi32, #tpu.memory_space<hbm>>) target(%dma_start3A_56 : memref<125xi32, #tpu.memory_space<vmem>>) target_semaphore(%arg18 : memref<!tpu.dma_semaphore, #tpu.memory_space<semaphore_mem>>)
    %scan3A = arith.constant 0 : i32
    %scan3A_60 = arith.constant 0 : i32
    %scan3A_61 = arith.constant 32 : i32
    %scan3A_62 = arith.addi %scan3A_60, %scan3A_61 : i32
    %scan3A_63 = arith.constant 1 : i32
    scf.for %scan3A_802 = %scan3A_60 to %scan3A_62 step %scan3A_63  : i32 {
      %scan3A_803 = arith.constant 0 : i32
      %scan3A_804 = arith.constant 8 : i32
      %scan3A_805 = arith.addi %scan3A_803, %scan3A_804 : i32
      %scan3A_806 = arith.constant 1 : i32
      scf.for %scan3A_808 = %scan3A_803 to %scan3A_805 step %scan3A_806  : i32 {
        %broadcast_in_dim3A = arith.constant 0.000000e+00 : f32
        %broadcast_in_dim3A_809 = vector.broadcast %broadcast_in_dim3A : f32 to vector<16xf32>
        %mul3A_810 = arith.constant 16 : i32
        %mul3A_811 = arith.muli %scan3A_808, %mul3A_810 : i32
        %swap3A = arith.index_cast %scan3A_802 : i32 to index
        %swap3A_812 = arith.index_cast %mul3A_811 : i32 to index
        %swap3A_813 = tpu.vector_load %arg12[%swap3A, %swap3A_812] {strides = array<i32>} : memref<32x128xf32, #tpu.memory_space<vmem>>, vector<1x16xf32>,
        %swap3A_814 = vector.shape_cast %swap3A_813 : vector<1x16xf32> to vector<16xf32>
        %swap3A_815 = vector.shape_cast %broadcast_in_dim3A_809 : vector<16xf32> to vector<1x16xf32>
        tpu.vector_store %arg12[%swap3A, %swap3A_812], %swap3A_815 {strides = array<i32>} : memref<32x128xf32, #tpu.memory_space<vmem>>, vector<1x16xf32>,
      }
      %scan3A_807 = arith.constant 8 : i32
    }
    %scan3A_64 = arith.constant 32 : i32
    %mul3A_65 = arith.constant 640 : i32
    %mul3A_66 = arith.muli %arg1, %mul3A_65 : i32
    %add3A_67 = arith.constant 0 : i32
    %add3A_68 = arith.addi %mul3A_66, %add3A_67 : i32
    "tpu.region"() ({
      %run_scoped3A = tpu.sem_alloc : memref<!tpu.dma_semaphore, #tpu.memory_space<semaphore_mem>>
      %dma_start3A_802 = arith.constant 0 : i32
      %dma_start3A_803 = tpu.memref_slice %arg5[%add3A_68, %dma_start3A_802] : memref<10240x128xf32, #tpu.memory_space<vmem_shared>> -> memref<32x128xf32, #tpu.memory_space<vmem_shared>>
      %dma_start3A_804 = arith.constant 0 : i32
      %dma_start3A_805 = tpu.memref_slice %arg5[%add3A_68, %dma_start3A_804] : memref<10240x128xf32, #tpu.memory_space<vmem_shared>> -> memref<32x128xf32, #tpu.memory_space<vmem_shared>>
      tpu.enqueue_dma source(%arg12 : memref<32x128xf32, #tpu.memory_space<vmem>>) target(%dma_start3A_805 : memref<32x128xf32, #tpu.memory_space<vmem_shared>>) target_semaphore(%run_scoped3A : memref<!tpu.dma_semaphore, #tpu.memory_space<semaphore_mem>>)
      %dma_wait3A_806 = arith.constant 0 : i32
      %dma_wait3A_807 = tpu.memref_slice %arg5[%add3A_68, %dma_wait3A_806] : memref<10240x128xf32, #tpu.memory_space<vmem_shared>> -> memref<32x128xf32, #tpu.memory_space<vmem_shared>>
      %dma_wait3A_808 = arith.constant 0 : i32
      %dma_wait3A_809 = tpu.memref_slice %arg5[%add3A_68, %dma_wait3A_808] : memref<10240x128xf32, #tpu.memory_space<vmem_shared>> -> memref<32x128xf32, #tpu.memory_space<vmem_shared>>
      tpu.wait_dma2 semaphore(%run_scoped3A : memref<!tpu.dma_semaphore, #tpu.memory_space<semaphore_mem>>) src(%arg12 : memref<32x128xf32, #tpu.memory_space<vmem>>) dst(%dma_wait3A_809 : memref<32x128xf32, #tpu.memory_space<vmem_shared>>)
      tpu.yield
    }) : () -> ()
    %mul3A_69 = arith.constant 640 : i32
    %mul3A_70 = arith.muli %arg1, %mul3A_69 : i32
    %add3A_71 = arith.constant 32 : i32
    %add3A_72 = arith.addi %mul3A_70, %add3A_71 : i32
    "tpu.region"() ({
      %run_scoped3A = tpu.sem_alloc : memref<!tpu.dma_semaphore, #tpu.memory_space<semaphore_mem>>
      %dma_start3A_802 = arith.constant 0 : i32
      %dma_start3A_803 = tpu.memref_slice %arg5[%add3A_72, %dma_start3A_802] : memref<10240x128xf32, #tpu.memory_space<vmem_shared>> -> memref<32x128xf32, #tpu.memory_space<vmem_shared>>
      %dma_start3A_804 = arith.constant 0 : i32
      %dma_start3A_805 = tpu.memref_slice %arg5[%add3A_72, %dma_start3A_804] : memref<10240x128xf32, #tpu.memory_space<vmem_shared>> -> memref<32x128xf32, #tpu.memory_space<vmem_shared>>
      tpu.enqueue_dma source(%arg12 : memref<32x128xf32, #tpu.memory_space<vmem>>) target(%dma_start3A_805 : memref<32x128xf32, #tpu.memory_space<vmem_shared>>) target_semaphore(%run_scoped3A : memref<!tpu.dma_semaphore, #tpu.memory_space<semaphore_mem>>)
      %dma_wait3A_806 = arith.constant 0 : i32
      %dma_wait3A_807 = tpu.memref_slice %arg5[%add3A_72, %dma_wait3A_806] : memref<10240x128xf32, #tpu.memory_space<vmem_shared>> -> memref<32x128xf32, #tpu.memory_space<vmem_shared>>
      %dma_wait3A_808 = arith.constant 0 : i32
      %dma_wait3A_809 = tpu.memref_slice %arg5[%add3A_72, %dma_wait3A_808] : memref<10240x128xf32, #tpu.memory_space<vmem_shared>> -> memref<32x128xf32, #tpu.memory_space<vmem_shared>>
      tpu.wait_dma2 semaphore(%run_scoped3A : memref<!tpu.dma_semaphore, #tpu.memory_space<semaphore_mem>>) src(%arg12 : memref<32x128xf32, #tpu.memory_space<vmem>>) dst(%dma_wait3A_809 : memref<32x128xf32, #tpu.memory_space<vmem_shared>>)
      tpu.yield
    }) : () -> ()
    %mul3A_73 = arith.constant 640 : i32
    %mul3A_74 = arith.muli %arg1, %mul3A_73 : i32
    %add3A_75 = arith.constant 64 : i32
    %add3A_76 = arith.addi %mul3A_74, %add3A_75 : i32
    "tpu.region"() ({
      %run_scoped3A = tpu.sem_alloc : memref<!tpu.dma_semaphore, #tpu.memory_space<semaphore_mem>>
      %dma_start3A_802 = arith.constant 0 : i32
      %dma_start3A_803 = tpu.memref_slice %arg5[%add3A_76, %dma_start3A_802] : memref<10240x128xf32, #tpu.memory_space<vmem_shared>> -> memref<32x128xf32, #tpu.memory_space<vmem_shared>>
      %dma_start3A_804 = arith.constant 0 : i32
      %dma_start3A_805 = tpu.memref_slice %arg5[%add3A_76, %dma_start3A_804] : memref<10240x128xf32, #tpu.memory_space<vmem_shared>> -> memref<32x128xf32, #tpu.memory_space<vmem_shared>>
      tpu.enqueue_dma source(%arg12 : memref<32x128xf32, #tpu.memory_space<vmem>>) target(%dma_start3A_805 : memref<32x128xf32, #tpu.memory_space<vmem_shared>>) target_semaphore(%run_scoped3A : memref<!tpu.dma_semaphore, #tpu.memory_space<semaphore_mem>>)
      %dma_wait3A_806 = arith.constant 0 : i32
      %dma_wait3A_807 = tpu.memref_slice %arg5[%add3A_76, %dma_wait3A_806] : memref<10240x128xf32, #tpu.memory_space<vmem_shared>> -> memref<32x128xf32, #tpu.memory_space<vmem_shared>>
      %dma_wait3A_808 = arith.constant 0 : i32
      %dma_wait3A_809 = tpu.memref_slice %arg5[%add3A_76, %dma_wait3A_808] : memref<10240x128xf32, #tpu.memory_space<vmem_shared>> -> memref<32x128xf32, #tpu.memory_space<vmem_shared>>
      tpu.wait_dma2 semaphore(%run_scoped3A : memref<!tpu.dma_semaphore, #tpu.memory_space<semaphore_mem>>) src(%arg12 : memref<32x128xf32, #tpu.memory_space<vmem>>) dst(%dma_wait3A_809 : memref<32x128xf32, #tpu.memory_space<vmem_shared>>)
      tpu.yield
    }) : () -> ()
    %mul3A_77 = arith.constant 640 : i32
    %mul3A_78 = arith.muli %arg1, %mul3A_77 : i32
    %add3A_79 = arith.constant 96 : i32
    %add3A_80 = arith.addi %mul3A_78, %add3A_79 : i32
    "tpu.region"() ({
      %run_scoped3A = tpu.sem_alloc : memref<!tpu.dma_semaphore, #tpu.memory_space<semaphore_mem>>
      %dma_start3A_802 = arith.constant 0 : i32
      %dma_start3A_803 = tpu.memref_slice %arg5[%add3A_80, %dma_start3A_802] : memref<10240x128xf32, #tpu.memory_space<vmem_shared>> -> memref<32x128xf32, #tpu.memory_space<vmem_shared>>
      %dma_start3A_804 = arith.constant 0 : i32
      %dma_start3A_805 = tpu.memref_slice %arg5[%add3A_80, %dma_start3A_804] : memref<10240x128xf32, #tpu.memory_space<vmem_shared>> -> memref<32x128xf32, #tpu.memory_space<vmem_shared>>
      tpu.enqueue_dma source(%arg12 : memref<32x128xf32, #tpu.memory_space<vmem>>) target(%dma_start3A_805 : memref<32x128xf32, #tpu.memory_space<vmem_shared>>) target_semaphore(%run_scoped3A : memref<!tpu.dma_semaphore, #tpu.memory_space<semaphore_mem>>)
      %dma_wait3A_806 = arith.constant 0 : i32
      %dma_wait3A_807 = tpu.memref_slice %arg5[%add3A_80, %dma_wait3A_806] : memref<10240x128xf32, #tpu.memory_space<vmem_shared>> -> memref<32x128xf32, #tpu.memory_space<vmem_shared>>
      %dma_wait3A_808 = arith.constant 0 : i32
      %dma_wait3A_809 = tpu.memref_slice %arg5[%add3A_80, %dma_wait3A_808] : memref<10240x128xf32, #tpu.memory_space<vmem_shared>> -> memref<32x128xf32, #tpu.memory_space<vmem_shared>>
      tpu.wait_dma2 semaphore(%run_scoped3A : memref<!tpu.dma_semaphore, #tpu.memory_space<semaphore_mem>>) src(%arg12 : memref<32x128xf32, #tpu.memory_space<vmem>>) dst(%dma_wait3A_809 : memref<32x128xf32, #tpu.memory_space<vmem_shared>>)
      tpu.yield
    }) : () -> ()
    %mul3A_81 = arith.constant 640 : i32
    %mul3A_82 = arith.muli %arg1, %mul3A_81 : i32
    %add3A_83 = arith.constant 128 : i32
    %add3A_84 = arith.addi %mul3A_82, %add3A_83 : i32
    "tpu.region"() ({
      %run_scoped3A = tpu.sem_alloc : memref<!tpu.dma_semaphore, #tpu.memory_space<semaphore_mem>>
      %dma_start3A_802 = arith.constant 0 : i32
      %dma_start3A_803 = tpu.memref_slice %arg5[%add3A_84, %dma_start3A_802] : memref<10240x128xf32, #tpu.memory_space<vmem_shared>> -> memref<32x128xf32, #tpu.memory_space<vmem_shared>>
      %dma_start3A_804 = arith.constant 0 : i32
      %dma_start3A_805 = tpu.memref_slice %arg5[%add3A_84, %dma_start3A_804] : memref<10240x128xf32, #tpu.memory_space<vmem_shared>> -> memref<32x128xf32, #tpu.memory_space<vmem_shared>>
      tpu.enqueue_dma source(%arg12 : memref<32x128xf32, #tpu.memory_space<vmem>>) target(%dma_start3A_805 : memref<32x128xf32, #tpu.memory_space<vmem_shared>>) target_semaphore(%run_scoped3A : memref<!tpu.dma_semaphore, #tpu.memory_space<semaphore_mem>>)
      %dma_wait3A_806 = arith.constant 0 : i32
      %dma_wait3A_807 = tpu.memref_slice %arg5[%add3A_84, %dma_wait3A_806] : memref<10240x128xf32, #tpu.memory_space<vmem_shared>> -> memref<32x128xf32, #tpu.memory_space<vmem_shared>>
      %dma_wait3A_808 = arith.constant 0 : i32
      %dma_wait3A_809 = tpu.memref_slice %arg5[%add3A_84, %dma_wait3A_808] : memref<10240x128xf32, #tpu.memory_space<vmem_shared>> -> memref<32x128xf32, #tpu.memory_space<vmem_shared>>
      tpu.wait_dma2 semaphore(%run_scoped3A : memref<!tpu.dma_semaphore, #tpu.memory_space<semaphore_mem>>) src(%arg12 : memref<32x128xf32, #tpu.memory_space<vmem>>) dst(%dma_wait3A_809 : memref<32x128xf32, #tpu.memory_space<vmem_shared>>)
      tpu.yield
    }) : () -> ()
    %mul3A_85 = arith.constant 640 : i32
    %mul3A_86 = arith.muli %arg1, %mul3A_85 : i32
    %add3A_87 = arith.constant 160 : i32
    %add3A_88 = arith.addi %mul3A_86, %add3A_87 : i32
    "tpu.region"() ({
      %run_scoped3A = tpu.sem_alloc : memref<!tpu.dma_semaphore, #tpu.memory_space<semaphore_mem>>
      %dma_start3A_802 = arith.constant 0 : i32
      %dma_start3A_803 = tpu.memref_slice %arg5[%add3A_88, %dma_start3A_802] : memref<10240x128xf32, #tpu.memory_space<vmem_shared>> -> memref<32x128xf32, #tpu.memory_space<vmem_shared>>
      %dma_start3A_804 = arith.constant 0 : i32
      %dma_start3A_805 = tpu.memref_slice %arg5[%add3A_88, %dma_start3A_804] : memref<10240x128xf32, #tpu.memory_space<vmem_shared>> -> memref<32x128xf32, #tpu.memory_space<vmem_shared>>
      tpu.enqueue_dma source(%arg12 : memref<32x128xf32, #tpu.memory_space<vmem>>) target(%dma_start3A_805 : memref<32x128xf32, #tpu.memory_space<vmem_shared>>) target_semaphore(%run_scoped3A : memref<!tpu.dma_semaphore, #tpu.memory_space<semaphore_mem>>)
      %dma_wait3A_806 = arith.constant 0 : i32
      %dma_wait3A_807 = tpu.memref_slice %arg5[%add3A_88, %dma_wait3A_806] : memref<10240x128xf32, #tpu.memory_space<vmem_shared>> -> memref<32x128xf32, #tpu.memory_space<vmem_shared>>
      %dma_wait3A_808 = arith.constant 0 : i32
      %dma_wait3A_809 = tpu.memref_slice %arg5[%add3A_88, %dma_wait3A_808] : memref<10240x128xf32, #tpu.memory_space<vmem_shared>> -> memref<32x128xf32, #tpu.memory_space<vmem_shared>>
      tpu.wait_dma2 semaphore(%run_scoped3A : memref<!tpu.dma_semaphore, #tpu.memory_space<semaphore_mem>>) src(%arg12 : memref<32x128xf32, #tpu.memory_space<vmem>>) dst(%dma_wait3A_809 : memref<32x128xf32, #tpu.memory_space<vmem_shared>>)
      tpu.yield
    }) : () -> ()
    %mul3A_89 = arith.constant 640 : i32
    %mul3A_90 = arith.muli %arg1, %mul3A_89 : i32
    %add3A_91 = arith.constant 192 : i32
    %add3A_92 = arith.addi %mul3A_90, %add3A_91 : i32
    "tpu.region"() ({
      %run_scoped3A = tpu.sem_alloc : memref<!tpu.dma_semaphore, #tpu.memory_space<semaphore_mem>>
      %dma_start3A_802 = arith.constant 0 : i32
      %dma_start3A_803 = tpu.memref_slice %arg5[%add3A_92, %dma_start3A_802] : memref<10240x128xf32, #tpu.memory_space<vmem_shared>> -> memref<32x128xf32, #tpu.memory_space<vmem_shared>>
      %dma_start3A_804 = arith.constant 0 : i32
      %dma_start3A_805 = tpu.memref_slice %arg5[%add3A_92, %dma_start3A_804] : memref<10240x128xf32, #tpu.memory_space<vmem_shared>> -> memref<32x128xf32, #tpu.memory_space<vmem_shared>>
      tpu.enqueue_dma source(%arg12 : memref<32x128xf32, #tpu.memory_space<vmem>>) target(%dma_start3A_805 : memref<32x128xf32, #tpu.memory_space<vmem_shared>>) target_semaphore(%run_scoped3A : memref<!tpu.dma_semaphore, #tpu.memory_space<semaphore_mem>>)
      %dma_wait3A_806 = arith.constant 0 : i32
      %dma_wait3A_807 = tpu.memref_slice %arg5[%add3A_92, %dma_wait3A_806] : memref<10240x128xf32, #tpu.memory_space<vmem_shared>> -> memref<32x128xf32, #tpu.memory_space<vmem_shared>>
      %dma_wait3A_808 = arith.constant 0 : i32
      %dma_wait3A_809 = tpu.memref_slice %arg5[%add3A_92, %dma_wait3A_808] : memref<10240x128xf32, #tpu.memory_space<vmem_shared>> -> memref<32x128xf32, #tpu.memory_space<vmem_shared>>
      tpu.wait_dma2 semaphore(%run_scoped3A : memref<!tpu.dma_semaphore, #tpu.memory_space<semaphore_mem>>) src(%arg12 : memref<32x128xf32, #tpu.memory_space<vmem>>) dst(%dma_wait3A_809 : memref<32x128xf32, #tpu.memory_space<vmem_shared>>)
      tpu.yield
    }) : () -> ()
    %mul3A_93 = arith.constant 640 : i32
    %mul3A_94 = arith.muli %arg1, %mul3A_93 : i32
    %add3A_95 = arith.constant 224 : i32
    %add3A_96 = arith.addi %mul3A_94, %add3A_95 : i32
    "tpu.region"() ({
      %run_scoped3A = tpu.sem_alloc : memref<!tpu.dma_semaphore, #tpu.memory_space<semaphore_mem>>
      %dma_start3A_802 = arith.constant 0 : i32
      %dma_start3A_803 = tpu.memref_slice %arg5[%add3A_96, %dma_start3A_802] : memref<10240x128xf32, #tpu.memory_space<vmem_shared>> -> memref<32x128xf32, #tpu.memory_space<vmem_shared>>
      %dma_start3A_804 = arith.constant 0 : i32
      %dma_start3A_805 = tpu.memref_slice %arg5[%add3A_96, %dma_start3A_804] : memref<10240x128xf32, #tpu.memory_space<vmem_shared>> -> memref<32x128xf32, #tpu.memory_space<vmem_shared>>
      tpu.enqueue_dma source(%arg12 : memref<32x128xf32, #tpu.memory_space<vmem>>) target(%dma_start3A_805 : memref<32x128xf32, #tpu.memory_space<vmem_shared>>) target_semaphore(%run_scoped3A : memref<!tpu.dma_semaphore, #tpu.memory_space<semaphore_mem>>)
      %dma_wait3A_806 = arith.constant 0 : i32
      %dma_wait3A_807 = tpu.memref_slice %arg5[%add3A_96, %dma_wait3A_806] : memref<10240x128xf32, #tpu.memory_space<vmem_shared>> -> memref<32x128xf32, #tpu.memory_space<vmem_shared>>
      %dma_wait3A_808 = arith.constant 0 : i32
      %dma_wait3A_809 = tpu.memref_slice %arg5[%add3A_96, %dma_wait3A_808] : memref<10240x128xf32, #tpu.memory_space<vmem_shared>> -> memref<32x128xf32, #tpu.memory_space<vmem_shared>>
      tpu.wait_dma2 semaphore(%run_scoped3A : memref<!tpu.dma_semaphore, #tpu.memory_space<semaphore_mem>>) src(%arg12 : memref<32x128xf32, #tpu.memory_space<vmem>>) dst(%dma_wait3A_809 : memref<32x128xf32, #tpu.memory_space<vmem_shared>>)
      tpu.yield
    }) : () -> ()
    %mul3A_97 = arith.constant 640 : i32
    %mul3A_98 = arith.muli %arg1, %mul3A_97 : i32
    %add3A_99 = arith.constant 256 : i32
    %add3A_100 = arith.addi %mul3A_98, %add3A_99 : i32
    "tpu.region"() ({
      %run_scoped3A = tpu.sem_alloc : memref<!tpu.dma_semaphore, #tpu.memory_space<semaphore_mem>>
      %dma_start3A_802 = arith.constant 0 : i32
      %dma_start3A_803 = tpu.memref_slice %arg5[%add3A_100, %dma_start3A_802] : memref<10240x128xf32, #tpu.memory_space<vmem_shared>> -> memref<32x128xf32, #tpu.memory_space<vmem_shared>>
      %dma_start3A_804 = arith.constant 0 : i32
      %dma_start3A_805 = tpu.memref_slice %arg5[%add3A_100, %dma_start3A_804] : memref<10240x128xf32, #tpu.memory_space<vmem_shared>> -> memref<32x128xf32, #tpu.memory_space<vmem_shared>>
      tpu.enqueue_dma source(%arg12 : memref<32x128xf32, #tpu.memory_space<vmem>>) target(%dma_start3A_805 : memref<32x128xf32, #tpu.memory_space<vmem_shared>>) target_semaphore(%run_scoped3A : memref<!tpu.dma_semaphore, #tpu.memory_space<semaphore_mem>>)
      %dma_wait3A_806 = arith.constant 0 : i32
      %dma_wait3A_807 = tpu.memref_slice %arg5[%add3A_100, %dma_wait3A_806] : memref<10240x128xf32, #tpu.memory_space<vmem_shared>> -> memref<32x128xf32, #tpu.memory_space<vmem_shared>>
      %dma_wait3A_808 = arith.constant 0 : i32
      %dma_wait3A_809 = tpu.memref_slice %arg5[%add3A_100, %dma_wait3A_808] : memref<10240x128xf32, #tpu.memory_space<vmem_shared>> -> memref<32x128xf32, #tpu.memory_space<vmem_shared>>
      tpu.wait_dma2 semaphore(%run_scoped3A : memref<!tpu.dma_semaphore, #tpu.memory_space<semaphore_mem>>) src(%arg12 : memref<32x128xf32, #tpu.memory_space<vmem>>) dst(%dma_wait3A_809 : memref<32x128xf32, #tpu.memory_space<vmem_shared>>)
      tpu.yield
    }) : () -> ()
    %mul3A_101 = arith.constant 640 : i32
    %mul3A_102 = arith.muli %arg1, %mul3A_101 : i32
    %add3A_103 = arith.constant 288 : i32
    %add3A_104 = arith.addi %mul3A_102, %add3A_103 : i32
    "tpu.region"() ({
      %run_scoped3A = tpu.sem_alloc : memref<!tpu.dma_semaphore, #tpu.memory_space<semaphore_mem>>
      %dma_start3A_802 = arith.constant 0 : i32
      %dma_start3A_803 = tpu.memref_slice %arg5[%add3A_104, %dma_start3A_802] : memref<10240x128xf32, #tpu.memory_space<vmem_shared>> -> memref<32x128xf32, #tpu.memory_space<vmem_shared>>
      %dma_start3A_804 = arith.constant 0 : i32
      %dma_start3A_805 = tpu.memref_slice %arg5[%add3A_104, %dma_start3A_804] : memref<10240x128xf32, #tpu.memory_space<vmem_shared>> -> memref<32x128xf32, #tpu.memory_space<vmem_shared>>
      tpu.enqueue_dma source(%arg12 : memref<32x128xf32, #tpu.memory_space<vmem>>) target(%dma_start3A_805 : memref<32x128xf32, #tpu.memory_space<vmem_shared>>) target_semaphore(%run_scoped3A : memref<!tpu.dma_semaphore, #tpu.memory_space<semaphore_mem>>)
      %dma_wait3A_806 = arith.constant 0 : i32
      %dma_wait3A_807 = tpu.memref_slice %arg5[%add3A_104, %dma_wait3A_806] : memref<10240x128xf32, #tpu.memory_space<vmem_shared>> -> memref<32x128xf32, #tpu.memory_space<vmem_shared>>
      %dma_wait3A_808 = arith.constant 0 : i32
      %dma_wait3A_809 = tpu.memref_slice %arg5[%add3A_104, %dma_wait3A_808] : memref<10240x128xf32, #tpu.memory_space<vmem_shared>> -> memref<32x128xf32, #tpu.memory_space<vmem_shared>>
      tpu.wait_dma2 semaphore(%run_scoped3A : memref<!tpu.dma_semaphore, #tpu.memory_space<semaphore_mem>>) src(%arg12 : memref<32x128xf32, #tpu.memory_space<vmem>>) dst(%dma_wait3A_809 : memref<32x128xf32, #tpu.memory_space<vmem_shared>>)
      tpu.yield
    }) : () -> ()
    %mul3A_105 = arith.constant 640 : i32
    %mul3A_106 = arith.muli %arg1, %mul3A_105 : i32
    %add3A_107 = arith.constant 320 : i32
    %add3A_108 = arith.addi %mul3A_106, %add3A_107 : i32
    "tpu.region"() ({
      %run_scoped3A = tpu.sem_alloc : memref<!tpu.dma_semaphore, #tpu.memory_space<semaphore_mem>>
      %dma_start3A_802 = arith.constant 0 : i32
      %dma_start3A_803 = tpu.memref_slice %arg5[%add3A_108, %dma_start3A_802] : memref<10240x128xf32, #tpu.memory_space<vmem_shared>> -> memref<32x128xf32, #tpu.memory_space<vmem_shared>>
      %dma_start3A_804 = arith.constant 0 : i32
      %dma_start3A_805 = tpu.memref_slice %arg5[%add3A_108, %dma_start3A_804] : memref<10240x128xf32, #tpu.memory_space<vmem_shared>> -> memref<32x128xf32, #tpu.memory_space<vmem_shared>>
      tpu.enqueue_dma source(%arg12 : memref<32x128xf32, #tpu.memory_space<vmem>>) target(%dma_start3A_805 : memref<32x128xf32, #tpu.memory_space<vmem_shared>>) target_semaphore(%run_scoped3A : memref<!tpu.dma_semaphore, #tpu.memory_space<semaphore_mem>>)
      %dma_wait3A_806 = arith.constant 0 : i32
      %dma_wait3A_807 = tpu.memref_slice %arg5[%add3A_108, %dma_wait3A_806] : memref<10240x128xf32, #tpu.memory_space<vmem_shared>> -> memref<32x128xf32, #tpu.memory_space<vmem_shared>>
      %dma_wait3A_808 = arith.constant 0 : i32
      %dma_wait3A_809 = tpu.memref_slice %arg5[%add3A_108, %dma_wait3A_808] : memref<10240x128xf32, #tpu.memory_space<vmem_shared>> -> memref<32x128xf32, #tpu.memory_space<vmem_shared>>
      tpu.wait_dma2 semaphore(%run_scoped3A : memref<!tpu.dma_semaphore, #tpu.memory_space<semaphore_mem>>) src(%arg12 : memref<32x128xf32, #tpu.memory_space<vmem>>) dst(%dma_wait3A_809 : memref<32x128xf32, #tpu.memory_space<vmem_shared>>)
      tpu.yield
    }) : () -> ()
    %mul3A_109 = arith.constant 640 : i32
    %mul3A_110 = arith.muli %arg1, %mul3A_109 : i32
    %add3A_111 = arith.constant 352 : i32
    %add3A_112 = arith.addi %mul3A_110, %add3A_111 : i32
    "tpu.region"() ({
      %run_scoped3A = tpu.sem_alloc : memref<!tpu.dma_semaphore, #tpu.memory_space<semaphore_mem>>
      %dma_start3A_802 = arith.constant 0 : i32
      %dma_start3A_803 = tpu.memref_slice %arg5[%add3A_112, %dma_start3A_802] : memref<10240x128xf32, #tpu.memory_space<vmem_shared>> -> memref<32x128xf32, #tpu.memory_space<vmem_shared>>
      %dma_start3A_804 = arith.constant 0 : i32
      %dma_start3A_805 = tpu.memref_slice %arg5[%add3A_112, %dma_start3A_804] : memref<10240x128xf32, #tpu.memory_space<vmem_shared>> -> memref<32x128xf32, #tpu.memory_space<vmem_shared>>
      tpu.enqueue_dma source(%arg12 : memref<32x128xf32, #tpu.memory_space<vmem>>) target(%dma_start3A_805 : memref<32x128xf32, #tpu.memory_space<vmem_shared>>) target_semaphore(%run_scoped3A : memref<!tpu.dma_semaphore, #tpu.memory_space<semaphore_mem>>)
      %dma_wait3A_806 = arith.constant 0 : i32
      %dma_wait3A_807 = tpu.memref_slice %arg5[%add3A_112, %dma_wait3A_806] : memref<10240x128xf32, #tpu.memory_space<vmem_shared>> -> memref<32x128xf32, #tpu.memory_space<vmem_shared>>
      %dma_wait3A_808 = arith.constant 0 : i32
      %dma_wait3A_809 = tpu.memref_slice %arg5[%add3A_112, %dma_wait3A_808] : memref<10240x128xf32, #tpu.memory_space<vmem_shared>> -> memref<32x128xf32, #tpu.memory_space<vmem_shared>>
      tpu.wait_dma2 semaphore(%run_scoped3A : memref<!tpu.dma_semaphore, #tpu.memory_space<semaphore_mem>>) src(%arg12 : memref<32x128xf32, #tpu.memory_space<vmem>>) dst(%dma_wait3A_809 : memref<32x128xf32, #tpu.memory_space<vmem_shared>>)
      tpu.yield
    }) : () -> ()
    %mul3A_113 = arith.constant 640 : i32
    %mul3A_114 = arith.muli %arg1, %mul3A_113 : i32
    %add3A_115 = arith.constant 384 : i32
    %add3A_116 = arith.addi %mul3A_114, %add3A_115 : i32
    "tpu.region"() ({
      %run_scoped3A = tpu.sem_alloc : memref<!tpu.dma_semaphore, #tpu.memory_space<semaphore_mem>>
      %dma_start3A_802 = arith.constant 0 : i32
      %dma_start3A_803 = tpu.memref_slice %arg5[%add3A_116, %dma_start3A_802] : memref<10240x128xf32, #tpu.memory_space<vmem_shared>> -> memref<32x128xf32, #tpu.memory_space<vmem_shared>>
      %dma_start3A_804 = arith.constant 0 : i32
      %dma_start3A_805 = tpu.memref_slice %arg5[%add3A_116, %dma_start3A_804] : memref<10240x128xf32, #tpu.memory_space<vmem_shared>> -> memref<32x128xf32, #tpu.memory_space<vmem_shared>>
      tpu.enqueue_dma source(%arg12 : memref<32x128xf32, #tpu.memory_space<vmem>>) target(%dma_start3A_805 : memref<32x128xf32, #tpu.memory_space<vmem_shared>>) target_semaphore(%run_scoped3A : memref<!tpu.dma_semaphore, #tpu.memory_space<semaphore_mem>>)
      %dma_wait3A_806 = arith.constant 0 : i32
      %dma_wait3A_807 = tpu.memref_slice %arg5[%add3A_116, %dma_wait3A_806] : memref<10240x128xf32, #tpu.memory_space<vmem_shared>> -> memref<32x128xf32, #tpu.memory_space<vmem_shared>>
      %dma_wait3A_808 = arith.constant 0 : i32
      %dma_wait3A_809 = tpu.memref_slice %arg5[%add3A_116, %dma_wait3A_808] : memref<10240x128xf32, #tpu.memory_space<vmem_shared>> -> memref<32x128xf32, #tpu.memory_space<vmem_shared>>
      tpu.wait_dma2 semaphore(%run_scoped3A : memref<!tpu.dma_semaphore, #tpu.memory_space<semaphore_mem>>) src(%arg12 : memref<32x128xf32, #tpu.memory_space<vmem>>) dst(%dma_wait3A_809 : memref<32x128xf32, #tpu.memory_space<vmem_shared>>)
      tpu.yield
    }) : () -> ()
    %mul3A_117 = arith.constant 640 : i32
    %mul3A_118 = arith.muli %arg1, %mul3A_117 : i32
    %add3A_119 = arith.constant 416 : i32
    %add3A_120 = arith.addi %mul3A_118, %add3A_119 : i32
    "tpu.region"() ({
      %run_scoped3A = tpu.sem_alloc : memref<!tpu.dma_semaphore, #tpu.memory_space<semaphore_mem>>
      %dma_start3A_802 = arith.constant 0 : i32
      %dma_start3A_803 = tpu.memref_slice %arg5[%add3A_120, %dma_start3A_802] : memref<10240x128xf32, #tpu.memory_space<vmem_shared>> -> memref<32x128xf32, #tpu.memory_space<vmem_shared>>
      %dma_start3A_804 = arith.constant 0 : i32
      %dma_start3A_805 = tpu.memref_slice %arg5[%add3A_120, %dma_start3A_804] : memref<10240x128xf32, #tpu.memory_space<vmem_shared>> -> memref<32x128xf32, #tpu.memory_space<vmem_shared>>
      tpu.enqueue_dma source(%arg12 : memref<32x128xf32, #tpu.memory_space<vmem>>) target(%dma_start3A_805 : memref<32x128xf32, #tpu.memory_space<vmem_shared>>) target_semaphore(%run_scoped3A : memref<!tpu.dma_semaphore, #tpu.memory_space<semaphore_mem>>)
      %dma_wait3A_806 = arith.constant 0 : i32
      %dma_wait3A_807 = tpu.memref_slice %arg5[%add3A_120, %dma_wait3A_806] : memref<10240x128xf32, #tpu.memory_space<vmem_shared>> -> memref<32x128xf32, #tpu.memory_space<vmem_shared>>
      %dma_wait3A_808 = arith.constant 0 : i32
      %dma_wait3A_809 = tpu.memref_slice %arg5[%add3A_120, %dma_wait3A_808] : memref<10240x128xf32, #tpu.memory_space<vmem_shared>> -> memref<32x128xf32, #tpu.memory_space<vmem_shared>>
      tpu.wait_dma2 semaphore(%run_scoped3A : memref<!tpu.dma_semaphore, #tpu.memory_space<semaphore_mem>>) src(%arg12 : memref<32x128xf32, #tpu.memory_space<vmem>>) dst(%dma_wait3A_809 : memref<32x128xf32, #tpu.memory_space<vmem_shared>>)
      tpu.yield
    }) : () -> ()
    %mul3A_121 = arith.constant 640 : i32
    %mul3A_122 = arith.muli %arg1, %mul3A_121 : i32
    %add3A_123 = arith.constant 448 : i32
    %add3A_124 = arith.addi %mul3A_122, %add3A_123 : i32
    "tpu.region"() ({
      %run_scoped3A = tpu.sem_alloc : memref<!tpu.dma_semaphore, #tpu.memory_space<semaphore_mem>>
      %dma_start3A_802 = arith.constant 0 : i32
      %dma_start3A_803 = tpu.memref_slice %arg5[%add3A_124, %dma_start3A_802] : memref<10240x128xf32, #tpu.memory_space<vmem_shared>> -> memref<32x128xf32, #tpu.memory_space<vmem_shared>>
      %dma_start3A_804 = arith.constant 0 : i32
      %dma_start3A_805 = tpu.memref_slice %arg5[%add3A_124, %dma_start3A_804] : memref<10240x128xf32, #tpu.memory_space<vmem_shared>> -> memref<32x128xf32, #tpu.memory_space<vmem_shared>>
      tpu.enqueue_dma source(%arg12 : memref<32x128xf32, #tpu.memory_space<vmem>>) target(%dma_start3A_805 : memref<32x128xf32, #tpu.memory_space<vmem_shared>>) target_semaphore(%run_scoped3A : memref<!tpu.dma_semaphore, #tpu.memory_space<semaphore_mem>>)
      %dma_wait3A_806 = arith.constant 0 : i32
      %dma_wait3A_807 = tpu.memref_slice %arg5[%add3A_124, %dma_wait3A_806] : memref<10240x128xf32, #tpu.memory_space<vmem_shared>> -> memref<32x128xf32, #tpu.memory_space<vmem_shared>>
      %dma_wait3A_808 = arith.constant 0 : i32
      %dma_wait3A_809 = tpu.memref_slice %arg5[%add3A_124, %dma_wait3A_808] : memref<10240x128xf32, #tpu.memory_space<vmem_shared>> -> memref<32x128xf32, #tpu.memory_space<vmem_shared>>
      tpu.wait_dma2 semaphore(%run_scoped3A : memref<!tpu.dma_semaphore, #tpu.memory_space<semaphore_mem>>) src(%arg12 : memref<32x128xf32, #tpu.memory_space<vmem>>) dst(%dma_wait3A_809 : memref<32x128xf32, #tpu.memory_space<vmem_shared>>)
      tpu.yield
    }) : () -> ()
    %mul3A_125 = arith.constant 640 : i32
    %mul3A_126 = arith.muli %arg1, %mul3A_125 : i32
    %add3A_127 = arith.constant 480 : i32
    %add3A_128 = arith.addi %mul3A_126, %add3A_127 : i32
    "tpu.region"() ({
      %run_scoped3A = tpu.sem_alloc : memref<!tpu.dma_semaphore, #tpu.memory_space<semaphore_mem>>
      %dma_start3A_802 = arith.constant 0 : i32
      %dma_start3A_803 = tpu.memref_slice %arg5[%add3A_128, %dma_start3A_802] : memref<10240x128xf32, #tpu.memory_space<vmem_shared>> -> memref<32x128xf32, #tpu.memory_space<vmem_shared>>
      %dma_start3A_804 = arith.constant 0 : i32
      %dma_start3A_805 = tpu.memref_slice %arg5[%add3A_128, %dma_start3A_804] : memref<10240x128xf32, #tpu.memory_space<vmem_shared>> -> memref<32x128xf32, #tpu.memory_space<vmem_shared>>
      tpu.enqueue_dma source(%arg12 : memref<32x128xf32, #tpu.memory_space<vmem>>) target(%dma_start3A_805 : memref<32x128xf32, #tpu.memory_space<vmem_shared>>) target_semaphore(%run_scoped3A : memref<!tpu.dma_semaphore, #tpu.memory_space<semaphore_mem>>)
      %dma_wait3A_806 = arith.constant 0 : i32
      %dma_wait3A_807 = tpu.memref_slice %arg5[%add3A_128, %dma_wait3A_806] : memref<10240x128xf32, #tpu.memory_space<vmem_shared>> -> memref<32x128xf32, #tpu.memory_space<vmem_shared>>
      %dma_wait3A_808 = arith.constant 0 : i32
      %dma_wait3A_809 = tpu.memref_slice %arg5[%add3A_128, %dma_wait3A_808] : memref<10240x128xf32, #tpu.memory_space<vmem_shared>> -> memref<32x128xf32, #tpu.memory_space<vmem_shared>>
      tpu.wait_dma2 semaphore(%run_scoped3A : memref<!tpu.dma_semaphore, #tpu.memory_space<semaphore_mem>>) src(%arg12 : memref<32x128xf32, #tpu.memory_space<vmem>>) dst(%dma_wait3A_809 : memref<32x128xf32, #tpu.memory_space<vmem_shared>>)
      tpu.yield
    }) : () -> ()
    %mul3A_129 = arith.constant 640 : i32
    %mul3A_130 = arith.muli %arg1, %mul3A_129 : i32
    %add3A_131 = arith.constant 512 : i32
    %add3A_132 = arith.addi %mul3A_130, %add3A_131 : i32
    "tpu.region"() ({
      %run_scoped3A = tpu.sem_alloc : memref<!tpu.dma_semaphore, #tpu.memory_space<semaphore_mem>>
      %dma_start3A_802 = arith.constant 0 : i32
      %dma_start3A_803 = tpu.memref_slice %arg5[%add3A_132, %dma_start3A_802] : memref<10240x128xf32, #tpu.memory_space<vmem_shared>> -> memref<32x128xf32, #tpu.memory_space<vmem_shared>>
      %dma_start3A_804 = arith.constant 0 : i32
      %dma_start3A_805 = tpu.memref_slice %arg5[%add3A_132, %dma_start3A_804] : memref<10240x128xf32, #tpu.memory_space<vmem_shared>> -> memref<32x128xf32, #tpu.memory_space<vmem_shared>>
      tpu.enqueue_dma source(%arg12 : memref<32x128xf32, #tpu.memory_space<vmem>>) target(%dma_start3A_805 : memref<32x128xf32, #tpu.memory_space<vmem_shared>>) target_semaphore(%run_scoped3A : memref<!tpu.dma_semaphore, #tpu.memory_space<semaphore_mem>>)
      %dma_wait3A_806 = arith.constant 0 : i32
      %dma_wait3A_807 = tpu.memref_slice %arg5[%add3A_132, %dma_wait3A_806] : memref<10240x128xf32, #tpu.memory_space<vmem_shared>> -> memref<32x128xf32, #tpu.memory_space<vmem_shared>>
      %dma_wait3A_808 = arith.constant 0 : i32
      %dma_wait3A_809 = tpu.memref_slice %arg5[%add3A_132, %dma_wait3A_808] : memref<10240x128xf32, #tpu.memory_space<vmem_shared>> -> memref<32x128xf32, #tpu.memory_space<vmem_shared>>
      tpu.wait_dma2 semaphore(%run_scoped3A : memref<!tpu.dma_semaphore, #tpu.memory_space<semaphore_mem>>) src(%arg12 : memref<32x128xf32, #tpu.memory_space<vmem>>) dst(%dma_wait3A_809 : memref<32x128xf32, #tpu.memory_space<vmem_shared>>)
      tpu.yield
    }) : () -> ()
    %mul3A_133 = arith.constant 640 : i32
    %mul3A_134 = arith.muli %arg1, %mul3A_133 : i32
    %add3A_135 = arith.constant 544 : i32
    %add3A_136 = arith.addi %mul3A_134, %add3A_135 : i32
    "tpu.region"() ({
      %run_scoped3A = tpu.sem_alloc : memref<!tpu.dma_semaphore, #tpu.memory_space<semaphore_mem>>
      %dma_start3A_802 = arith.constant 0 : i32
      %dma_start3A_803 = tpu.memref_slice %arg5[%add3A_136, %dma_start3A_802] : memref<10240x128xf32, #tpu.memory_space<vmem_shared>> -> memref<32x128xf32, #tpu.memory_space<vmem_shared>>
      %dma_start3A_804 = arith.constant 0 : i32
      %dma_start3A_805 = tpu.memref_slice %arg5[%add3A_136, %dma_start3A_804] : memref<10240x128xf32, #tpu.memory_space<vmem_shared>> -> memref<32x128xf32, #tpu.memory_space<vmem_shared>>
      tpu.enqueue_dma source(%arg12 : memref<32x128xf32, #tpu.memory_space<vmem>>) target(%dma_start3A_805 : memref<32x128xf32, #tpu.memory_space<vmem_shared>>) target_semaphore(%run_scoped3A : memref<!tpu.dma_semaphore, #tpu.memory_space<semaphore_mem>>)
      %dma_wait3A_806 = arith.constant 0 : i32
      %dma_wait3A_807 = tpu.memref_slice %arg5[%add3A_136, %dma_wait3A_806] : memref<10240x128xf32, #tpu.memory_space<vmem_shared>> -> memref<32x128xf32, #tpu.memory_space<vmem_shared>>
      %dma_wait3A_808 = arith.constant 0 : i32
      %dma_wait3A_809 = tpu.memref_slice %arg5[%add3A_136, %dma_wait3A_808] : memref<10240x128xf32, #tpu.memory_space<vmem_shared>> -> memref<32x128xf32, #tpu.memory_space<vmem_shared>>
      tpu.wait_dma2 semaphore(%run_scoped3A : memref<!tpu.dma_semaphore, #tpu.memory_space<semaphore_mem>>) src(%arg12 : memref<32x128xf32, #tpu.memory_space<vmem>>) dst(%dma_wait3A_809 : memref<32x128xf32, #tpu.memory_space<vmem_shared>>)
      tpu.yield
    }) : () -> ()
    %mul3A_137 = arith.constant 640 : i32
    %mul3A_138 = arith.muli %arg1, %mul3A_137 : i32
    %add3A_139 = arith.constant 576 : i32
    %add3A_140 = arith.addi %mul3A_138, %add3A_139 : i32
    "tpu.region"() ({
      %run_scoped3A = tpu.sem_alloc : memref<!tpu.dma_semaphore, #tpu.memory_space<semaphore_mem>>
      %dma_start3A_802 = arith.constant 0 : i32
      %dma_start3A_803 = tpu.memref_slice %arg5[%add3A_140, %dma_start3A_802] : memref<10240x128xf32, #tpu.memory_space<vmem_shared>> -> memref<32x128xf32, #tpu.memory_space<vmem_shared>>
      %dma_start3A_804 = arith.constant 0 : i32
      %dma_start3A_805 = tpu.memref_slice %arg5[%add3A_140, %dma_start3A_804] : memref<10240x128xf32, #tpu.memory_space<vmem_shared>> -> memref<32x128xf32, #tpu.memory_space<vmem_shared>>
      tpu.enqueue_dma source(%arg12 : memref<32x128xf32, #tpu.memory_space<vmem>>) target(%dma_start3A_805 : memref<32x128xf32, #tpu.memory_space<vmem_shared>>) target_semaphore(%run_scoped3A : memref<!tpu.dma_semaphore, #tpu.memory_space<semaphore_mem>>)
      %dma_wait3A_806 = arith.constant 0 : i32
      %dma_wait3A_807 = tpu.memref_slice %arg5[%add3A_140, %dma_wait3A_806] : memref<10240x128xf32, #tpu.memory_space<vmem_shared>> -> memref<32x128xf32, #tpu.memory_space<vmem_shared>>
      %dma_wait3A_808 = arith.constant 0 : i32
      %dma_wait3A_809 = tpu.memref_slice %arg5[%add3A_140, %dma_wait3A_808] : memref<10240x128xf32, #tpu.memory_space<vmem_shared>> -> memref<32x128xf32, #tpu.memory_space<vmem_shared>>
      tpu.wait_dma2 semaphore(%run_scoped3A : memref<!tpu.dma_semaphore, #tpu.memory_space<semaphore_mem>>) src(%arg12 : memref<32x128xf32, #tpu.memory_space<vmem>>) dst(%dma_wait3A_809 : memref<32x128xf32, #tpu.memory_space<vmem_shared>>)
      tpu.yield
    }) : () -> ()
    %mul3A_141 = arith.constant 640 : i32
    %mul3A_142 = arith.muli %arg1, %mul3A_141 : i32
    %add3A_143 = arith.constant 608 : i32
    %add3A_144 = arith.addi %mul3A_142, %add3A_143 : i32
    "tpu.region"() ({
      %run_scoped3A = tpu.sem_alloc : memref<!tpu.dma_semaphore, #tpu.memory_space<semaphore_mem>>
      %dma_start3A_802 = arith.constant 0 : i32
      %dma_start3A_803 = tpu.memref_slice %arg5[%add3A_144, %dma_start3A_802] : memref<10240x128xf32, #tpu.memory_space<vmem_shared>> -> memref<32x128xf32, #tpu.memory_space<vmem_shared>>
      %dma_start3A_804 = arith.constant 0 : i32
      %dma_start3A_805 = tpu.memref_slice %arg5[%add3A_144, %dma_start3A_804] : memref<10240x128xf32, #tpu.memory_space<vmem_shared>> -> memref<32x128xf32, #tpu.memory_space<vmem_shared>>
      tpu.enqueue_dma source(%arg12 : memref<32x128xf32, #tpu.memory_space<vmem>>) target(%dma_start3A_805 : memref<32x128xf32, #tpu.memory_space<vmem_shared>>) target_semaphore(%run_scoped3A : memref<!tpu.dma_semaphore, #tpu.memory_space<semaphore_mem>>)
      %dma_wait3A_806 = arith.constant 0 : i32
      %dma_wait3A_807 = tpu.memref_slice %arg5[%add3A_144, %dma_wait3A_806] : memref<10240x128xf32, #tpu.memory_space<vmem_shared>> -> memref<32x128xf32, #tpu.memory_space<vmem_shared>>
      %dma_wait3A_808 = arith.constant 0 : i32
      %dma_wait3A_809 = tpu.memref_slice %arg5[%add3A_144, %dma_wait3A_808] : memref<10240x128xf32, #tpu.memory_space<vmem_shared>> -> memref<32x128xf32, #tpu.memory_space<vmem_shared>>
      tpu.wait_dma2 semaphore(%run_scoped3A : memref<!tpu.dma_semaphore, #tpu.memory_space<semaphore_mem>>) src(%arg12 : memref<32x128xf32, #tpu.memory_space<vmem>>) dst(%dma_wait3A_809 : memref<32x128xf32, #tpu.memory_space<vmem_shared>>)
      tpu.yield
    }) : () -> ()
    %barrier3A = arith.constant 0 : index
    tpu.barrier barrier_id(%barrier3A)
    %dma_wait3A = arith.constant 0 : i32
    %dma_wait3A_145 = arith.constant 0 : i32
    %dma_wait3A_146 = arith.constant 0 : i32
    %dma_wait3A_147 = arith.constant 0 : i32
    %dma_wait3A_148 = tpu.memref_slice %arg6[%dma_wait3A_146, %dma_wait3A_147] : memref<2x125xi32, #tpu.memory_space<vmem>> -> memref<1x125xi32, #tpu.memory_space<vmem>>
    %dma_wait3A_149 = tpu.memref_squeeze %dma_wait3A_148 : memref<1x125xi32, #tpu.memory_space<vmem>> -> memref<125xi32, #tpu.memory_space<vmem>>
    %dma_wait3A_150 = arith.constant 0 : i32
    %dma_wait3A_151 = tpu.memref_slice %arg3[%dma_wait3A, %add3A, %dma_wait3A_145, %dma_wait3A_150] : memref<2x32x80x125xi32, #tpu.memory_space<hbm>> -> memref<1x1x1x125xi32, #tpu.memory_space<hbm>>
    %dma_wait3A_152 = tpu.memref_squeeze %dma_wait3A_151 : memref<1x1x1x125xi32, #tpu.memory_space<hbm>> -> memref<125xi32, #tpu.memory_space<hbm>>
    %dma_wait3A_153 = arith.constant 0 : i32
    %dma_wait3A_154 = tpu.memref_slice %arg6[%dma_wait3A_146, %dma_wait3A_153] : memref<2x125xi32, #tpu.memory_space<vmem>> -> memref<1x125xi32, #tpu.memory_space<vmem>>
    %dma_wait3A_155 = tpu.memref_squeeze %dma_wait3A_154 : memref<1x125xi32, #tpu.memory_space<vmem>> -> memref<125xi32, #tpu.memory_space<vmem>>
    %dma_wait3A_156 = arith.constant 0 : i32
    %dma_wait3A_157 = tpu.memref_slice %arg3[%dma_wait3A, %add3A, %dma_wait3A_145, %dma_wait3A_156] : memref<2x32x80x125xi32, #tpu.memory_space<hbm>> -> memref<1x1x1x125xi32, #tpu.memory_space<hbm>>
    %dma_wait3A_158 = tpu.memref_squeeze %dma_wait3A_157 : memref<1x1x1x125xi32, #tpu.memory_space<hbm>> -> memref<125xi32, #tpu.memory_space<hbm>>
    tpu.wait_dma2 semaphore(%arg17 : memref<!tpu.dma_semaphore, #tpu.memory_space<semaphore_mem>>) src(%dma_wait3A_158 : memref<125xi32, #tpu.memory_space<hbm>>) dst(%dma_wait3A_155 : memref<125xi32, #tpu.memory_space<vmem>>)
    %dma_wait3A_159 = arith.constant 1 : i32
    %dma_wait3A_160 = arith.constant 0 : i32
    %dma_wait3A_161 = arith.constant 1 : i32
    %dma_wait3A_162 = arith.constant 0 : i32
    %dma_wait3A_163 = tpu.memref_slice %arg6[%dma_wait3A_161, %dma_wait3A_162] : memref<2x125xi32, #tpu.memory_space<vmem>> -> memref<1x125xi32, #tpu.memory_space<vmem>>
    %dma_wait3A_164 = tpu.memref_squeeze %dma_wait3A_163 : memref<1x125xi32, #tpu.memory_space<vmem>> -> memref<125xi32, #tpu.memory_space<vmem>>
    %dma_wait3A_165 = arith.constant 0 : i32
    %dma_wait3A_166 = tpu.memref_slice %arg3[%dma_wait3A_159, %add3A, %dma_wait3A_160, %dma_wait3A_165] : memref<2x32x80x125xi32, #tpu.memory_space<hbm>> -> memref<1x1x1x125xi32, #tpu.memory_space<hbm>>
    %dma_wait3A_167 = tpu.memref_squeeze %dma_wait3A_166 : memref<1x1x1x125xi32, #tpu.memory_space<hbm>> -> memref<125xi32, #tpu.memory_space<hbm>>
    %dma_wait3A_168 = arith.constant 0 : i32
    %dma_wait3A_169 = tpu.memref_slice %arg6[%dma_wait3A_161, %dma_wait3A_168] : memref<2x125xi32, #tpu.memory_space<vmem>> -> memref<1x125xi32, #tpu.memory_space<vmem>>
    %dma_wait3A_170 = tpu.memref_squeeze %dma_wait3A_169 : memref<1x125xi32, #tpu.memory_space<vmem>> -> memref<125xi32, #tpu.memory_space<vmem>>
    %dma_wait3A_171 = arith.constant 0 : i32
    %dma_wait3A_172 = tpu.memref_slice %arg3[%dma_wait3A_159, %add3A, %dma_wait3A_160, %dma_wait3A_171] : memref<2x32x80x125xi32, #tpu.memory_space<hbm>> -> memref<1x1x1x125xi32, #tpu.memory_space<hbm>>
    %dma_wait3A_173 = tpu.memref_squeeze %dma_wait3A_172 : memref<1x1x1x125xi32, #tpu.memory_space<hbm>> -> memref<125xi32, #tpu.memory_space<hbm>>
    tpu.wait_dma2 semaphore(%arg17 : memref<!tpu.dma_semaphore, #tpu.memory_space<semaphore_mem>>) src(%dma_wait3A_173 : memref<125xi32, #tpu.memory_space<hbm>>) dst(%dma_wait3A_170 : memref<125xi32, #tpu.memory_space<vmem>>)
    %dma_start3A_174 = arith.constant 0 : i32
    %dma_start3A_175 = arith.constant 0 : i32
    %dma_start3A_176 = tpu.memref_slice %arg6[%dma_start3A_174, %dma_start3A_175] : memref<2x125xi32, #tpu.memory_space<vmem>> -> memref<1x125xi32, #tpu.memory_space<vmem>>
    %dma_start3A_177 = tpu.memref_squeeze %dma_start3A_176 : memref<1x125xi32, #tpu.memory_space<vmem>> -> memref<125xi32, #tpu.memory_space<vmem>>
    %dma_start3A_178 = arith.constant 0 : i32
    %dma_start3A_179 = arith.constant 0 : i32
    %dma_start3A_180 = tpu.memref_slice %arg2[%dma_start3A_178, %dma_start3A_179] : memref<10240x128xf32, #tpu.memory_space<hbm>> -> memref<10240x128xf32, #tpu.memory_space<hbm>>
    tpu.enqueue_indirect_dma source(%dma_start3A_180 : memref<10240x128xf32, #tpu.memory_space<hbm>>) target(%arg10 : memref<125x128xf32, #tpu.memory_space<vmem>>) offsets(%dma_start3A_177 : memref<125xi32, #tpu.memory_space<vmem>>) semaphore(%arg13 : memref<!tpu.dma_semaphore, #tpu.memory_space<semaphore_mem>>)
    %dma_start3A_181 = arith.constant 0 : i32
    %dma_start3A_182 = arith.constant 2 : i32
    %dma_start3A_183 = arith.constant 0 : i32
    %dma_start3A_184 = arith.constant 0 : i32
    %dma_start3A_185 = tpu.memref_slice %arg8[%dma_start3A_183, %dma_start3A_184] : memref<2x125xi32, #tpu.memory_space<vmem>> -> memref<1x125xi32, #tpu.memory_space<vmem>>
    %dma_start3A_186 = tpu.memref_squeeze %dma_start3A_185 : memref<1x125xi32, #tpu.memory_space<vmem>> -> memref<125xi32, #tpu.memory_space<vmem>>
    %dma_start3A_187 = arith.constant 0 : i32
    %dma_start3A_188 = tpu.memref_slice %arg3[%dma_start3A_181, %add3A, %dma_start3A_182, %dma_start3A_187] : memref<2x32x80x125xi32, #tpu.memory_space<hbm>> -> memref<1x1x1x125xi32, #tpu.memory_space<hbm>>
    %dma_start3A_189 = tpu.memref_squeeze %dma_start3A_188 : memref<1x1x1x125xi32, #tpu.memory_space<hbm>> -> memref<125xi32, #tpu.memory_space<hbm>>
    %dma_start3A_190 = arith.constant 0 : i32
    %dma_start3A_191 = tpu.memref_slice %arg8[%dma_start3A_183, %dma_start3A_190] : memref<2x125xi32, #tpu.memory_space<vmem>> -> memref<1x125xi32, #tpu.memory_space<vmem>>
    %dma_start3A_192 = tpu.memref_squeeze %dma_start3A_191 : memref<1x125xi32, #tpu.memory_space<vmem>> -> memref<125xi32, #tpu.memory_space<vmem>>
    %dma_start3A_193 = arith.constant 0 : i32
    %dma_start3A_194 = tpu.memref_slice %arg3[%dma_start3A_181, %add3A, %dma_start3A_182, %dma_start3A_193] : memref<2x32x80x125xi32, #tpu.memory_space<hbm>> -> memref<1x1x1x125xi32, #tpu.memory_space<hbm>>
    %dma_start3A_195 = tpu.memref_squeeze %dma_start3A_194 : memref<1x1x1x125xi32, #tpu.memory_space<hbm>> -> memref<125xi32, #tpu.memory_space<hbm>>
    tpu.enqueue_dma source(%dma_start3A_195 : memref<125xi32, #tpu.memory_space<hbm>>) target(%dma_start3A_192 : memref<125xi32, #tpu.memory_space<vmem>>) target_semaphore(%arg19 : memref<!tpu.dma_semaphore, #tpu.memory_space<semaphore_mem>>)
    %dma_start3A_196 = arith.constant 1 : i32
    %dma_start3A_197 = arith.constant 2 : i32
    %dma_start3A_198 = arith.constant 1 : i32
    %dma_start3A_199 = arith.constant 0 : i32
    %dma_start3A_200 = tpu.memref_slice %arg8[%dma_start3A_198, %dma_start3A_199] : memref<2x125xi32, #tpu.memory_space<vmem>> -> memref<1x125xi32, #tpu.memory_space<vmem>>
    %dma_start3A_201 = tpu.memref_squeeze %dma_start3A_200 : memref<1x125xi32, #tpu.memory_space<vmem>> -> memref<125xi32, #tpu.memory_space<vmem>>
    %dma_start3A_202 = arith.constant 0 : i32
    %dma_start3A_203 = tpu.memref_slice %arg3[%dma_start3A_196, %add3A, %dma_start3A_197, %dma_start3A_202] : memref<2x32x80x125xi32, #tpu.memory_space<hbm>> -> memref<1x1x1x125xi32, #tpu.memory_space<hbm>>
    %dma_start3A_204 = tpu.memref_squeeze %dma_start3A_203 : memref<1x1x1x125xi32, #tpu.memory_space<hbm>> -> memref<125xi32, #tpu.memory_space<hbm>>
    %dma_start3A_205 = arith.constant 0 : i32
    %dma_start3A_206 = tpu.memref_slice %arg8[%dma_start3A_198, %dma_start3A_205] : memref<2x125xi32, #tpu.memory_space<vmem>> -> memref<1x125xi32, #tpu.memory_space<vmem>>
    %dma_start3A_207 = tpu.memref_squeeze %dma_start3A_206 : memref<1x125xi32, #tpu.memory_space<vmem>> -> memref<125xi32, #tpu.memory_space<vmem>>
    %dma_start3A_208 = arith.constant 0 : i32
    %dma_start3A_209 = tpu.memref_slice %arg3[%dma_start3A_196, %add3A, %dma_start3A_197, %dma_start3A_208] : memref<2x32x80x125xi32, #tpu.memory_space<hbm>> -> memref<1x1x1x125xi32, #tpu.memory_space<hbm>>
    %dma_start3A_210 = tpu.memref_squeeze %dma_start3A_209 : memref<1x1x1x125xi32, #tpu.memory_space<hbm>> -> memref<125xi32, #tpu.memory_space<hbm>>
    tpu.enqueue_dma source(%dma_start3A_210 : memref<125xi32, #tpu.memory_space<hbm>>) target(%dma_start3A_207 : memref<125xi32, #tpu.memory_space<vmem>>) target_semaphore(%arg19 : memref<!tpu.dma_semaphore, #tpu.memory_space<semaphore_mem>>)
    %dma_wait3A_211 = arith.constant 0 : i32
    %dma_wait3A_212 = arith.constant 0 : i32
    %dma_wait3A_213 = arith.constant 0 : i32
    %dma_wait3A_214 = arith.constant 0 : i32
    %dma_wait3A_215 = tpu.memref_slice %arg7[%dma_wait3A_213, %dma_wait3A_214] : memref<2x125xi32, #tpu.memory_space<vmem>> -> memref<1x125xi32, #tpu.memory_space<vmem>>
    %dma_wait3A_216 = tpu.memref_squeeze %dma_wait3A_215 : memref<1x125xi32, #tpu.memory_space<vmem>> -> memref<125xi32, #tpu.memory_space<vmem>>
    %dma_wait3A_217 = arith.constant 0 : i32
    %dma_wait3A_218 = tpu.memref_slice %arg3[%dma_wait3A_211, %add3A, %dma_wait3A_212, %dma_wait3A_217] : memref<2x32x80x125xi32, #tpu.memory_space<hbm>> -> memref<1x1x1x125xi32, #tpu.memory_space<hbm>>
    %dma_wait3A_219 = tpu.memref_squeeze %dma_wait3A_218 : memref<1x1x1x125xi32, #tpu.memory_space<hbm>> -> memref<125xi32, #tpu.memory_space<hbm>>
    %dma_wait3A_220 = arith.constant 0 : i32
    %dma_wait3A_221 = tpu.memref_slice %arg7[%dma_wait3A_213, %dma_wait3A_220] : memref<2x125xi32, #tpu.memory_space<vmem>> -> memref<1x125xi32, #tpu.memory_space<vmem>>
    %dma_wait3A_222 = tpu.memref_squeeze %dma_wait3A_221 : memref<1x125xi32, #tpu.memory_space<vmem>> -> memref<125xi32, #tpu.memory_space<vmem>>
    %dma_wait3A_223 = arith.constant 0 : i32
    %dma_wait3A_224 = tpu.memref_slice %arg3[%dma_wait3A_211, %add3A, %dma_wait3A_212, %dma_wait3A_223] : memref<2x32x80x125xi32, #tpu.memory_space<hbm>> -> memref<1x1x1x125xi32, #tpu.memory_space<hbm>>
    %dma_wait3A_225 = tpu.memref_squeeze %dma_wait3A_224 : memref<1x1x1x125xi32, #tpu.memory_space<hbm>> -> memref<125xi32, #tpu.memory_space<hbm>>
    tpu.wait_dma2 semaphore(%arg18 : memref<!tpu.dma_semaphore, #tpu.memory_space<semaphore_mem>>) src(%dma_wait3A_225 : memref<125xi32, #tpu.memory_space<hbm>>) dst(%dma_wait3A_222 : memref<125xi32, #tpu.memory_space<vmem>>)
    %dma_wait3A_226 = arith.constant 1 : i32
    %dma_wait3A_227 = arith.constant 0 : i32
    %dma_wait3A_228 = arith.constant 1 : i32
    %dma_wait3A_229 = arith.constant 0 : i32
    %dma_wait3A_230 = tpu.memref_slice %arg7[%dma_wait3A_228, %dma_wait3A_229] : memref<2x125xi32, #tpu.memory_space<vmem>> -> memref<1x125xi32, #tpu.memory_space<vmem>>
    %dma_wait3A_231 = tpu.memref_squeeze %dma_wait3A_230 : memref<1x125xi32, #tpu.memory_space<vmem>> -> memref<125xi32, #tpu.memory_space<vmem>>
    %dma_wait3A_232 = arith.constant 0 : i32
    %dma_wait3A_233 = tpu.memref_slice %arg3[%dma_wait3A_226, %add3A, %dma_wait3A_227, %dma_wait3A_232] : memref<2x32x80x125xi32, #tpu.memory_space<hbm>> -> memref<1x1x1x125xi32, #tpu.memory_space<hbm>>
    %dma_wait3A_234 = tpu.memref_squeeze %dma_wait3A_233 : memref<1x1x1x125xi32, #tpu.memory_space<hbm>> -> memref<125xi32, #tpu.memory_space<hbm>>
    %dma_wait3A_235 = arith.constant 0 : i32
    %dma_wait3A_236 = tpu.memref_slice %arg7[%dma_wait3A_228, %dma_wait3A_235] : memref<2x125xi32, #tpu.memory_space<vmem>> -> memref<1x125xi32, #tpu.memory_space<vmem>>
    %dma_wait3A_237 = tpu.memref_squeeze %dma_wait3A_236 : memref<1x125xi32, #tpu.memory_space<vmem>> -> memref<125xi32, #tpu.memory_space<vmem>>
    %dma_wait3A_238 = arith.constant 0 : i32
    %dma_wait3A_239 = tpu.memref_slice %arg3[%dma_wait3A_226, %add3A, %dma_wait3A_227, %dma_wait3A_238] : memref<2x32x80x125xi32, #tpu.memory_space<hbm>> -> memref<1x1x1x125xi32, #tpu.memory_space<hbm>>
    %dma_wait3A_240 = tpu.memref_squeeze %dma_wait3A_239 : memref<1x1x1x125xi32, #tpu.memory_space<hbm>> -> memref<125xi32, #tpu.memory_space<hbm>>
    tpu.wait_dma2 semaphore(%arg18 : memref<!tpu.dma_semaphore, #tpu.memory_space<semaphore_mem>>) src(%dma_wait3A_240 : memref<125xi32, #tpu.memory_space<hbm>>) dst(%dma_wait3A_237 : memref<125xi32, #tpu.memory_space<vmem>>)
    %dma_start3A_241 = arith.constant 0 : i32
    %dma_start3A_242 = arith.constant 0 : i32
    %dma_start3A_243 = tpu.memref_slice %arg7[%dma_start3A_241, %dma_start3A_242] : memref<2x125xi32, #tpu.memory_space<vmem>> -> memref<1x125xi32, #tpu.memory_space<vmem>>
    %dma_start3A_244 = tpu.memref_squeeze %dma_start3A_243 : memref<1x125xi32, #tpu.memory_space<vmem>> -> memref<125xi32, #tpu.memory_space<vmem>>
    %dma_start3A_245 = arith.constant 0 : i32
    %dma_start3A_246 = arith.constant 0 : i32
    %dma_start3A_247 = tpu.memref_slice %arg2[%dma_start3A_245, %dma_start3A_246] : memref<10240x128xf32, #tpu.memory_space<hbm>> -> memref<10240x128xf32, #tpu.memory_space<hbm>>
    tpu.enqueue_indirect_dma source(%dma_start3A_247 : memref<10240x128xf32, #tpu.memory_space<hbm>>) target(%arg11 : memref<125x128xf32, #tpu.memory_space<vmem>>) offsets(%dma_start3A_244 : memref<125xi32, #tpu.memory_space<vmem>>) semaphore(%arg14 : memref<!tpu.dma_semaphore, #tpu.memory_space<semaphore_mem>>)
    %dma_start3A_248 = arith.constant 0 : i32
    %dma_start3A_249 = arith.constant 3 : i32
    %dma_start3A_250 = arith.constant 0 : i32
    %dma_start3A_251 = arith.constant 0 : i32
    %dma_start3A_252 = tpu.memref_slice %arg9[%dma_start3A_250, %dma_start3A_251] : memref<2x125xi32, #tpu.memory_space<vmem>> -> memref<1x125xi32, #tpu.memory_space<vmem>>
    %dma_start3A_253 = tpu.memref_squeeze %dma_start3A_252 : memref<1x125xi32, #tpu.memory_space<vmem>> -> memref<125xi32, #tpu.memory_space<vmem>>
    %dma_start3A_254 = arith.constant 0 : i32
    %dma_start3A_255 = tpu.memref_slice %arg3[%dma_start3A_248, %add3A, %dma_start3A_249, %dma_start3A_254] : memref<2x32x80x125xi32, #tpu.memory_space<hbm>> -> memref<1x1x1x125xi32, #tpu.memory_space<hbm>>
    %dma_start3A_256 = tpu.memref_squeeze %dma_start3A_255 : memref<1x1x1x125xi32, #tpu.memory_space<hbm>> -> memref<125xi32, #tpu.memory_space<hbm>>
    %dma_start3A_257 = arith.constant 0 : i32
    %dma_start3A_258 = tpu.memref_slice %arg9[%dma_start3A_250, %dma_start3A_257] : memref<2x125xi32, #tpu.memory_space<vmem>> -> memref<1x125xi32, #tpu.memory_space<vmem>>
    %dma_start3A_259 = tpu.memref_squeeze %dma_start3A_258 : memref<1x125xi32, #tpu.memory_space<vmem>> -> memref<125xi32, #tpu.memory_space<vmem>>
    %dma_start3A_260 = arith.constant 0 : i32
    %dma_start3A_261 = tpu.memref_slice %arg3[%dma_start3A_248, %add3A, %dma_start3A_249, %dma_start3A_260] : memref<2x32x80x125xi32, #tpu.memory_space<hbm>> -> memref<1x1x1x125xi32, #tpu.memory_space<hbm>>
    %dma_start3A_262 = tpu.memref_squeeze %dma_start3A_261 : memref<1x1x1x125xi32, #tpu.memory_space<hbm>> -> memref<125xi32, #tpu.memory_space<hbm>>
    tpu.enqueue_dma source(%dma_start3A_262 : memref<125xi32, #tpu.memory_space<hbm>>) target(%dma_start3A_259 : memref<125xi32, #tpu.memory_space<vmem>>) target_semaphore(%arg20 : memref<!tpu.dma_semaphore, #tpu.memory_space<semaphore_mem>>)
    %dma_start3A_263 = arith.constant 1 : i32
    %dma_start3A_264 = arith.constant 3 : i32
    %dma_start3A_265 = arith.constant 1 : i32
    %dma_start3A_266 = arith.constant 0 : i32
    %dma_start3A_267 = tpu.memref_slice %arg9[%dma_start3A_265, %dma_start3A_266] : memref<2x125xi32, #tpu.memory_space<vmem>> -> memref<1x125xi32, #tpu.memory_space<vmem>>
    %dma_start3A_268 = tpu.memref_squeeze %dma_start3A_267 : memref<1x125xi32, #tpu.memory_space<vmem>> -> memref<125xi32, #tpu.memory_space<vmem>>
    %dma_start3A_269 = arith.constant 0 : i32
    %dma_start3A_270 = tpu.memref_slice %arg3[%dma_start3A_263, %add3A, %dma_start3A_264, %dma_start3A_269] : memref<2x32x80x125xi32, #tpu.memory_space<hbm>> -> memref<1x1x1x125xi32, #tpu.memory_space<hbm>>
    %dma_start3A_271 = tpu.memref_squeeze %dma_start3A_270 : memref<1x1x1x125xi32, #tpu.memory_space<hbm>> -> memref<125xi32, #tpu.memory_space<hbm>>
    %dma_start3A_272 = arith.constant 0 : i32
    %dma_start3A_273 = tpu.memref_slice %arg9[%dma_start3A_265, %dma_start3A_272] : memref<2x125xi32, #tpu.memory_space<vmem>> -> memref<1x125xi32, #tpu.memory_space<vmem>>
    %dma_start3A_274 = tpu.memref_squeeze %dma_start3A_273 : memref<1x125xi32, #tpu.memory_space<vmem>> -> memref<125xi32, #tpu.memory_space<vmem>>
    %dma_start3A_275 = arith.constant 0 : i32
    %dma_start3A_276 = tpu.memref_slice %arg3[%dma_start3A_263, %add3A, %dma_start3A_264, %dma_start3A_275] : memref<2x32x80x125xi32, #tpu.memory_space<hbm>> -> memref<1x1x1x125xi32, #tpu.memory_space<hbm>>
    %dma_start3A_277 = tpu.memref_squeeze %dma_start3A_276 : memref<1x1x1x125xi32, #tpu.memory_space<hbm>> -> memref<125xi32, #tpu.memory_space<hbm>>
    tpu.enqueue_dma source(%dma_start3A_277 : memref<125xi32, #tpu.memory_space<hbm>>) target(%dma_start3A_274 : memref<125xi32, #tpu.memory_space<vmem>>) target_semaphore(%arg20 : memref<!tpu.dma_semaphore, #tpu.memory_space<semaphore_mem>>)
    %dma_wait3A_278 = arith.constant 0 : i32
    %dma_wait3A_279 = arith.constant 0 : i32
    %dma_wait3A_280 = tpu.memref_slice %arg6[%dma_wait3A_278, %dma_wait3A_279] : memref<2x125xi32, #tpu.memory_space<vmem>> -> memref<1x125xi32, #tpu.memory_space<vmem>>
    %dma_wait3A_281 = tpu.memref_squeeze %dma_wait3A_280 : memref<1x125xi32, #tpu.memory_space<vmem>> -> memref<125xi32, #tpu.memory_space<vmem>>
    %dma_wait3A_282 = arith.constant 0 : i32
    %dma_wait3A_283 = arith.constant 0 : i32
    %dma_wait3A_284 = tpu.memref_slice %arg2[%dma_wait3A_282, %dma_wait3A_283] : memref<10240x128xf32, #tpu.memory_space<hbm>> -> memref<10240x128xf32, #tpu.memory_space<hbm>>
    tpu.wait_indirect_dma semaphore(%arg13 : memref<!tpu.dma_semaphore, #tpu.memory_space<semaphore_mem>>) src(%dma_wait3A_284 : memref<10240x128xf32, #tpu.memory_space<hbm>>) dst(%arg10 : memref<125x128xf32, #tpu.memory_space<vmem>>)
    %dma_start3A_285 = arith.constant 1 : i32
    %dma_start3A_286 = arith.constant 0 : i32
    %dma_start3A_287 = tpu.memref_slice %arg6[%dma_start3A_285, %dma_start3A_286] : memref<2x125xi32, #tpu.memory_space<vmem>> -> memref<1x125xi32, #tpu.memory_space<vmem>>
    %dma_start3A_288 = tpu.memref_squeeze %dma_start3A_287 : memref<1x125xi32, #tpu.memory_space<vmem>> -> memref<125xi32, #tpu.memory_space<vmem>>
    %dma_start3A_289 = arith.constant 0 : i32
    %dma_start3A_290 = arith.constant 0 : i32
    %dma_start3A_291 = tpu.memref_slice %arg5[%dma_start3A_289, %dma_start3A_290] : memref<10240x128xf32, #tpu.memory_space<vmem_shared>> -> memref<10240x128xf32, #tpu.memory_space<vmem_shared>>
    tpu.enqueue_indirect_dma source(%arg10 : memref<125x128xf32, #tpu.memory_space<vmem>>) target(%dma_start3A_291 : memref<10240x128xf32, #tpu.memory_space<vmem_shared>>) offsets(%dma_start3A_288 : memref<125xi32, #tpu.memory_space<vmem>>) semaphore(%arg15 : memref<!tpu.dma_semaphore, #tpu.memory_space<semaphore_mem>>) {add = true}
    %dma_wait3A_292 = arith.constant 1 : i32
    %dma_wait3A_293 = arith.constant 0 : i32
    %dma_wait3A_294 = tpu.memref_slice %arg8[%dma_wait3A_292, %dma_wait3A_293] : memref<2x125xi32, #tpu.memory_space<vmem>> -> memref<1x125xi32, #tpu.memory_space<vmem>>
    %dma_wait3A_295 = tpu.memref_squeeze %dma_wait3A_294 : memref<1x125xi32, #tpu.memory_space<vmem>> -> memref<125xi32, #tpu.memory_space<vmem>>
    %dma_wait3A_296 = arith.constant 0 : i32
    %dma_wait3A_297 = arith.constant 0 : i32
    %dma_wait3A_298 = tpu.memref_slice %arg5[%dma_wait3A_296, %dma_wait3A_297] : memref<10240x128xf32, #tpu.memory_space<vmem_shared>> -> memref<10240x128xf32, #tpu.memory_space<vmem_shared>>
    tpu.wait_indirect_dma semaphore(%arg15 : memref<!tpu.dma_semaphore, #tpu.memory_space<semaphore_mem>>) src(%arg10 : memref<125x128xf32, #tpu.memory_space<vmem>>) dst(%dma_wait3A_298 : memref<10240x128xf32, #tpu.memory_space<vmem_shared>>)
    %dma_wait3A_299 = arith.constant 0 : i32
    %dma_wait3A_300 = arith.constant 0 : i32
    %dma_wait3A_301 = arith.constant 0 : i32
    %dma_wait3A_302 = arith.constant 0 : i32
    %dma_wait3A_303 = tpu.memref_slice %arg8[%dma_wait3A_301, %dma_wait3A_302] : memref<2x125xi32, #tpu.memory_space<vmem>> -> memref<1x125xi32, #tpu.memory_space<vmem>>
    %dma_wait3A_304 = tpu.memref_squeeze %dma_wait3A_303 : memref<1x125xi32, #tpu.memory_space<vmem>> -> memref<125xi32, #tpu.memory_space<vmem>>
    %dma_wait3A_305 = arith.constant 0 : i32
    %dma_wait3A_306 = tpu.memref_slice %arg3[%dma_wait3A_299, %add3A, %dma_wait3A_300, %dma_wait3A_305] : memref<2x32x80x125xi32, #tpu.memory_space<hbm>> -> memref<1x1x1x125xi32, #tpu.memory_space<hbm>>
    %dma_wait3A_307 = tpu.memref_squeeze %dma_wait3A_306 : memref<1x1x1x125xi32, #tpu.memory_space<hbm>> -> memref<125xi32, #tpu.memory_space<hbm>>
    %dma_wait3A_308 = arith.constant 0 : i32
    %dma_wait3A_309 = tpu.memref_slice %arg8[%dma_wait3A_301, %dma_wait3A_308] : memref<2x125xi32, #tpu.memory_space<vmem>> -> memref<1x125xi32, #tpu.memory_space<vmem>>
    %dma_wait3A_310 = tpu.memref_squeeze %dma_wait3A_309 : memref<1x125xi32, #tpu.memory_space<vmem>> -> memref<125xi32, #tpu.memory_space<vmem>>
    %dma_wait3A_311 = arith.constant 0 : i32
    %dma_wait3A_312 = tpu.memref_slice %arg3[%dma_wait3A_299, %add3A, %dma_wait3A_300, %dma_wait3A_311] : memref<2x32x80x125xi32, #tpu.memory_space<hbm>> -> memref<1x1x1x125xi32, #tpu.memory_space<hbm>>
    %dma_wait3A_313 = tpu.memref_squeeze %dma_wait3A_312 : memref<1x1x1x125xi32, #tpu.memory_space<hbm>> -> memref<125xi32, #tpu.memory_space<hbm>>
    tpu.wait_dma2 semaphore(%arg19 : memref<!tpu.dma_semaphore, #tpu.memory_space<semaphore_mem>>) src(%dma_wait3A_313 : memref<125xi32, #tpu.memory_space<hbm>>) dst(%dma_wait3A_310 : memref<125xi32, #tpu.memory_space<vmem>>)
    %dma_wait3A_314 = arith.constant 1 : i32
    %dma_wait3A_315 = arith.constant 0 : i32
    %dma_wait3A_316 = arith.constant 1 : i32
    %dma_wait3A_317 = arith.constant 0 : i32
    %dma_wait3A_318 = tpu.memref_slice %arg8[%dma_wait3A_316, %dma_wait3A_317] : memref<2x125xi32, #tpu.memory_space<vmem>> -> memref<1x125xi32, #tpu.memory_space<vmem>>
    %dma_wait3A_319 = tpu.memref_squeeze %dma_wait3A_318 : memref<1x125xi32, #tpu.memory_space<vmem>> -> memref<125xi32, #tpu.memory_space<vmem>>
    %dma_wait3A_320 = arith.constant 0 : i32
    %dma_wait3A_321 = tpu.memref_slice %arg3[%dma_wait3A_314, %add3A, %dma_wait3A_315, %dma_wait3A_320] : memref<2x32x80x125xi32, #tpu.memory_space<hbm>> -> memref<1x1x1x125xi32, #tpu.memory_space<hbm>>
    %dma_wait3A_322 = tpu.memref_squeeze %dma_wait3A_321 : memref<1x1x1x125xi32, #tpu.memory_space<hbm>> -> memref<125xi32, #tpu.memory_space<hbm>>
    %dma_wait3A_323 = arith.constant 0 : i32
    %dma_wait3A_324 = tpu.memref_slice %arg8[%dma_wait3A_316, %dma_wait3A_323] : memref<2x125xi32, #tpu.memory_space<vmem>> -> memref<1x125xi32, #tpu.memory_space<vmem>>
    %dma_wait3A_325 = tpu.memref_squeeze %dma_wait3A_324 : memref<1x125xi32, #tpu.memory_space<vmem>> -> memref<125xi32, #tpu.memory_space<vmem>>
    %dma_wait3A_326 = arith.constant 0 : i32
    %dma_wait3A_327 = tpu.memref_slice %arg3[%dma_wait3A_314, %add3A, %dma_wait3A_315, %dma_wait3A_326] : memref<2x32x80x125xi32, #tpu.memory_space<hbm>> -> memref<1x1x1x125xi32, #tpu.memory_space<hbm>>
    %dma_wait3A_328 = tpu.memref_squeeze %dma_wait3A_327 : memref<1x1x1x125xi32, #tpu.memory_space<hbm>> -> memref<125xi32, #tpu.memory_space<hbm>>
    tpu.wait_dma2 semaphore(%arg19 : memref<!tpu.dma_semaphore, #tpu.memory_space<semaphore_mem>>) src(%dma_wait3A_328 : memref<125xi32, #tpu.memory_space<hbm>>) dst(%dma_wait3A_325 : memref<125xi32, #tpu.memory_space<vmem>>)
    %dma_start3A_329 = arith.constant 0 : i32
    %dma_start3A_330 = arith.constant 0 : i32
    %dma_start3A_331 = tpu.memref_slice %arg8[%dma_start3A_329, %dma_start3A_330] : memref<2x125xi32, #tpu.memory_space<vmem>> -> memref<1x125xi32, #tpu.memory_space<vmem>>
    %dma_start3A_332 = tpu.memref_squeeze %dma_start3A_331 : memref<1x125xi32, #tpu.memory_space<vmem>> -> memref<125xi32, #tpu.memory_space<vmem>>
    %dma_start3A_333 = arith.constant 0 : i32
    %dma_start3A_334 = arith.constant 0 : i32
    %dma_start3A_335 = tpu.memref_slice %arg2[%dma_start3A_333, %dma_start3A_334] : memref<10240x128xf32, #tpu.memory_space<hbm>> -> memref<10240x128xf32, #tpu.memory_space<hbm>>
    tpu.enqueue_indirect_dma source(%dma_start3A_335 : memref<10240x128xf32, #tpu.memory_space<hbm>>) target(%arg10 : memref<125x128xf32, #tpu.memory_space<vmem>>) offsets(%dma_start3A_332 : memref<125xi32, #tpu.memory_space<vmem>>) semaphore(%arg13 : memref<!tpu.dma_semaphore, #tpu.memory_space<semaphore_mem>>)
    %dma_start3A_336 = arith.constant 0 : i32
    %dma_start3A_337 = arith.constant 4 : i32
    %dma_start3A_338 = arith.constant 0 : i32
    %dma_start3A_339 = arith.constant 0 : i32
    %dma_start3A_340 = tpu.memref_slice %arg6[%dma_start3A_338, %dma_start3A_339] : memref<2x125xi32, #tpu.memory_space<vmem>> -> memref<1x125xi32, #tpu.memory_space<vmem>>
    %dma_start3A_341 = tpu.memref_squeeze %dma_start3A_340 : memref<1x125xi32, #tpu.memory_space<vmem>> -> memref<125xi32, #tpu.memory_space<vmem>>
    %dma_start3A_342 = arith.constant 0 : i32
    %dma_start3A_343 = tpu.memref_slice %arg3[%dma_start3A_336, %add3A, %dma_start3A_337, %dma_start3A_342] : memref<2x32x80x125xi32, #tpu.memory_space<hbm>> -> memref<1x1x1x125xi32, #tpu.memory_space<hbm>>
    %dma_start3A_344 = tpu.memref_squeeze %dma_start3A_343 : memref<1x1x1x125xi32, #tpu.memory_space<hbm>> -> memref<125xi32, #tpu.memory_space<hbm>>
    %dma_start3A_345 = arith.constant 0 : i32
    %dma_start3A_346 = tpu.memref_slice %arg6[%dma_start3A_338, %dma_start3A_345] : memref<2x125xi32, #tpu.memory_space<vmem>> -> memref<1x125xi32, #tpu.memory_space<vmem>>
    %dma_start3A_347 = tpu.memref_squeeze %dma_start3A_346 : memref<1x125xi32, #tpu.memory_space<vmem>> -> memref<125xi32, #tpu.memory_space<vmem>>
    %dma_start3A_348 = arith.constant 0 : i32
    %dma_start3A_349 = tpu.memref_slice %arg3[%dma_start3A_336, %add3A, %dma_start3A_337, %dma_start3A_348] : memref<2x32x80x125xi32, #tpu.memory_space<hbm>> -> memref<1x1x1x125xi32, #tpu.memory_space<hbm>>
    %dma_start3A_350 = tpu.memref_squeeze %dma_start3A_349 : memref<1x1x1x125xi32, #tpu.memory_space<hbm>> -> memref<125xi32, #tpu.memory_space<hbm>>
    tpu.enqueue_dma source(%dma_start3A_350 : memref<125xi32, #tpu.memory_space<hbm>>) target(%dma_start3A_347 : memref<125xi32, #tpu.memory_space<vmem>>) target_semaphore(%arg17 : memref<!tpu.dma_semaphore, #tpu.memory_space<semaphore_mem>>)
    %dma_start3A_351 = arith.constant 1 : i32
    %dma_start3A_352 = arith.constant 4 : i32
    %dma_start3A_353 = arith.constant 1 : i32
    %dma_start3A_354 = arith.constant 0 : i32
    %dma_start3A_355 = tpu.memref_slice %arg6[%dma_start3A_353, %dma_start3A_354] : memref<2x125xi32, #tpu.memory_space<vmem>> -> memref<1x125xi32, #tpu.memory_space<vmem>>
    %dma_start3A_356 = tpu.memref_squeeze %dma_start3A_355 : memref<1x125xi32, #tpu.memory_space<vmem>> -> memref<125xi32, #tpu.memory_space<vmem>>
    %dma_start3A_357 = arith.constant 0 : i32
    %dma_start3A_358 = tpu.memref_slice %arg3[%dma_start3A_351, %add3A, %dma_start3A_352, %dma_start3A_357] : memref<2x32x80x125xi32, #tpu.memory_space<hbm>> -> memref<1x1x1x125xi32, #tpu.memory_space<hbm>>
    %dma_start3A_359 = tpu.memref_squeeze %dma_start3A_358 : memref<1x1x1x125xi32, #tpu.memory_space<hbm>> -> memref<125xi32, #tpu.memory_space<hbm>>
    %dma_start3A_360 = arith.constant 0 : i32
    %dma_start3A_361 = tpu.memref_slice %arg6[%dma_start3A_353, %dma_start3A_360] : memref<2x125xi32, #tpu.memory_space<vmem>> -> memref<1x125xi32, #tpu.memory_space<vmem>>
    %dma_start3A_362 = tpu.memref_squeeze %dma_start3A_361 : memref<1x125xi32, #tpu.memory_space<vmem>> -> memref<125xi32, #tpu.memory_space<vmem>>
    %dma_start3A_363 = arith.constant 0 : i32
    %dma_start3A_364 = tpu.memref_slice %arg3[%dma_start3A_351, %add3A, %dma_start3A_352, %dma_start3A_363] : memref<2x32x80x125xi32, #tpu.memory_space<hbm>> -> memref<1x1x1x125xi32, #tpu.memory_space<hbm>>
    %dma_start3A_365 = tpu.memref_squeeze %dma_start3A_364 : memref<1x1x1x125xi32, #tpu.memory_space<hbm>> -> memref<125xi32, #tpu.memory_space<hbm>>
    tpu.enqueue_dma source(%dma_start3A_365 : memref<125xi32, #tpu.memory_space<hbm>>) target(%dma_start3A_362 : memref<125xi32, #tpu.memory_space<vmem>>) target_semaphore(%arg17 : memref<!tpu.dma_semaphore, #tpu.memory_space<semaphore_mem>>)
    %dma_wait3A_366 = arith.constant 0 : i32
    %dma_wait3A_367 = arith.constant 0 : i32
    %dma_wait3A_368 = tpu.memref_slice %arg7[%dma_wait3A_366, %dma_wait3A_367] : memref<2x125xi32, #tpu.memory_space<vmem>> -> memref<1x125xi32, #tpu.memory_space<vmem>>
    %dma_wait3A_369 = tpu.memref_squeeze %dma_wait3A_368 : memref<1x125xi32, #tpu.memory_space<vmem>> -> memref<125xi32, #tpu.memory_space<vmem>>
    %dma_wait3A_370 = arith.constant 0 : i32
    %dma_wait3A_371 = arith.constant 0 : i32
    %dma_wait3A_372 = tpu.memref_slice %arg2[%dma_wait3A_370, %dma_wait3A_371] : memref<10240x128xf32, #tpu.memory_space<hbm>> -> memref<10240x128xf32, #tpu.memory_space<hbm>>
    tpu.wait_indirect_dma semaphore(%arg14 : memref<!tpu.dma_semaphore, #tpu.memory_space<semaphore_mem>>) src(%dma_wait3A_372 : memref<10240x128xf32, #tpu.memory_space<hbm>>) dst(%arg11 : memref<125x128xf32, #tpu.memory_space<vmem>>)
    %dma_start3A_373 = arith.constant 1 : i32
    %dma_start3A_374 = arith.constant 0 : i32
    %dma_start3A_375 = tpu.memref_slice %arg7[%dma_start3A_373, %dma_start3A_374] : memref<2x125xi32, #tpu.memory_space<vmem>> -> memref<1x125xi32, #tpu.memory_space<vmem>>
    %dma_start3A_376 = tpu.memref_squeeze %dma_start3A_375 : memref<1x125xi32, #tpu.memory_space<vmem>> -> memref<125xi32, #tpu.memory_space<vmem>>
    %dma_start3A_377 = arith.constant 0 : i32
    %dma_start3A_378 = arith.constant 0 : i32
    %dma_start3A_379 = tpu.memref_slice %arg5[%dma_start3A_377, %dma_start3A_378] : memref<10240x128xf32, #tpu.memory_space<vmem_shared>> -> memref<10240x128xf32, #tpu.memory_space<vmem_shared>>
    tpu.enqueue_indirect_dma source(%arg11 : memref<125x128xf32, #tpu.memory_space<vmem>>) target(%dma_start3A_379 : memref<10240x128xf32, #tpu.memory_space<vmem_shared>>) offsets(%dma_start3A_376 : memref<125xi32, #tpu.memory_space<vmem>>) semaphore(%arg16 : memref<!tpu.dma_semaphore, #tpu.memory_space<semaphore_mem>>) {add = true}
    %dma_wait3A_380 = arith.constant 1 : i32
    %dma_wait3A_381 = arith.constant 0 : i32
    %dma_wait3A_382 = tpu.memref_slice %arg9[%dma_wait3A_380, %dma_wait3A_381] : memref<2x125xi32, #tpu.memory_space<vmem>> -> memref<1x125xi32, #tpu.memory_space<vmem>>
    %dma_wait3A_383 = tpu.memref_squeeze %dma_wait3A_382 : memref<1x125xi32, #tpu.memory_space<vmem>> -> memref<125xi32, #tpu.memory_space<vmem>>
    %dma_wait3A_384 = arith.constant 0 : i32
    %dma_wait3A_385 = arith.constant 0 : i32
    %dma_wait3A_386 = tpu.memref_slice %arg5[%dma_wait3A_384, %dma_wait3A_385] : memref<10240x128xf32, #tpu.memory_space<vmem_shared>> -> memref<10240x128xf32, #tpu.memory_space<vmem_shared>>
    tpu.wait_indirect_dma semaphore(%arg16 : memref<!tpu.dma_semaphore, #tpu.memory_space<semaphore_mem>>) src(%arg11 : memref<125x128xf32, #tpu.memory_space<vmem>>) dst(%dma_wait3A_386 : memref<10240x128xf32, #tpu.memory_space<vmem_shared>>)
    %dma_wait3A_387 = arith.constant 0 : i32
    %dma_wait3A_388 = arith.constant 0 : i32
    %dma_wait3A_389 = arith.constant 0 : i32
    %dma_wait3A_390 = arith.constant 0 : i32
    %dma_wait3A_391 = tpu.memref_slice %arg9[%dma_wait3A_389, %dma_wait3A_390] : memref<2x125xi32, #tpu.memory_space<vmem>> -> memref<1x125xi32, #tpu.memory_space<vmem>>
    %dma_wait3A_392 = tpu.memref_squeeze %dma_wait3A_391 : memref<1x125xi32, #tpu.memory_space<vmem>> -> memref<125xi32, #tpu.memory_space<vmem>>
    %dma_wait3A_393 = arith.constant 0 : i32
    %dma_wait3A_394 = tpu.memref_slice %arg3[%dma_wait3A_387, %add3A, %dma_wait3A_388, %dma_wait3A_393] : memref<2x32x80x125xi32, #tpu.memory_space<hbm>> -> memref<1x1x1x125xi32, #tpu.memory_space<hbm>>
    %dma_wait3A_395 = tpu.memref_squeeze %dma_wait3A_394 : memref<1x1x1x125xi32, #tpu.memory_space<hbm>> -> memref<125xi32, #tpu.memory_space<hbm>>
    %dma_wait3A_396 = arith.constant 0 : i32
    %dma_wait3A_397 = tpu.memref_slice %arg9[%dma_wait3A_389, %dma_wait3A_396] : memref<2x125xi32, #tpu.memory_space<vmem>> -> memref<1x125xi32, #tpu.memory_space<vmem>>
    %dma_wait3A_398 = tpu.memref_squeeze %dma_wait3A_397 : memref<1x125xi32, #tpu.memory_space<vmem>> -> memref<125xi32, #tpu.memory_space<vmem>>
    %dma_wait3A_399 = arith.constant 0 : i32
    %dma_wait3A_400 = tpu.memref_slice %arg3[%dma_wait3A_387, %add3A, %dma_wait3A_388, %dma_wait3A_399] : memref<2x32x80x125xi32, #tpu.memory_space<hbm>> -> memref<1x1x1x125xi32, #tpu.memory_space<hbm>>
    %dma_wait3A_401 = tpu.memref_squeeze %dma_wait3A_400 : memref<1x1x1x125xi32, #tpu.memory_space<hbm>> -> memref<125xi32, #tpu.memory_space<hbm>>
    tpu.wait_dma2 semaphore(%arg20 : memref<!tpu.dma_semaphore, #tpu.memory_space<semaphore_mem>>) src(%dma_wait3A_401 : memref<125xi32, #tpu.memory_space<hbm>>) dst(%dma_wait3A_398 : memref<125xi32, #tpu.memory_space<vmem>>)
    %dma_wait3A_402 = arith.constant 1 : i32
    %dma_wait3A_403 = arith.constant 0 : i32
    %dma_wait3A_404 = arith.constant 1 : i32
    %dma_wait3A_405 = arith.constant 0 : i32
    %dma_wait3A_406 = tpu.memref_slice %arg9[%dma_wait3A_404, %dma_wait3A_405] : memref<2x125xi32, #tpu.memory_space<vmem>> -> memref<1x125xi32, #tpu.memory_space<vmem>>
    %dma_wait3A_407 = tpu.memref_squeeze %dma_wait3A_406 : memref<1x125xi32, #tpu.memory_space<vmem>> -> memref<125xi32, #tpu.memory_space<vmem>>
    %dma_wait3A_408 = arith.constant 0 : i32
    %dma_wait3A_409 = tpu.memref_slice %arg3[%dma_wait3A_402, %add3A, %dma_wait3A_403, %dma_wait3A_408] : memref<2x32x80x125xi32, #tpu.memory_space<hbm>> -> memref<1x1x1x125xi32, #tpu.memory_space<hbm>>
    %dma_wait3A_410 = tpu.memref_squeeze %dma_wait3A_409 : memref<1x1x1x125xi32, #tpu.memory_space<hbm>> -> memref<125xi32, #tpu.memory_space<hbm>>
    %dma_wait3A_411 = arith.constant 0 : i32
    %dma_wait3A_412 = tpu.memref_slice %arg9[%dma_wait3A_404, %dma_wait3A_411] : memref<2x125xi32, #tpu.memory_space<vmem>> -> memref<1x125xi32, #tpu.memory_space<vmem>>
    %dma_wait3A_413 = tpu.memref_squeeze %dma_wait3A_412 : memref<1x125xi32, #tpu.memory_space<vmem>> -> memref<125xi32, #tpu.memory_space<vmem>>
    %dma_wait3A_414 = arith.constant 0 : i32
    %dma_wait3A_415 = tpu.memref_slice %arg3[%dma_wait3A_402, %add3A, %dma_wait3A_403, %dma_wait3A_414] : memref<2x32x80x125xi32, #tpu.memory_space<hbm>> -> memref<1x1x1x125xi32, #tpu.memory_space<hbm>>
    %dma_wait3A_416 = tpu.memref_squeeze %dma_wait3A_415 : memref<1x1x1x125xi32, #tpu.memory_space<hbm>> -> memref<125xi32, #tpu.memory_space<hbm>>
    tpu.wait_dma2 semaphore(%arg20 : memref<!tpu.dma_semaphore, #tpu.memory_space<semaphore_mem>>) src(%dma_wait3A_416 : memref<125xi32, #tpu.memory_space<hbm>>) dst(%dma_wait3A_413 : memref<125xi32, #tpu.memory_space<vmem>>)
    %dma_start3A_417 = arith.constant 0 : i32
    %dma_start3A_418 = arith.constant 0 : i32
    %dma_start3A_419 = tpu.memref_slice %arg9[%dma_start3A_417, %dma_start3A_418] : memref<2x125xi32, #tpu.memory_space<vmem>> -> memref<1x125xi32, #tpu.memory_space<vmem>>
    %dma_start3A_420 = tpu.memref_squeeze %dma_start3A_419 : memref<1x125xi32, #tpu.memory_space<vmem>> -> memref<125xi32, #tpu.memory_space<vmem>>
    %dma_start3A_421 = arith.constant 0 : i32
    %dma_start3A_422 = arith.constant 0 : i32
    %dma_start3A_423 = tpu.memref_slice %arg2[%dma_start3A_421, %dma_start3A_422] : memref<10240x128xf32, #tpu.memory_space<hbm>> -> memref<10240x128xf32, #tpu.memory_space<hbm>>
    tpu.enqueue_indirect_dma source(%dma_start3A_423 : memref<10240x128xf32, #tpu.memory_space<hbm>>) target(%arg11 : memref<125x128xf32, #tpu.memory_space<vmem>>) offsets(%dma_start3A_420 : memref<125xi32, #tpu.memory_space<vmem>>) semaphore(%arg14 : memref<!tpu.dma_semaphore, #tpu.memory_space<semaphore_mem>>)
    %dma_start3A_424 = arith.constant 0 : i32
    %dma_start3A_425 = arith.constant 5 : i32
    %dma_start3A_426 = arith.constant 0 : i32
    %dma_start3A_427 = arith.constant 0 : i32
    %dma_start3A_428 = tpu.memref_slice %arg7[%dma_start3A_426, %dma_start3A_427] : memref<2x125xi32, #tpu.memory_space<vmem>> -> memref<1x125xi32, #tpu.memory_space<vmem>>
    %dma_start3A_429 = tpu.memref_squeeze %dma_start3A_428 : memref<1x125xi32, #tpu.memory_space<vmem>> -> memref<125xi32, #tpu.memory_space<vmem>>
    %dma_start3A_430 = arith.constant 0 : i32
    %dma_start3A_431 = tpu.memref_slice %arg3[%dma_start3A_424, %add3A, %dma_start3A_425, %dma_start3A_430] : memref<2x32x80x125xi32, #tpu.memory_space<hbm>> -> memref<1x1x1x125xi32, #tpu.memory_space<hbm>>
    %dma_start3A_432 = tpu.memref_squeeze %dma_start3A_431 : memref<1x1x1x125xi32, #tpu.memory_space<hbm>> -> memref<125xi32, #tpu.memory_space<hbm>>
    %dma_start3A_433 = arith.constant 0 : i32
    %dma_start3A_434 = tpu.memref_slice %arg7[%dma_start3A_426, %dma_start3A_433] : memref<2x125xi32, #tpu.memory_space<vmem>> -> memref<1x125xi32, #tpu.memory_space<vmem>>
    %dma_start3A_435 = tpu.memref_squeeze %dma_start3A_434 : memref<1x125xi32, #tpu.memory_space<vmem>> -> memref<125xi32, #tpu.memory_space<vmem>>
    %dma_start3A_436 = arith.constant 0 : i32
    %dma_start3A_437 = tpu.memref_slice %arg3[%dma_start3A_424, %add3A, %dma_start3A_425, %dma_start3A_436] : memref<2x32x80x125xi32, #tpu.memory_space<hbm>> -> memref<1x1x1x125xi32, #tpu.memory_space<hbm>>
    %dma_start3A_438 = tpu.memref_squeeze %dma_start3A_437 : memref<1x1x1x125xi32, #tpu.memory_space<hbm>> -> memref<125xi32, #tpu.memory_space<hbm>>
    tpu.enqueue_dma source(%dma_start3A_438 : memref<125xi32, #tpu.memory_space<hbm>>) target(%dma_start3A_435 : memref<125xi32, #tpu.memory_space<vmem>>) target_semaphore(%arg18 : memref<!tpu.dma_semaphore, #tpu.memory_space<semaphore_mem>>)
    %dma_start3A_439 = arith.constant 1 : i32
    %dma_start3A_440 = arith.constant 5 : i32
    %dma_start3A_441 = arith.constant 1 : i32
    %dma_start3A_442 = arith.constant 0 : i32
    %dma_start3A_443 = tpu.memref_slice %arg7[%dma_start3A_441, %dma_start3A_442] : memref<2x125xi32, #tpu.memory_space<vmem>> -> memref<1x125xi32, #tpu.memory_space<vmem>>
    %dma_start3A_444 = tpu.memref_squeeze %dma_start3A_443 : memref<1x125xi32, #tpu.memory_space<vmem>> -> memref<125xi32, #tpu.memory_space<vmem>>
    %dma_start3A_445 = arith.constant 0 : i32
    %dma_start3A_446 = tpu.memref_slice %arg3[%dma_start3A_439, %add3A, %dma_start3A_440, %dma_start3A_445] : memref<2x32x80x125xi32, #tpu.memory_space<hbm>> -> memref<1x1x1x125xi32, #tpu.memory_space<hbm>>
    %dma_start3A_447 = tpu.memref_squeeze %dma_start3A_446 : memref<1x1x1x125xi32, #tpu.memory_space<hbm>> -> memref<125xi32, #tpu.memory_space<hbm>>
    %dma_start3A_448 = arith.constant 0 : i32
    %dma_start3A_449 = tpu.memref_slice %arg7[%dma_start3A_441, %dma_start3A_448] : memref<2x125xi32, #tpu.memory_space<vmem>> -> memref<1x125xi32, #tpu.memory_space<vmem>>
    %dma_start3A_450 = tpu.memref_squeeze %dma_start3A_449 : memref<1x125xi32, #tpu.memory_space<vmem>> -> memref<125xi32, #tpu.memory_space<vmem>>
    %dma_start3A_451 = arith.constant 0 : i32
    %dma_start3A_452 = tpu.memref_slice %arg3[%dma_start3A_439, %add3A, %dma_start3A_440, %dma_start3A_451] : memref<2x32x80x125xi32, #tpu.memory_space<hbm>> -> memref<1x1x1x125xi32, #tpu.memory_space<hbm>>
    %dma_start3A_453 = tpu.memref_squeeze %dma_start3A_452 : memref<1x1x1x125xi32, #tpu.memory_space<hbm>> -> memref<125xi32, #tpu.memory_space<hbm>>
    tpu.enqueue_dma source(%dma_start3A_453 : memref<125xi32, #tpu.memory_space<hbm>>) target(%dma_start3A_450 : memref<125xi32, #tpu.memory_space<vmem>>) target_semaphore(%arg18 : memref<!tpu.dma_semaphore, #tpu.memory_space<semaphore_mem>>)
    %dma_wait3A_454 = arith.constant 0 : i32
    %dma_wait3A_455 = arith.constant 0 : i32
    %dma_wait3A_456 = tpu.memref_slice %arg8[%dma_wait3A_454, %dma_wait3A_455] : memref<2x125xi32, #tpu.memory_space<vmem>> -> memref<1x125xi32, #tpu.memory_space<vmem>>
    %dma_wait3A_457 = tpu.memref_squeeze %dma_wait3A_456 : memref<1x125xi32, #tpu.memory_space<vmem>> -> memref<125xi32, #tpu.memory_space<vmem>>
    %dma_wait3A_458 = arith.constant 0 : i32
    %dma_wait3A_459 = arith.constant 0 : i32
    %dma_wait3A_460 = tpu.memref_slice %arg2[%dma_wait3A_458, %dma_wait3A_459] : memref<10240x128xf32, #tpu.memory_space<hbm>> -> memref<10240x128xf32, #tpu.memory_space<hbm>>
    tpu.wait_indirect_dma semaphore(%arg13 : memref<!tpu.dma_semaphore, #tpu.memory_space<semaphore_mem>>) src(%dma_wait3A_460 : memref<10240x128xf32, #tpu.memory_space<hbm>>) dst(%arg10 : memref<125x128xf32, #tpu.memory_space<vmem>>)
    %dma_start3A_461 = arith.constant 1 : i32
    %dma_start3A_462 = arith.constant 0 : i32
    %dma_start3A_463 = tpu.memref_slice %arg8[%dma_start3A_461, %dma_start3A_462] : memref<2x125xi32, #tpu.memory_space<vmem>> -> memref<1x125xi32, #tpu.memory_space<vmem>>
    %dma_start3A_464 = tpu.memref_squeeze %dma_start3A_463 : memref<1x125xi32, #tpu.memory_space<vmem>> -> memref<125xi32, #tpu.memory_space<vmem>>
    %dma_start3A_465 = arith.constant 0 : i32
    %dma_start3A_466 = arith.constant 0 : i32
    %dma_start3A_467 = tpu.memref_slice %arg5[%dma_start3A_465, %dma_start3A_466] : memref<10240x128xf32, #tpu.memory_space<vmem_shared>> -> memref<10240x128xf32, #tpu.memory_space<vmem_shared>>
    tpu.enqueue_indirect_dma source(%arg10 : memref<125x128xf32, #tpu.memory_space<vmem>>) target(%dma_start3A_467 : memref<10240x128xf32, #tpu.memory_space<vmem_shared>>) offsets(%dma_start3A_464 : memref<125xi32, #tpu.memory_space<vmem>>) semaphore(%arg15 : memref<!tpu.dma_semaphore, #tpu.memory_space<semaphore_mem>>) {add = true}
    %scan3A_468 = arith.constant 0 : i32
    %scan3A_469 = arith.constant 1 : i32
    %scan3A_470 = arith.constant 18 : i32
    %scan3A_471 = arith.addi %scan3A_469, %scan3A_470 : i32
    %scan3A_472 = arith.constant 1 : i32
    scf.for %scan3A_802 = %scan3A_469 to %scan3A_471 step %scan3A_472  : i32 {
      %mul3A_803 = arith.constant 4 : i32
      %mul3A_804 = arith.muli %mul3A_803, %scan3A_802 : i32
      %add3A_805 = arith.constant 0 : i32
      %add3A_806 = arith.addi %mul3A_804, %add3A_805 : i32
      %dma_wait3A_807 = arith.constant 1 : i32
      %dma_wait3A_808 = arith.constant 0 : i32
      %dma_wait3A_809 = tpu.memref_slice %arg6[%dma_wait3A_807, %dma_wait3A_808] : memref<2x125xi32, #tpu.memory_space<vmem>> -> memref<1x125xi32, #tpu.memory_space<vmem>>
      %dma_wait3A_810 = tpu.memref_squeeze %dma_wait3A_809 : memref<1x125xi32, #tpu.memory_space<vmem>> -> memref<125xi32, #tpu.memory_space<vmem>>
      %dma_wait3A_811 = arith.constant 0 : i32
      %dma_wait3A_812 = arith.constant 0 : i32
      %dma_wait3A_813 = tpu.memref_slice %arg5[%dma_wait3A_811, %dma_wait3A_812] : memref<10240x128xf32, #tpu.memory_space<vmem_shared>> -> memref<10240x128xf32, #tpu.memory_space<vmem_shared>>
      tpu.wait_indirect_dma semaphore(%arg15 : memref<!tpu.dma_semaphore, #tpu.memory_space<semaphore_mem>>) src(%arg10 : memref<125x128xf32, #tpu.memory_space<vmem>>) dst(%dma_wait3A_813 : memref<10240x128xf32, #tpu.memory_space<vmem_shared>>)
      %dma_wait3A_814 = arith.constant 0 : i32
      %dma_wait3A_815 = arith.constant 0 : i32
      %dma_wait3A_816 = arith.constant 0 : i32
      %dma_wait3A_817 = arith.constant 0 : i32
      %dma_wait3A_818 = tpu.memref_slice %arg6[%dma_wait3A_816, %dma_wait3A_817] : memref<2x125xi32, #tpu.memory_space<vmem>> -> memref<1x125xi32, #tpu.memory_space<vmem>>
      %dma_wait3A_819 = tpu.memref_squeeze %dma_wait3A_818 : memref<1x125xi32, #tpu.memory_space<vmem>> -> memref<125xi32, #tpu.memory_space<vmem>>
      %dma_wait3A_820 = arith.constant 0 : i32
      %dma_wait3A_821 = tpu.memref_slice %arg3[%dma_wait3A_814, %add3A, %dma_wait3A_815, %dma_wait3A_820] : memref<2x32x80x125xi32, #tpu.memory_space<hbm>> -> memref<1x1x1x125xi32, #tpu.memory_space<hbm>>
      %dma_wait3A_822 = tpu.memref_squeeze %dma_wait3A_821 : memref<1x1x1x125xi32, #tpu.memory_space<hbm>> -> memref<125xi32, #tpu.memory_space<hbm>>
      %dma_wait3A_823 = arith.constant 0 : i32
      %dma_wait3A_824 = tpu.memref_slice %arg6[%dma_wait3A_816, %dma_wait3A_823] : memref<2x125xi32, #tpu.memory_space<vmem>> -> memref<1x125xi32, #tpu.memory_space<vmem>>
      %dma_wait3A_825 = tpu.memref_squeeze %dma_wait3A_824 : memref<1x125xi32, #tpu.memory_space<vmem>> -> memref<125xi32, #tpu.memory_space<vmem>>
      %dma_wait3A_826 = arith.constant 0 : i32
      %dma_wait3A_827 = tpu.memref_slice %arg3[%dma_wait3A_814, %add3A, %dma_wait3A_815, %dma_wait3A_826] : memref<2x32x80x125xi32, #tpu.memory_space<hbm>> -> memref<1x1x1x125xi32, #tpu.memory_space<hbm>>
      %dma_wait3A_828 = tpu.memref_squeeze %dma_wait3A_827 : memref<1x1x1x125xi32, #tpu.memory_space<hbm>> -> memref<125xi32, #tpu.memory_space<hbm>>
      tpu.wait_dma2 semaphore(%arg17 : memref<!tpu.dma_semaphore, #tpu.memory_space<semaphore_mem>>) src(%dma_wait3A_828 : memref<125xi32, #tpu.memory_space<hbm>>) dst(%dma_wait3A_825 : memref<125xi32, #tpu.memory_space<vmem>>)
      %dma_wait3A_829 = arith.constant 1 : i32
      %dma_wait3A_830 = arith.constant 0 : i32
      %dma_wait3A_831 = arith.constant 1 : i32
      %dma_wait3A_832 = arith.constant 0 : i32
      %dma_wait3A_833 = tpu.memref_slice %arg6[%dma_wait3A_831, %dma_wait3A_832] : memref<2x125xi32, #tpu.memory_space<vmem>> -> memref<1x125xi32, #tpu.memory_space<vmem>>
      %dma_wait3A_834 = tpu.memref_squeeze %dma_wait3A_833 : memref<1x125xi32, #tpu.memory_space<vmem>> -> memref<125xi32, #tpu.memory_space<vmem>>
      %dma_wait3A_835 = arith.constant 0 : i32
      %dma_wait3A_836 = tpu.memref_slice %arg3[%dma_wait3A_829, %add3A, %dma_wait3A_830, %dma_wait3A_835] : memref<2x32x80x125xi32, #tpu.memory_space<hbm>> -> memref<1x1x1x125xi32, #tpu.memory_space<hbm>>
      %dma_wait3A_837 = tpu.memref_squeeze %dma_wait3A_836 : memref<1x1x1x125xi32, #tpu.memory_space<hbm>> -> memref<125xi32, #tpu.memory_space<hbm>>
      %dma_wait3A_838 = arith.constant 0 : i32
      %dma_wait3A_839 = tpu.memref_slice %arg6[%dma_wait3A_831, %dma_wait3A_838] : memref<2x125xi32, #tpu.memory_space<vmem>> -> memref<1x125xi32, #tpu.memory_space<vmem>>
      %dma_wait3A_840 = tpu.memref_squeeze %dma_wait3A_839 : memref<1x125xi32, #tpu.memory_space<vmem>> -> memref<125xi32, #tpu.memory_space<vmem>>
      %dma_wait3A_841 = arith.constant 0 : i32
      %dma_wait3A_842 = tpu.memref_slice %arg3[%dma_wait3A_829, %add3A, %dma_wait3A_830, %dma_wait3A_841] : memref<2x32x80x125xi32, #tpu.memory_space<hbm>> -> memref<1x1x1x125xi32, #tpu.memory_space<hbm>>
      %dma_wait3A_843 = tpu.memref_squeeze %dma_wait3A_842 : memref<1x1x1x125xi32, #tpu.memory_space<hbm>> -> memref<125xi32, #tpu.memory_space<hbm>>
      tpu.wait_dma2 semaphore(%arg17 : memref<!tpu.dma_semaphore, #tpu.memory_space<semaphore_mem>>) src(%dma_wait3A_843 : memref<125xi32, #tpu.memory_space<hbm>>) dst(%dma_wait3A_840 : memref<125xi32, #tpu.memory_space<vmem>>)
      %dma_start3A_844 = arith.constant 0 : i32
      %dma_start3A_845 = arith.constant 0 : i32
      %dma_start3A_846 = tpu.memref_slice %arg6[%dma_start3A_844, %dma_start3A_845] : memref<2x125xi32, #tpu.memory_space<vmem>> -> memref<1x125xi32, #tpu.memory_space<vmem>>
      %dma_start3A_847 = tpu.memref_squeeze %dma_start3A_846 : memref<1x125xi32, #tpu.memory_space<vmem>> -> memref<125xi32, #tpu.memory_space<vmem>>
      %dma_start3A_848 = arith.constant 0 : i32
      %dma_start3A_849 = arith.constant 0 : i32
      %dma_start3A_850 = tpu.memref_slice %arg2[%dma_start3A_848, %dma_start3A_849] : memref<10240x128xf32, #tpu.memory_space<hbm>> -> memref<10240x128xf32, #tpu.memory_space<hbm>>
      tpu.enqueue_indirect_dma source(%dma_start3A_850 : memref<10240x128xf32, #tpu.memory_space<hbm>>) target(%arg10 : memref<125x128xf32, #tpu.memory_space<vmem>>) offsets(%dma_start3A_847 : memref<125xi32, #tpu.memory_space<vmem>>) semaphore(%arg13 : memref<!tpu.dma_semaphore, #tpu.memory_space<semaphore_mem>>)
      %add3A_851 = arith.constant 2 : i32
      %add3A_852 = arith.addi %add3A_806, %add3A_851 : i32
      %dma_start3A_853 = arith.constant 0 : i32
      %dma_start3A_854 = arith.constant 0 : i32
      %dma_start3A_855 = arith.constant 0 : i32
      %dma_start3A_856 = tpu.memref_slice %arg8[%dma_start3A_854, %dma_start3A_855] : memref<2x125xi32, #tpu.memory_space<vmem>> -> memref<1x125xi32, #tpu.memory_space<vmem>>
      %dma_start3A_857 = tpu.memref_squeeze %dma_start3A_856 : memref<1x125xi32, #tpu.memory_space<vmem>> -> memref<125xi32, #tpu.memory_space<vmem>>
      %dma_start3A_858 = arith.constant 0 : i32
      %dma_start3A_859 = tpu.memref_slice %arg3[%dma_start3A_853, %add3A, %add3A_852, %dma_start3A_858] : memref<2x32x80x125xi32, #tpu.memory_space<hbm>> -> memref<1x1x1x125xi32, #tpu.memory_space<hbm>>
      %dma_start3A_860 = tpu.memref_squeeze %dma_start3A_859 : memref<1x1x1x125xi32, #tpu.memory_space<hbm>> -> memref<125xi32, #tpu.memory_space<hbm>>
      %dma_start3A_861 = arith.constant 0 : i32
      %dma_start3A_862 = tpu.memref_slice %arg8[%dma_start3A_854, %dma_start3A_861] : memref<2x125xi32, #tpu.memory_space<vmem>> -> memref<1x125xi32, #tpu.memory_space<vmem>>
      %dma_start3A_863 = tpu.memref_squeeze %dma_start3A_862 : memref<1x125xi32, #tpu.memory_space<vmem>> -> memref<125xi32, #tpu.memory_space<vmem>>
      %dma_start3A_864 = arith.constant 0 : i32
      %dma_start3A_865 = tpu.memref_slice %arg3[%dma_start3A_853, %add3A, %add3A_852, %dma_start3A_864] : memref<2x32x80x125xi32, #tpu.memory_space<hbm>> -> memref<1x1x1x125xi32, #tpu.memory_space<hbm>>
      %dma_start3A_866 = tpu.memref_squeeze %dma_start3A_865 : memref<1x1x1x125xi32, #tpu.memory_space<hbm>> -> memref<125xi32, #tpu.memory_space<hbm>>
      tpu.enqueue_dma source(%dma_start3A_866 : memref<125xi32, #tpu.memory_space<hbm>>) target(%dma_start3A_863 : memref<125xi32, #tpu.memory_space<vmem>>) target_semaphore(%arg19 : memref<!tpu.dma_semaphore, #tpu.memory_space<semaphore_mem>>)
      %add3A_867 = arith.constant 2 : i32
      %add3A_868 = arith.addi %add3A_806, %add3A_867 : i32
      %dma_start3A_869 = arith.constant 1 : i32
      %dma_start3A_870 = arith.constant 1 : i32
      %dma_start3A_871 = arith.constant 0 : i32
      %dma_start3A_872 = tpu.memref_slice %arg8[%dma_start3A_870, %dma_start3A_871] : memref<2x125xi32, #tpu.memory_space<vmem>> -> memref<1x125xi32, #tpu.memory_space<vmem>>
      %dma_start3A_873 = tpu.memref_squeeze %dma_start3A_872 : memref<1x125xi32, #tpu.memory_space<vmem>> -> memref<125xi32, #tpu.memory_space<vmem>>
      %dma_start3A_874 = arith.constant 0 : i32
      %dma_start3A_875 = tpu.memref_slice %arg3[%dma_start3A_869, %add3A, %add3A_868, %dma_start3A_874] : memref<2x32x80x125xi32, #tpu.memory_space<hbm>> -> memref<1x1x1x125xi32, #tpu.memory_space<hbm>>
      %dma_start3A_876 = tpu.memref_squeeze %dma_start3A_875 : memref<1x1x1x125xi32, #tpu.memory_space<hbm>> -> memref<125xi32, #tpu.memory_space<hbm>>
      %dma_start3A_877 = arith.constant 0 : i32
      %dma_start3A_878 = tpu.memref_slice %arg8[%dma_start3A_870, %dma_start3A_877] : memref<2x125xi32, #tpu.memory_space<vmem>> -> memref<1x125xi32, #tpu.memory_space<vmem>>
      %dma_start3A_879 = tpu.memref_squeeze %dma_start3A_878 : memref<1x125xi32, #tpu.memory_space<vmem>> -> memref<125xi32, #tpu.memory_space<vmem>>
      %dma_start3A_880 = arith.constant 0 : i32
      %dma_start3A_881 = tpu.memref_slice %arg3[%dma_start3A_869, %add3A, %add3A_868, %dma_start3A_880] : memref<2x32x80x125xi32, #tpu.memory_space<hbm>> -> memref<1x1x1x125xi32, #tpu.memory_space<hbm>>
      %dma_start3A_882 = tpu.memref_squeeze %dma_start3A_881 : memref<1x1x1x125xi32, #tpu.memory_space<hbm>> -> memref<125xi32, #tpu.memory_space<hbm>>
      tpu.enqueue_dma source(%dma_start3A_882 : memref<125xi32, #tpu.memory_space<hbm>>) target(%dma_start3A_879 : memref<125xi32, #tpu.memory_space<vmem>>) target_semaphore(%arg19 : memref<!tpu.dma_semaphore, #tpu.memory_space<semaphore_mem>>)
      %dma_wait3A_883 = arith.constant 0 : i32
      %dma_wait3A_884 = arith.constant 0 : i32
      %dma_wait3A_885 = tpu.memref_slice %arg9[%dma_wait3A_883, %dma_wait3A_884] : memref<2x125xi32, #tpu.memory_space<vmem>> -> memref<1x125xi32, #tpu.memory_space<vmem>>
      %dma_wait3A_886 = tpu.memref_squeeze %dma_wait3A_885 : memref<1x125xi32, #tpu.memory_space<vmem>> -> memref<125xi32, #tpu.memory_space<vmem>>
      %dma_wait3A_887 = arith.constant 0 : i32
      %dma_wait3A_888 = arith.constant 0 : i32
      %dma_wait3A_889 = tpu.memref_slice %arg2[%dma_wait3A_887, %dma_wait3A_888] : memref<10240x128xf32, #tpu.memory_space<hbm>> -> memref<10240x128xf32, #tpu.memory_space<hbm>>
      tpu.wait_indirect_dma semaphore(%arg14 : memref<!tpu.dma_semaphore, #tpu.memory_space<semaphore_mem>>) src(%dma_wait3A_889 : memref<10240x128xf32, #tpu.memory_space<hbm>>) dst(%arg11 : memref<125x128xf32, #tpu.memory_space<vmem>>)
      %dma_start3A_890 = arith.constant 1 : i32
      %dma_start3A_891 = arith.constant 0 : i32
      %dma_start3A_892 = tpu.memref_slice %arg9[%dma_start3A_890, %dma_start3A_891] : memref<2x125xi32, #tpu.memory_space<vmem>> -> memref<1x125xi32, #tpu.memory_space<vmem>>
      %dma_start3A_893 = tpu.memref_squeeze %dma_start3A_892 : memref<1x125xi32, #tpu.memory_space<vmem>> -> memref<125xi32, #tpu.memory_space<vmem>>
      %dma_start3A_894 = arith.constant 0 : i32
      %dma_start3A_895 = arith.constant 0 : i32
      %dma_start3A_896 = tpu.memref_slice %arg5[%dma_start3A_894, %dma_start3A_895] : memref<10240x128xf32, #tpu.memory_space<vmem_shared>> -> memref<10240x128xf32, #tpu.memory_space<vmem_shared>>
      tpu.enqueue_indirect_dma source(%arg11 : memref<125x128xf32, #tpu.memory_space<vmem>>) target(%dma_start3A_896 : memref<10240x128xf32, #tpu.memory_space<vmem_shared>>) offsets(%dma_start3A_893 : memref<125xi32, #tpu.memory_space<vmem>>) semaphore(%arg16 : memref<!tpu.dma_semaphore, #tpu.memory_space<semaphore_mem>>) {add = true}
      %mul3A_897 = arith.constant 4 : i32
      %mul3A_898 = arith.muli %mul3A_897, %scan3A_802 : i32
      %add3A_899 = arith.constant 1 : i32
      %add3A_900 = arith.addi %mul3A_898, %add3A_899 : i32
      %dma_wait3A_901 = arith.constant 1 : i32
      %dma_wait3A_902 = arith.constant 0 : i32
      %dma_wait3A_903 = tpu.memref_slice %arg7[%dma_wait3A_901, %dma_wait3A_902] : memref<2x125xi32, #tpu.memory_space<vmem>> -> memref<1x125xi32, #tpu.memory_space<vmem>>
      %dma_wait3A_904 = tpu.memref_squeeze %dma_wait3A_903 : memref<1x125xi32, #tpu.memory_space<vmem>> -> memref<125xi32, #tpu.memory_space<vmem>>
      %dma_wait3A_905 = arith.constant 0 : i32
      %dma_wait3A_906 = arith.constant 0 : i32
      %dma_wait3A_907 = tpu.memref_slice %arg5[%dma_wait3A_905, %dma_wait3A_906] : memref<10240x128xf32, #tpu.memory_space<vmem_shared>> -> memref<10240x128xf32, #tpu.memory_space<vmem_shared>>
      tpu.wait_indirect_dma semaphore(%arg16 : memref<!tpu.dma_semaphore, #tpu.memory_space<semaphore_mem>>) src(%arg11 : memref<125x128xf32, #tpu.memory_space<vmem>>) dst(%dma_wait3A_907 : memref<10240x128xf32, #tpu.memory_space<vmem_shared>>)
      %dma_wait3A_908 = arith.constant 0 : i32
      %dma_wait3A_909 = arith.constant 0 : i32
      %dma_wait3A_910 = arith.constant 0 : i32
      %dma_wait3A_911 = arith.constant 0 : i32
      %dma_wait3A_912 = tpu.memref_slice %arg7[%dma_wait3A_910, %dma_wait3A_911] : memref<2x125xi32, #tpu.memory_space<vmem>> -> memref<1x125xi32, #tpu.memory_space<vmem>>
      %dma_wait3A_913 = tpu.memref_squeeze %dma_wait3A_912 : memref<1x125xi32, #tpu.memory_space<vmem>> -> memref<125xi32, #tpu.memory_space<vmem>>
      %dma_wait3A_914 = arith.constant 0 : i32
      %dma_wait3A_915 = tpu.memref_slice %arg3[%dma_wait3A_908, %add3A, %dma_wait3A_909, %dma_wait3A_914] : memref<2x32x80x125xi32, #tpu.memory_space<hbm>> -> memref<1x1x1x125xi32, #tpu.memory_space<hbm>>
      %dma_wait3A_916 = tpu.memref_squeeze %dma_wait3A_915 : memref<1x1x1x125xi32, #tpu.memory_space<hbm>> -> memref<125xi32, #tpu.memory_space<hbm>>
      %dma_wait3A_917 = arith.constant 0 : i32
      %dma_wait3A_918 = tpu.memref_slice %arg7[%dma_wait3A_910, %dma_wait3A_917] : memref<2x125xi32, #tpu.memory_space<vmem>> -> memref<1x125xi32, #tpu.memory_space<vmem>>
      %dma_wait3A_919 = tpu.memref_squeeze %dma_wait3A_918 : memref<1x125xi32, #tpu.memory_space<vmem>> -> memref<125xi32, #tpu.memory_space<vmem>>
      %dma_wait3A_920 = arith.constant 0 : i32
      %dma_wait3A_921 = tpu.memref_slice %arg3[%dma_wait3A_908, %add3A, %dma_wait3A_909, %dma_wait3A_920] : memref<2x32x80x125xi32, #tpu.memory_space<hbm>> -> memref<1x1x1x125xi32, #tpu.memory_space<hbm>>
      %dma_wait3A_922 = tpu.memref_squeeze %dma_wait3A_921 : memref<1x1x1x125xi32, #tpu.memory_space<hbm>> -> memref<125xi32, #tpu.memory_space<hbm>>
      tpu.wait_dma2 semaphore(%arg18 : memref<!tpu.dma_semaphore, #tpu.memory_space<semaphore_mem>>) src(%dma_wait3A_922 : memref<125xi32, #tpu.memory_space<hbm>>) dst(%dma_wait3A_919 : memref<125xi32, #tpu.memory_space<vmem>>)
      %dma_wait3A_923 = arith.constant 1 : i32
      %dma_wait3A_924 = arith.constant 0 : i32
      %dma_wait3A_925 = arith.constant 1 : i32
      %dma_wait3A_926 = arith.constant 0 : i32
      %dma_wait3A_927 = tpu.memref_slice %arg7[%dma_wait3A_925, %dma_wait3A_926] : memref<2x125xi32, #tpu.memory_space<vmem>> -> memref<1x125xi32, #tpu.memory_space<vmem>>
      %dma_wait3A_928 = tpu.memref_squeeze %dma_wait3A_927 : memref<1x125xi32, #tpu.memory_space<vmem>> -> memref<125xi32, #tpu.memory_space<vmem>>
      %dma_wait3A_929 = arith.constant 0 : i32
      %dma_wait3A_930 = tpu.memref_slice %arg3[%dma_wait3A_923, %add3A, %dma_wait3A_924, %dma_wait3A_929] : memref<2x32x80x125xi32, #tpu.memory_space<hbm>> -> memref<1x1x1x125xi32, #tpu.memory_space<hbm>>
      %dma_wait3A_931 = tpu.memref_squeeze %dma_wait3A_930 : memref<1x1x1x125xi32, #tpu.memory_space<hbm>> -> memref<125xi32, #tpu.memory_space<hbm>>
      %dma_wait3A_932 = arith.constant 0 : i32
      %dma_wait3A_933 = tpu.memref_slice %arg7[%dma_wait3A_925, %dma_wait3A_932] : memref<2x125xi32, #tpu.memory_space<vmem>> -> memref<1x125xi32, #tpu.memory_space<vmem>>
      %dma_wait3A_934 = tpu.memref_squeeze %dma_wait3A_933 : memref<1x125xi32, #tpu.memory_space<vmem>> -> memref<125xi32, #tpu.memory_space<vmem>>
      %dma_wait3A_935 = arith.constant 0 : i32
      %dma_wait3A_936 = tpu.memref_slice %arg3[%dma_wait3A_923, %add3A, %dma_wait3A_924, %dma_wait3A_935] : memref<2x32x80x125xi32, #tpu.memory_space<hbm>> -> memref<1x1x1x125xi32, #tpu.memory_space<hbm>>
      %dma_wait3A_937 = tpu.memref_squeeze %dma_wait3A_936 : memref<1x1x1x125xi32, #tpu.memory_space<hbm>> -> memref<125xi32, #tpu.memory_space<hbm>>
      tpu.wait_dma2 semaphore(%arg18 : memref<!tpu.dma_semaphore, #tpu.memory_space<semaphore_mem>>) src(%dma_wait3A_937 : memref<125xi32, #tpu.memory_space<hbm>>) dst(%dma_wait3A_934 : memref<125xi32, #tpu.memory_space<vmem>>)
      %dma_start3A_938 = arith.constant 0 : i32
      %dma_start3A_939 = arith.constant 0 : i32
      %dma_start3A_940 = tpu.memref_slice %arg7[%dma_start3A_938, %dma_start3A_939] : memref<2x125xi32, #tpu.memory_space<vmem>> -> memref<1x125xi32, #tpu.memory_space<vmem>>
      %dma_start3A_941 = tpu.memref_squeeze %dma_start3A_940 : memref<1x125xi32, #tpu.memory_space<vmem>> -> memref<125xi32, #tpu.memory_space<vmem>>
      %dma_start3A_942 = arith.constant 0 : i32
      %dma_start3A_943 = arith.constant 0 : i32
      %dma_start3A_944 = tpu.memref_slice %arg2[%dma_start3A_942, %dma_start3A_943] : memref<10240x128xf32, #tpu.memory_space<hbm>> -> memref<10240x128xf32, #tpu.memory_space<hbm>>
      tpu.enqueue_indirect_dma source(%dma_start3A_944 : memref<10240x128xf32, #tpu.memory_space<hbm>>) target(%arg11 : memref<125x128xf32, #tpu.memory_space<vmem>>) offsets(%dma_start3A_941 : memref<125xi32, #tpu.memory_space<vmem>>) semaphore(%arg14 : memref<!tpu.dma_semaphore, #tpu.memory_space<semaphore_mem>>)
      %add3A_945 = arith.constant 2 : i32
      %add3A_946 = arith.addi %add3A_900, %add3A_945 : i32
      %dma_start3A_947 = arith.constant 0 : i32
      %dma_start3A_948 = arith.constant 0 : i32
      %dma_start3A_949 = arith.constant 0 : i32
      %dma_start3A_950 = tpu.memref_slice %arg9[%dma_start3A_948, %dma_start3A_949] : memref<2x125xi32, #tpu.memory_space<vmem>> -> memref<1x125xi32, #tpu.memory_space<vmem>>
      %dma_start3A_951 = tpu.memref_squeeze %dma_start3A_950 : memref<1x125xi32, #tpu.memory_space<vmem>> -> memref<125xi32, #tpu.memory_space<vmem>>
      %dma_start3A_952 = arith.constant 0 : i32
      %dma_start3A_953 = tpu.memref_slice %arg3[%dma_start3A_947, %add3A, %add3A_946, %dma_start3A_952] : memref<2x32x80x125xi32, #tpu.memory_space<hbm>> -> memref<1x1x1x125xi32, #tpu.memory_space<hbm>>
      %dma_start3A_954 = tpu.memref_squeeze %dma_start3A_953 : memref<1x1x1x125xi32, #tpu.memory_space<hbm>> -> memref<125xi32, #tpu.memory_space<hbm>>
      %dma_start3A_955 = arith.constant 0 : i32
      %dma_start3A_956 = tpu.memref_slice %arg9[%dma_start3A_948, %dma_start3A_955] : memref<2x125xi32, #tpu.memory_space<vmem>> -> memref<1x125xi32, #tpu.memory_space<vmem>>
      %dma_start3A_957 = tpu.memref_squeeze %dma_start3A_956 : memref<1x125xi32, #tpu.memory_space<vmem>> -> memref<125xi32, #tpu.memory_space<vmem>>
      %dma_start3A_958 = arith.constant 0 : i32
      %dma_start3A_959 = tpu.memref_slice %arg3[%dma_start3A_947, %add3A, %add3A_946, %dma_start3A_958] : memref<2x32x80x125xi32, #tpu.memory_space<hbm>> -> memref<1x1x1x125xi32, #tpu.memory_space<hbm>>
      %dma_start3A_960 = tpu.memref_squeeze %dma_start3A_959 : memref<1x1x1x125xi32, #tpu.memory_space<hbm>> -> memref<125xi32, #tpu.memory_space<hbm>>
      tpu.enqueue_dma source(%dma_start3A_960 : memref<125xi32, #tpu.memory_space<hbm>>) target(%dma_start3A_957 : memref<125xi32, #tpu.memory_space<vmem>>) target_semaphore(%arg20 : memref<!tpu.dma_semaphore, #tpu.memory_space<semaphore_mem>>)
      %add3A_961 = arith.constant 2 : i32
      %add3A_962 = arith.addi %add3A_900, %add3A_961 : i32
      %dma_start3A_963 = arith.constant 1 : i32
      %dma_start3A_964 = arith.constant 1 : i32
      %dma_start3A_965 = arith.constant 0 : i32
      %dma_start3A_966 = tpu.memref_slice %arg9[%dma_start3A_964, %dma_start3A_965] : memref<2x125xi32, #tpu.memory_space<vmem>> -> memref<1x125xi32, #tpu.memory_space<vmem>>
      %dma_start3A_967 = tpu.memref_squeeze %dma_start3A_966 : memref<1x125xi32, #tpu.memory_space<vmem>> -> memref<125xi32, #tpu.memory_space<vmem>>
      %dma_start3A_968 = arith.constant 0 : i32
      %dma_start3A_969 = tpu.memref_slice %arg3[%dma_start3A_963, %add3A, %add3A_962, %dma_start3A_968] : memref<2x32x80x125xi32, #tpu.memory_space<hbm>> -> memref<1x1x1x125xi32, #tpu.memory_space<hbm>>
      %dma_start3A_970 = tpu.memref_squeeze %dma_start3A_969 : memref<1x1x1x125xi32, #tpu.memory_space<hbm>> -> memref<125xi32, #tpu.memory_space<hbm>>
      %dma_start3A_971 = arith.constant 0 : i32
      %dma_start3A_972 = tpu.memref_slice %arg9[%dma_start3A_964, %dma_start3A_971] : memref<2x125xi32, #tpu.memory_space<vmem>> -> memref<1x125xi32, #tpu.memory_space<vmem>>
      %dma_start3A_973 = tpu.memref_squeeze %dma_start3A_972 : memref<1x125xi32, #tpu.memory_space<vmem>> -> memref<125xi32, #tpu.memory_space<vmem>>
      %dma_start3A_974 = arith.constant 0 : i32
      %dma_start3A_975 = tpu.memref_slice %arg3[%dma_start3A_963, %add3A, %add3A_962, %dma_start3A_974] : memref<2x32x80x125xi32, #tpu.memory_space<hbm>> -> memref<1x1x1x125xi32, #tpu.memory_space<hbm>>
      %dma_start3A_976 = tpu.memref_squeeze %dma_start3A_975 : memref<1x1x1x125xi32, #tpu.memory_space<hbm>> -> memref<125xi32, #tpu.memory_space<hbm>>
      tpu.enqueue_dma source(%dma_start3A_976 : memref<125xi32, #tpu.memory_space<hbm>>) target(%dma_start3A_973 : memref<125xi32, #tpu.memory_space<vmem>>) target_semaphore(%arg20 : memref<!tpu.dma_semaphore, #tpu.memory_space<semaphore_mem>>)
      %dma_wait3A_977 = arith.constant 0 : i32
      %dma_wait3A_978 = arith.constant 0 : i32
      %dma_wait3A_979 = tpu.memref_slice %arg6[%dma_wait3A_977, %dma_wait3A_978] : memref<2x125xi32, #tpu.memory_space<vmem>> -> memref<1x125xi32, #tpu.memory_space<vmem>>
      %dma_wait3A_980 = tpu.memref_squeeze %dma_wait3A_979 : memref<1x125xi32, #tpu.memory_space<vmem>> -> memref<125xi32, #tpu.memory_space<vmem>>
      %dma_wait3A_981 = arith.constant 0 : i32
      %dma_wait3A_982 = arith.constant 0 : i32
      %dma_wait3A_983 = tpu.memref_slice %arg2[%dma_wait3A_981, %dma_wait3A_982] : memref<10240x128xf32, #tpu.memory_space<hbm>> -> memref<10240x128xf32, #tpu.memory_space<hbm>>
      tpu.wait_indirect_dma semaphore(%arg13 : memref<!tpu.dma_semaphore, #tpu.memory_space<semaphore_mem>>) src(%dma_wait3A_983 : memref<10240x128xf32, #tpu.memory_space<hbm>>) dst(%arg10 : memref<125x128xf32, #tpu.memory_space<vmem>>)
      %dma_start3A_984 = arith.constant 1 : i32
      %dma_start3A_985 = arith.constant 0 : i32
      %dma_start3A_986 = tpu.memref_slice %arg6[%dma_start3A_984, %dma_start3A_985] : memref<2x125xi32, #tpu.memory_space<vmem>> -> memref<1x125xi32, #tpu.memory_space<vmem>>
      %dma_start3A_987 = tpu.memref_squeeze %dma_start3A_986 : memref<1x125xi32, #tpu.memory_space<vmem>> -> memref<125xi32, #tpu.memory_space<vmem>>
      %dma_start3A_988 = arith.constant 0 : i32
      %dma_start3A_989 = arith.constant 0 : i32
      %dma_start3A_990 = tpu.memref_slice %arg5[%dma_start3A_988, %dma_start3A_989] : memref<10240x128xf32, #tpu.memory_space<vmem_shared>> -> memref<10240x128xf32, #tpu.memory_space<vmem_shared>>
      tpu.enqueue_indirect_dma source(%arg10 : memref<125x128xf32, #tpu.memory_space<vmem>>) target(%dma_start3A_990 : memref<10240x128xf32, #tpu.memory_space<vmem_shared>>) offsets(%dma_start3A_987 : memref<125xi32, #tpu.memory_space<vmem>>) semaphore(%arg15 : memref<!tpu.dma_semaphore, #tpu.memory_space<semaphore_mem>>) {add = true}
      %mul3A_991 = arith.constant 4 : i32
      %mul3A_992 = arith.muli %mul3A_991, %scan3A_802 : i32
      %add3A_993 = arith.constant 2 : i32
      %add3A_994 = arith.addi %mul3A_992, %add3A_993 : i32
      %dma_wait3A_995 = arith.constant 1 : i32
      %dma_wait3A_996 = arith.constant 0 : i32
      %dma_wait3A_997 = tpu.memref_slice %arg8[%dma_wait3A_995, %dma_wait3A_996] : memref<2x125xi32, #tpu.memory_space<vmem>> -> memref<1x125xi32, #tpu.memory_space<vmem>>
      %dma_wait3A_998 = tpu.memref_squeeze %dma_wait3A_997 : memref<1x125xi32, #tpu.memory_space<vmem>> -> memref<125xi32, #tpu.memory_space<vmem>>
      %dma_wait3A_999 = arith.constant 0 : i32
      %dma_wait3A_1000 = arith.constant 0 : i32
      %dma_wait3A_1001 = tpu.memref_slice %arg5[%dma_wait3A_999, %dma_wait3A_1000] : memref<10240x128xf32, #tpu.memory_space<vmem_shared>> -> memref<10240x128xf32, #tpu.memory_space<vmem_shared>>
      tpu.wait_indirect_dma semaphore(%arg15 : memref<!tpu.dma_semaphore, #tpu.memory_space<semaphore_mem>>) src(%arg10 : memref<125x128xf32, #tpu.memory_space<vmem>>) dst(%dma_wait3A_1001 : memref<10240x128xf32, #tpu.memory_space<vmem_shared>>)
      %dma_wait3A_1002 = arith.constant 0 : i32
      %dma_wait3A_1003 = arith.constant 0 : i32
      %dma_wait3A_1004 = arith.constant 0 : i32
      %dma_wait3A_1005 = arith.constant 0 : i32
      %dma_wait3A_1006 = tpu.memref_slice %arg8[%dma_wait3A_1004, %dma_wait3A_1005] : memref<2x125xi32, #tpu.memory_space<vmem>> -> memref<1x125xi32, #tpu.memory_space<vmem>>
      %dma_wait3A_1007 = tpu.memref_squeeze %dma_wait3A_1006 : memref<1x125xi32, #tpu.memory_space<vmem>> -> memref<125xi32, #tpu.memory_space<vmem>>
      %dma_wait3A_1008 = arith.constant 0 : i32
      %dma_wait3A_1009 = tpu.memref_slice %arg3[%dma_wait3A_1002, %add3A, %dma_wait3A_1003, %dma_wait3A_1008] : memref<2x32x80x125xi32, #tpu.memory_space<hbm>> -> memref<1x1x1x125xi32, #tpu.memory_space<hbm>>
      %dma_wait3A_1010 = tpu.memref_squeeze %dma_wait3A_1009 : memref<1x1x1x125xi32, #tpu.memory_space<hbm>> -> memref<125xi32, #tpu.memory_space<hbm>>
      %dma_wait3A_1011 = arith.constant 0 : i32
      %dma_wait3A_1012 = tpu.memref_slice %arg8[%dma_wait3A_1004, %dma_wait3A_1011] : memref<2x125xi32, #tpu.memory_space<vmem>> -> memref<1x125xi32, #tpu.memory_space<vmem>>
      %dma_wait3A_1013 = tpu.memref_squeeze %dma_wait3A_1012 : memref<1x125xi32, #tpu.memory_space<vmem>> -> memref<125xi32, #tpu.memory_space<vmem>>
      %dma_wait3A_1014 = arith.constant 0 : i32
      %dma_wait3A_1015 = tpu.memref_slice %arg3[%dma_wait3A_1002, %add3A, %dma_wait3A_1003, %dma_wait3A_1014] : memref<2x32x80x125xi32, #tpu.memory_space<hbm>> -> memref<1x1x1x125xi32, #tpu.memory_space<hbm>>
      %dma_wait3A_1016 = tpu.memref_squeeze %dma_wait3A_1015 : memref<1x1x1x125xi32, #tpu.memory_space<hbm>> -> memref<125xi32, #tpu.memory_space<hbm>>
      tpu.wait_dma2 semaphore(%arg19 : memref<!tpu.dma_semaphore, #tpu.memory_space<semaphore_mem>>) src(%dma_wait3A_1016 : memref<125xi32, #tpu.memory_space<hbm>>) dst(%dma_wait3A_1013 : memref<125xi32, #tpu.memory_space<vmem>>)
      %dma_wait3A_1017 = arith.constant 1 : i32
      %dma_wait3A_1018 = arith.constant 0 : i32
      %dma_wait3A_1019 = arith.constant 1 : i32
      %dma_wait3A_1020 = arith.constant 0 : i32
      %dma_wait3A_1021 = tpu.memref_slice %arg8[%dma_wait3A_1019, %dma_wait3A_1020] : memref<2x125xi32, #tpu.memory_space<vmem>> -> memref<1x125xi32, #tpu.memory_space<vmem>>
      %dma_wait3A_1022 = tpu.memref_squeeze %dma_wait3A_1021 : memref<1x125xi32, #tpu.memory_space<vmem>> -> memref<125xi32, #tpu.memory_space<vmem>>
      %dma_wait3A_1023 = arith.constant 0 : i32
      %dma_wait3A_1024 = tpu.memref_slice %arg3[%dma_wait3A_1017, %add3A, %dma_wait3A_1018, %dma_wait3A_1023] : memref<2x32x80x125xi32, #tpu.memory_space<hbm>> -> memref<1x1x1x125xi32, #tpu.memory_space<hbm>>
      %dma_wait3A_1025 = tpu.memref_squeeze %dma_wait3A_1024 : memref<1x1x1x125xi32, #tpu.memory_space<hbm>> -> memref<125xi32, #tpu.memory_space<hbm>>
      %dma_wait3A_1026 = arith.constant 0 : i32
      %dma_wait3A_1027 = tpu.memref_slice %arg8[%dma_wait3A_1019, %dma_wait3A_1026] : memref<2x125xi32, #tpu.memory_space<vmem>> -> memref<1x125xi32, #tpu.memory_space<vmem>>
      %dma_wait3A_1028 = tpu.memref_squeeze %dma_wait3A_1027 : memref<1x125xi32, #tpu.memory_space<vmem>> -> memref<125xi32, #tpu.memory_space<vmem>>
      %dma_wait3A_1029 = arith.constant 0 : i32
      %dma_wait3A_1030 = tpu.memref_slice %arg3[%dma_wait3A_1017, %add3A, %dma_wait3A_1018, %dma_wait3A_1029] : memref<2x32x80x125xi32, #tpu.memory_space<hbm>> -> memref<1x1x1x125xi32, #tpu.memory_space<hbm>>
      %dma_wait3A_1031 = tpu.memref_squeeze %dma_wait3A_1030 : memref<1x1x1x125xi32, #tpu.memory_space<hbm>> -> memref<125xi32, #tpu.memory_space<hbm>>
      tpu.wait_dma2 semaphore(%arg19 : memref<!tpu.dma_semaphore, #tpu.memory_space<semaphore_mem>>) src(%dma_wait3A_1031 : memref<125xi32, #tpu.memory_space<hbm>>) dst(%dma_wait3A_1028 : memref<125xi32, #tpu.memory_space<vmem>>)
      %dma_start3A_1032 = arith.constant 0 : i32
      %dma_start3A_1033 = arith.constant 0 : i32
      %dma_start3A_1034 = tpu.memref_slice %arg8[%dma_start3A_1032, %dma_start3A_1033] : memref<2x125xi32, #tpu.memory_space<vmem>> -> memref<1x125xi32, #tpu.memory_space<vmem>>
      %dma_start3A_1035 = tpu.memref_squeeze %dma_start3A_1034 : memref<1x125xi32, #tpu.memory_space<vmem>> -> memref<125xi32, #tpu.memory_space<vmem>>
      %dma_start3A_1036 = arith.constant 0 : i32
      %dma_start3A_1037 = arith.constant 0 : i32
      %dma_start3A_1038 = tpu.memref_slice %arg2[%dma_start3A_1036, %dma_start3A_1037] : memref<10240x128xf32, #tpu.memory_space<hbm>> -> memref<10240x128xf32, #tpu.memory_space<hbm>>
      tpu.enqueue_indirect_dma source(%dma_start3A_1038 : memref<10240x128xf32, #tpu.memory_space<hbm>>) target(%arg10 : memref<125x128xf32, #tpu.memory_space<vmem>>) offsets(%dma_start3A_1035 : memref<125xi32, #tpu.memory_space<vmem>>) semaphore(%arg13 : memref<!tpu.dma_semaphore, #tpu.memory_space<semaphore_mem>>)
      %add3A_1039 = arith.constant 2 : i32
      %add3A_1040 = arith.addi %add3A_994, %add3A_1039 : i32
      %dma_start3A_1041 = arith.constant 0 : i32
      %dma_start3A_1042 = arith.constant 0 : i32
      %dma_start3A_1043 = arith.constant 0 : i32
      %dma_start3A_1044 = tpu.memref_slice %arg6[%dma_start3A_1042, %dma_start3A_1043] : memref<2x125xi32, #tpu.memory_space<vmem>> -> memref<1x125xi32, #tpu.memory_space<vmem>>
      %dma_start3A_1045 = tpu.memref_squeeze %dma_start3A_1044 : memref<1x125xi32, #tpu.memory_space<vmem>> -> memref<125xi32, #tpu.memory_space<vmem>>
      %dma_start3A_1046 = arith.constant 0 : i32
      %dma_start3A_1047 = tpu.memref_slice %arg3[%dma_start3A_1041, %add3A, %add3A_1040, %dma_start3A_1046] : memref<2x32x80x125xi32, #tpu.memory_space<hbm>> -> memref<1x1x1x125xi32, #tpu.memory_space<hbm>>
      %dma_start3A_1048 = tpu.memref_squeeze %dma_start3A_1047 : memref<1x1x1x125xi32, #tpu.memory_space<hbm>> -> memref<125xi32, #tpu.memory_space<hbm>>
      %dma_start3A_1049 = arith.constant 0 : i32
      %dma_start3A_1050 = tpu.memref_slice %arg6[%dma_start3A_1042, %dma_start3A_1049] : memref<2x125xi32, #tpu.memory_space<vmem>> -> memref<1x125xi32, #tpu.memory_space<vmem>>
      %dma_start3A_1051 = tpu.memref_squeeze %dma_start3A_1050 : memref<1x125xi32, #tpu.memory_space<vmem>> -> memref<125xi32, #tpu.memory_space<vmem>>
      %dma_start3A_1052 = arith.constant 0 : i32
      %dma_start3A_1053 = tpu.memref_slice %arg3[%dma_start3A_1041, %add3A, %add3A_1040, %dma_start3A_1052] : memref<2x32x80x125xi32, #tpu.memory_space<hbm>> -> memref<1x1x1x125xi32, #tpu.memory_space<hbm>>
      %dma_start3A_1054 = tpu.memref_squeeze %dma_start3A_1053 : memref<1x1x1x125xi32, #tpu.memory_space<hbm>> -> memref<125xi32, #tpu.memory_space<hbm>>
      tpu.enqueue_dma source(%dma_start3A_1054 : memref<125xi32, #tpu.memory_space<hbm>>) target(%dma_start3A_1051 : memref<125xi32, #tpu.memory_space<vmem>>) target_semaphore(%arg17 : memref<!tpu.dma_semaphore, #tpu.memory_space<semaphore_mem>>)
      %add3A_1055 = arith.constant 2 : i32
      %add3A_1056 = arith.addi %add3A_994, %add3A_1055 : i32
      %dma_start3A_1057 = arith.constant 1 : i32
      %dma_start3A_1058 = arith.constant 1 : i32
      %dma_start3A_1059 = arith.constant 0 : i32
      %dma_start3A_1060 = tpu.memref_slice %arg6[%dma_start3A_1058, %dma_start3A_1059] : memref<2x125xi32, #tpu.memory_space<vmem>> -> memref<1x125xi32, #tpu.memory_space<vmem>>
      %dma_start3A_1061 = tpu.memref_squeeze %dma_start3A_1060 : memref<1x125xi32, #tpu.memory_space<vmem>> -> memref<125xi32, #tpu.memory_space<vmem>>
      %dma_start3A_1062 = arith.constant 0 : i32
      %dma_start3A_1063 = tpu.memref_slice %arg3[%dma_start3A_1057, %add3A, %add3A_1056, %dma_start3A_1062] : memref<2x32x80x125xi32, #tpu.memory_space<hbm>> -> memref<1x1x1x125xi32, #tpu.memory_space<hbm>>
      %dma_start3A_1064 = tpu.memref_squeeze %dma_start3A_1063 : memref<1x1x1x125xi32, #tpu.memory_space<hbm>> -> memref<125xi32, #tpu.memory_space<hbm>>
      %dma_start3A_1065 = arith.constant 0 : i32
      %dma_start3A_1066 = tpu.memref_slice %arg6[%dma_start3A_1058, %dma_start3A_1065] : memref<2x125xi32, #tpu.memory_space<vmem>> -> memref<1x125xi32, #tpu.memory_space<vmem>>
      %dma_start3A_1067 = tpu.memref_squeeze %dma_start3A_1066 : memref<1x125xi32, #tpu.memory_space<vmem>> -> memref<125xi32, #tpu.memory_space<vmem>>
      %dma_start3A_1068 = arith.constant 0 : i32
      %dma_start3A_1069 = tpu.memref_slice %arg3[%dma_start3A_1057, %add3A, %add3A_1056, %dma_start3A_1068] : memref<2x32x80x125xi32, #tpu.memory_space<hbm>> -> memref<1x1x1x125xi32, #tpu.memory_space<hbm>>
      %dma_start3A_1070 = tpu.memref_squeeze %dma_start3A_1069 : memref<1x1x1x125xi32, #tpu.memory_space<hbm>> -> memref<125xi32, #tpu.memory_space<hbm>>
      tpu.enqueue_dma source(%dma_start3A_1070 : memref<125xi32, #tpu.memory_space<hbm>>) target(%dma_start3A_1067 : memref<125xi32, #tpu.memory_space<vmem>>) target_semaphore(%arg17 : memref<!tpu.dma_semaphore, #tpu.memory_space<semaphore_mem>>)
      %dma_wait3A_1071 = arith.constant 0 : i32
      %dma_wait3A_1072 = arith.constant 0 : i32
      %dma_wait3A_1073 = tpu.memref_slice %arg7[%dma_wait3A_1071, %dma_wait3A_1072] : memref<2x125xi32, #tpu.memory_space<vmem>> -> memref<1x125xi32, #tpu.memory_space<vmem>>
      %dma_wait3A_1074 = tpu.memref_squeeze %dma_wait3A_1073 : memref<1x125xi32, #tpu.memory_space<vmem>> -> memref<125xi32, #tpu.memory_space<vmem>>
      %dma_wait3A_1075 = arith.constant 0 : i32
      %dma_wait3A_1076 = arith.constant 0 : i32
      %dma_wait3A_1077 = tpu.memref_slice %arg2[%dma_wait3A_1075, %dma_wait3A_1076] : memref<10240x128xf32, #tpu.memory_space<hbm>> -> memref<10240x128xf32, #tpu.memory_space<hbm>>
      tpu.wait_indirect_dma semaphore(%arg14 : memref<!tpu.dma_semaphore, #tpu.memory_space<semaphore_mem>>) src(%dma_wait3A_1077 : memref<10240x128xf32, #tpu.memory_space<hbm>>) dst(%arg11 : memref<125x128xf32, #tpu.memory_space<vmem>>)
      %dma_start3A_1078 = arith.constant 1 : i32
      %dma_start3A_1079 = arith.constant 0 : i32
      %dma_start3A_1080 = tpu.memref_slice %arg7[%dma_start3A_1078, %dma_start3A_1079] : memref<2x125xi32, #tpu.memory_space<vmem>> -> memref<1x125xi32, #tpu.memory_space<vmem>>
      %dma_start3A_1081 = tpu.memref_squeeze %dma_start3A_1080 : memref<1x125xi32, #tpu.memory_space<vmem>> -> memref<125xi32, #tpu.memory_space<vmem>>
      %dma_start3A_1082 = arith.constant 0 : i32
      %dma_start3A_1083 = arith.constant 0 : i32
      %dma_start3A_1084 = tpu.memref_slice %arg5[%dma_start3A_1082, %dma_start3A_1083] : memref<10240x128xf32, #tpu.memory_space<vmem_shared>> -> memref<10240x128xf32, #tpu.memory_space<vmem_shared>>
      tpu.enqueue_indirect_dma source(%arg11 : memref<125x128xf32, #tpu.memory_space<vmem>>) target(%dma_start3A_1084 : memref<10240x128xf32, #tpu.memory_space<vmem_shared>>) offsets(%dma_start3A_1081 : memref<125xi32, #tpu.memory_space<vmem>>) semaphore(%arg16 : memref<!tpu.dma_semaphore, #tpu.memory_space<semaphore_mem>>) {add = true}
      %mul3A_1085 = arith.constant 4 : i32
      %mul3A_1086 = arith.muli %mul3A_1085, %scan3A_802 : i32
      %add3A_1087 = arith.constant 3 : i32
      %add3A_1088 = arith.addi %mul3A_1086, %add3A_1087 : i32
      %dma_wait3A_1089 = arith.constant 1 : i32
      %dma_wait3A_1090 = arith.constant 0 : i32
      %dma_wait3A_1091 = tpu.memref_slice %arg9[%dma_wait3A_1089, %dma_wait3A_1090] : memref<2x125xi32, #tpu.memory_space<vmem>> -> memref<1x125xi32, #tpu.memory_space<vmem>>
      %dma_wait3A_1092 = tpu.memref_squeeze %dma_wait3A_1091 : memref<1x125xi32, #tpu.memory_space<vmem>> -> memref<125xi32, #tpu.memory_space<vmem>>
      %dma_wait3A_1093 = arith.constant 0 : i32
      %dma_wait3A_1094 = arith.constant 0 : i32
      %dma_wait3A_1095 = tpu.memref_slice %arg5[%dma_wait3A_1093, %dma_wait3A_1094] : memref<10240x128xf32, #tpu.memory_space<vmem_shared>> -> memref<10240x128xf32, #tpu.memory_space<vmem_shared>>
      tpu.wait_indirect_dma semaphore(%arg16 : memref<!tpu.dma_semaphore, #tpu.memory_space<semaphore_mem>>) src(%arg11 : memref<125x128xf32, #tpu.memory_space<vmem>>) dst(%dma_wait3A_1095 : memref<10240x128xf32, #tpu.memory_space<vmem_shared>>)
      %dma_wait3A_1096 = arith.constant 0 : i32
      %dma_wait3A_1097 = arith.constant 0 : i32
      %dma_wait3A_1098 = arith.constant 0 : i32
      %dma_wait3A_1099 = arith.constant 0 : i32
      %dma_wait3A_1100 = tpu.memref_slice %arg9[%dma_wait3A_1098, %dma_wait3A_1099] : memref<2x125xi32, #tpu.memory_space<vmem>> -> memref<1x125xi32, #tpu.memory_space<vmem>>
      %dma_wait3A_1101 = tpu.memref_squeeze %dma_wait3A_1100 : memref<1x125xi32, #tpu.memory_space<vmem>> -> memref<125xi32, #tpu.memory_space<vmem>>
      %dma_wait3A_1102 = arith.constant 0 : i32
      %dma_wait3A_1103 = tpu.memref_slice %arg3[%dma_wait3A_1096, %add3A, %dma_wait3A_1097, %dma_wait3A_1102] : memref<2x32x80x125xi32, #tpu.memory_space<hbm>> -> memref<1x1x1x125xi32, #tpu.memory_space<hbm>>
      %dma_wait3A_1104 = tpu.memref_squeeze %dma_wait3A_1103 : memref<1x1x1x125xi32, #tpu.memory_space<hbm>> -> memref<125xi32, #tpu.memory_space<hbm>>
      %dma_wait3A_1105 = arith.constant 0 : i32
      %dma_wait3A_1106 = tpu.memref_slice %arg9[%dma_wait3A_1098, %dma_wait3A_1105] : memref<2x125xi32, #tpu.memory_space<vmem>> -> memref<1x125xi32, #tpu.memory_space<vmem>>
      %dma_wait3A_1107 = tpu.memref_squeeze %dma_wait3A_1106 : memref<1x125xi32, #tpu.memory_space<vmem>> -> memref<125xi32, #tpu.memory_space<vmem>>
      %dma_wait3A_1108 = arith.constant 0 : i32
      %dma_wait3A_1109 = tpu.memref_slice %arg3[%dma_wait3A_1096, %add3A, %dma_wait3A_1097, %dma_wait3A_1108] : memref<2x32x80x125xi32, #tpu.memory_space<hbm>> -> memref<1x1x1x125xi32, #tpu.memory_space<hbm>>
      %dma_wait3A_1110 = tpu.memref_squeeze %dma_wait3A_1109 : memref<1x1x1x125xi32, #tpu.memory_space<hbm>> -> memref<125xi32, #tpu.memory_space<hbm>>
      tpu.wait_dma2 semaphore(%arg20 : memref<!tpu.dma_semaphore, #tpu.memory_space<semaphore_mem>>) src(%dma_wait3A_1110 : memref<125xi32, #tpu.memory_space<hbm>>) dst(%dma_wait3A_1107 : memref<125xi32, #tpu.memory_space<vmem>>)
      %dma_wait3A_1111 = arith.constant 1 : i32
      %dma_wait3A_1112 = arith.constant 0 : i32
      %dma_wait3A_1113 = arith.constant 1 : i32
      %dma_wait3A_1114 = arith.constant 0 : i32
      %dma_wait3A_1115 = tpu.memref_slice %arg9[%dma_wait3A_1113, %dma_wait3A_1114] : memref<2x125xi32, #tpu.memory_space<vmem>> -> memref<1x125xi32, #tpu.memory_space<vmem>>
      %dma_wait3A_1116 = tpu.memref_squeeze %dma_wait3A_1115 : memref<1x125xi32, #tpu.memory_space<vmem>> -> memref<125xi32, #tpu.memory_space<vmem>>
      %dma_wait3A_1117 = arith.constant 0 : i32
      %dma_wait3A_1118 = tpu.memref_slice %arg3[%dma_wait3A_1111, %add3A, %dma_wait3A_1112, %dma_wait3A_1117] : memref<2x32x80x125xi32, #tpu.memory_space<hbm>> -> memref<1x1x1x125xi32, #tpu.memory_space<hbm>>
      %dma_wait3A_1119 = tpu.memref_squeeze %dma_wait3A_1118 : memref<1x1x1x125xi32, #tpu.memory_space<hbm>> -> memref<125xi32, #tpu.memory_space<hbm>>
      %dma_wait3A_1120 = arith.constant 0 : i32
      %dma_wait3A_1121 = tpu.memref_slice %arg9[%dma_wait3A_1113, %dma_wait3A_1120] : memref<2x125xi32, #tpu.memory_space<vmem>> -> memref<1x125xi32, #tpu.memory_space<vmem>>
      %dma_wait3A_1122 = tpu.memref_squeeze %dma_wait3A_1121 : memref<1x125xi32, #tpu.memory_space<vmem>> -> memref<125xi32, #tpu.memory_space<vmem>>
      %dma_wait3A_1123 = arith.constant 0 : i32
      %dma_wait3A_1124 = tpu.memref_slice %arg3[%dma_wait3A_1111, %add3A, %dma_wait3A_1112, %dma_wait3A_1123] : memref<2x32x80x125xi32, #tpu.memory_space<hbm>> -> memref<1x1x1x125xi32, #tpu.memory_space<hbm>>
      %dma_wait3A_1125 = tpu.memref_squeeze %dma_wait3A_1124 : memref<1x1x1x125xi32, #tpu.memory_space<hbm>> -> memref<125xi32, #tpu.memory_space<hbm>>
      tpu.wait_dma2 semaphore(%arg20 : memref<!tpu.dma_semaphore, #tpu.memory_space<semaphore_mem>>) src(%dma_wait3A_1125 : memref<125xi32, #tpu.memory_space<hbm>>) dst(%dma_wait3A_1122 : memref<125xi32, #tpu.memory_space<vmem>>)
      %dma_start3A_1126 = arith.constant 0 : i32
      %dma_start3A_1127 = arith.constant 0 : i32
      %dma_start3A_1128 = tpu.memref_slice %arg9[%dma_start3A_1126, %dma_start3A_1127] : memref<2x125xi32, #tpu.memory_space<vmem>> -> memref<1x125xi32, #tpu.memory_space<vmem>>
      %dma_start3A_1129 = tpu.memref_squeeze %dma_start3A_1128 : memref<1x125xi32, #tpu.memory_space<vmem>> -> memref<125xi32, #tpu.memory_space<vmem>>
      %dma_start3A_1130 = arith.constant 0 : i32
      %dma_start3A_1131 = arith.constant 0 : i32
      %dma_start3A_1132 = tpu.memref_slice %arg2[%dma_start3A_1130, %dma_start3A_1131] : memref<10240x128xf32, #tpu.memory_space<hbm>> -> memref<10240x128xf32, #tpu.memory_space<hbm>>
      tpu.enqueue_indirect_dma source(%dma_start3A_1132 : memref<10240x128xf32, #tpu.memory_space<hbm>>) target(%arg11 : memref<125x128xf32, #tpu.memory_space<vmem>>) offsets(%dma_start3A_1129 : memref<125xi32, #tpu.memory_space<vmem>>) semaphore(%arg14 : memref<!tpu.dma_semaphore, #tpu.memory_space<semaphore_mem>>)
      %add3A_1133 = arith.constant 2 : i32
      %add3A_1134 = arith.addi %add3A_1088, %add3A_1133 : i32
      %dma_start3A_1135 = arith.constant 0 : i32
      %dma_start3A_1136 = arith.constant 0 : i32
      %dma_start3A_1137 = arith.constant 0 : i32
      %dma_start3A_1138 = tpu.memref_slice %arg7[%dma_start3A_1136, %dma_start3A_1137] : memref<2x125xi32, #tpu.memory_space<vmem>> -> memref<1x125xi32, #tpu.memory_space<vmem>>
      %dma_start3A_1139 = tpu.memref_squeeze %dma_start3A_1138 : memref<1x125xi32, #tpu.memory_space<vmem>> -> memref<125xi32, #tpu.memory_space<vmem>>
      %dma_start3A_1140 = arith.constant 0 : i32
      %dma_start3A_1141 = tpu.memref_slice %arg3[%dma_start3A_1135, %add3A, %add3A_1134, %dma_start3A_1140] : memref<2x32x80x125xi32, #tpu.memory_space<hbm>> -> memref<1x1x1x125xi32, #tpu.memory_space<hbm>>
      %dma_start3A_1142 = tpu.memref_squeeze %dma_start3A_1141 : memref<1x1x1x125xi32, #tpu.memory_space<hbm>> -> memref<125xi32, #tpu.memory_space<hbm>>
      %dma_start3A_1143 = arith.constant 0 : i32
      %dma_start3A_1144 = tpu.memref_slice %arg7[%dma_start3A_1136, %dma_start3A_1143] : memref<2x125xi32, #tpu.memory_space<vmem>> -> memref<1x125xi32, #tpu.memory_space<vmem>>
      %dma_start3A_1145 = tpu.memref_squeeze %dma_start3A_1144 : memref<1x125xi32, #tpu.memory_space<vmem>> -> memref<125xi32, #tpu.memory_space<vmem>>
      %dma_start3A_1146 = arith.constant 0 : i32
      %dma_start3A_1147 = tpu.memref_slice %arg3[%dma_start3A_1135, %add3A, %add3A_1134, %dma_start3A_1146] : memref<2x32x80x125xi32, #tpu.memory_space<hbm>> -> memref<1x1x1x125xi32, #tpu.memory_space<hbm>>
      %dma_start3A_1148 = tpu.memref_squeeze %dma_start3A_1147 : memref<1x1x1x125xi32, #tpu.memory_space<hbm>> -> memref<125xi32, #tpu.memory_space<hbm>>
      tpu.enqueue_dma source(%dma_start3A_1148 : memref<125xi32, #tpu.memory_space<hbm>>) target(%dma_start3A_1145 : memref<125xi32, #tpu.memory_space<vmem>>) target_semaphore(%arg18 : memref<!tpu.dma_semaphore, #tpu.memory_space<semaphore_mem>>)
      %add3A_1149 = arith.constant 2 : i32
      %add3A_1150 = arith.addi %add3A_1088, %add3A_1149 : i32
      %dma_start3A_1151 = arith.constant 1 : i32
      %dma_start3A_1152 = arith.constant 1 : i32
      %dma_start3A_1153 = arith.constant 0 : i32
      %dma_start3A_1154 = tpu.memref_slice %arg7[%dma_start3A_1152, %dma_start3A_1153] : memref<2x125xi32, #tpu.memory_space<vmem>> -> memref<1x125xi32, #tpu.memory_space<vmem>>
      %dma_start3A_1155 = tpu.memref_squeeze %dma_start3A_1154 : memref<1x125xi32, #tpu.memory_space<vmem>> -> memref<125xi32, #tpu.memory_space<vmem>>
      %dma_start3A_1156 = arith.constant 0 : i32
      %dma_start3A_1157 = tpu.memref_slice %arg3[%dma_start3A_1151, %add3A, %add3A_1150, %dma_start3A_1156] : memref<2x32x80x125xi32, #tpu.memory_space<hbm>> -> memref<1x1x1x125xi32, #tpu.memory_space<hbm>>
      %dma_start3A_1158 = tpu.memref_squeeze %dma_start3A_1157 : memref<1x1x1x125xi32, #tpu.memory_space<hbm>> -> memref<125xi32, #tpu.memory_space<hbm>>
      %dma_start3A_1159 = arith.constant 0 : i32
      %dma_start3A_1160 = tpu.memref_slice %arg7[%dma_start3A_1152, %dma_start3A_1159] : memref<2x125xi32, #tpu.memory_space<vmem>> -> memref<1x125xi32, #tpu.memory_space<vmem>>
      %dma_start3A_1161 = tpu.memref_squeeze %dma_start3A_1160 : memref<1x125xi32, #tpu.memory_space<vmem>> -> memref<125xi32, #tpu.memory_space<vmem>>
      %dma_start3A_1162 = arith.constant 0 : i32
      %dma_start3A_1163 = tpu.memref_slice %arg3[%dma_start3A_1151, %add3A, %add3A_1150, %dma_start3A_1162] : memref<2x32x80x125xi32, #tpu.memory_space<hbm>> -> memref<1x1x1x125xi32, #tpu.memory_space<hbm>>
      %dma_start3A_1164 = tpu.memref_squeeze %dma_start3A_1163 : memref<1x1x1x125xi32, #tpu.memory_space<hbm>> -> memref<125xi32, #tpu.memory_space<hbm>>
      tpu.enqueue_dma source(%dma_start3A_1164 : memref<125xi32, #tpu.memory_space<hbm>>) target(%dma_start3A_1161 : memref<125xi32, #tpu.memory_space<vmem>>) target_semaphore(%arg18 : memref<!tpu.dma_semaphore, #tpu.memory_space<semaphore_mem>>)
      %dma_wait3A_1165 = arith.constant 0 : i32
      %dma_wait3A_1166 = arith.constant 0 : i32
      %dma_wait3A_1167 = tpu.memref_slice %arg8[%dma_wait3A_1165, %dma_wait3A_1166] : memref<2x125xi32, #tpu.memory_space<vmem>> -> memref<1x125xi32, #tpu.memory_space<vmem>>
      %dma_wait3A_1168 = tpu.memref_squeeze %dma_wait3A_1167 : memref<1x125xi32, #tpu.memory_space<vmem>> -> memref<125xi32, #tpu.memory_space<vmem>>
      %dma_wait3A_1169 = arith.constant 0 : i32
      %dma_wait3A_1170 = arith.constant 0 : i32
      %dma_wait3A_1171 = tpu.memref_slice %arg2[%dma_wait3A_1169, %dma_wait3A_1170] : memref<10240x128xf32, #tpu.memory_space<hbm>> -> memref<10240x128xf32, #tpu.memory_space<hbm>>
      tpu.wait_indirect_dma semaphore(%arg13 : memref<!tpu.dma_semaphore, #tpu.memory_space<semaphore_mem>>) src(%dma_wait3A_1171 : memref<10240x128xf32, #tpu.memory_space<hbm>>) dst(%arg10 : memref<125x128xf32, #tpu.memory_space<vmem>>)
      %dma_start3A_1172 = arith.constant 1 : i32
      %dma_start3A_1173 = arith.constant 0 : i32
      %dma_start3A_1174 = tpu.memref_slice %arg8[%dma_start3A_1172, %dma_start3A_1173] : memref<2x125xi32, #tpu.memory_space<vmem>> -> memref<1x125xi32, #tpu.memory_space<vmem>>
      %dma_start3A_1175 = tpu.memref_squeeze %dma_start3A_1174 : memref<1x125xi32, #tpu.memory_space<vmem>> -> memref<125xi32, #tpu.memory_space<vmem>>
      %dma_start3A_1176 = arith.constant 0 : i32
      %dma_start3A_1177 = arith.constant 0 : i32
      %dma_start3A_1178 = tpu.memref_slice %arg5[%dma_start3A_1176, %dma_start3A_1177] : memref<10240x128xf32, #tpu.memory_space<vmem_shared>> -> memref<10240x128xf32, #tpu.memory_space<vmem_shared>>
      tpu.enqueue_indirect_dma source(%arg10 : memref<125x128xf32, #tpu.memory_space<vmem>>) target(%dma_start3A_1178 : memref<10240x128xf32, #tpu.memory_space<vmem_shared>>) offsets(%dma_start3A_1175 : memref<125xi32, #tpu.memory_space<vmem>>) semaphore(%arg15 : memref<!tpu.dma_semaphore, #tpu.memory_space<semaphore_mem>>) {add = true}
    }
    %scan3A_473 = arith.constant 18 : i32
    %dma_wait3A_474 = arith.constant 1 : i32
    %dma_wait3A_475 = arith.constant 0 : i32
    %dma_wait3A_476 = tpu.memref_slice %arg6[%dma_wait3A_474, %dma_wait3A_475] : memref<2x125xi32, #tpu.memory_space<vmem>> -> memref<1x125xi32, #tpu.memory_space<vmem>>
    %dma_wait3A_477 = tpu.memref_squeeze %dma_wait3A_476 : memref<1x125xi32, #tpu.memory_space<vmem>> -> memref<125xi32, #tpu.memory_space<vmem>>
    %dma_wait3A_478 = arith.constant 0 : i32
    %dma_wait3A_479 = arith.constant 0 : i32
    %dma_wait3A_480 = tpu.memref_slice %arg5[%dma_wait3A_478, %dma_wait3A_479] : memref<10240x128xf32, #tpu.memory_space<vmem_shared>> -> memref<10240x128xf32, #tpu.memory_space<vmem_shared>>
    tpu.wait_indirect_dma semaphore(%arg15 : memref<!tpu.dma_semaphore, #tpu.memory_space<semaphore_mem>>) src(%arg10 : memref<125x128xf32, #tpu.memory_space<vmem>>) dst(%dma_wait3A_480 : memref<10240x128xf32, #tpu.memory_space<vmem_shared>>)
    %dma_wait3A_481 = arith.constant 0 : i32
    %dma_wait3A_482 = arith.constant 0 : i32
    %dma_wait3A_483 = arith.constant 0 : i32
    %dma_wait3A_484 = arith.constant 0 : i32
    %dma_wait3A_485 = tpu.memref_slice %arg6[%dma_wait3A_483, %dma_wait3A_484] : memref<2x125xi32, #tpu.memory_space<vmem>> -> memref<1x125xi32, #tpu.memory_space<vmem>>
    %dma_wait3A_486 = tpu.memref_squeeze %dma_wait3A_485 : memref<1x125xi32, #tpu.memory_space<vmem>> -> memref<125xi32, #tpu.memory_space<vmem>>
    %dma_wait3A_487 = arith.constant 0 : i32
    %dma_wait3A_488 = tpu.memref_slice %arg3[%dma_wait3A_481, %add3A, %dma_wait3A_482, %dma_wait3A_487] : memref<2x32x80x125xi32, #tpu.memory_space<hbm>> -> memref<1x1x1x125xi32, #tpu.memory_space<hbm>>
    %dma_wait3A_489 = tpu.memref_squeeze %dma_wait3A_488 : memref<1x1x1x125xi32, #tpu.memory_space<hbm>> -> memref<125xi32, #tpu.memory_space<hbm>>
    %dma_wait3A_490 = arith.constant 0 : i32
    %dma_wait3A_491 = tpu.memref_slice %arg6[%dma_wait3A_483, %dma_wait3A_490] : memref<2x125xi32, #tpu.memory_space<vmem>> -> memref<1x125xi32, #tpu.memory_space<vmem>>
    %dma_wait3A_492 = tpu.memref_squeeze %dma_wait3A_491 : memref<1x125xi32, #tpu.memory_space<vmem>> -> memref<125xi32, #tpu.memory_space<vmem>>
    %dma_wait3A_493 = arith.constant 0 : i32
    %dma_wait3A_494 = tpu.memref_slice %arg3[%dma_wait3A_481, %add3A, %dma_wait3A_482, %dma_wait3A_493] : memref<2x32x80x125xi32, #tpu.memory_space<hbm>> -> memref<1x1x1x125xi32, #tpu.memory_space<hbm>>
    %dma_wait3A_495 = tpu.memref_squeeze %dma_wait3A_494 : memref<1x1x1x125xi32, #tpu.memory_space<hbm>> -> memref<125xi32, #tpu.memory_space<hbm>>
    tpu.wait_dma2 semaphore(%arg17 : memref<!tpu.dma_semaphore, #tpu.memory_space<semaphore_mem>>) src(%dma_wait3A_495 : memref<125xi32, #tpu.memory_space<hbm>>) dst(%dma_wait3A_492 : memref<125xi32, #tpu.memory_space<vmem>>)
    %dma_wait3A_496 = arith.constant 1 : i32
    %dma_wait3A_497 = arith.constant 0 : i32
    %dma_wait3A_498 = arith.constant 1 : i32
    %dma_wait3A_499 = arith.constant 0 : i32
    %dma_wait3A_500 = tpu.memref_slice %arg6[%dma_wait3A_498, %dma_wait3A_499] : memref<2x125xi32, #tpu.memory_space<vmem>> -> memref<1x125xi32, #tpu.memory_space<vmem>>
    %dma_wait3A_501 = tpu.memref_squeeze %dma_wait3A_500 : memref<1x125xi32, #tpu.memory_space<vmem>> -> memref<125xi32, #tpu.memory_space<vmem>>
    %dma_wait3A_502 = arith.constant 0 : i32
    %dma_wait3A_503 = tpu.memref_slice %arg3[%dma_wait3A_496, %add3A, %dma_wait3A_497, %dma_wait3A_502] : memref<2x32x80x125xi32, #tpu.memory_space<hbm>> -> memref<1x1x1x125xi32, #tpu.memory_space<hbm>>
    %dma_wait3A_504 = tpu.memref_squeeze %dma_wait3A_503 : memref<1x1x1x125xi32, #tpu.memory_space<hbm>> -> memref<125xi32, #tpu.memory_space<hbm>>
    %dma_wait3A_505 = arith.constant 0 : i32
    %dma_wait3A_506 = tpu.memref_slice %arg6[%dma_wait3A_498, %dma_wait3A_505] : memref<2x125xi32, #tpu.memory_space<vmem>> -> memref<1x125xi32, #tpu.memory_space<vmem>>
    %dma_wait3A_507 = tpu.memref_squeeze %dma_wait3A_506 : memref<1x125xi32, #tpu.memory_space<vmem>> -> memref<125xi32, #tpu.memory_space<vmem>>
    %dma_wait3A_508 = arith.constant 0 : i32
    %dma_wait3A_509 = tpu.memref_slice %arg3[%dma_wait3A_496, %add3A, %dma_wait3A_497, %dma_wait3A_508] : memref<2x32x80x125xi32, #tpu.memory_space<hbm>> -> memref<1x1x1x125xi32, #tpu.memory_space<hbm>>
    %dma_wait3A_510 = tpu.memref_squeeze %dma_wait3A_509 : memref<1x1x1x125xi32, #tpu.memory_space<hbm>> -> memref<125xi32, #tpu.memory_space<hbm>>
    tpu.wait_dma2 semaphore(%arg17 : memref<!tpu.dma_semaphore, #tpu.memory_space<semaphore_mem>>) src(%dma_wait3A_510 : memref<125xi32, #tpu.memory_space<hbm>>) dst(%dma_wait3A_507 : memref<125xi32, #tpu.memory_space<vmem>>)
    %dma_start3A_511 = arith.constant 0 : i32
    %dma_start3A_512 = arith.constant 0 : i32
    %dma_start3A_513 = tpu.memref_slice %arg6[%dma_start3A_511, %dma_start3A_512] : memref<2x125xi32, #tpu.memory_space<vmem>> -> memref<1x125xi32, #tpu.memory_space<vmem>>
    %dma_start3A_514 = tpu.memref_squeeze %dma_start3A_513 : memref<1x125xi32, #tpu.memory_space<vmem>> -> memref<125xi32, #tpu.memory_space<vmem>>
    %dma_start3A_515 = arith.constant 0 : i32
    %dma_start3A_516 = arith.constant 0 : i32
    %dma_start3A_517 = tpu.memref_slice %arg2[%dma_start3A_515, %dma_start3A_516] : memref<10240x128xf32, #tpu.memory_space<hbm>> -> memref<10240x128xf32, #tpu.memory_space<hbm>>
    tpu.enqueue_indirect_dma source(%dma_start3A_517 : memref<10240x128xf32, #tpu.memory_space<hbm>>) target(%arg10 : memref<125x128xf32, #tpu.memory_space<vmem>>) offsets(%dma_start3A_514 : memref<125xi32, #tpu.memory_space<vmem>>) semaphore(%arg13 : memref<!tpu.dma_semaphore, #tpu.memory_space<semaphore_mem>>)
    %dma_start3A_518 = arith.constant 0 : i32
    %dma_start3A_519 = arith.constant 78 : i32
    %dma_start3A_520 = arith.constant 0 : i32
    %dma_start3A_521 = arith.constant 0 : i32
    %dma_start3A_522 = tpu.memref_slice %arg8[%dma_start3A_520, %dma_start3A_521] : memref<2x125xi32, #tpu.memory_space<vmem>> -> memref<1x125xi32, #tpu.memory_space<vmem>>
    %dma_start3A_523 = tpu.memref_squeeze %dma_start3A_522 : memref<1x125xi32, #tpu.memory_space<vmem>> -> memref<125xi32, #tpu.memory_space<vmem>>
    %dma_start3A_524 = arith.constant 0 : i32
    %dma_start3A_525 = tpu.memref_slice %arg3[%dma_start3A_518, %add3A, %dma_start3A_519, %dma_start3A_524] : memref<2x32x80x125xi32, #tpu.memory_space<hbm>> -> memref<1x1x1x125xi32, #tpu.memory_space<hbm>>
    %dma_start3A_526 = tpu.memref_squeeze %dma_start3A_525 : memref<1x1x1x125xi32, #tpu.memory_space<hbm>> -> memref<125xi32, #tpu.memory_space<hbm>>
    %dma_start3A_527 = arith.constant 0 : i32
    %dma_start3A_528 = tpu.memref_slice %arg8[%dma_start3A_520, %dma_start3A_527] : memref<2x125xi32, #tpu.memory_space<vmem>> -> memref<1x125xi32, #tpu.memory_space<vmem>>
    %dma_start3A_529 = tpu.memref_squeeze %dma_start3A_528 : memref<1x125xi32, #tpu.memory_space<vmem>> -> memref<125xi32, #tpu.memory_space<vmem>>
    %dma_start3A_530 = arith.constant 0 : i32
    %dma_start3A_531 = tpu.memref_slice %arg3[%dma_start3A_518, %add3A, %dma_start3A_519, %dma_start3A_530] : memref<2x32x80x125xi32, #tpu.memory_space<hbm>> -> memref<1x1x1x125xi32, #tpu.memory_space<hbm>>
    %dma_start3A_532 = tpu.memref_squeeze %dma_start3A_531 : memref<1x1x1x125xi32, #tpu.memory_space<hbm>> -> memref<125xi32, #tpu.memory_space<hbm>>
    tpu.enqueue_dma source(%dma_start3A_532 : memref<125xi32, #tpu.memory_space<hbm>>) target(%dma_start3A_529 : memref<125xi32, #tpu.memory_space<vmem>>) target_semaphore(%arg19 : memref<!tpu.dma_semaphore, #tpu.memory_space<semaphore_mem>>)
    %dma_start3A_533 = arith.constant 1 : i32
    %dma_start3A_534 = arith.constant 78 : i32
    %dma_start3A_535 = arith.constant 1 : i32
    %dma_start3A_536 = arith.constant 0 : i32
    %dma_start3A_537 = tpu.memref_slice %arg8[%dma_start3A_535, %dma_start3A_536] : memref<2x125xi32, #tpu.memory_space<vmem>> -> memref<1x125xi32, #tpu.memory_space<vmem>>
    %dma_start3A_538 = tpu.memref_squeeze %dma_start3A_537 : memref<1x125xi32, #tpu.memory_space<vmem>> -> memref<125xi32, #tpu.memory_space<vmem>>
    %dma_start3A_539 = arith.constant 0 : i32
    %dma_start3A_540 = tpu.memref_slice %arg3[%dma_start3A_533, %add3A, %dma_start3A_534, %dma_start3A_539] : memref<2x32x80x125xi32, #tpu.memory_space<hbm>> -> memref<1x1x1x125xi32, #tpu.memory_space<hbm>>
    %dma_start3A_541 = tpu.memref_squeeze %dma_start3A_540 : memref<1x1x1x125xi32, #tpu.memory_space<hbm>> -> memref<125xi32, #tpu.memory_space<hbm>>
    %dma_start3A_542 = arith.constant 0 : i32
    %dma_start3A_543 = tpu.memref_slice %arg8[%dma_start3A_535, %dma_start3A_542] : memref<2x125xi32, #tpu.memory_space<vmem>> -> memref<1x125xi32, #tpu.memory_space<vmem>>
    %dma_start3A_544 = tpu.memref_squeeze %dma_start3A_543 : memref<1x125xi32, #tpu.memory_space<vmem>> -> memref<125xi32, #tpu.memory_space<vmem>>
    %dma_start3A_545 = arith.constant 0 : i32
    %dma_start3A_546 = tpu.memref_slice %arg3[%dma_start3A_533, %add3A, %dma_start3A_534, %dma_start3A_545] : memref<2x32x80x125xi32, #tpu.memory_space<hbm>> -> memref<1x1x1x125xi32, #tpu.memory_space<hbm>>
    %dma_start3A_547 = tpu.memref_squeeze %dma_start3A_546 : memref<1x1x1x125xi32, #tpu.memory_space<hbm>> -> memref<125xi32, #tpu.memory_space<hbm>>
    tpu.enqueue_dma source(%dma_start3A_547 : memref<125xi32, #tpu.memory_space<hbm>>) target(%dma_start3A_544 : memref<125xi32, #tpu.memory_space<vmem>>) target_semaphore(%arg19 : memref<!tpu.dma_semaphore, #tpu.memory_space<semaphore_mem>>)
    %dma_wait3A_548 = arith.constant 0 : i32
    %dma_wait3A_549 = arith.constant 0 : i32
    %dma_wait3A_550 = tpu.memref_slice %arg9[%dma_wait3A_548, %dma_wait3A_549] : memref<2x125xi32, #tpu.memory_space<vmem>> -> memref<1x125xi32, #tpu.memory_space<vmem>>
    %dma_wait3A_551 = tpu.memref_squeeze %dma_wait3A_550 : memref<1x125xi32, #tpu.memory_space<vmem>> -> memref<125xi32, #tpu.memory_space<vmem>>
    %dma_wait3A_552 = arith.constant 0 : i32
    %dma_wait3A_553 = arith.constant 0 : i32
    %dma_wait3A_554 = tpu.memref_slice %arg2[%dma_wait3A_552, %dma_wait3A_553] : memref<10240x128xf32, #tpu.memory_space<hbm>> -> memref<10240x128xf32, #tpu.memory_space<hbm>>
    tpu.wait_indirect_dma semaphore(%arg14 : memref<!tpu.dma_semaphore, #tpu.memory_space<semaphore_mem>>) src(%dma_wait3A_554 : memref<10240x128xf32, #tpu.memory_space<hbm>>) dst(%arg11 : memref<125x128xf32, #tpu.memory_space<vmem>>)
    %dma_start3A_555 = arith.constant 1 : i32
    %dma_start3A_556 = arith.constant 0 : i32
    %dma_start3A_557 = tpu.memref_slice %arg9[%dma_start3A_555, %dma_start3A_556] : memref<2x125xi32, #tpu.memory_space<vmem>> -> memref<1x125xi32, #tpu.memory_space<vmem>>
    %dma_start3A_558 = tpu.memref_squeeze %dma_start3A_557 : memref<1x125xi32, #tpu.memory_space<vmem>> -> memref<125xi32, #tpu.memory_space<vmem>>
    %dma_start3A_559 = arith.constant 0 : i32
    %dma_start3A_560 = arith.constant 0 : i32
    %dma_start3A_561 = tpu.memref_slice %arg5[%dma_start3A_559, %dma_start3A_560] : memref<10240x128xf32, #tpu.memory_space<vmem_shared>> -> memref<10240x128xf32, #tpu.memory_space<vmem_shared>>
    tpu.enqueue_indirect_dma source(%arg11 : memref<125x128xf32, #tpu.memory_space<vmem>>) target(%dma_start3A_561 : memref<10240x128xf32, #tpu.memory_space<vmem_shared>>) offsets(%dma_start3A_558 : memref<125xi32, #tpu.memory_space<vmem>>) semaphore(%arg16 : memref<!tpu.dma_semaphore, #tpu.memory_space<semaphore_mem>>) {add = true}
    %dma_wait3A_562 = arith.constant 1 : i32
    %dma_wait3A_563 = arith.constant 0 : i32
    %dma_wait3A_564 = tpu.memref_slice %arg7[%dma_wait3A_562, %dma_wait3A_563] : memref<2x125xi32, #tpu.memory_space<vmem>> -> memref<1x125xi32, #tpu.memory_space<vmem>>
    %dma_wait3A_565 = tpu.memref_squeeze %dma_wait3A_564 : memref<1x125xi32, #tpu.memory_space<vmem>> -> memref<125xi32, #tpu.memory_space<vmem>>
    %dma_wait3A_566 = arith.constant 0 : i32
    %dma_wait3A_567 = arith.constant 0 : i32
    %dma_wait3A_568 = tpu.memref_slice %arg5[%dma_wait3A_566, %dma_wait3A_567] : memref<10240x128xf32, #tpu.memory_space<vmem_shared>> -> memref<10240x128xf32, #tpu.memory_space<vmem_shared>>
    tpu.wait_indirect_dma semaphore(%arg16 : memref<!tpu.dma_semaphore, #tpu.memory_space<semaphore_mem>>) src(%arg11 : memref<125x128xf32, #tpu.memory_space<vmem>>) dst(%dma_wait3A_568 : memref<10240x128xf32, #tpu.memory_space<vmem_shared>>)
    %dma_wait3A_569 = arith.constant 0 : i32
    %dma_wait3A_570 = arith.constant 0 : i32
    %dma_wait3A_571 = arith.constant 0 : i32
    %dma_wait3A_572 = arith.constant 0 : i32
    %dma_wait3A_573 = tpu.memref_slice %arg7[%dma_wait3A_571, %dma_wait3A_572] : memref<2x125xi32, #tpu.memory_space<vmem>> -> memref<1x125xi32, #tpu.memory_space<vmem>>
    %dma_wait3A_574 = tpu.memref_squeeze %dma_wait3A_573 : memref<1x125xi32, #tpu.memory_space<vmem>> -> memref<125xi32, #tpu.memory_space<vmem>>
    %dma_wait3A_575 = arith.constant 0 : i32
    %dma_wait3A_576 = tpu.memref_slice %arg3[%dma_wait3A_569, %add3A, %dma_wait3A_570, %dma_wait3A_575] : memref<2x32x80x125xi32, #tpu.memory_space<hbm>> -> memref<1x1x1x125xi32, #tpu.memory_space<hbm>>
    %dma_wait3A_577 = tpu.memref_squeeze %dma_wait3A_576 : memref<1x1x1x125xi32, #tpu.memory_space<hbm>> -> memref<125xi32, #tpu.memory_space<hbm>>
    %dma_wait3A_578 = arith.constant 0 : i32
    %dma_wait3A_579 = tpu.memref_slice %arg7[%dma_wait3A_571, %dma_wait3A_578] : memref<2x125xi32, #tpu.memory_space<vmem>> -> memref<1x125xi32, #tpu.memory_space<vmem>>
    %dma_wait3A_580 = tpu.memref_squeeze %dma_wait3A_579 : memref<1x125xi32, #tpu.memory_space<vmem>> -> memref<125xi32, #tpu.memory_space<vmem>>
    %dma_wait3A_581 = arith.constant 0 : i32
    %dma_wait3A_582 = tpu.memref_slice %arg3[%dma_wait3A_569, %add3A, %dma_wait3A_570, %dma_wait3A_581] : memref<2x32x80x125xi32, #tpu.memory_space<hbm>> -> memref<1x1x1x125xi32, #tpu.memory_space<hbm>>
    %dma_wait3A_583 = tpu.memref_squeeze %dma_wait3A_582 : memref<1x1x1x125xi32, #tpu.memory_space<hbm>> -> memref<125xi32, #tpu.memory_space<hbm>>
    tpu.wait_dma2 semaphore(%arg18 : memref<!tpu.dma_semaphore, #tpu.memory_space<semaphore_mem>>) src(%dma_wait3A_583 : memref<125xi32, #tpu.memory_space<hbm>>) dst(%dma_wait3A_580 : memref<125xi32, #tpu.memory_space<vmem>>)
    %dma_wait3A_584 = arith.constant 1 : i32
    %dma_wait3A_585 = arith.constant 0 : i32
    %dma_wait3A_586 = arith.constant 1 : i32
    %dma_wait3A_587 = arith.constant 0 : i32
    %dma_wait3A_588 = tpu.memref_slice %arg7[%dma_wait3A_586, %dma_wait3A_587] : memref<2x125xi32, #tpu.memory_space<vmem>> -> memref<1x125xi32, #tpu.memory_space<vmem>>
    %dma_wait3A_589 = tpu.memref_squeeze %dma_wait3A_588 : memref<1x125xi32, #tpu.memory_space<vmem>> -> memref<125xi32, #tpu.memory_space<vmem>>
    %dma_wait3A_590 = arith.constant 0 : i32
    %dma_wait3A_591 = tpu.memref_slice %arg3[%dma_wait3A_584, %add3A, %dma_wait3A_585, %dma_wait3A_590] : memref<2x32x80x125xi32, #tpu.memory_space<hbm>> -> memref<1x1x1x125xi32, #tpu.memory_space<hbm>>
    %dma_wait3A_592 = tpu.memref_squeeze %dma_wait3A_591 : memref<1x1x1x125xi32, #tpu.memory_space<hbm>> -> memref<125xi32, #tpu.memory_space<hbm>>
    %dma_wait3A_593 = arith.constant 0 : i32
    %dma_wait3A_594 = tpu.memref_slice %arg7[%dma_wait3A_586, %dma_wait3A_593] : memref<2x125xi32, #tpu.memory_space<vmem>> -> memref<1x125xi32, #tpu.memory_space<vmem>>
    %dma_wait3A_595 = tpu.memref_squeeze %dma_wait3A_594 : memref<1x125xi32, #tpu.memory_space<vmem>> -> memref<125xi32, #tpu.memory_space<vmem>>
    %dma_wait3A_596 = arith.constant 0 : i32
    %dma_wait3A_597 = tpu.memref_slice %arg3[%dma_wait3A_584, %add3A, %dma_wait3A_585, %dma_wait3A_596] : memref<2x32x80x125xi32, #tpu.memory_space<hbm>> -> memref<1x1x1x125xi32, #tpu.memory_space<hbm>>
    %dma_wait3A_598 = tpu.memref_squeeze %dma_wait3A_597 : memref<1x1x1x125xi32, #tpu.memory_space<hbm>> -> memref<125xi32, #tpu.memory_space<hbm>>
    tpu.wait_dma2 semaphore(%arg18 : memref<!tpu.dma_semaphore, #tpu.memory_space<semaphore_mem>>) src(%dma_wait3A_598 : memref<125xi32, #tpu.memory_space<hbm>>) dst(%dma_wait3A_595 : memref<125xi32, #tpu.memory_space<vmem>>)
    %dma_start3A_599 = arith.constant 0 : i32
    %dma_start3A_600 = arith.constant 0 : i32
    %dma_start3A_601 = tpu.memref_slice %arg7[%dma_start3A_599, %dma_start3A_600] : memref<2x125xi32, #tpu.memory_space<vmem>> -> memref<1x125xi32, #tpu.memory_space<vmem>>
    %dma_start3A_602 = tpu.memref_squeeze %dma_start3A_601 : memref<1x125xi32, #tpu.memory_space<vmem>> -> memref<125xi32, #tpu.memory_space<vmem>>
    %dma_start3A_603 = arith.constant 0 : i32
    %dma_start3A_604 = arith.constant 0 : i32
    %dma_start3A_605 = tpu.memref_slice %arg2[%dma_start3A_603, %dma_start3A_604] : memref<10240x128xf32, #tpu.memory_space<hbm>> -> memref<10240x128xf32, #tpu.memory_space<hbm>>
    tpu.enqueue_indirect_dma source(%dma_start3A_605 : memref<10240x128xf32, #tpu.memory_space<hbm>>) target(%arg11 : memref<125x128xf32, #tpu.memory_space<vmem>>) offsets(%dma_start3A_602 : memref<125xi32, #tpu.memory_space<vmem>>) semaphore(%arg14 : memref<!tpu.dma_semaphore, #tpu.memory_space<semaphore_mem>>)
    %dma_start3A_606 = arith.constant 0 : i32
    %dma_start3A_607 = arith.constant 79 : i32
    %dma_start3A_608 = arith.constant 0 : i32
    %dma_start3A_609 = arith.constant 0 : i32
    %dma_start3A_610 = tpu.memref_slice %arg9[%dma_start3A_608, %dma_start3A_609] : memref<2x125xi32, #tpu.memory_space<vmem>> -> memref<1x125xi32, #tpu.memory_space<vmem>>
    %dma_start3A_611 = tpu.memref_squeeze %dma_start3A_610 : memref<1x125xi32, #tpu.memory_space<vmem>> -> memref<125xi32, #tpu.memory_space<vmem>>
    %dma_start3A_612 = arith.constant 0 : i32
    %dma_start3A_613 = tpu.memref_slice %arg3[%dma_start3A_606, %add3A, %dma_start3A_607, %dma_start3A_612] : memref<2x32x80x125xi32, #tpu.memory_space<hbm>> -> memref<1x1x1x125xi32, #tpu.memory_space<hbm>>
    %dma_start3A_614 = tpu.memref_squeeze %dma_start3A_613 : memref<1x1x1x125xi32, #tpu.memory_space<hbm>> -> memref<125xi32, #tpu.memory_space<hbm>>
    %dma_start3A_615 = arith.constant 0 : i32
    %dma_start3A_616 = tpu.memref_slice %arg9[%dma_start3A_608, %dma_start3A_615] : memref<2x125xi32, #tpu.memory_space<vmem>> -> memref<1x125xi32, #tpu.memory_space<vmem>>
    %dma_start3A_617 = tpu.memref_squeeze %dma_start3A_616 : memref<1x125xi32, #tpu.memory_space<vmem>> -> memref<125xi32, #tpu.memory_space<vmem>>
    %dma_start3A_618 = arith.constant 0 : i32
    %dma_start3A_619 = tpu.memref_slice %arg3[%dma_start3A_606, %add3A, %dma_start3A_607, %dma_start3A_618] : memref<2x32x80x125xi32, #tpu.memory_space<hbm>> -> memref<1x1x1x125xi32, #tpu.memory_space<hbm>>
    %dma_start3A_620 = tpu.memref_squeeze %dma_start3A_619 : memref<1x1x1x125xi32, #tpu.memory_space<hbm>> -> memref<125xi32, #tpu.memory_space<hbm>>
    tpu.enqueue_dma source(%dma_start3A_620 : memref<125xi32, #tpu.memory_space<hbm>>) target(%dma_start3A_617 : memref<125xi32, #tpu.memory_space<vmem>>) target_semaphore(%arg20 : memref<!tpu.dma_semaphore, #tpu.memory_space<semaphore_mem>>)
    %dma_start3A_621 = arith.constant 1 : i32
    %dma_start3A_622 = arith.constant 79 : i32
    %dma_start3A_623 = arith.constant 1 : i32
    %dma_start3A_624 = arith.constant 0 : i32
    %dma_start3A_625 = tpu.memref_slice %arg9[%dma_start3A_623, %dma_start3A_624] : memref<2x125xi32, #tpu.memory_space<vmem>> -> memref<1x125xi32, #tpu.memory_space<vmem>>
    %dma_start3A_626 = tpu.memref_squeeze %dma_start3A_625 : memref<1x125xi32, #tpu.memory_space<vmem>> -> memref<125xi32, #tpu.memory_space<vmem>>
    %dma_start3A_627 = arith.constant 0 : i32
    %dma_start3A_628 = tpu.memref_slice %arg3[%dma_start3A_621, %add3A, %dma_start3A_622, %dma_start3A_627] : memref<2x32x80x125xi32, #tpu.memory_space<hbm>> -> memref<1x1x1x125xi32, #tpu.memory_space<hbm>>
    %dma_start3A_629 = tpu.memref_squeeze %dma_start3A_628 : memref<1x1x1x125xi32, #tpu.memory_space<hbm>> -> memref<125xi32, #tpu.memory_space<hbm>>
    %dma_start3A_630 = arith.constant 0 : i32
    %dma_start3A_631 = tpu.memref_slice %arg9[%dma_start3A_623, %dma_start3A_630] : memref<2x125xi32, #tpu.memory_space<vmem>> -> memref<1x125xi32, #tpu.memory_space<vmem>>
    %dma_start3A_632 = tpu.memref_squeeze %dma_start3A_631 : memref<1x125xi32, #tpu.memory_space<vmem>> -> memref<125xi32, #tpu.memory_space<vmem>>
    %dma_start3A_633 = arith.constant 0 : i32
    %dma_start3A_634 = tpu.memref_slice %arg3[%dma_start3A_621, %add3A, %dma_start3A_622, %dma_start3A_633] : memref<2x32x80x125xi32, #tpu.memory_space<hbm>> -> memref<1x1x1x125xi32, #tpu.memory_space<hbm>>
    %dma_start3A_635 = tpu.memref_squeeze %dma_start3A_634 : memref<1x1x1x125xi32, #tpu.memory_space<hbm>> -> memref<125xi32, #tpu.memory_space<hbm>>
    tpu.enqueue_dma source(%dma_start3A_635 : memref<125xi32, #tpu.memory_space<hbm>>) target(%dma_start3A_632 : memref<125xi32, #tpu.memory_space<vmem>>) target_semaphore(%arg20 : memref<!tpu.dma_semaphore, #tpu.memory_space<semaphore_mem>>)
    %dma_wait3A_636 = arith.constant 0 : i32
    %dma_wait3A_637 = arith.constant 0 : i32
    %dma_wait3A_638 = tpu.memref_slice %arg6[%dma_wait3A_636, %dma_wait3A_637] : memref<2x125xi32, #tpu.memory_space<vmem>> -> memref<1x125xi32, #tpu.memory_space<vmem>>
    %dma_wait3A_639 = tpu.memref_squeeze %dma_wait3A_638 : memref<1x125xi32, #tpu.memory_space<vmem>> -> memref<125xi32, #tpu.memory_space<vmem>>
    %dma_wait3A_640 = arith.constant 0 : i32
    %dma_wait3A_641 = arith.constant 0 : i32
    %dma_wait3A_642 = tpu.memref_slice %arg2[%dma_wait3A_640, %dma_wait3A_641] : memref<10240x128xf32, #tpu.memory_space<hbm>> -> memref<10240x128xf32, #tpu.memory_space<hbm>>
    tpu.wait_indirect_dma semaphore(%arg13 : memref<!tpu.dma_semaphore, #tpu.memory_space<semaphore_mem>>) src(%dma_wait3A_642 : memref<10240x128xf32, #tpu.memory_space<hbm>>) dst(%arg10 : memref<125x128xf32, #tpu.memory_space<vmem>>)
    %dma_start3A_643 = arith.constant 1 : i32
    %dma_start3A_644 = arith.constant 0 : i32
    %dma_start3A_645 = tpu.memref_slice %arg6[%dma_start3A_643, %dma_start3A_644] : memref<2x125xi32, #tpu.memory_space<vmem>> -> memref<1x125xi32, #tpu.memory_space<vmem>>
    %dma_start3A_646 = tpu.memref_squeeze %dma_start3A_645 : memref<1x125xi32, #tpu.memory_space<vmem>> -> memref<125xi32, #tpu.memory_space<vmem>>
    %dma_start3A_647 = arith.constant 0 : i32
    %dma_start3A_648 = arith.constant 0 : i32
    %dma_start3A_649 = tpu.memref_slice %arg5[%dma_start3A_647, %dma_start3A_648] : memref<10240x128xf32, #tpu.memory_space<vmem_shared>> -> memref<10240x128xf32, #tpu.memory_space<vmem_shared>>
    tpu.enqueue_indirect_dma source(%arg10 : memref<125x128xf32, #tpu.memory_space<vmem>>) target(%dma_start3A_649 : memref<10240x128xf32, #tpu.memory_space<vmem_shared>>) offsets(%dma_start3A_646 : memref<125xi32, #tpu.memory_space<vmem>>) semaphore(%arg15 : memref<!tpu.dma_semaphore, #tpu.memory_space<semaphore_mem>>) {add = true}
    %dma_wait3A_650 = arith.constant 1 : i32
    %dma_wait3A_651 = arith.constant 0 : i32
    %dma_wait3A_652 = tpu.memref_slice %arg8[%dma_wait3A_650, %dma_wait3A_651] : memref<2x125xi32, #tpu.memory_space<vmem>> -> memref<1x125xi32, #tpu.memory_space<vmem>>
    %dma_wait3A_653 = tpu.memref_squeeze %dma_wait3A_652 : memref<1x125xi32, #tpu.memory_space<vmem>> -> memref<125xi32, #tpu.memory_space<vmem>>
    %dma_wait3A_654 = arith.constant 0 : i32
    %dma_wait3A_655 = arith.constant 0 : i32
    %dma_wait3A_656 = tpu.memref_slice %arg5[%dma_wait3A_654, %dma_wait3A_655] : memref<10240x128xf32, #tpu.memory_space<vmem_shared>> -> memref<10240x128xf32, #tpu.memory_space<vmem_shared>>
    tpu.wait_indirect_dma semaphore(%arg15 : memref<!tpu.dma_semaphore, #tpu.memory_space<semaphore_mem>>) src(%arg10 : memref<125x128xf32, #tpu.memory_space<vmem>>) dst(%dma_wait3A_656 : memref<10240x128xf32, #tpu.memory_space<vmem_shared>>)
    %dma_wait3A_657 = arith.constant 0 : i32
    %dma_wait3A_658 = arith.constant 0 : i32
    %dma_wait3A_659 = arith.constant 0 : i32
    %dma_wait3A_660 = arith.constant 0 : i32
    %dma_wait3A_661 = tpu.memref_slice %arg8[%dma_wait3A_659, %dma_wait3A_660] : memref<2x125xi32, #tpu.memory_space<vmem>> -> memref<1x125xi32, #tpu.memory_space<vmem>>
    %dma_wait3A_662 = tpu.memref_squeeze %dma_wait3A_661 : memref<1x125xi32, #tpu.memory_space<vmem>> -> memref<125xi32, #tpu.memory_space<vmem>>
    %dma_wait3A_663 = arith.constant 0 : i32
    %dma_wait3A_664 = tpu.memref_slice %arg3[%dma_wait3A_657, %add3A, %dma_wait3A_658, %dma_wait3A_663] : memref<2x32x80x125xi32, #tpu.memory_space<hbm>> -> memref<1x1x1x125xi32, #tpu.memory_space<hbm>>
    %dma_wait3A_665 = tpu.memref_squeeze %dma_wait3A_664 : memref<1x1x1x125xi32, #tpu.memory_space<hbm>> -> memref<125xi32, #tpu.memory_space<hbm>>
    %dma_wait3A_666 = arith.constant 0 : i32
    %dma_wait3A_667 = tpu.memref_slice %arg8[%dma_wait3A_659, %dma_wait3A_666] : memref<2x125xi32, #tpu.memory_space<vmem>> -> memref<1x125xi32, #tpu.memory_space<vmem>>
    %dma_wait3A_668 = tpu.memref_squeeze %dma_wait3A_667 : memref<1x125xi32, #tpu.memory_space<vmem>> -> memref<125xi32, #tpu.memory_space<vmem>>
    %dma_wait3A_669 = arith.constant 0 : i32
    %dma_wait3A_670 = tpu.memref_slice %arg3[%dma_wait3A_657, %add3A, %dma_wait3A_658, %dma_wait3A_669] : memref<2x32x80x125xi32, #tpu.memory_space<hbm>> -> memref<1x1x1x125xi32, #tpu.memory_space<hbm>>
    %dma_wait3A_671 = tpu.memref_squeeze %dma_wait3A_670 : memref<1x1x1x125xi32, #tpu.memory_space<hbm>> -> memref<125xi32, #tpu.memory_space<hbm>>
    tpu.wait_dma2 semaphore(%arg19 : memref<!tpu.dma_semaphore, #tpu.memory_space<semaphore_mem>>) src(%dma_wait3A_671 : memref<125xi32, #tpu.memory_space<hbm>>) dst(%dma_wait3A_668 : memref<125xi32, #tpu.memory_space<vmem>>)
    %dma_wait3A_672 = arith.constant 1 : i32
    %dma_wait3A_673 = arith.constant 0 : i32
    %dma_wait3A_674 = arith.constant 1 : i32
    %dma_wait3A_675 = arith.constant 0 : i32
    %dma_wait3A_676 = tpu.memref_slice %arg8[%dma_wait3A_674, %dma_wait3A_675] : memref<2x125xi32, #tpu.memory_space<vmem>> -> memref<1x125xi32, #tpu.memory_space<vmem>>
    %dma_wait3A_677 = tpu.memref_squeeze %dma_wait3A_676 : memref<1x125xi32, #tpu.memory_space<vmem>> -> memref<125xi32, #tpu.memory_space<vmem>>
    %dma_wait3A_678 = arith.constant 0 : i32
    %dma_wait3A_679 = tpu.memref_slice %arg3[%dma_wait3A_672, %add3A, %dma_wait3A_673, %dma_wait3A_678] : memref<2x32x80x125xi32, #tpu.memory_space<hbm>> -> memref<1x1x1x125xi32, #tpu.memory_space<hbm>>
    %dma_wait3A_680 = tpu.memref_squeeze %dma_wait3A_679 : memref<1x1x1x125xi32, #tpu.memory_space<hbm>> -> memref<125xi32, #tpu.memory_space<hbm>>
    %dma_wait3A_681 = arith.constant 0 : i32
    %dma_wait3A_682 = tpu.memref_slice %arg8[%dma_wait3A_674, %dma_wait3A_681] : memref<2x125xi32, #tpu.memory_space<vmem>> -> memref<1x125xi32, #tpu.memory_space<vmem>>
    %dma_wait3A_683 = tpu.memref_squeeze %dma_wait3A_682 : memref<1x125xi32, #tpu.memory_space<vmem>> -> memref<125xi32, #tpu.memory_space<vmem>>
    %dma_wait3A_684 = arith.constant 0 : i32
    %dma_wait3A_685 = tpu.memref_slice %arg3[%dma_wait3A_672, %add3A, %dma_wait3A_673, %dma_wait3A_684] : memref<2x32x80x125xi32, #tpu.memory_space<hbm>> -> memref<1x1x1x125xi32, #tpu.memory_space<hbm>>
    %dma_wait3A_686 = tpu.memref_squeeze %dma_wait3A_685 : memref<1x1x1x125xi32, #tpu.memory_space<hbm>> -> memref<125xi32, #tpu.memory_space<hbm>>
    tpu.wait_dma2 semaphore(%arg19 : memref<!tpu.dma_semaphore, #tpu.memory_space<semaphore_mem>>) src(%dma_wait3A_686 : memref<125xi32, #tpu.memory_space<hbm>>) dst(%dma_wait3A_683 : memref<125xi32, #tpu.memory_space<vmem>>)
    %dma_start3A_687 = arith.constant 0 : i32
    %dma_start3A_688 = arith.constant 0 : i32
    %dma_start3A_689 = tpu.memref_slice %arg8[%dma_start3A_687, %dma_start3A_688] : memref<2x125xi32, #tpu.memory_space<vmem>> -> memref<1x125xi32, #tpu.memory_space<vmem>>
    %dma_start3A_690 = tpu.memref_squeeze %dma_start3A_689 : memref<1x125xi32, #tpu.memory_space<vmem>> -> memref<125xi32, #tpu.memory_space<vmem>>
    %dma_start3A_691 = arith.constant 0 : i32
    %dma_start3A_692 = arith.constant 0 : i32
    %dma_start3A_693 = tpu.memref_slice %arg2[%dma_start3A_691, %dma_start3A_692] : memref<10240x128xf32, #tpu.memory_space<hbm>> -> memref<10240x128xf32, #tpu.memory_space<hbm>>
    tpu.enqueue_indirect_dma source(%dma_start3A_693 : memref<10240x128xf32, #tpu.memory_space<hbm>>) target(%arg10 : memref<125x128xf32, #tpu.memory_space<vmem>>) offsets(%dma_start3A_690 : memref<125xi32, #tpu.memory_space<vmem>>) semaphore(%arg13 : memref<!tpu.dma_semaphore, #tpu.memory_space<semaphore_mem>>)
    %dma_wait3A_694 = arith.constant 0 : i32
    %dma_wait3A_695 = arith.constant 0 : i32
    %dma_wait3A_696 = tpu.memref_slice %arg7[%dma_wait3A_694, %dma_wait3A_695] : memref<2x125xi32, #tpu.memory_space<vmem>> -> memref<1x125xi32, #tpu.memory_space<vmem>>
    %dma_wait3A_697 = tpu.memref_squeeze %dma_wait3A_696 : memref<1x125xi32, #tpu.memory_space<vmem>> -> memref<125xi32, #tpu.memory_space<vmem>>
    %dma_wait3A_698 = arith.constant 0 : i32
    %dma_wait3A_699 = arith.constant 0 : i32
    %dma_wait3A_700 = tpu.memref_slice %arg2[%dma_wait3A_698, %dma_wait3A_699] : memref<10240x128xf32, #tpu.memory_space<hbm>> -> memref<10240x128xf32, #tpu.memory_space<hbm>>
    tpu.wait_indirect_dma semaphore(%arg14 : memref<!tpu.dma_semaphore, #tpu.memory_space<semaphore_mem>>) src(%dma_wait3A_700 : memref<10240x128xf32, #tpu.memory_space<hbm>>) dst(%arg11 : memref<125x128xf32, #tpu.memory_space<vmem>>)
    %dma_start3A_701 = arith.constant 1 : i32
    %dma_start3A_702 = arith.constant 0 : i32
    %dma_start3A_703 = tpu.memref_slice %arg7[%dma_start3A_701, %dma_start3A_702] : memref<2x125xi32, #tpu.memory_space<vmem>> -> memref<1x125xi32, #tpu.memory_space<vmem>>
    %dma_start3A_704 = tpu.memref_squeeze %dma_start3A_703 : memref<1x125xi32, #tpu.memory_space<vmem>> -> memref<125xi32, #tpu.memory_space<vmem>>
    %dma_start3A_705 = arith.constant 0 : i32
    %dma_start3A_706 = arith.constant 0 : i32
    %dma_start3A_707 = tpu.memref_slice %arg5[%dma_start3A_705, %dma_start3A_706] : memref<10240x128xf32, #tpu.memory_space<vmem_shared>> -> memref<10240x128xf32, #tpu.memory_space<vmem_shared>>
    tpu.enqueue_indirect_dma source(%arg11 : memref<125x128xf32, #tpu.memory_space<vmem>>) target(%dma_start3A_707 : memref<10240x128xf32, #tpu.memory_space<vmem_shared>>) offsets(%dma_start3A_704 : memref<125xi32, #tpu.memory_space<vmem>>) semaphore(%arg16 : memref<!tpu.dma_semaphore, #tpu.memory_space<semaphore_mem>>) {add = true}
    %dma_wait3A_708 = arith.constant 1 : i32
    %dma_wait3A_709 = arith.constant 0 : i32
    %dma_wait3A_710 = tpu.memref_slice %arg9[%dma_wait3A_708, %dma_wait3A_709] : memref<2x125xi32, #tpu.memory_space<vmem>> -> memref<1x125xi32, #tpu.memory_space<vmem>>
    %dma_wait3A_711 = tpu.memref_squeeze %dma_wait3A_710 : memref<1x125xi32, #tpu.memory_space<vmem>> -> memref<125xi32, #tpu.memory_space<vmem>>
    %dma_wait3A_712 = arith.constant 0 : i32
    %dma_wait3A_713 = arith.constant 0 : i32
    %dma_wait3A_714 = tpu.memref_slice %arg5[%dma_wait3A_712, %dma_wait3A_713] : memref<10240x128xf32, #tpu.memory_space<vmem_shared>> -> memref<10240x128xf32, #tpu.memory_space<vmem_shared>>
    tpu.wait_indirect_dma semaphore(%arg16 : memref<!tpu.dma_semaphore, #tpu.memory_space<semaphore_mem>>) src(%arg11 : memref<125x128xf32, #tpu.memory_space<vmem>>) dst(%dma_wait3A_714 : memref<10240x128xf32, #tpu.memory_space<vmem_shared>>)
    %dma_wait3A_715 = arith.constant 0 : i32
    %dma_wait3A_716 = arith.constant 0 : i32
    %dma_wait3A_717 = arith.constant 0 : i32
    %dma_wait3A_718 = arith.constant 0 : i32
    %dma_wait3A_719 = tpu.memref_slice %arg9[%dma_wait3A_717, %dma_wait3A_718] : memref<2x125xi32, #tpu.memory_space<vmem>> -> memref<1x125xi32, #tpu.memory_space<vmem>>
    %dma_wait3A_720 = tpu.memref_squeeze %dma_wait3A_719 : memref<1x125xi32, #tpu.memory_space<vmem>> -> memref<125xi32, #tpu.memory_space<vmem>>
    %dma_wait3A_721 = arith.constant 0 : i32
    %dma_wait3A_722 = tpu.memref_slice %arg3[%dma_wait3A_715, %add3A, %dma_wait3A_716, %dma_wait3A_721] : memref<2x32x80x125xi32, #tpu.memory_space<hbm>> -> memref<1x1x1x125xi32, #tpu.memory_space<hbm>>
    %dma_wait3A_723 = tpu.memref_squeeze %dma_wait3A_722 : memref<1x1x1x125xi32, #tpu.memory_space<hbm>> -> memref<125xi32, #tpu.memory_space<hbm>>
    %dma_wait3A_724 = arith.constant 0 : i32
    %dma_wait3A_725 = tpu.memref_slice %arg9[%dma_wait3A_717, %dma_wait3A_724] : memref<2x125xi32, #tpu.memory_space<vmem>> -> memref<1x125xi32, #tpu.memory_space<vmem>>
    %dma_wait3A_726 = tpu.memref_squeeze %dma_wait3A_725 : memref<1x125xi32, #tpu.memory_space<vmem>> -> memref<125xi32, #tpu.memory_space<vmem>>
    %dma_wait3A_727 = arith.constant 0 : i32
    %dma_wait3A_728 = tpu.memref_slice %arg3[%dma_wait3A_715, %add3A, %dma_wait3A_716, %dma_wait3A_727] : memref<2x32x80x125xi32, #tpu.memory_space<hbm>> -> memref<1x1x1x125xi32, #tpu.memory_space<hbm>>
    %dma_wait3A_729 = tpu.memref_squeeze %dma_wait3A_728 : memref<1x1x1x125xi32, #tpu.memory_space<hbm>> -> memref<125xi32, #tpu.memory_space<hbm>>
    tpu.wait_dma2 semaphore(%arg20 : memref<!tpu.dma_semaphore, #tpu.memory_space<semaphore_mem>>) src(%dma_wait3A_729 : memref<125xi32, #tpu.memory_space<hbm>>) dst(%dma_wait3A_726 : memref<125xi32, #tpu.memory_space<vmem>>)
    %dma_wait3A_730 = arith.constant 1 : i32
    %dma_wait3A_731 = arith.constant 0 : i32
    %dma_wait3A_732 = arith.constant 1 : i32
    %dma_wait3A_733 = arith.constant 0 : i32
    %dma_wait3A_734 = tpu.memref_slice %arg9[%dma_wait3A_732, %dma_wait3A_733] : memref<2x125xi32, #tpu.memory_space<vmem>> -> memref<1x125xi32, #tpu.memory_space<vmem>>
    %dma_wait3A_735 = tpu.memref_squeeze %dma_wait3A_734 : memref<1x125xi32, #tpu.memory_space<vmem>> -> memref<125xi32, #tpu.memory_space<vmem>>
    %dma_wait3A_736 = arith.constant 0 : i32
    %dma_wait3A_737 = tpu.memref_slice %arg3[%dma_wait3A_730, %add3A, %dma_wait3A_731, %dma_wait3A_736] : memref<2x32x80x125xi32, #tpu.memory_space<hbm>> -> memref<1x1x1x125xi32, #tpu.memory_space<hbm>>
    %dma_wait3A_738 = tpu.memref_squeeze %dma_wait3A_737 : memref<1x1x1x125xi32, #tpu.memory_space<hbm>> -> memref<125xi32, #tpu.memory_space<hbm>>
    %dma_wait3A_739 = arith.constant 0 : i32
    %dma_wait3A_740 = tpu.memref_slice %arg9[%dma_wait3A_732, %dma_wait3A_739] : memref<2x125xi32, #tpu.memory_space<vmem>> -> memref<1x125xi32, #tpu.memory_space<vmem>>
    %dma_wait3A_741 = tpu.memref_squeeze %dma_wait3A_740 : memref<1x125xi32, #tpu.memory_space<vmem>> -> memref<125xi32, #tpu.memory_space<vmem>>
    %dma_wait3A_742 = arith.constant 0 : i32
    %dma_wait3A_743 = tpu.memref_slice %arg3[%dma_wait3A_730, %add3A, %dma_wait3A_731, %dma_wait3A_742] : memref<2x32x80x125xi32, #tpu.memory_space<hbm>> -> memref<1x1x1x125xi32, #tpu.memory_space<hbm>>
    %dma_wait3A_744 = tpu.memref_squeeze %dma_wait3A_743 : memref<1x1x1x125xi32, #tpu.memory_space<hbm>> -> memref<125xi32, #tpu.memory_space<hbm>>
    tpu.wait_dma2 semaphore(%arg20 : memref<!tpu.dma_semaphore, #tpu.memory_space<semaphore_mem>>) src(%dma_wait3A_744 : memref<125xi32, #tpu.memory_space<hbm>>) dst(%dma_wait3A_741 : memref<125xi32, #tpu.memory_space<vmem>>)
    %dma_start3A_745 = arith.constant 0 : i32
    %dma_start3A_746 = arith.constant 0 : i32
    %dma_start3A_747 = tpu.memref_slice %arg9[%dma_start3A_745, %dma_start3A_746] : memref<2x125xi32, #tpu.memory_space<vmem>> -> memref<1x125xi32, #tpu.memory_space<vmem>>
    %dma_start3A_748 = tpu.memref_squeeze %dma_start3A_747 : memref<1x125xi32, #tpu.memory_space<vmem>> -> memref<125xi32, #tpu.memory_space<vmem>>
    %dma_start3A_749 = arith.constant 0 : i32
    %dma_start3A_750 = arith.constant 0 : i32
    %dma_start3A_751 = tpu.memref_slice %arg2[%dma_start3A_749, %dma_start3A_750] : memref<10240x128xf32, #tpu.memory_space<hbm>> -> memref<10240x128xf32, #tpu.memory_space<hbm>>
    tpu.enqueue_indirect_dma source(%dma_start3A_751 : memref<10240x128xf32, #tpu.memory_space<hbm>>) target(%arg11 : memref<125x128xf32, #tpu.memory_space<vmem>>) offsets(%dma_start3A_748 : memref<125xi32, #tpu.memory_space<vmem>>) semaphore(%arg14 : memref<!tpu.dma_semaphore, #tpu.memory_space<semaphore_mem>>)
    %dma_wait3A_752 = arith.constant 0 : i32
    %dma_wait3A_753 = arith.constant 0 : i32
    %dma_wait3A_754 = tpu.memref_slice %arg8[%dma_wait3A_752, %dma_wait3A_753] : memref<2x125xi32, #tpu.memory_space<vmem>> -> memref<1x125xi32, #tpu.memory_space<vmem>>
    %dma_wait3A_755 = tpu.memref_squeeze %dma_wait3A_754 : memref<1x125xi32, #tpu.memory_space<vmem>> -> memref<125xi32, #tpu.memory_space<vmem>>
    %dma_wait3A_756 = arith.constant 0 : i32
    %dma_wait3A_757 = arith.constant 0 : i32
    %dma_wait3A_758 = tpu.memref_slice %arg2[%dma_wait3A_756, %dma_wait3A_757] : memref<10240x128xf32, #tpu.memory_space<hbm>> -> memref<10240x128xf32, #tpu.memory_space<hbm>>
    tpu.wait_indirect_dma semaphore(%arg13 : memref<!tpu.dma_semaphore, #tpu.memory_space<semaphore_mem>>) src(%dma_wait3A_758 : memref<10240x128xf32, #tpu.memory_space<hbm>>) dst(%arg10 : memref<125x128xf32, #tpu.memory_space<vmem>>)
    %dma_start3A_759 = arith.constant 1 : i32
    %dma_start3A_760 = arith.constant 0 : i32
    %dma_start3A_761 = tpu.memref_slice %arg8[%dma_start3A_759, %dma_start3A_760] : memref<2x125xi32, #tpu.memory_space<vmem>> -> memref<1x125xi32, #tpu.memory_space<vmem>>
    %dma_start3A_762 = tpu.memref_squeeze %dma_start3A_761 : memref<1x125xi32, #tpu.memory_space<vmem>> -> memref<125xi32, #tpu.memory_space<vmem>>
    %dma_start3A_763 = arith.constant 0 : i32
    %dma_start3A_764 = arith.constant 0 : i32
    %dma_start3A_765 = tpu.memref_slice %arg5[%dma_start3A_763, %dma_start3A_764] : memref<10240x128xf32, #tpu.memory_space<vmem_shared>> -> memref<10240x128xf32, #tpu.memory_space<vmem_shared>>
    tpu.enqueue_indirect_dma source(%arg10 : memref<125x128xf32, #tpu.memory_space<vmem>>) target(%dma_start3A_765 : memref<10240x128xf32, #tpu.memory_space<vmem_shared>>) offsets(%dma_start3A_762 : memref<125xi32, #tpu.memory_space<vmem>>) semaphore(%arg15 : memref<!tpu.dma_semaphore, #tpu.memory_space<semaphore_mem>>) {add = true}
    %dma_wait3A_766 = arith.constant 0 : i32
    %dma_wait3A_767 = arith.constant 0 : i32
    %dma_wait3A_768 = tpu.memref_slice %arg9[%dma_wait3A_766, %dma_wait3A_767] : memref<2x125xi32, #tpu.memory_space<vmem>> -> memref<1x125xi32, #tpu.memory_space<vmem>>
    %dma_wait3A_769 = tpu.memref_squeeze %dma_wait3A_768 : memref<1x125xi32, #tpu.memory_space<vmem>> -> memref<125xi32, #tpu.memory_space<vmem>>
    %dma_wait3A_770 = arith.constant 0 : i32
    %dma_wait3A_771 = arith.constant 0 : i32
    %dma_wait3A_772 = tpu.memref_slice %arg2[%dma_wait3A_770, %dma_wait3A_771] : memref<10240x128xf32, #tpu.memory_space<hbm>> -> memref<10240x128xf32, #tpu.memory_space<hbm>>
    tpu.wait_indirect_dma semaphore(%arg14 : memref<!tpu.dma_semaphore, #tpu.memory_space<semaphore_mem>>) src(%dma_wait3A_772 : memref<10240x128xf32, #tpu.memory_space<hbm>>) dst(%arg11 : memref<125x128xf32, #tpu.memory_space<vmem>>)
    %dma_start3A_773 = arith.constant 1 : i32
    %dma_start3A_774 = arith.constant 0 : i32
    %dma_start3A_775 = tpu.memref_slice %arg9[%dma_start3A_773, %dma_start3A_774] : memref<2x125xi32, #tpu.memory_space<vmem>> -> memref<1x125xi32, #tpu.memory_space<vmem>>
    %dma_start3A_776 = tpu.memref_squeeze %dma_start3A_775 : memref<1x125xi32, #tpu.memory_space<vmem>> -> memref<125xi32, #tpu.memory_space<vmem>>
    %dma_start3A_777 = arith.constant 0 : i32
    %dma_start3A_778 = arith.constant 0 : i32
    %dma_start3A_779 = tpu.memref_slice %arg5[%dma_start3A_777, %dma_start3A_778] : memref<10240x128xf32, #tpu.memory_space<vmem_shared>> -> memref<10240x128xf32, #tpu.memory_space<vmem_shared>>
    tpu.enqueue_indirect_dma source(%arg11 : memref<125x128xf32, #tpu.memory_space<vmem>>) target(%dma_start3A_779 : memref<10240x128xf32, #tpu.memory_space<vmem_shared>>) offsets(%dma_start3A_776 : memref<125xi32, #tpu.memory_space<vmem>>) semaphore(%arg16 : memref<!tpu.dma_semaphore, #tpu.memory_space<semaphore_mem>>) {add = true}
    %dma_wait3A_780 = arith.constant 1 : i32
    %dma_wait3A_781 = arith.constant 0 : i32
    %dma_wait3A_782 = tpu.memref_slice %arg8[%dma_wait3A_780, %dma_wait3A_781] : memref<2x125xi32, #tpu.memory_space<vmem>> -> memref<1x125xi32, #tpu.memory_space<vmem>>
    %dma_wait3A_783 = tpu.memref_squeeze %dma_wait3A_782 : memref<1x125xi32, #tpu.memory_space<vmem>> -> memref<125xi32, #tpu.memory_space<vmem>>
    %dma_wait3A_784 = arith.constant 0 : i32
    %dma_wait3A_785 = arith.constant 0 : i32
    %dma_wait3A_786 = tpu.memref_slice %arg5[%dma_wait3A_784, %dma_wait3A_785] : memref<10240x128xf32, #tpu.memory_space<vmem_shared>> -> memref<10240x128xf32, #tpu.memory_space<vmem_shared>>
    tpu.wait_indirect_dma semaphore(%arg15 : memref<!tpu.dma_semaphore, #tpu.memory_space<semaphore_mem>>) src(%arg10 : memref<125x128xf32, #tpu.memory_space<vmem>>) dst(%dma_wait3A_786 : memref<10240x128xf32, #tpu.memory_space<vmem_shared>>)
    %dma_wait3A_787 = arith.constant 1 : i32
    %dma_wait3A_788 = arith.constant 0 : i32
    %dma_wait3A_789 = tpu.memref_slice %arg9[%dma_wait3A_787, %dma_wait3A_788] : memref<2x125xi32, #tpu.memory_space<vmem>> -> memref<1x125xi32, #tpu.memory_space<vmem>>
    %dma_wait3A_790 = tpu.memref_squeeze %dma_wait3A_789 : memref<1x125xi32, #tpu.memory_space<vmem>> -> memref<125xi32, #tpu.memory_space<vmem>>
    %dma_wait3A_791 = arith.constant 0 : i32
    %dma_wait3A_792 = arith.constant 0 : i32
    %dma_wait3A_793 = tpu.memref_slice %arg5[%dma_wait3A_791, %dma_wait3A_792] : memref<10240x128xf32, #tpu.memory_space<vmem_shared>> -> memref<10240x128xf32, #tpu.memory_space<vmem_shared>>
    tpu.wait_indirect_dma semaphore(%arg16 : memref<!tpu.dma_semaphore, #tpu.memory_space<semaphore_mem>>) src(%arg11 : memref<125x128xf32, #tpu.memory_space<vmem>>) dst(%dma_wait3A_793 : memref<10240x128xf32, #tpu.memory_space<vmem_shared>>)
    %barrier3A_794 = arith.constant 0 : index
    tpu.barrier barrier_id(%barrier3A_794)
    %mul3A_795 = arith.constant 640 : i32
    %mul3A_796 = arith.muli %arg1, %mul3A_795 : i32
    %mul3A_797 = arith.constant 10240 : i32
    %mul3A_798 = arith.muli %arg0, %mul3A_797 : i32
    %mul3A_799 = arith.constant 640 : i32
    %mul3A_800 = arith.muli %arg1, %mul3A_799 : i32
    %add3A_801 = arith.addi %mul3A_798, %mul3A_800 : i32
    "tpu.region"() ({
      %run_scoped3A = tpu.sem_alloc : memref<!tpu.dma_semaphore, #tpu.memory_space<semaphore_mem>>
      %dma_start3A_802 = arith.constant 0 : i32
      %dma_start3A_803 = tpu.memref_slice %arg4[%add3A_801, %dma_start3A_802] : memref<20480x128xf32, #tpu.memory_space<hbm>> -> memref<640x128xf32, #tpu.memory_space<hbm>>
      %dma_start3A_804 = arith.constant 0 : i32
      %dma_start3A_805 = tpu.memref_slice %arg5[%mul3A_796, %dma_start3A_804] : memref<10240x128xf32, #tpu.memory_space<vmem_shared>> -> memref<640x128xf32, #tpu.memory_space<vmem_shared>>
      tpu.enqueue_dma source(%dma_start3A_805 : memref<640x128xf32, #tpu.memory_space<vmem_shared>>) target(%dma_start3A_803 : memref<640x128xf32, #tpu.memory_space<hbm>>) target_semaphore(%run_scoped3A : memref<!tpu.dma_semaphore, #tpu.memory_space<semaphore_mem>>)
      %dma_wait3A_806 = arith.constant 0 : i32
      %dma_wait3A_807 = tpu.memref_slice %arg4[%add3A_801, %dma_wait3A_806] : memref<20480x128xf32, #tpu.memory_space<hbm>> -> memref<640x128xf32, #tpu.memory_space<hbm>>
      %dma_wait3A_808 = arith.constant 0 : i32
      %dma_wait3A_809 = tpu.memref_slice %arg5[%mul3A_796, %dma_wait3A_808] : memref<10240x128xf32, #tpu.memory_space<vmem_shared>> -> memref<640x128xf32, #tpu.memory_space<vmem_shared>>
      tpu.wait_dma2 semaphore(%run_scoped3A : memref<!tpu.dma_semaphore, #tpu.memory_space<semaphore_mem>>) src(%dma_wait3A_809 : memref<640x128xf32, #tpu.memory_space<vmem_shared>>) dst(%dma_wait3A_807 : memref<640x128xf32, #tpu.memory_space<hbm>>)
      tpu.yield
    }) : () -> ()
    return
  }
}

#map = affine_map<(d0, d1) -> (0, 0, 0, 0)>
#map1 = affine_map<(d0, d1) -> (0)>
module attributes {stable_mosaic.version = 14 : i64} {
  func.func @_sc_deg_body(%arg0: i32, %arg1: i32, %arg2: memref<2x32x80x125xi32, #tpu.memory_space<hbm>>, %arg3: memref<20480xf32, #tpu.memory_space<hbm>>, %arg4: memref<10240xf32, #tpu.memory_space<vmem_shared>>, %arg5: memref<80x125xi32, #tpu.memory_space<vmem>>, %arg6: memref<128xf32, #tpu.memory_space<vmem>>, %arg7: memref<640xf32, #tpu.memory_space<vmem>>) attributes {dimension_semantics = [#tpu.dimension_semantics<core_parallel>, #tpu.dimension_semantics<subcore_parallel>], iteration_bounds = array<i64: 2, 16>, scalar_prefetch = 0 : i64, scratch_operands = 4 : i64, tpu.core_type = #tpu.core_type<sc_vector_subcore>, window_params = [{transform_indices = #map}, {transform_indices = #map1}]} {
    %mul3A = arith.constant 2 : i32
    %mul3A_0 = arith.muli %arg1, %mul3A : i32
    %add3A = arith.addi %mul3A_0, %arg0 : i32
    %scan3A = arith.constant 0 : i32
    %scan3A_1 = arith.constant 0 : i32
    %scan3A_2 = arith.constant 40 : i32
    %scan3A_3 = arith.addi %scan3A_1, %scan3A_2 : i32
    %scan3A_4 = arith.constant 1 : i32
    scf.for %scan3A_28 = %scan3A_1 to %scan3A_3 step %scan3A_4  : i32 {
      %broadcast_in_dim3A = arith.constant 0.000000e+00 : f32
      %broadcast_in_dim3A_29 = vector.broadcast %broadcast_in_dim3A : f32 to vector<16xf32>
      %mul3A_30 = arith.constant 16 : i32
      %mul3A_31 = arith.muli %scan3A_28, %mul3A_30 : i32
      %swap3A = arith.index_cast %mul3A_31 : i32 to index
      %swap3A_32 = tpu.vector_load %arg7[%swap3A] {strides = array<i32>} : memref<640xf32, #tpu.memory_space<vmem>>, vector<16xf32>,
      %swap3A_33 = vector.shape_cast %swap3A_32 : vector<16xf32> to vector<16xf32>
      %swap3A_34 = vector.shape_cast %broadcast_in_dim3A_29 : vector<16xf32> to vector<16xf32>
      tpu.vector_store %arg7[%swap3A], %swap3A_34 {strides = array<i32>} : memref<640xf32, #tpu.memory_space<vmem>>, vector<16xf32>,
    }
    %scan3A_5 = arith.constant 40 : i32
    %scan3A_6 = arith.constant 0 : i32
    %scan3A_7 = arith.constant 0 : i32
    %scan3A_8 = arith.constant 8 : i32
    %scan3A_9 = arith.addi %scan3A_7, %scan3A_8 : i32
    %scan3A_10 = arith.constant 1 : i32
    scf.for %scan3A_28 = %scan3A_7 to %scan3A_9 step %scan3A_10  : i32 {
      %broadcast_in_dim3A = arith.constant 1.000000e+00 : f32
      %broadcast_in_dim3A_29 = vector.broadcast %broadcast_in_dim3A : f32 to vector<16xf32>
      %mul3A_30 = arith.constant 16 : i32
      %mul3A_31 = arith.muli %scan3A_28, %mul3A_30 : i32
      %swap3A = arith.index_cast %mul3A_31 : i32 to index
      %swap3A_32 = tpu.vector_load %arg6[%swap3A] {strides = array<i32>} : memref<128xf32, #tpu.memory_space<vmem>>, vector<16xf32>,
      %swap3A_33 = vector.shape_cast %swap3A_32 : vector<16xf32> to vector<16xf32>
      %swap3A_34 = vector.shape_cast %broadcast_in_dim3A_29 : vector<16xf32> to vector<16xf32>
      tpu.vector_store %arg6[%swap3A], %swap3A_34 {strides = array<i32>} : memref<128xf32, #tpu.memory_space<vmem>>, vector<16xf32>,
    }
    %scan3A_11 = arith.constant 8 : i32
    %run_scoped3A = arith.constant 1 : i32
    "tpu.region"() ({
      %run_scoped3A_28 = tpu.sem_alloc : memref<!tpu.dma_semaphore, #tpu.memory_space<semaphore_mem>>
      %dma_start3A = arith.constant 0 : i32
      %dma_start3A_29 = arith.constant 0 : i32
      %dma_start3A_30 = tpu.memref_slice %arg2[%run_scoped3A, %add3A, %dma_start3A, %dma_start3A_29] : memref<2x32x80x125xi32, #tpu.memory_space<hbm>> -> memref<1x1x80x125xi32, #tpu.memory_space<hbm>>
      %dma_start3A_31 = tpu.memref_squeeze %dma_start3A_30 : memref<1x1x80x125xi32, #tpu.memory_space<hbm>> -> memref<80x125xi32, #tpu.memory_space<hbm>>
      %dma_start3A_32 = arith.constant 0 : i32
      %dma_start3A_33 = arith.constant 0 : i32
      %dma_start3A_34 = tpu.memref_slice %arg2[%run_scoped3A, %add3A, %dma_start3A_32, %dma_start3A_33] : memref<2x32x80x125xi32, #tpu.memory_space<hbm>> -> memref<1x1x80x125xi32, #tpu.memory_space<hbm>>
      %dma_start3A_35 = tpu.memref_squeeze %dma_start3A_34 : memref<1x1x80x125xi32, #tpu.memory_space<hbm>> -> memref<80x125xi32, #tpu.memory_space<hbm>>
      tpu.enqueue_dma source(%dma_start3A_35 : memref<80x125xi32, #tpu.memory_space<hbm>>) target(%arg5 : memref<80x125xi32, #tpu.memory_space<vmem>>) target_semaphore(%run_scoped3A_28 : memref<!tpu.dma_semaphore, #tpu.memory_space<semaphore_mem>>)
      %dma_wait3A = arith.constant 0 : i32
      %dma_wait3A_36 = arith.constant 0 : i32
      %dma_wait3A_37 = tpu.memref_slice %arg2[%run_scoped3A, %add3A, %dma_wait3A, %dma_wait3A_36] : memref<2x32x80x125xi32, #tpu.memory_space<hbm>> -> memref<1x1x80x125xi32, #tpu.memory_space<hbm>>
      %dma_wait3A_38 = tpu.memref_squeeze %dma_wait3A_37 : memref<1x1x80x125xi32, #tpu.memory_space<hbm>> -> memref<80x125xi32, #tpu.memory_space<hbm>>
      %dma_wait3A_39 = arith.constant 0 : i32
      %dma_wait3A_40 = arith.constant 0 : i32
      %dma_wait3A_41 = tpu.memref_slice %arg2[%run_scoped3A, %add3A, %dma_wait3A_39, %dma_wait3A_40] : memref<2x32x80x125xi32, #tpu.memory_space<hbm>> -> memref<1x1x80x125xi32, #tpu.memory_space<hbm>>
      %dma_wait3A_42 = tpu.memref_squeeze %dma_wait3A_41 : memref<1x1x80x125xi32, #tpu.memory_space<hbm>> -> memref<80x125xi32, #tpu.memory_space<hbm>>
      tpu.wait_dma2 semaphore(%run_scoped3A_28 : memref<!tpu.dma_semaphore, #tpu.memory_space<semaphore_mem>>) src(%dma_wait3A_42 : memref<80x125xi32, #tpu.memory_space<hbm>>) dst(%arg5 : memref<80x125xi32, #tpu.memory_space<vmem>>)
      tpu.yield
    }) : () -> ()
    %mul3A_12 = arith.constant 640 : i32
    %mul3A_13 = arith.muli %arg1, %mul3A_12 : i32
    "tpu.region"() ({
      %run_scoped3A_28 = tpu.sem_alloc : memref<!tpu.dma_semaphore, #tpu.memory_space<semaphore_mem>>
      %dma_start3A = tpu.memref_slice %arg4[%mul3A_13] : memref<10240xf32, #tpu.memory_space<vmem_shared>> -> memref<640xf32, #tpu.memory_space<vmem_shared>>
      %dma_start3A_29 = tpu.memref_slice %arg4[%mul3A_13] : memref<10240xf32, #tpu.memory_space<vmem_shared>> -> memref<640xf32, #tpu.memory_space<vmem_shared>>
      tpu.enqueue_dma source(%arg7 : memref<640xf32, #tpu.memory_space<vmem>>) target(%dma_start3A_29 : memref<640xf32, #tpu.memory_space<vmem_shared>>) target_semaphore(%run_scoped3A_28 : memref<!tpu.dma_semaphore, #tpu.memory_space<semaphore_mem>>)
      %dma_wait3A = tpu.memref_slice %arg4[%mul3A_13] : memref<10240xf32, #tpu.memory_space<vmem_shared>> -> memref<640xf32, #tpu.memory_space<vmem_shared>>
      %dma_wait3A_30 = tpu.memref_slice %arg4[%mul3A_13] : memref<10240xf32, #tpu.memory_space<vmem_shared>> -> memref<640xf32, #tpu.memory_space<vmem_shared>>
      tpu.wait_dma2 semaphore(%run_scoped3A_28 : memref<!tpu.dma_semaphore, #tpu.memory_space<semaphore_mem>>) src(%arg7 : memref<640xf32, #tpu.memory_space<vmem>>) dst(%dma_wait3A_30 : memref<640xf32, #tpu.memory_space<vmem_shared>>)
      tpu.yield
    }) : () -> ()
    %barrier3A = arith.constant 0 : index
    tpu.barrier barrier_id(%barrier3A)
    %scan3A_14 = arith.constant 0 : i32
    %scan3A_15 = arith.constant 0 : i32
    %scan3A_16 = arith.constant 80 : i32
    %scan3A_17 = arith.addi %scan3A_15, %scan3A_16 : i32
    %scan3A_18 = arith.constant 1 : i32
    scf.for %scan3A_28 = %scan3A_15 to %scan3A_17 step %scan3A_18  : i32 {
      "tpu.region"() ({
        %run_scoped3A_29 = tpu.sem_alloc : memref<!tpu.dma_semaphore, #tpu.memory_space<semaphore_mem>>
        %dma_start3A = arith.constant 0 : i32
        %dma_start3A_30 = tpu.memref_slice %arg6[%dma_start3A] : memref<128xf32, #tpu.memory_space<vmem>> -> memref<125xf32, #tpu.memory_space<vmem>>
        %dma_start3A_31 = arith.constant 0 : i32
        %dma_start3A_32 = tpu.memref_slice %arg5[%scan3A_28, %dma_start3A_31] : memref<80x125xi32, #tpu.memory_space<vmem>> -> memref<1x125xi32, #tpu.memory_space<vmem>>
        %dma_start3A_33 = tpu.memref_squeeze %dma_start3A_32 : memref<1x125xi32, #tpu.memory_space<vmem>> -> memref<125xi32, #tpu.memory_space<vmem>>
        %dma_start3A_34 = arith.constant 0 : i32
        %dma_start3A_35 = tpu.memref_slice %arg4[%dma_start3A_34] : memref<10240xf32, #tpu.memory_space<vmem_shared>> -> memref<10240xf32, #tpu.memory_space<vmem_shared>>
        tpu.enqueue_indirect_dma source(%dma_start3A_30 : memref<125xf32, #tpu.memory_space<vmem>>) target(%dma_start3A_35 : memref<10240xf32, #tpu.memory_space<vmem_shared>>) offsets(%dma_start3A_33 : memref<125xi32, #tpu.memory_space<vmem>>) semaphore(%run_scoped3A_29 : memref<!tpu.dma_semaphore, #tpu.memory_space<semaphore_mem>>) {add = true}
        %dma_wait3A = arith.constant 0 : i32
        %dma_wait3A_36 = tpu.memref_slice %arg6[%dma_wait3A] : memref<128xf32, #tpu.memory_space<vmem>> -> memref<125xf32, #tpu.memory_space<vmem>>
        %dma_wait3A_37 = arith.constant 0 : i32
        %dma_wait3A_38 = tpu.memref_slice %arg5[%scan3A_28, %dma_wait3A_37] : memref<80x125xi32, #tpu.memory_space<vmem>> -> memref<1x125xi32, #tpu.memory_space<vmem>>
        %dma_wait3A_39 = tpu.memref_squeeze %dma_wait3A_38 : memref<1x125xi32, #tpu.memory_space<vmem>> -> memref<125xi32, #tpu.memory_space<vmem>>
        %dma_wait3A_40 = arith.constant 0 : i32
        %dma_wait3A_41 = tpu.memref_slice %arg4[%dma_wait3A_40] : memref<10240xf32, #tpu.memory_space<vmem_shared>> -> memref<10240xf32, #tpu.memory_space<vmem_shared>>
        tpu.wait_indirect_dma semaphore(%run_scoped3A_29 : memref<!tpu.dma_semaphore, #tpu.memory_space<semaphore_mem>>) src(%dma_wait3A_36 : memref<125xf32, #tpu.memory_space<vmem>>) dst(%dma_wait3A_41 : memref<10240xf32, #tpu.memory_space<vmem_shared>>)
        tpu.yield
      }) : () -> ()
    }
    %scan3A_19 = arith.constant 80 : i32
    %barrier3A_20 = arith.constant 0 : index
    tpu.barrier barrier_id(%barrier3A_20)
    %mul3A_21 = arith.constant 640 : i32
    %mul3A_22 = arith.muli %arg1, %mul3A_21 : i32
    %mul3A_23 = arith.constant 10240 : i32
    %mul3A_24 = arith.muli %arg0, %mul3A_23 : i32
    %mul3A_25 = arith.constant 640 : i32
    %mul3A_26 = arith.muli %arg1, %mul3A_25 : i32
    %add3A_27 = arith.addi %mul3A_24, %mul3A_26 : i32
    "tpu.region"() ({
      %run_scoped3A_28 = tpu.sem_alloc : memref<!tpu.dma_semaphore, #tpu.memory_space<semaphore_mem>>
      %dma_start3A = tpu.memref_slice %arg3[%add3A_27] : memref<20480xf32, #tpu.memory_space<hbm>> -> memref<640xf32, #tpu.memory_space<hbm>>
      %dma_start3A_29 = tpu.memref_slice %arg4[%mul3A_22] : memref<10240xf32, #tpu.memory_space<vmem_shared>> -> memref<640xf32, #tpu.memory_space<vmem_shared>>
      tpu.enqueue_dma source(%dma_start3A_29 : memref<640xf32, #tpu.memory_space<vmem_shared>>) target(%dma_start3A : memref<640xf32, #tpu.memory_space<hbm>>) target_semaphore(%run_scoped3A_28 : memref<!tpu.dma_semaphore, #tpu.memory_space<semaphore_mem>>)
      %dma_wait3A = tpu.memref_slice %arg3[%add3A_27] : memref<20480xf32, #tpu.memory_space<hbm>> -> memref<640xf32, #tpu.memory_space<hbm>>
      %dma_wait3A_30 = tpu.memref_slice %arg4[%mul3A_22] : memref<10240xf32, #tpu.memory_space<vmem_shared>> -> memref<640xf32, #tpu.memory_space<vmem_shared>>
      tpu.wait_dma2 semaphore(%run_scoped3A_28 : memref<!tpu.dma_semaphore, #tpu.memory_space<semaphore_mem>>) src(%dma_wait3A_30 : memref<640xf32, #tpu.memory_space<vmem_shared>>) dst(%dma_wait3A : memref<640xf32, #tpu.memory_space<hbm>>)
      tpu.yield
    }) : () -> ()
    return
  }
}

module attributes {stable_mosaic.version = 14 : i64} {
  func.func @_tc_prep_body(%arg0: i32, %arg1: memref<2048x128xf32, #tpu.memory_space<vmem>>, %arg2: memref<128x128xf32, #tpu.memory_space<vmem>>, %arg3: memref<2048x1xf32, #tpu.memory_space<vmem>>, %arg4: memref<2048x1xf32, #tpu.memory_space<vmem>>, %arg5: memref<2048x128xf32, #tpu.memory_space<vmem>>) attributes {dimension_semantics = [#tpu.dimension_semantics<arbitrary>], iteration_bounds = array<i64: 5>, scalar_prefetch = 0 : i64, scratch_operands = 0 : i64, tpu.core_type = #tpu.core_type<tc>, window_params = [{transform_indices = @transform_0, window_bounds = array<i64: 2048, 128>}, {pipeline_mode = #tpu.pipeline_mode<synchronous>, transform_indices = @transform_1, window_bounds = array<i64: 128, 128>}, {transform_indices = @transform_2, window_bounds = array<i64: 2048, 1>}, {transform_indices = @transform_3, window_bounds = array<i64: 2048, 1>}, {transform_indices = @transform_4, window_bounds = array<i64: 2048, 128>}]} {
    %get3A = arith.constant 0 : index
    %get3A_0 = arith.constant 0 : index
    %get3A_1 = vector.load %arg3[%get3A, %get3A_0] : memref<2048x1xf32, #tpu.memory_space<vmem>>, vector<2048x1xf32>
    %get3A_2 = arith.constant 0 : index
    %get3A_3 = arith.constant 0 : index
    %get3A_4 = vector.load %arg4[%get3A_2, %get3A_3] : memref<2048x1xf32, #tpu.memory_space<vmem>>, vector<2048x1xf32>
    %add3A = arith.addf %get3A_1, %get3A_4 : vector<2048x1xf32>
    %add3A_5 = arith.constant 1.000000e+00 : f32
    %add3A_6 = vector.broadcast %add3A_5 : f32 to vector<2048x1xf32>
    %add3A_7 = arith.addf %add3A, %add3A_6 : vector<2048x1xf32>
    %rsqrt3A = math.rsqrt %add3A_7 : vector<2048x1xf32>
    %get3A_8 = arith.constant 0 : index
    %get3A_9 = arith.constant 0 : index
    %get3A_10 = vector.load %arg1[%get3A_8, %get3A_9] : memref<2048x128xf32, #tpu.memory_space<vmem>>, vector<2048x128xf32>
    %get3A_11 = arith.constant 0 : index
    %get3A_12 = arith.constant 0 : index
    %get3A_13 = vector.load %arg2[%get3A_11, %get3A_12] : memref<128x128xf32, #tpu.memory_space<vmem>>, vector<128x128xf32>
    %dot_general3A = arith.constant dense<0.000000e+00> : vector<2048x128xf32>
    %dot_general3A_14 = tpu.matmul %get3A_10, %get3A_13, %dot_general3A {dimension_numbers = #tpu.dot_dimension_numbers<[1], [0], [0], [1], [0, 0, 1, 1], [], []>, transpose_lhs_hint = false} : vector<2048x128xf32>, vector<128x128xf32>, vector<2048x128xf32> -> vector<2048x128xf32>
    %mul3A = vector.broadcast %rsqrt3A : vector<2048x1xf32> to vector<2048x128xf32>
    %mul3A_15 = arith.mulf %dot_general3A_14, %mul3A : vector<2048x128xf32>
    %swap3A = arith.constant 0 : index
    %swap3A_16 = arith.constant 0 : index
    %swap3A_17 = vector.load %arg5[%swap3A, %swap3A_16] : memref<2048x128xf32, #tpu.memory_space<vmem>>, vector<2048x128xf32>
    tpu.vector_store %arg5[%swap3A, %swap3A_16], %mul3A_15 {strides = array<i32>} : memref<2048x128xf32, #tpu.memory_space<vmem>>, vector<2048x128xf32>,
    return
  }
  func.func @transform_0(%arg0: i32) -> (i32, i32) {
    %c0_i32 = arith.constant 0 : i32
    %c0_i32_0 = arith.constant 0 : i32
    return %arg0, %c0_i32 : i32, i32
  }
  func.func @transform_1(%arg0: i32) -> (i32, i32) {
    %c0_i32 = arith.constant 0 : i32
    %c0_i32_0 = arith.constant 0 : i32
    %c0_i32_1 = arith.constant 0 : i32
    return %c0_i32, %c0_i32_0 : i32, i32
  }
  func.func @transform_2(%arg0: i32) -> (i32, i32) {
    %c0_i32 = arith.constant 0 : i32
    %c0_i32_0 = arith.constant 0 : i32
    return %arg0, %c0_i32 : i32, i32
  }
  func.func @transform_3(%arg0: i32) -> (i32, i32) {
    %add3A = arith.constant 5 : i32
    %add3A_0 = arith.addi %arg0, %add3A : i32
    %c0_i32 = arith.constant 0 : i32
    %c0_i32_1 = arith.constant 0 : i32
    return %add3A_0, %c0_i32 : i32, i32
  }
  func.func @transform_4(%arg0: i32) -> (i32, i32) {
    %c0_i32 = arith.constant 0 : i32
    %c0_i32_0 = arith.constant 0 : i32
    return %arg0, %c0_i32 : i32, i32
  }
}

module attributes {stable_mosaic.version = 14 : i64} {
  func.func @_tc_mid_body(%arg0: i32, %arg1: memref<2048x128xf32, #tpu.memory_space<vmem>>, %arg2: memref<2048x128xf32, #tpu.memory_space<vmem>>, %arg3: memref<2048x128xf32, #tpu.memory_space<vmem>>, %arg4: memref<2048x1xf32, #tpu.memory_space<vmem>>, %arg5: memref<2048x1xf32, #tpu.memory_space<vmem>>, %arg6: memref<1x128xf32, #tpu.memory_space<vmem>>, %arg7: memref<128x128xf32, #tpu.memory_space<vmem>>, %arg8: memref<2048x128xf32, #tpu.memory_space<vmem>>) attributes {dimension_semantics = [#tpu.dimension_semantics<arbitrary>], iteration_bounds = array<i64: 5>, scalar_prefetch = 0 : i64, scratch_operands = 0 : i64, tpu.core_type = #tpu.core_type<tc>, window_params = [{transform_indices = @transform_0, window_bounds = array<i64: 2048, 128>}, {transform_indices = @transform_1, window_bounds = array<i64: 2048, 128>}, {transform_indices = @transform_2, window_bounds = array<i64: 2048, 128>}, {transform_indices = @transform_3, window_bounds = array<i64: 2048, 1>}, {transform_indices = @transform_4, window_bounds = array<i64: 2048, 1>}, {pipeline_mode = #tpu.pipeline_mode<synchronous>, transform_indices = @transform_5, window_bounds = array<i64: 1, 128>}, {pipeline_mode = #tpu.pipeline_mode<synchronous>, transform_indices = @transform_6, window_bounds = array<i64: 128, 128>}, {transform_indices = @transform_7, window_bounds = array<i64: 2048, 128>}]} {
    %get3A = arith.constant 0 : index
    %get3A_0 = arith.constant 0 : index
    %get3A_1 = vector.load %arg4[%get3A, %get3A_0] : memref<2048x1xf32, #tpu.memory_space<vmem>>, vector<2048x1xf32>
    %get3A_2 = arith.constant 0 : index
    %get3A_3 = arith.constant 0 : index
    %get3A_4 = vector.load %arg5[%get3A_2, %get3A_3] : memref<2048x1xf32, #tpu.memory_space<vmem>>, vector<2048x1xf32>
    %add3A = arith.addf %get3A_1, %get3A_4 : vector<2048x1xf32>
    %add3A_5 = arith.constant 1.000000e+00 : f32
    %add3A_6 = vector.broadcast %add3A_5 : f32 to vector<2048x1xf32>
    %add3A_7 = arith.addf %add3A, %add3A_6 : vector<2048x1xf32>
    %rsqrt3A = math.rsqrt %add3A_7 : vector<2048x1xf32>
    %get3A_8 = arith.constant 0 : index
    %get3A_9 = arith.constant 0 : index
    %get3A_10 = vector.load %arg1[%get3A_8, %get3A_9] : memref<2048x128xf32, #tpu.memory_space<vmem>>, vector<2048x128xf32>
    %get3A_11 = arith.constant 0 : index
    %get3A_12 = arith.constant 0 : index
    %get3A_13 = vector.load %arg2[%get3A_11, %get3A_12] : memref<2048x128xf32, #tpu.memory_space<vmem>>, vector<2048x128xf32>
    %add3A_14 = arith.addf %get3A_10, %get3A_13 : vector<2048x128xf32>
    %get3A_15 = arith.constant 0 : index
    %get3A_16 = arith.constant 0 : index
    %get3A_17 = vector.load %arg3[%get3A_15, %get3A_16] : memref<2048x128xf32, #tpu.memory_space<vmem>>, vector<2048x128xf32>
    %add3A_18 = arith.addf %add3A_14, %get3A_17 : vector<2048x128xf32>
    %mul3A = vector.broadcast %rsqrt3A : vector<2048x1xf32> to vector<2048x128xf32>
    %mul3A_19 = arith.mulf %mul3A, %add3A_18 : vector<2048x128xf32>
    %get3A_20 = arith.constant 0 : index
    %get3A_21 = arith.constant 0 : index
    %get3A_22 = vector.load %arg6[%get3A_20, %get3A_21] : memref<1x128xf32, #tpu.memory_space<vmem>>, vector<1x128xf32>
    %add3A_23 = vector.broadcast %get3A_22 : vector<1x128xf32> to vector<2048x128xf32>
    %add3A_24 = arith.addf %mul3A_19, %add3A_23 : vector<2048x128xf32>
    %max3A = arith.constant 0.000000e+00 : f32
    %max3A_25 = vector.broadcast %max3A : f32 to vector<2048x128xf32>
    %max3A_26 = arith.maximumf %add3A_24, %max3A_25 : vector<2048x128xf32>
    %get3A_27 = arith.constant 0 : index
    %get3A_28 = arith.constant 0 : index
    %get3A_29 = vector.load %arg7[%get3A_27, %get3A_28] : memref<128x128xf32, #tpu.memory_space<vmem>>, vector<128x128xf32>
    %dot_general3A = arith.constant dense<0.000000e+00> : vector<2048x128xf32>
    %dot_general3A_30 = tpu.matmul %max3A_26, %get3A_29, %dot_general3A {dimension_numbers = #tpu.dot_dimension_numbers<[1], [0], [0], [1], [0, 0, 1, 1], [], []>, transpose_lhs_hint = false} : vector<2048x128xf32>, vector<128x128xf32>, vector<2048x128xf32> -> vector<2048x128xf32>
    %mul3A_31 = vector.broadcast %rsqrt3A : vector<2048x1xf32> to vector<2048x128xf32>
    %mul3A_32 = arith.mulf %dot_general3A_30, %mul3A_31 : vector<2048x128xf32>
    %swap3A = arith.constant 0 : index
    %swap3A_33 = arith.constant 0 : index
    %swap3A_34 = vector.load %arg8[%swap3A, %swap3A_33] : memref<2048x128xf32, #tpu.memory_space<vmem>>, vector<2048x128xf32>
    tpu.vector_store %arg8[%swap3A, %swap3A_33], %mul3A_32 {strides = array<i32>} : memref<2048x128xf32, #tpu.memory_space<vmem>>, vector<2048x128xf32>,
    return
  }
  func.func @transform_0(%arg0: i32) -> (i32, i32) {
    %c0_i32 = arith.constant 0 : i32
    %c0_i32_0 = arith.constant 0 : i32
    return %arg0, %c0_i32 : i32, i32
  }
  func.func @transform_1(%arg0: i32) -> (i32, i32) {
    %add3A = arith.constant 5 : i32
    %add3A_0 = arith.addi %arg0, %add3A : i32
    %c0_i32 = arith.constant 0 : i32
    %c0_i32_1 = arith.constant 0 : i32
    return %add3A_0, %c0_i32 : i32, i32
  }
  func.func @transform_2(%arg0: i32) -> (i32, i32) {
    %c0_i32 = arith.constant 0 : i32
    %c0_i32_0 = arith.constant 0 : i32
    return %arg0, %c0_i32 : i32, i32
  }
  func.func @transform_3(%arg0: i32) -> (i32, i32) {
    %c0_i32 = arith.constant 0 : i32
    %c0_i32_0 = arith.constant 0 : i32
    return %arg0, %c0_i32 : i32, i32
  }
  func.func @transform_4(%arg0: i32) -> (i32, i32) {
    %add3A = arith.constant 5 : i32
    %add3A_0 = arith.addi %arg0, %add3A : i32
    %c0_i32 = arith.constant 0 : i32
    %c0_i32_1 = arith.constant 0 : i32
    return %add3A_0, %c0_i32 : i32, i32
  }
  func.func @transform_5(%arg0: i32) -> (i32, i32) {
    %c0_i32 = arith.constant 0 : i32
    %c0_i32_0 = arith.constant 0 : i32
    %c0_i32_1 = arith.constant 0 : i32
    return %c0_i32, %c0_i32_0 : i32, i32
  }
  func.func @transform_6(%arg0: i32) -> (i32, i32) {
    %c0_i32 = arith.constant 0 : i32
    %c0_i32_0 = arith.constant 0 : i32
    %c0_i32_1 = arith.constant 0 : i32
    return %c0_i32, %c0_i32_0 : i32, i32
  }
  func.func @transform_7(%arg0: i32) -> (i32, i32) {
    %c0_i32 = arith.constant 0 : i32
    %c0_i32_0 = arith.constant 0 : i32
    return %arg0, %c0_i32 : i32, i32
  }
}

module attributes {stable_mosaic.version = 14 : i64} {
  func.func @_tc_out_body(%arg0: i32, %arg1: memref<2048x128xf32, #tpu.memory_space<vmem>>, %arg2: memref<2048x128xf32, #tpu.memory_space<vmem>>, %arg3: memref<2048x128xf32, #tpu.memory_space<vmem>>, %arg4: memref<2048x1xf32, #tpu.memory_space<vmem>>, %arg5: memref<2048x1xf32, #tpu.memory_space<vmem>>, %arg6: memref<1x128xf32, #tpu.memory_space<vmem>>, %arg7: memref<2048x128xf32, #tpu.memory_space<vmem>>) attributes {dimension_semantics = [#tpu.dimension_semantics<arbitrary>], iteration_bounds = array<i64: 5>, scalar_prefetch = 0 : i64, scratch_operands = 0 : i64, tpu.core_type = #tpu.core_type<tc>, window_params = [{transform_indices = @transform_0, window_bounds = array<i64: 2048, 128>}, {transform_indices = @transform_1, window_bounds = array<i64: 2048, 128>}, {transform_indices = @transform_2, window_bounds = array<i64: 2048, 128>}, {transform_indices = @transform_3, window_bounds = array<i64: 2048, 1>}, {transform_indices = @transform_4, window_bounds = array<i64: 2048, 1>}, {pipeline_mode = #tpu.pipeline_mode<synchronous>, transform_indices = @transform_5, window_bounds = array<i64: 1, 128>}, {transform_indices = @transform_6, window_bounds = array<i64: 2048, 128>}]} {
    %get3A = arith.constant 0 : index
    %get3A_0 = arith.constant 0 : index
    %get3A_1 = vector.load %arg4[%get3A, %get3A_0] : memref<2048x1xf32, #tpu.memory_space<vmem>>, vector<2048x1xf32>
    %get3A_2 = arith.constant 0 : index
    %get3A_3 = arith.constant 0 : index
    %get3A_4 = vector.load %arg5[%get3A_2, %get3A_3] : memref<2048x1xf32, #tpu.memory_space<vmem>>, vector<2048x1xf32>
    %add3A = arith.addf %get3A_1, %get3A_4 : vector<2048x1xf32>
    %add3A_5 = arith.constant 1.000000e+00 : f32
    %add3A_6 = vector.broadcast %add3A_5 : f32 to vector<2048x1xf32>
    %add3A_7 = arith.addf %add3A, %add3A_6 : vector<2048x1xf32>
    %rsqrt3A = math.rsqrt %add3A_7 : vector<2048x1xf32>
    %get3A_8 = arith.constant 0 : index
    %get3A_9 = arith.constant 0 : index
    %get3A_10 = vector.load %arg1[%get3A_8, %get3A_9] : memref<2048x128xf32, #tpu.memory_space<vmem>>, vector<2048x128xf32>
    %get3A_11 = arith.constant 0 : index
    %get3A_12 = arith.constant 0 : index
    %get3A_13 = vector.load %arg2[%get3A_11, %get3A_12] : memref<2048x128xf32, #tpu.memory_space<vmem>>, vector<2048x128xf32>
    %add3A_14 = arith.addf %get3A_10, %get3A_13 : vector<2048x128xf32>
    %get3A_15 = arith.constant 0 : index
    %get3A_16 = arith.constant 0 : index
    %get3A_17 = vector.load %arg3[%get3A_15, %get3A_16] : memref<2048x128xf32, #tpu.memory_space<vmem>>, vector<2048x128xf32>
    %add3A_18 = arith.addf %add3A_14, %get3A_17 : vector<2048x128xf32>
    %mul3A = vector.broadcast %rsqrt3A : vector<2048x1xf32> to vector<2048x128xf32>
    %mul3A_19 = arith.mulf %mul3A, %add3A_18 : vector<2048x128xf32>
    %get3A_20 = arith.constant 0 : index
    %get3A_21 = arith.constant 0 : index
    %get3A_22 = vector.load %arg6[%get3A_20, %get3A_21] : memref<1x128xf32, #tpu.memory_space<vmem>>, vector<1x128xf32>
    %add3A_23 = vector.broadcast %get3A_22 : vector<1x128xf32> to vector<2048x128xf32>
    %add3A_24 = arith.addf %mul3A_19, %add3A_23 : vector<2048x128xf32>
    %max3A = arith.constant 0.000000e+00 : f32
    %max3A_25 = vector.broadcast %max3A : f32 to vector<2048x128xf32>
    %max3A_26 = arith.maximumf %add3A_24, %max3A_25 : vector<2048x128xf32>
    %swap3A = arith.constant 0 : index
    %swap3A_27 = arith.constant 0 : index
    %swap3A_28 = vector.load %arg7[%swap3A, %swap3A_27] : memref<2048x128xf32, #tpu.memory_space<vmem>>, vector<2048x128xf32>
    tpu.vector_store %arg7[%swap3A, %swap3A_27], %max3A_26 {strides = array<i32>} : memref<2048x128xf32, #tpu.memory_space<vmem>>, vector<2048x128xf32>,
    return
  }
  func.func @transform_0(%arg0: i32) -> (i32, i32) {
    %c0_i32 = arith.constant 0 : i32
    %c0_i32_0 = arith.constant 0 : i32
    return %arg0, %c0_i32 : i32, i32
  }
  func.func @transform_1(%arg0: i32) -> (i32, i32) {
    %add3A = arith.constant 5 : i32
    %add3A_0 = arith.addi %arg0, %add3A : i32
    %c0_i32 = arith.constant 0 : i32
    %c0_i32_1 = arith.constant 0 : i32
    return %add3A_0, %c0_i32 : i32, i32
  }
  func.func @transform_2(%arg0: i32) -> (i32, i32) {
    %c0_i32 = arith.constant 0 : i32
    %c0_i32_0 = arith.constant 0 : i32
    return %arg0, %c0_i32 : i32, i32
  }
  func.func @transform_3(%arg0: i32) -> (i32, i32) {
    %c0_i32 = arith.constant 0 : i32
    %c0_i32_0 = arith.constant 0 : i32
    return %arg0, %c0_i32 : i32, i32
  }
  func.func @transform_4(%arg0: i32) -> (i32, i32) {
    %add3A = arith.constant 5 : i32
    %add3A_0 = arith.addi %arg0, %add3A : i32
    %c0_i32 = arith.constant 0 : i32
    %c0_i32_1 = arith.constant 0 : i32
    return %add3A_0, %c0_i32 : i32, i32
  }
  func.func @transform_5(%arg0: i32) -> (i32, i32) {
    %c0_i32 = arith.constant 0 : i32
    %c0_i32_0 = arith.constant 0 : i32
    %c0_i32_1 = arith.constant 0 : i32
    return %c0_i32, %c0_i32_0 : i32, i32
  }
  func.func @transform_6(%arg0: i32) -> (i32, i32) {
    %c0_i32 = arith.constant 0 : i32
    %c0_i32_0 = arith.constant 0 : i32
    return %arg0, %c0_i32 : i32, i32
  }
}

</mosaic_0001>

<sc_bundles>
// kernel: kernel.11.cloned.1.call-start
scs
__scs_entry_jumppad:
0x0: {  	(pc) =	sbr.rel $0x88, $3  }
0x1: {  	(tag) =	ssettag $0x0;
	lr =	simm.s32 $0x1  }
0x2: {  	[smem:$0x3F9B] =	sst lr;
	_ =	strace $0xD0000000  }
0x3: {  	_ = 	snop  }
0x4: {  	_ = 	snop  }
0x5: {  	_ = 	snop  }
0x6: {  	_ = 	snop  }
0x7: {  	_ = 	snop  }
__scs_overlays_trampoline_lowered:
0x8: {  	[smem:$0x3FAA] =	sst s0  }
0x9: {  	[smem:$0x3FAB] =	sst s1  }
0xa: {  	[smem:$0x3FAC] =	sst s2  }
0xb: {  	[smem:$0x3FAD] =	sst s3  }
0xc: {  	[smem:$0x3FAE] =	sst s4  }
0xd: {  	[smem:$0x3FAF] =	sst s5  }
0xe: {  	[smem:$0x3FB0] =	sst s6  }
0xf: {  	[smem:$0x3FB1] =	sst s7  }
0x10: {  	[smem:$0x3FB2] =	sst s8  }
0x11: {  	[smem:$0x3FB3] =	sst s9;
	s0 =	simm.s32 @!p0 $0x0  }
0x12: {  	s1 =	sld [smem:$0x3F99];
	s0 =	simm.s32 @p0 $0x1  }
0x13: {  	[smem:$0x3FB4] =	sst s0;
	s0 =	simm.s32 @!p1 $0x0  }
0x14: {  	s2 =	sld [smem:$0x3F98];
	s0 =	simm.s32 @p1 $0x1  }
0x15: {  	[smem:$0x3FB5] =	sst s0;
	s0 =	simm.s32 @!p2 $0x0  }
0x16: {  	s3 =	sld [smem:$0x3FDB];
	s0 =	simm.s32 @p2 $0x1  }
0x17: {  	s4 =	simm.s32 $0x1BF5;
	[smem:$0x3FB7] =	sst s0  }
0x18: {  	s0 =	sld [smem:$0x3F9A];
	_ =	swait.ge [sflag:s4], $0x0  }
0x19: {  	s7 =	sld [smem:$0x3F9B]  }
0x1a: {  	s8 =	sadd.s32 $0xFFFFE003, lr  }
0x1b: {  	s9 =	sadd.s32 $0xFFFFFEF7, lr;
	s5 =	simm.s32 $0xFFFFFFFF;
	p2 =	slt.u32 s8, $0xFFFFF086  }
0x1c: {  	p1 =	slt.u32 s9, $0xF7A;
	s5 =	simm.s32 @!p2 $0x0  }
0x1d: {  	s5 =	simm.s32 @p1 $0x1;
	p0 =	seq.s32 s7, s2  }
0x1e: {  	s7 =	smul.u32 @!p0 $0xF7A, s2;
	p2 =	seq.s32 @!p0 s5, $0x0  }
0x1f: {  	s9 =	smul.u32 $0xF7A, s1;
	s8 =	simm.s32 @!p0 $0x1BF5;
	p2 =	por !p2, p0  }
0x20: {  	[sflag:s8] =	ssyncset.s32 @!p0 $0xFFFFF086;
	s6 =	sadd.s32 @!p0 s3, s7;
	s7 =	simm.s32 @!p0 $0x108  }
0x21: {  	s3 =	sadd.s32 s3, s9;
	s6 =	sadd.s32 @!p0 $0x88, s6;
	s7 =	simm.s32 @p2 $0x1082  }
0x22: {  	[simem:s7], [sflag:s8] =	dma.local @!p0 [hbm:s6], $0xF7A  }
0x23: {  	s9 =	sor.u32 $0xD0000000, s2;
	s6 =	simm.s32 $0x108;
	_ =	swait.ge @!p0 [sflag:s8], $0x0  }
0x24: {  	s3 =	sadd.s32 $0x88, s3;
	s6 =	simm.s32 @!p1 $0x1082;
	[sflag:s4] =	ssyncset.s32 $0xFFFFF086  }
0x25: {  	[simem:s6], [sflag:s4] =	dma.local [hbm:s3], $0xF7A  }
0x26: {  	[smem:$0x3F9B] =	sst s1;
	(tag) =	ssettag s2;
	_ =	strace s9  }
0x27: {  	s1 =	sld [smem:$0x3FAB]  }
0x28: {  	s2 =	sld [smem:$0x3FAC]  }
0x29: {  	s4 =	sld [smem:$0x3FAE]  }
0x2a: {  	p0 =	seq.s32 s5, $0x0;
	s5 =	sld [smem:$0x3FAF]  }
0x2b: {  	s6 =	sld [smem:$0x3FB0]  }
0x2c: {  	s7 =	sld [smem:$0x3FB1]  }
0x2d: {  	s3 =	simm.s32 $0x108;
	s8 =	sld [smem:$0x3FB2]  }
0x2e: {  	s3 =	simm.s32 @!p0 $0x1082;
	s9 =	sld [smem:$0x3FB3]  }
0x2f: {  	lr =	sadd.s32 s0, s3;
	s0 =	sld [smem:$0x3FAA]  }
0x30: {  	s3 =	sld [smem:$0x3FAD]  }
0x31: {  	[smem:$0x3FB6] =	sst s10  }
0x32: {  	s10 =	sld [smem:$0x3FB4];
	_ =	sdelay $0x3  }
0x33: {  	p0 =	seq.s32 s10, $0x1;
	s10 =	sld [smem:$0x3FB6];
	_ =	sdelay $0x3  }
0x34: {  	[smem:$0x3FB6] =	sst s10  }
0x35: {  	s10 =	sld [smem:$0x3FB5];
	_ =	sdelay $0x3  }
0x36: {  	p1 =	seq.s32 s10, $0x1;
	s10 =	sld [smem:$0x3FB6];
	_ =	sdelay $0x3  }
0x37: {  	[smem:$0x3FB6] =	sst s10  }
0x38: {  	s10 =	sld [smem:$0x3FB7]  }
0x39: {  	_ = 	snop;
	(pc) =	sbr.ind lr, $3  }
0x3a: {  	_ = 	snop  }
0x3b: {  	_ = 	snop  }
0x3c: {  	p2 =	seq.s32 s10, $0x1;
	s10 =	sld [smem:$0x3FB6]  }
0x3d: {  	_ =	shalt  }
0x3e: {  	_ =	shalt  }
0x3f: {  	_ =	shalt  }
0x40: {  	_ =	shalt  }
0x41: {  	_ =	shalt  }
0x42: {  	_ =	shalt  }
0x43: {  	_ =	shalt  }
0x44: {  	_ =	shalt  }
0x45: {  	_ =	shalt  }
0x46: {  	_ =	shalt  }
0x47: {  	_ =	shalt  }
0x48: {  	_ =	shalt  }
0x49: {  	_ =	shalt  }
0x4a: {  	_ =	shalt  }
0x4b: {  	_ =	shalt  }
0x4c: {  	_ =	shalt  }
0x4d: {  	_ =	shalt  }
0x4e: {  	_ =	shalt  }
0x4f: {  	_ =	shalt  }
0x50: {  	_ =	shalt  }
0x51: {  	_ =	shalt  }
0x52: {  	_ =	shalt  }
0x53: {  	_ =	shalt  }
0x54: {  	_ =	shalt  }
0x55: {  	_ =	shalt  }
0x56: {  	_ =	shalt  }
0x57: {  	_ =	shalt  }
0x58: {  	_ =	shalt  }
0x59: {  	_ =	shalt  }
0x5a: {  	_ =	shalt  }
0x5b: {  	_ =	shalt  }
0x5c: {  	_ =	shalt  }
0x5d: {  	_ =	shalt  }
0x5e: {  	_ =	shalt  }
0x5f: {  	_ =	shalt  }
0x60: {  	_ =	shalt  }
0x61: {  	_ =	shalt  }
0x62: {  	_ =	shalt  }
0x63: {  	_ =	shalt  }
0x64: {  	_ =	shalt  }
0x65: {  	_ =	shalt  }
0x66: {  	_ =	shalt  }
0x67: {  	_ =	shalt  }
0x68: {  	_ =	shalt  }
0x69: {  	_ =	shalt  }
0x6a: {  	_ =	shalt  }
0x6b: {  	_ =	shalt  }
0x6c: {  	_ =	shalt  }
0x6d: {  	_ =	shalt  }
0x6e: {  	_ =	shalt  }
0x6f: {  	_ =	shalt  }
0x70: {  	_ =	shalt  }
0x71: {  	_ =	shalt  }
0x72: {  	_ =	shalt  }
0x73: {  	_ =	shalt  }
0x74: {  	_ =	shalt  }
0x75: {  	_ =	shalt  }
0x76: {  	_ =	shalt  }
0x77: {  	_ =	shalt  }
0x78: {  	_ =	shalt  }
0x79: {  	_ =	shalt  }
0x7a: {  	_ =	shalt  }
0x7b: {  	_ =	shalt  }
0x7c: {  	_ =	shalt  }
0x7d: {  	_ =	shalt  }
0x7e: {  	_ =	shalt  }
0x7f: {  	_ =	shalt  }
0x80: {  	_ =	shalt  }
0x81: {  	_ =	shalt  }
0x82: {  	_ =	shalt  }
0x83: {  	_ =	shalt  }
0x84: {  	_ =	shalt  }
0x85: {  	_ =	shalt  }
0x86: {  	_ =	shalt  }
0x87: {  	_ =	shalt  }
.Lfunc_end0:
.L_simem_size_0:
called_computation.1_lowered:
.L_overlay_start_0:
0x88: {  	s2 =	sld [smem:$0x3FD9]  }
0x89: {  	s3 =	sld [smem:$0x3FFE];
	_ =	sdelay $0x1  }
0x8a: {  	s1 =	srdreg.scid  }
0x8b: {  	s0 =	sand.u32 $0x1, s1  }
0x8c: {  	s17 =	sshll.u32 s0, $0xA;
	s2 =	sadd.s32 s3, s2  }
0x8d: {  	s2 =	sadd.s32 s2, s17  }
0x8e: {  	[smem:$0x3FC2] =	sst s2  }
0x8f: {  	_ = 	snop  }
0x90: {  	s2 =	sld [smem:$0x3FD0];
	(tm) =	ssettm $0x1  }
0x91: {  	s18 =	sld [smem:$0x3FFB];
	_ =	sdelay $0x3  }
0x92: {  	_ =	strace s18  }
0x93: {  	s3 =	sld [smem:$0x3FFC];
	_ =	sdelay $0x3  }
0x94: {  	_ =	strace s3  }
0x95: {  	s3 =	sld [smem:$0x3FFD];
	_ =	sdelay $0x3  }
0x96: {  	_ =	strace s3  }
0x97: {  	_ =	strace $0x8FFFFFFF  }
0x98: {  	s19 =	sld [smem:$0x3FDB];
	_ =	sdelay $0x1  }
0x99: {  	s4 =	simm.s32 $_scs_section_size  }
0x9a: {  	s5 =	simm.s32 $_size__tile_overlayer_lowered;
	s6 =	simm.s32 $_tile_overlayer_lowered  }
0x9b: {  	s22 =	simm.s32 $0x1BFF;
	s21 =	sshll.u32 s6, $0x1;
	s3 =	sadd.s32 s4, s19  }
0x9c: {  	s7 =	simm.s32 $0x0;
	s20 =	sshll.u32 s5, $0x1;
	s5 =	sadd.s32 s21, s3  }
0x9d: {  	[timem:s7], [sflag:s22] =	dma.local [hbm:s5], s20  }
0x9e: {  	_ =	swait.ge [sflag:s22], s20  }
0x9f: {  	s4 =	ssub.s32 $0x0, s20;
	[sflag:s22] =	ssyncset.done $0x0  }
0xa0: {  	[sflag:s22] =	ssyncadd.s32 s4;
	_ =	sdelay $0x1  }
0xa1: {  	s23 =	simm.s32 $0x1B8B  }
0xa2: {  	_ =	swait.ge [sflag:s23], $0x1  }
0xa3: {  	[sflag:s23] =	ssyncset.done $0x0  }
0xa4: {  	s25 =	simm.s32 $0x1B8E;
	s24 =	sld [smem:$0x3FFE];
	[sflag:s23] =	ssyncadd.s32 $0xFFFFFFFF  }
0xa5: {  	s26 =	simm.s32 $execute0_lowered;
	[smem:$0x3FD2] =	sst s25  }
0xa6: {  	s5 =	sshll.u32 s26, $0x1;
	_ =	strace $0x80000049;
	[dreg:$0x1] =	wrdreg $0xFFFFFFFF  }
0xa7: {  	s28 =	simm.s32 $_size_execute0_lowered;
	s3 =	sadd.s32 s3, s5;
	[dreg:$0x0] =	wrdreg $0x0  }
0xa8: {  	s5 =	sshll.u32 s28, $0x1;
	[dreg:$0x2] =	wrdreg s3  }
0xa9: {  	[dreg:$0x3] =	wrdreg s5  }
0xaa: {  	[dreg:$0x4] =	wrdreg $0xC0  }
0xab: {  	_ =	task [dreg:s7], $0x5FFFF  }
0xac: {  	[dreg:$0x1] =	wrdreg $0xFFFFFFFF  }
0xad: {  	[dreg:$0x0] =	wrdreg $0x60  }
0xae: {  	[dreg:$0x2] =	wrdreg s24  }
0xaf: {  	[dreg:$0x3] =	wrdreg s2  }
0xb0: {  	[dreg:$0x4] =	wrdreg $0x0  }
0xb1: {  	[dreg:$0x5] =	wrdreg $0x9  }
0xb2: {  	_ =	task.clear_ibuf [dreg:s7], $0x6FFFF;
	_ =	strace $0x90000049  }
0xb3: {  	s29 =	simm.s32 $0x9;
	_ =	strace $0x8000004B  }
0xb4: {  	_ =	swait.ge [sflag:s29], $0x1  }
0xb5: {  	[sflag:s29] =	ssyncadd.s32 $0xFFFFFFFF  }
0xb6: {  	_ =	strace $0x9000004B  }
0xb7: {  	_ =	sfence  }
0xb8: {  	s30 =	sld [smem:$0x0];
	_ =	sdelay $0x2  }
0xb9: {  	s31 =	sshll.u32 s1, $0xD;
	s1 =	sshrl.u32 s1, $0x2  }
0xba: {  	s3 =	sand.u32 $0x4000, s31;
	s1 =	sadd.s32 s1, s30  }
0xbb: {  	s0 =	sor.u32 s3, s0;
	s1 =	sshll.u32 s1, $0x11  }
0xbc: {  	s0 =	sor.u32 s1, s0  }
0xbd: {  	s0 =	sadd.s32 $0x8F2B, s0  }
0xbe: {  	[sflag:s0] =	ssyncadd.remote.s32 $0x1  }
0xbf: {  	_ =	sfence.sel $0xFFFF  }
0xc0: {  	[dreg:$0x0] =	wrdreg $0xFFFFFFFF;
	(pc) =	sbr.abs _section_cstart, $3  }
0xc1: {  	[dreg:$0x1] =	wrdreg $0xFFFFFFFF  }
0xc2: {  	_ =	task.clear_ibuf [dreg:s7], $0x2FFFF;
	_ =	strace $0x9FFFFFFF  }
0xc3: {  	(tm) =	ssettm $0x7FFFFFFF  }
tec
execute0_lowered:
.L_overlay_start_1:
0x0: {  	(tag) =	ssettag $0x1  }
0x1: {  	s9 =	stileid.u32  }
0x2: {  	s7 =	smul.u32 $0x2800, s9  }
0x3: {  	s0 =	rddreg [dreg:$0x0];
	s5 =	sshll.u32 s9, $0x1;
	s9 =	smul.u32 $0x50000, s9  }
0x4: {  	s1 =	rddreg [dreg:$0x1]  }
0x5: {  	s2 =	rddreg [dreg:$0x2];
	s4 =	simm.s32 $0x0;
	s9 =	sshrl.u32 s9, $0x2  }
0x6: {  	[smem:$0x7FF] =	sst s4;
	s21 =	sadd.s32 s9, s2  }
0x7: {  	_ =	strace $0x8000004A;
	s14 =	sadd.s32 $0x1000, s21;
	[dreg:$0x6] =	wrdreg s21  }
0x8: {  	s15 =	sadd.s32 $0x2000, s21;
	[dreg:$0x9] =	wrdreg s14  }
0x9: {  	s16 =	sadd.s32 $0x3000, s21;
	[dreg:$0xa] =	wrdreg s15  }
0xa: {  	s17 =	sadd.s32 $0x4000, s21;
	[dreg:$0xb] =	wrdreg s16  }
0xb: {  	s3 =	srdreg.scid;
	s18 =	sadd.s32 $0x5000, s21;
	[dreg:$0xc] =	wrdreg s17  }
0xc: {  	s3 =	sand.u32 $0x1, s3;
	s19 =	sadd.s32 $0x6000, s21;
	[dreg:$0xd] =	wrdreg s18  }
0xd: {  	s8 =	smul.u32 $0x28000, s3;
	s20 =	sadd.s32 $0x7000, s21;
	[dreg:$0xe] =	wrdreg s19  }
0xe: {  	s6 =	sor.u32 s3, s5;
	s22 =	sadd.s32 $0x8000, s21;
	[dreg:$0xf] =	wrdreg s20  }
0xf: {  	s3 =	ssub.s32 $0x2, s3;
	s23 =	sadd.s32 $0x9000, s21;
	[dreg:$0x10] =	wrdreg s22  }
0x10: {  	s10 =	sshrl.u32 s3, $0x1;
	s24 =	sadd.s32 $0xA000, s21;
	[dreg:$0x11] =	wrdreg s23  }
0x11: {  	s3 =	ssub.s32 s3, s10;
	s25 =	sadd.s32 $0xB000, s21;
	[dreg:$0x12] =	wrdreg s24  }
0x12: {  	s5 =	sadd.s32 $0x52A00, s0;
	s26 =	smax.u32 s3, $0x1;
	[dreg:$0x13] =	wrdreg s25  }
0x13: {  	s6 =	smul.u32 $0x2800, s6;
	s28 =	sadd.s32 $0xC000, s21;
	[dreg:$0x15] =	wrdreg s26  }
0x14: {  	s7 =	sadd.s32 s7, s8;
	s3 =	sadd.s32 $0xD000, s21;
	[dreg:$0x16] =	wrdreg s28  }
0x15: {  	s0 =	sadd.s32 s7, s0;
	s9 =	sadd.s32 $0xE000, s21;
	[dreg:$0x17] =	wrdreg s3  }
0x16: {  	s11 =	sshrl.u32 s6, $0x3;
	s0 =	sadd.s32 $0x7AA00, s0;
	[dreg:$0x18] =	wrdreg s9  }
0x17: {  	s8 =	sadd.s32 s1, s11;
	s11 =	sadd.s32 $0x10000, s21;
	[dreg:$0x14] =	wrdreg s0  }
0x18: {  	s7 =	sadd.s32 $0x50000, s6;
	s14 =	sadd.s32 $0x13000, s21;
	[dreg:$0x1a] =	wrdreg s11  }
0x19: {  	s10 =	sshrl.u32 s7, $0x3;
	[dreg:$0x1d] =	wrdreg s14  }
0x1a: {  	s10 =	sadd.s32 s1, s10;
	[dreg:$0x4] =	wrdreg s8  }
0x1b: {  	s12 =	sadd.s32 $0x10, s8;
	[dreg:$0x5] =	wrdreg s10  }
0x1c: {  	s13 =	sadd.s32 $0xA010, s8;
	[dreg:$0x7] =	wrdreg s12  }
0x1d: {  	s15 =	sadd.s32 $0x20, s8;
	[dreg:$0x8] =	wrdreg s13  }
0x1e: {  	s29 =	simm.s32 $0x14080;
	s16 =	sadd.s32 $0xA020, s8;
	[dreg:$0x1e] =	wrdreg s15  }
0x1f: {  	s30 =	simm.s32 $0x5;
	s17 =	sadd.s32 $0x30, s8;
	[dreg:$0x1f] =	wrdreg s16  }
0x20: {  	s31 =	simm.s32 $0x7D;
	s18 =	sadd.s32 $0xA030, s8;
	[smem:$0x7F4] =	sst s17  }
0x21: {  	s3 =	simm.s32 $0x14200;
	s19 =	sadd.s32 $0x40, s8;
	[smem:$0x7F5] =	sst s18  }
0x22: {  	s9 =	simm.s32 $0x14280;
	s20 =	sadd.s32 $0xA040, s8;
	[smem:$0x7F6] =	sst s19  }
0x23: {  	s22 =	sadd.s32 $0x50, s8;
	s23 =	sadd.s32 $0xA050, s8;
	[smem:$0x7F7] =	sst s20  }
0x24: {  	s24 =	sadd.s32 $0x4E0, s8;
	s25 =	sadd.s32 $0xA4E0, s8;
	[smem:$0x7F8] =	sst s22  }
0x25: {  	s26 =	sadd.s32 $0x4F0, s8;
	s28 =	sadd.s32 $0xA4F0, s8;
	[smem:$0x7F9] =	sst s23  }
0x26: {  	s0 =	simm.s32 $0x14400;
	s11 =	simm.s32 $0x6;
	[smem:$0x7FA] =	sst s24  }
0x27: {  	s14 =	simm.s32 $0x14380;
	s10 =	sadd.s32 $0xF000, s21;
	[smem:$0x7FB] =	sst s25  }
0x28: {  	s12 =	sadd.s32 $0x11000, s21;
	s13 =	sadd.s32 $0x12000, s21;
	[smem:$0x7FC] =	sst s26  }
0x29: {  	[smem:$0x7FD] =	sst s28;
	s25 =	simm.s32 $0x14100;
	s26 =	simm.s32 $0x14180  }
0x2a: {  	s23 =	simm.s32 $0x9;
	s15 =	simm.s32 $0x1;
	s16 =	simm.s32 $0x3  }
0x2b: {  	s17 =	simm.s32 $0x7;
	s18 =	simm.s32 $0x2;
	[dreg:$0x19] =	wrdreg s10  }
0x2c: {  	s19 =	simm.s32 $0x4;
	s20 =	simm.s32 $0x8;
	[dreg:$0x1b] =	wrdreg s12  }
0x2d: {  	s22 =	simm.s32 $0x0;
	s24 =	simm.s32 $0x14000;
	[dreg:$0x1c] =	wrdreg s13  }
0x2e: {  	v0 =	vimm.f32 $0.0e+00;
	s10 =	simm.s32 $0x14000;
	s12 =	simm.s32 $0x18400;
	s13 =	simm.s32 $0x14300  }
.LBB2_1:
0x2f: {  	[smem:$0x7F3] =	sst s22  }
0x30: {  	s8 =	rddreg [dreg:$0x4]  }
0x31: {  	[tilespmem:s10], [sflag:$0x5] =	stream.linear.gather [hbm4b:s8+s4], $0x80, $0x38;
	[tilespmem:$0x1D400] =	vst v63  }
0x32: {  	s28 =	rddreg [dreg:$0x5]  }
0x33: {  	[tilespmem:s29], [sflag:$0x5] =	stream.linear.gather [hbm4b:s28+s4], $0x80, $0x38;
	[tilespmem:$0x1D400] =	vst v63  }
0x34: {  	s22 =	rddreg [dreg:$0x7]  }
0x35: {  	[tilespmem:s25], [sflag:$0x6] =	stream.linear.gather [hbm4b:s22+s4], $0x80, $0x38;
	[tilespmem:$0x1D400] =	vst v63  }
0x36: {  	s8 =	simm.s32 $0x0;
	s28 =	rddreg [dreg:$0x8];
	s22 =	simm.s32 $0x200  }
0x37: {  	[tilespmem:s26], [sflag:$0x6] =	stream.linear.gather [hbm4b:s28+s4], $0x80, $0x38;
	[tilespmem:$0x1D400] =	vst v63  }
.LBB2_2:
0x38: {  	p0 =	sne.s32 s22, $0x3E00;
	[tilespmem:s8+$0x1C470] =	vst v0  }
0x39: {  	[tilespmem:s8+$0x1C400] =	vst v0  }
0x3a: {  	[tilespmem:s8+$0x1C410] =	vst v0  }
.Ltmp0:
0x3b: {  	[tilespmem:s8+$0x1C420] =	vst v0;
	(pc) =	sbr.rel @p0 .LBB2_2-.Ltmp0, $4  }
0x3c: {  	[tilespmem:s8+$0x1C430] =	vst v0  }
0x3d: {  	[tilespmem:s8+$0x1C440] =	vst v0  }
0x3e: {  	[tilespmem:s8+$0x1C450] =	vst v0  }
0x3f: {  	[tilespmem:s8+$0x1C460] =	vst v0;
	s8 =	sshra.s32 s22, $0x2;
	s22 =	sadd.s32 $0x200, s22  }
0x40: {  	[tilespmem:s8+$0x1C470] =	vst v0  }
0x41: {  	[tilespmem:s8+$0x1C400] =	vst v0  }
0x42: {  	[tilespmem:s8+$0x1C410] =	vst v0  }
0x43: {  	[tilespmem:s8+$0x1C420] =	vst v0  }
0x44: {  	[tilespmem:s8+$0x1C430] =	vst v0  }
0x45: {  	[tilespmem:s8+$0x1C440] =	vst v0  }
0x46: {  	[tilespmem:s8+$0x1C450] =	vst v0  }
0x47: {  	[tilespmem:s8+$0x1C460] =	vst v0;
	s22 =	simm.s32 $0x1C400  }
0x48: {  	[spmem:s21] =	stream.linear.scatter [tilespmem:s22], [sflag:$0x9], $0x1000, $0x38;
	[tilespmem:$0x1D400] =	vst v63  }
0x49: {  	_ =	swait.ge [sflag:s23], $0x1000  }
0x4a: {  	[sflag:s23] =	ssyncset.done $0x0  }
0x4b: {  	s28 =	rddreg [dreg:$0x9];
	[sflag:s23] =	ssyncadd.s32 $0xFFFFF000  }
0x4c: {  	[spmem:s28] =	stream.linear.scatter [tilespmem:s22], [sflag:$0x9], $0x1000, $0x38;
	[tilespmem:$0x1D400] =	vst v63  }
0x4d: {  	_ =	swait.ge [sflag:s23], $0x1000  }
0x4e: {  	[sflag:s23] =	ssyncset.done $0x0  }
0x4f: {  	s21 =	rddreg [dreg:$0xa];
	[sflag:s23] =	ssyncadd.s32 $0xFFFFF000  }
0x50: {  	[spmem:s21] =	stream.linear.scatter [tilespmem:s22], [sflag:$0x9], $0x1000, $0x38;
	[tilespmem:$0x1D400] =	vst v63  }
0x51: {  	_ =	swait.ge [sflag:s23], $0x1000  }
0x52: {  	[sflag:s23] =	ssyncset.done $0x0  }
0x53: {  	s28 =	rddreg [dreg:$0xb];
	[sflag:s23] =	ssyncadd.s32 $0xFFFFF000  }
0x54: {  	[spmem:s28] =	stream.linear.scatter [tilespmem:s22], [sflag:$0x9], $0x1000, $0x38;
	[tilespmem:$0x1D400] =	vst v63  }
0x55: {  	_ =	swait.ge [sflag:s23], $0x1000  }
0x56: {  	[sflag:s23] =	ssyncset.done $0x0  }
0x57: {  	s21 =	rddreg [dreg:$0xc];
	[sflag:s23] =	ssyncadd.s32 $0xFFFFF000  }
0x58: {  	[spmem:s21] =	stream.linear.scatter [tilespmem:s22], [sflag:$0x9], $0x1000, $0x38;
	[tilespmem:$0x1D400] =	vst v63  }
0x59: {  	_ =	swait.ge [sflag:s23], $0x1000  }
0x5a: {  	[sflag:s23] =	ssyncset.done $0x0  }
0x5b: {  	s28 =	rddreg [dreg:$0xd];
	[sflag:s23] =	ssyncadd.s32 $0xFFFFF000  }
0x5c: {  	[spmem:s28] =	stream.linear.scatter [tilespmem:s22], [sflag:$0x9], $0x1000, $0x38;
	[tilespmem:$0x1D400] =	vst v63  }
0x5d: {  	_ =	swait.ge [sflag:s23], $0x1000  }
0x5e: {  	[sflag:s23] =	ssyncset.done $0x0  }
0x5f: {  	s21 =	rddreg [dreg:$0xe];
	[sflag:s23] =	ssyncadd.s32 $0xFFFFF000  }
0x60: {  	[spmem:s21] =	stream.linear.scatter [tilespmem:s22], [sflag:$0x9], $0x1000, $0x38;
	[tilespmem:$0x1D400] =	vst v63  }
0x61: {  	_ =	swait.ge [sflag:s23], $0x1000  }
0x62: {  	[sflag:s23] =	ssyncset.done $0x0  }
0x63: {  	s28 =	rddreg [dreg:$0xf];
	[sflag:s23] =	ssyncadd.s32 $0xFFFFF000  }
0x64: {  	[spmem:s28] =	stream.linear.scatter [tilespmem:s22], [sflag:$0x9], $0x1000, $0x38;
	[tilespmem:$0x1D400] =	vst v63  }
0x65: {  	_ =	swait.ge [sflag:s23], $0x1000  }
0x66: {  	[sflag:s23] =	ssyncset.done $0x0  }
0x67: {  	s21 =	rddreg [dreg:$0x10];
	[sflag:s23] =	ssyncadd.s32 $0xFFFFF000  }
0x68: {  	[spmem:s21] =	stream.linear.scatter [tilespmem:s22], [sflag:$0x9], $0x1000, $0x38;
	[tilespmem:$0x1D400] =	vst v63  }
0x69: {  	_ =	swait.ge [sflag:s23], $0x1000  }
0x6a: {  	[sflag:s23] =	ssyncset.done $0x0  }
0x6b: {  	s28 =	rddreg [dreg:$0x11];
	[sflag:s23] =	ssyncadd.s32 $0xFFFFF000  }
0x6c: {  	[spmem:s28] =	stream.linear.scatter [tilespmem:s22], [sflag:$0x9], $0x1000, $0x38;
	[tilespmem:$0x1D400] =	vst v63  }
0x6d: {  	_ =	swait.ge [sflag:s23], $0x1000  }
0x6e: {  	[sflag:s23] =	ssyncset.done $0x0  }
0x6f: {  	s21 =	rddreg [dreg:$0x12];
	[sflag:s23] =	ssyncadd.s32 $0xFFFFF000  }
0x70: {  	[spmem:s21] =	stream.linear.scatter [tilespmem:s22], [sflag:$0x9], $0x1000, $0x38;
	[tilespmem:$0x1D400] =	vst v63  }
0x71: {  	_ =	swait.ge [sflag:s23], $0x1000  }
0x72: {  	[sflag:s23] =	ssyncset.done $0x0  }
0x73: {  	s28 =	rddreg [dreg:$0x13];
	[sflag:s23] =	ssyncadd.s32 $0xFFFFF000  }
0x74: {  	[spmem:s28] =	stream.linear.scatter [tilespmem:s22], [sflag:$0x9], $0x1000, $0x38;
	[tilespmem:$0x1D400] =	vst v63  }
0x75: {  	_ =	swait.ge [sflag:s23], $0x1000  }
0x76: {  	[sflag:s23] =	ssyncset.done $0x0  }
0x77: {  	s21 =	rddreg [dreg:$0x16];
	[sflag:s23] =	ssyncadd.s32 $0xFFFFF000  }
0x78: {  	[spmem:s21] =	stream.linear.scatter [tilespmem:s22], [sflag:$0x9], $0x1000, $0x38;
	[tilespmem:$0x1D400] =	vst v63  }
0x79: {  	_ =	swait.ge [sflag:s23], $0x1000  }
0x7a: {  	[sflag:s23] =	ssyncset.done $0x0  }
0x7b: {  	s28 =	rddreg [dreg:$0x17];
	[sflag:s23] =	ssyncadd.s32 $0xFFFFF000  }
0x7c: {  	[spmem:s28] =	stream.linear.scatter [tilespmem:s22], [sflag:$0x9], $0x1000, $0x38;
	[tilespmem:$0x1D400] =	vst v63  }
0x7d: {  	_ =	swait.ge [sflag:s23], $0x1000  }
0x7e: {  	[sflag:s23] =	ssyncset.done $0x0  }
0x7f: {  	s21 =	rddreg [dreg:$0x18];
	[sflag:s23] =	ssyncadd.s32 $0xFFFFF000  }
0x80: {  	[spmem:s21] =	stream.linear.scatter [tilespmem:s22], [sflag:$0x9], $0x1000, $0x38;
	[tilespmem:$0x1D400] =	vst v63  }
0x81: {  	_ =	swait.ge [sflag:s23], $0x1000  }
0x82: {  	[sflag:s23] =	ssyncset.done $0x0  }
0x83: {  	s28 =	rddreg [dreg:$0x19];
	[sflag:s23] =	ssyncadd.s32 $0xFFFFF000  }
0x84: {  	[spmem:s28] =	stream.linear.scatter [tilespmem:s22], [sflag:$0x9], $0x1000, $0x38;
	[tilespmem:$0x1D400] =	vst v63  }
0x85: {  	_ =	swait.ge [sflag:s23], $0x1000  }
0x86: {  	[sflag:s23] =	ssyncset.done $0x0  }
0x87: {  	s21 =	rddreg [dreg:$0x1a];
	[sflag:s23] =	ssyncadd.s32 $0xFFFFF000  }
0x88: {  	[spmem:s21] =	stream.linear.scatter [tilespmem:s22], [sflag:$0x9], $0x1000, $0x38;
	[tilespmem:$0x1D400] =	vst v63  }
0x89: {  	_ =	swait.ge [sflag:s23], $0x1000  }
0x8a: {  	[sflag:s23] =	ssyncset.done $0x0  }
0x8b: {  	s28 =	rddreg [dreg:$0x1b];
	[sflag:s23] =	ssyncadd.s32 $0xFFFFF000  }
0x8c: {  	[spmem:s28] =	stream.linear.scatter [tilespmem:s22], [sflag:$0x9], $0x1000, $0x38;
	[tilespmem:$0x1D400] =	vst v63  }
0x8d: {  	_ =	swait.ge [sflag:s23], $0x1000  }
0x8e: {  	[sflag:s23] =	ssyncset.done $0x0  }
0x8f: {  	s21 =	rddreg [dreg:$0x1c];
	[sflag:s23] =	ssyncadd.s32 $0xFFFFF000  }
0x90: {  	[spmem:s21] =	stream.linear.scatter [tilespmem:s22], [sflag:$0x9], $0x1000, $0x38;
	[tilespmem:$0x1D400] =	vst v63  }
0x91: {  	_ =	swait.ge [sflag:s23], $0x1000  }
0x92: {  	[sflag:s23] =	ssyncset.done $0x0  }
0x93: {  	s28 =	rddreg [dreg:$0x1d];
	[sflag:s23] =	ssyncadd.s32 $0xFFFFF000  }
0x94: {  	[spmem:s28] =	stream.linear.scatter [tilespmem:s22], [sflag:$0x9], $0x1000, $0x38;
	[tilespmem:$0x1D400] =	vst v63  }
0x95: {  	_ =	swait.ge [sflag:s23], $0x1000  }
0x96: {  	[sflag:s23] =	ssyncset.done $0x0  }
0x97: {  	[sflag:s23] =	ssyncadd.s32 $0xFFFFF000  }
0x98: {  	[bflag:$0x0] =	sbarrier.arrive $0xFFFF  }
0x99: {  	_ =	swait.ge [sflag:s30], $0x80  }
0x9a: {  	[sflag:s30] =	ssyncset.done $0x0  }
0x9b: {  	[sflag:s30] =	ssyncadd.s32 $0xFFFFFF80  }
0x9c: {  	_ =	swait.ge [sflag:s30], $0x80  }
0x9d: {  	[sflag:s30] =	ssyncset.done $0x0  }
0x9e: {  	[sflag:s30] =	ssyncadd.s32 $0xFFFFFF80  }
0x9f: {  	[tilespmem:s0], [sflag:$0x1] =	stream.indirect.gather [hbm4b:s5+s31], $0x80, s10, s31, $0xb8;
	[tilespmem:$0x1D400] =	vst v63  }
0xa0: {  	s21 =	rddreg [dreg:$0x1e]  }
0xa1: {  	[tilespmem:s3], [sflag:$0x7] =	stream.linear.gather [hbm4b:s21+s4], $0x80, $0x38;
	[tilespmem:$0x1D400] =	vst v63  }
0xa2: {  	s22 =	rddreg [dreg:$0x1f]  }
0xa3: {  	[tilespmem:s9], [sflag:$0x7] =	stream.linear.gather [hbm4b:s22+s4], $0x80, $0x38;
	[tilespmem:$0x1D400] =	vst v63  }
0xa4: {  	_ =	swait.ge [sflag:s11], $0x80  }
0xa5: {  	[sflag:s11] =	ssyncset.done $0x0  }
0xa6: {  	[sflag:s11] =	ssyncadd.s32 $0xFFFFFF80  }
0xa7: {  	_ =	swait.ge [sflag:s11], $0x80  }
0xa8: {  	[sflag:s11] =	ssyncset.done $0x0  }
0xa9: {  	s23 =	sld [smem:$0x7F4];
	[sflag:s11] =	ssyncadd.s32 $0xFFFFFF80  }
0xaa: {  	[tilespmem:s12], [sflag:$0x2] =	stream.indirect.gather [hbm4b:s5+s31], $0x80, s25, s31, $0xb8;
	[tilespmem:$0x1D400] =	vst v63  }
0xab: {  	s28 =	sld [smem:$0x7F5]  }
0xac: {  	[tilespmem:s13], [sflag:$0x8] =	stream.linear.gather [hbm4b:s23+s4], $0x80, $0x38;
	[tilespmem:$0x1D400] =	vst v63  }
0xad: {  	_ = 	snop  }
0xae: {  	[tilespmem:s14], [sflag:$0x8] =	stream.linear.gather [hbm4b:s28+s4], $0x80, $0x38;
	[tilespmem:$0x1D400] =	vst v63  }
0xaf: {  	_ =	swait.ge [sflag:s15], $0x3E80  }
0xb0: {  	[sflag:s15] =	ssyncset.done $0x0  }
0xb1: {  	[sflag:s15] =	ssyncadd.s32 $0xFFFFC180  }
0xb2: {  	[spmem:s2] =	stream.indirect.scatter.add.f32 [tilespmem:s0], [sflag:$0x3], $0x80, s29, s31, $0xb8;
	[tilespmem:$0x1D400] =	vst v63  }
0xb3: {  	_ =	swait.ge [sflag:s16], $0x3E80  }
0xb4: {  	[sflag:s16] =	ssyncset.done $0x0  }
0xb5: {  	[sflag:s16] =	ssyncadd.s32 $0xFFFFC180  }
0xb6: {  	_ =	swait.ge [sflag:s17], $0x80  }
0xb7: {  	[sflag:s17] =	ssyncset.done $0x0  }
0xb8: {  	[sflag:s17] =	ssyncadd.s32 $0xFFFFFF80  }
0xb9: {  	_ =	swait.ge [sflag:s17], $0x80  }
0xba: {  	[sflag:s17] =	ssyncset.done $0x0  }
0xbb: {  	s21 =	sld [smem:$0x7F6];
	[sflag:s17] =	ssyncadd.s32 $0xFFFFFF80  }
0xbc: {  	[tilespmem:s0], [sflag:$0x1] =	stream.indirect.gather [hbm4b:s5+s31], $0x80, s3, s31, $0xb8;
	[tilespmem:$0x1D400] =	vst v63  }
0xbd: {  	s22 =	sld [smem:$0x7F7]  }
0xbe: {  	[tilespmem:s10], [sflag:$0x5] =	stream.linear.gather [hbm4b:s21+s4], $0x80, $0x38;
	[tilespmem:$0x1D400] =	vst v63  }
0xbf: {  	_ = 	snop  }
0xc0: {  	[tilespmem:s29], [sflag:$0x5] =	stream.linear.gather [hbm4b:s22+s4], $0x80, $0x38;
	[tilespmem:$0x1D400] =	vst v63  }
0xc1: {  	_ =	swait.ge [sflag:s18], $0x3E80  }
0xc2: {  	[sflag:s18] =	ssyncset.done $0x0  }
0xc3: {  	[sflag:s18] =	ssyncadd.s32 $0xFFFFC180  }
0xc4: {  	[spmem:s2] =	stream.indirect.scatter.add.f32 [tilespmem:s12], [sflag:$0x4], $0x80, s26, s31, $0xb8;
	[tilespmem:$0x1D400] =	vst v63  }
0xc5: {  	_ =	swait.ge [sflag:s19], $0x3E80  }
0xc6: {  	[sflag:s19] =	ssyncset.done $0x0  }
0xc7: {  	[sflag:s19] =	ssyncadd.s32 $0xFFFFC180  }
0xc8: {  	_ =	swait.ge [sflag:s20], $0x80  }
0xc9: {  	[sflag:s20] =	ssyncset.done $0x0  }
0xca: {  	[sflag:s20] =	ssyncadd.s32 $0xFFFFFF80  }
0xcb: {  	_ =	swait.ge [sflag:s20], $0x80  }
0xcc: {  	[sflag:s20] =	ssyncset.done $0x0  }
0xcd: {  	s23 =	sld [smem:$0x7F8];
	[sflag:s20] =	ssyncadd.s32 $0xFFFFFF80  }
0xce: {  	[tilespmem:s12], [sflag:$0x2] =	stream.indirect.gather [hbm4b:s5+s31], $0x80, s13, s31, $0xb8;
	[tilespmem:$0x1D400] =	vst v63  }
0xcf: {  	s28 =	sld [smem:$0x7F9]  }
0xd0: {  	[tilespmem:s25], [sflag:$0x6] =	stream.linear.gather [hbm4b:s23+s4], $0x80, $0x38;
	[tilespmem:$0x1D400] =	vst v63  }
0xd1: {  	_ = 	snop  }
0xd2: {  	[tilespmem:s26], [sflag:$0x6] =	stream.linear.gather [hbm4b:s28+s4], $0x80, $0x38;
	[tilespmem:$0x1D400] =	vst v63  }
0xd3: {  	_ =	swait.ge [sflag:s15], $0x3E80  }
0xd4: {  	[sflag:s15] =	ssyncset.done $0x0  }
0xd5: {  	[sflag:s15] =	ssyncadd.s32 $0xFFFFC180  }
0xd6: {  	[spmem:s2] =	stream.indirect.scatter.add.f32 [tilespmem:s0], [sflag:$0x3], $0x80, s9, s31, $0xb8;
	[tilespmem:$0x1D400] =	vst v63  }
0xd7: {  	_ =	swait.ge [sflag:s16], $0x3E80  }
0xd8: {  	[sflag:s16] =	ssyncset.done $0x0  }
0xd9: {  	[sflag:s16] =	ssyncadd.s32 $0xFFFFC180  }
0xda: {  	_ =	swait.ge [sflag:s30], $0x80  }
0xdb: {  	s10 =	simm.s32 $0x200;
	[sflag:s30] =	ssyncset.done $0x0  }
0xdc: {  	s21 =	sand.u32 $0x3C00, s10;
	s8 =	sand.u32 $0x200, s10;
	[sflag:s30] =	ssyncadd.s32 $0xFFFFFF80  }
0xdd: {  	s10 =	sadd.s32 s6, s21;
	s23 =	sor.u32 $0x100, s8;
	_ =	swait.ge [sflag:s30], $0x80  }
0xde: {  	s22 =	sadd.s32 s7, s21;
	s28 =	sor.u32 s23, s10;
	[sflag:s30] =	ssyncset.done $0x0  }
0xdf: {  	s21 =	sor.u32 s23, s22;
	s28 =	sshrl.u32 s28, $0x3;
	[sflag:s30] =	ssyncadd.s32 $0xFFFFFF80  }
0xe0: {  	[tilespmem:s0], [sflag:$0x1] =	stream.indirect.gather [hbm4b:s5+s31], $0x80, s24, s31, $0xb8;
	[tilespmem:$0x1D400] =	vst v63  }
0xe1: {  	s21 =	sshrl.u32 s21, $0x3;
	s28 =	sadd.s32 s1, s28  }
0xe2: {  	[tilespmem:s3], [sflag:$0x7] =	stream.linear.gather [hbm4b:s28+s4], $0x80, $0x38;
	[tilespmem:$0x1D400] =	vst v63  }
0xe3: {  	s21 =	sadd.s32 s1, s21  }
0xe4: {  	[tilespmem:s9], [sflag:$0x7] =	stream.linear.gather [hbm4b:s21+s4], $0x80, $0x38;
	[tilespmem:$0x1D400] =	vst v63  }
0xe5: {  	_ =	swait.ge [sflag:s18], $0x3E80  }
0xe6: {  	[sflag:s18] =	ssyncset.done $0x0  }
0xe7: {  	[sflag:s18] =	ssyncadd.s32 $0xFFFFC180  }
0xe8: {  	[spmem:s2] =	stream.indirect.scatter.add.f32 [tilespmem:s12], [sflag:$0x4], $0x80, s14, s31, $0xb8;
	[tilespmem:$0x1D400] =	vst v63  }
0xe9: {  	_ =	swait.ge [sflag:s19], $0x3E80  }
0xea: {  	[sflag:s19] =	ssyncset.done $0x0  }
0xeb: {  	[sflag:s19] =	ssyncadd.s32 $0xFFFFC180  }
0xec: {  	_ =	swait.ge [sflag:s11], $0x80  }
0xed: {  	[sflag:s11] =	ssyncset.done $0x0  }
0xee: {  	[sflag:s11] =	ssyncadd.s32 $0xFFFFFF80  }
0xef: {  	s8 =	sor.u32 $0x180, s8;
	_ =	swait.ge [sflag:s11], $0x80  }
0xf0: {  	s10 =	sor.u32 s8, s10;
	[sflag:s11] =	ssyncset.done $0x0  }
0xf1: {  	s8 =	sor.u32 s8, s22;
	s10 =	sshrl.u32 s10, $0x3;
	[sflag:s11] =	ssyncadd.s32 $0xFFFFFF80  }
0xf2: {  	[tilespmem:s12], [sflag:$0x2] =	stream.indirect.gather [hbm4b:s5+s31], $0x80, s25, s31, $0xb8;
	[tilespmem:$0x1D400] =	vst v63  }
0xf3: {  	s8 =	sshrl.u32 s8, $0x3;
	s10 =	sadd.s32 s1, s10  }
0xf4: {  	[tilespmem:s13], [sflag:$0x8] =	stream.linear.gather [hbm4b:s10+s4], $0x80, $0x38;
	[tilespmem:$0x1D400] =	vst v63  }
0xf5: {  	s8 =	sadd.s32 s1, s8  }
0xf6: {  	[tilespmem:s14], [sflag:$0x8] =	stream.linear.gather [hbm4b:s8+s4], $0x80, $0x38;
	[tilespmem:$0x1D400] =	vst v63  }
0xf7: {  	_ =	swait.ge [sflag:s15], $0x3E80  }
0xf8: {  	[sflag:s15] =	ssyncset.done $0x0  }
0xf9: {  	[sflag:s15] =	ssyncadd.s32 $0xFFFFC180  }
0xfa: {  	[spmem:s2] =	stream.indirect.scatter.add.f32 [tilespmem:s0], [sflag:$0x3], $0x80, s29, s31, $0xb8;
	[tilespmem:$0x1D400] =	vst v63  }
0xfb: {  	_ =	swait.ge [sflag:s16], $0x3E80  }
0xfc: {  	[sflag:s16] =	ssyncset.done $0x0  }
0xfd: {  	[sflag:s16] =	ssyncadd.s32 $0xFFFFC180  }
0xfe: {  	_ =	swait.ge [sflag:s17], $0x80  }
0xff: {  	s22 =	simm.s32 $0x400;
	[sflag:s17] =	ssyncset.done $0x0  }
0x100: {  	s23 =	sand.u32 $0x7C00, s22;
	[sflag:s17] =	ssyncadd.s32 $0xFFFFFF80  }
0x101: {  	s28 =	sadd.s32 s6, s23;
	s8 =	sand.u32 $0x200, s22;
	_ =	swait.ge [sflag:s17], $0x80  }
0x102: {  	s10 =	sadd.s32 s7, s23;
	s21 =	sor.u32 s8, s28;
	[sflag:s17] =	ssyncset.done $0x0  }
0x103: {  	s8 =	sor.u32 s8, s10;
	s21 =	sshrl.u32 s21, $0x3;
	[sflag:s17] =	ssyncadd.s32 $0xFFFFFF80  }
0x104: {  	[tilespmem:s0], [sflag:$0x1] =	stream.indirect.gather [hbm4b:s5+s31], $0x80, s3, s31, $0xb8;
	[tilespmem:$0x1D400] =	vst v63  }
0x105: {  	s8 =	sshrl.u32 s8, $0x3;
	s21 =	sadd.s32 s1, s21  }
0x106: {  	[tilespmem:s24], [sflag:$0x5] =	stream.linear.gather [hbm4b:s21+s4], $0x80, $0x38;
	[tilespmem:$0x1D400] =	vst v63  }
0x107: {  	s8 =	sadd.s32 s1, s8  }
0x108: {  	[tilespmem:s29], [sflag:$0x5] =	stream.linear.gather [hbm4b:s8+s4], $0x80, $0x38;
	[tilespmem:$0x1D400] =	vst v63  }
0x109: {  	_ =	swait.ge [sflag:s18], $0x3E80  }
0x10a: {  	[sflag:s18] =	ssyncset.done $0x0  }
0x10b: {  	[sflag:s18] =	ssyncadd.s32 $0xFFFFC180  }
0x10c: {  	[spmem:s2] =	stream.indirect.scatter.add.f32 [tilespmem:s12], [sflag:$0x4], $0x80, s26, s31, $0xb8;
	[tilespmem:$0x1D400] =	vst v63  }
0x10d: {  	_ =	swait.ge [sflag:s19], $0x3E80  }
0x10e: {  	[sflag:s19] =	ssyncset.done $0x0  }
0x10f: {  	[sflag:s19] =	ssyncadd.s32 $0xFFFFC180  }
0x110: {  	_ =	swait.ge [sflag:s20], $0x80  }
0x111: {  	s22 =	simm.s32 $0x480;
	[sflag:s20] =	ssyncset.done $0x0  }
0x112: {  	s23 =	sand.u32 $0x7C00, s22;
	[sflag:s20] =	ssyncadd.s32 $0xFFFFFF80  }
0x113: {  	s28 =	sadd.s32 s6, s23;
	s8 =	sand.u32 $0x280, s22;
	_ =	swait.ge [sflag:s20], $0x80  }
0x114: {  	s10 =	sadd.s32 s7, s23;
	s21 =	sor.u32 s8, s28;
	[sflag:s20] =	ssyncset.done $0x0  }
0x115: {  	s8 =	sor.u32 s8, s10;
	s21 =	sshrl.u32 s21, $0x3;
	[sflag:s20] =	ssyncadd.s32 $0xFFFFFF80  }
0x116: {  	[tilespmem:s12], [sflag:$0x2] =	stream.indirect.gather [hbm4b:s5+s31], $0x80, s13, s31, $0xb8;
	[tilespmem:$0x1D400] =	vst v63  }
0x117: {  	s8 =	sshrl.u32 s8, $0x3;
	s29 =	sadd.s32 s1, s21  }
0x118: {  	[tilespmem:s25], [sflag:$0x6] =	stream.linear.gather [hbm4b:s29+s4], $0x80, $0x38;
	[tilespmem:$0x1D400] =	vst v63  }
0x119: {  	s8 =	sadd.s32 s1, s8  }
0x11a: {  	[tilespmem:s26], [sflag:$0x6] =	stream.linear.gather [hbm4b:s8+s4], $0x80, $0x38;
	[tilespmem:$0x1D400] =	vst v63  }
0x11b: {  	_ =	swait.ge [sflag:s15], $0x3E80  }
0x11c: {  	s22 =	simm.s32 $0x680;
	[sflag:s15] =	ssyncset.done $0x0  }
.LBB2_4:
0x11d: {  	p0 =	sne.s32 s22, $0x2680  }
0x11e: {  	[sflag:s15] =	ssyncadd.s32 $0xFFFFC180;
	s8 =	smov.u32 s22;
	s22 =	sadd.s32 $0x200, s22  }
0x11f: {  	[spmem:s2] =	stream.indirect.scatter.add.f32 [tilespmem:s0], [sflag:$0x3], $0x80, s9, s31, $0xb8;
	[tilespmem:$0x1D400] =	vst v63  }
0x120: {  	_ =	swait.ge [sflag:s16], $0x3E80  }
0x121: {  	[sflag:s16] =	ssyncset.done $0x0  }
0x122: {  	[sflag:s16] =	ssyncadd.s32 $0xFFFFC180  }
0x123: {  	_ =	swait.ge [sflag:s30], $0x80  }
0x124: {  	s10 =	sadd.s32 $0xFFFFFD80, s8;
	[sflag:s30] =	ssyncset.done $0x0  }
0x125: {  	s21 =	sand.u32 $0x3C00, s10;
	[sflag:s30] =	ssyncadd.s32 $0xFFFFFF80  }
0x126: {  	s10 =	sand.u32 $0x200, s10;
	s28 =	sadd.s32 s6, s21;
	_ =	swait.ge [sflag:s30], $0x80  }
0x127: {  	s29 =	sor.u32 $0x100, s10;
	s21 =	sadd.s32 s7, s21;
	[sflag:s30] =	ssyncset.done $0x0  }
0x128: {  	s10 =	sor.u32 $0x180, s10;
	s23 =	sor.u32 s29, s28;
	[sflag:s30] =	ssyncadd.s32 $0xFFFFFF80  }
0x129: {  	[tilespmem:s0], [sflag:$0x1] =	stream.indirect.gather [hbm4b:s5+s31], $0x80, s24, s31, $0xb8;
	[tilespmem:$0x1D400] =	vst v63  }
0x12a: {  	s29 =	sor.u32 s29, s21;
	s28 =	sor.u32 s10, s28;
	s23 =	sshrl.u32 s23, $0x3  }
0x12b: {  	s10 =	sor.u32 s10, s21;
	s29 =	sshrl.u32 s29, $0x3;
	s23 =	sadd.s32 s1, s23  }
0x12c: {  	[tilespmem:s3], [sflag:$0x7] =	stream.linear.gather [hbm4b:s23+s4], $0x80, $0x38;
	[tilespmem:$0x1D400] =	vst v63  }
0x12d: {  	s28 =	sshrl.u32 s28, $0x3;
	s23 =	sadd.s32 s1, s29;
	s29 =	simm.s32 $0x14080  }
0x12e: {  	[tilespmem:s9], [sflag:$0x7] =	stream.linear.gather [hbm4b:s23+s4], $0x80, $0x38;
	[tilespmem:$0x1D400] =	vst v63  }
0x12f: {  	s10 =	sshrl.u32 s10, $0x3;
	_ =	swait.ge [sflag:s18], $0x3E80  }
0x130: {  	[sflag:s18] =	ssyncset.done $0x0  }
0x131: {  	[sflag:s18] =	ssyncadd.s32 $0xFFFFC180  }
0x132: {  	[spmem:s2] =	stream.indirect.scatter.add.f32 [tilespmem:s12], [sflag:$0x4], $0x80, s14, s31, $0xb8;
	[tilespmem:$0x1D400] =	vst v63  }
0x133: {  	_ =	swait.ge [sflag:s19], $0x3E80  }
0x134: {  	[sflag:s19] =	ssyncset.done $0x0  }
0x135: {  	[sflag:s19] =	ssyncadd.s32 $0xFFFFC180  }
0x136: {  	_ =	swait.ge [sflag:s11], $0x80  }
0x137: {  	[sflag:s11] =	ssyncset.done $0x0  }
0x138: {  	[sflag:s11] =	ssyncadd.s32 $0xFFFFFF80  }
0x139: {  	_ =	swait.ge [sflag:s11], $0x80  }
0x13a: {  	[sflag:s11] =	ssyncset.done $0x0  }
0x13b: {  	s21 =	sadd.s32 s1, s28;
	[sflag:s11] =	ssyncadd.s32 $0xFFFFFF80  }
0x13c: {  	[tilespmem:s12], [sflag:$0x2] =	stream.indirect.gather [hbm4b:s5+s31], $0x80, s25, s31, $0xb8;
	[tilespmem:$0x1D400] =	vst v63  }
0x13d: {  	s10 =	sadd.s32 s1, s10  }
0x13e: {  	[tilespmem:s13], [sflag:$0x8] =	stream.linear.gather [hbm4b:s21+s4], $0x80, $0x38;
	[tilespmem:$0x1D400] =	vst v63  }
0x13f: {  	_ = 	snop  }
0x140: {  	[tilespmem:s14], [sflag:$0x8] =	stream.linear.gather [hbm4b:s10+s4], $0x80, $0x38;
	[tilespmem:$0x1D400] =	vst v63  }
0x141: {  	_ =	swait.ge [sflag:s15], $0x3E80  }
0x142: {  	[sflag:s15] =	ssyncset.done $0x0  }
0x143: {  	[sflag:s15] =	ssyncadd.s32 $0xFFFFC180  }
0x144: {  	[spmem:s2] =	stream.indirect.scatter.add.f32 [tilespmem:s0], [sflag:$0x3], $0x80, s29, s31, $0xb8;
	[tilespmem:$0x1D400] =	vst v63  }
0x145: {  	_ =	swait.ge [sflag:s16], $0x3E80  }
0x146: {  	[sflag:s16] =	ssyncset.done $0x0  }
0x147: {  	[sflag:s16] =	ssyncadd.s32 $0xFFFFC180  }
0x148: {  	_ =	swait.ge [sflag:s17], $0x80  }
0x149: {  	s10 =	sadd.s32 $0xFFFFFF80, s8;
	[sflag:s17] =	ssyncset.done $0x0  }
0x14a: {  	s21 =	sand.u32 $0x7C00, s10;
	[sflag:s17] =	ssyncadd.s32 $0xFFFFFF80  }
0x14b: {  	s10 =	sand.u32 $0x200, s10;
	s23 =	sadd.s32 s6, s21;
	_ =	swait.ge [sflag:s17], $0x80  }
0x14c: {  	s21 =	sadd.s32 s7, s21;
	s23 =	sor.u32 s10, s23;
	[sflag:s17] =	ssyncset.done $0x0  }
0x14d: {  	s10 =	sor.u32 s10, s21;
	s23 =	sshrl.u32 s23, $0x3;
	[sflag:s17] =	ssyncadd.s32 $0xFFFFFF80  }
0x14e: {  	[tilespmem:s0], [sflag:$0x1] =	stream.indirect.gather [hbm4b:s5+s31], $0x80, s3, s31, $0xb8;
	[tilespmem:$0x1D400] =	vst v63  }
0x14f: {  	s10 =	sshrl.u32 s10, $0x3;
	s21 =	sadd.s32 s1, s23  }
0x150: {  	[tilespmem:s24], [sflag:$0x5] =	stream.linear.gather [hbm4b:s21+s4], $0x80, $0x38;
	[tilespmem:$0x1D400] =	vst v63  }
0x151: {  	s10 =	sadd.s32 s1, s10  }
0x152: {  	[tilespmem:s29], [sflag:$0x5] =	stream.linear.gather [hbm4b:s10+s4], $0x80, $0x38;
	[tilespmem:$0x1D400] =	vst v63  }
0x153: {  	_ =	swait.ge [sflag:s18], $0x3E80  }
0x154: {  	[sflag:s18] =	ssyncset.done $0x0  }
0x155: {  	[sflag:s18] =	ssyncadd.s32 $0xFFFFC180  }
0x156: {  	[spmem:s2] =	stream.indirect.scatter.add.f32 [tilespmem:s12], [sflag:$0x4], $0x80, s26, s31, $0xb8;
	[tilespmem:$0x1D400] =	vst v63  }
0x157: {  	_ =	swait.ge [sflag:s19], $0x3E80  }
0x158: {  	[sflag:s19] =	ssyncset.done $0x0  }
0x159: {  	[sflag:s19] =	ssyncadd.s32 $0xFFFFC180  }
0x15a: {  	_ =	swait.ge [sflag:s20], $0x80  }
0x15b: {  	[sflag:s20] =	ssyncset.done $0x0  }
0x15c: {  	s10 =	sand.u32 $0x7C00, s8;
	s8 =	sand.u32 $0x280, s8;
	[sflag:s20] =	ssyncadd.s32 $0xFFFFFF80  }
0x15d: {  	s21 =	sadd.s32 s6, s10;
	s10 =	sadd.s32 s7, s10;
	_ =	swait.ge [sflag:s20], $0x80  }
0x15e: {  	s21 =	sor.u32 s8, s21;
	s8 =	sor.u32 s8, s10;
	[sflag:s20] =	ssyncset.done $0x0  }
0x15f: {  	s10 =	sshrl.u32 s21, $0x3;
	s8 =	sshrl.u32 s8, $0x3;
	[sflag:s20] =	ssyncadd.s32 $0xFFFFFF80  }
0x160: {  	[tilespmem:s12], [sflag:$0x2] =	stream.indirect.gather [hbm4b:s5+s31], $0x80, s13, s31, $0xb8;
	[tilespmem:$0x1D400] =	vst v63  }
0x161: {  	s10 =	sadd.s32 s1, s10;
	s8 =	sadd.s32 s1, s8  }
0x162: {  	[tilespmem:s25], [sflag:$0x6] =	stream.linear.gather [hbm4b:s10+s4], $0x80, $0x38;
	[tilespmem:$0x1D400] =	vst v63  }
.Ltmp1:
0x163: {  	_ = 	snop;
	(pc) =	sbr.rel @p0 .LBB2_4-.Ltmp1, $4  }
0x164: {  	_ = 	snop  }
0x165: {  	[tilespmem:s26], [sflag:$0x6] =	stream.linear.gather [hbm4b:s8+s4], $0x80, $0x38;
	[tilespmem:$0x1D400] =	vst v63  }
0x166: {  	_ =	swait.ge [sflag:s15], $0x3E80  }
0x167: {  	[sflag:s15] =	ssyncset.done $0x0  }
0x168: {  	[sflag:s15] =	ssyncadd.s32 $0xFFFFC180  }
0x169: {  	[spmem:s2] =	stream.indirect.scatter.add.f32 [tilespmem:s0], [sflag:$0x3], $0x80, s9, s31, $0xb8;
	[tilespmem:$0x1D400] =	vst v63  }
0x16a: {  	_ =	swait.ge [sflag:s16], $0x3E80  }
0x16b: {  	[sflag:s16] =	ssyncset.done $0x0  }
0x16c: {  	[sflag:s16] =	ssyncadd.s32 $0xFFFFC180  }
0x16d: {  	_ =	swait.ge [sflag:s30], $0x80  }
0x16e: {  	[sflag:s30] =	ssyncset.done $0x0  }
0x16f: {  	[sflag:s30] =	ssyncadd.s32 $0xFFFFFF80  }
0x170: {  	_ =	swait.ge [sflag:s30], $0x80  }
0x171: {  	[sflag:s30] =	ssyncset.done $0x0  }
0x172: {  	s8 =	sld [smem:$0x7FA];
	[sflag:s30] =	ssyncadd.s32 $0xFFFFFF80  }
0x173: {  	[tilespmem:s0], [sflag:$0x1] =	stream.indirect.gather [hbm4b:s5+s31], $0x80, s24, s31, $0xb8;
	[tilespmem:$0x1D400] =	vst v63  }
0x174: {  	s21 =	sld [smem:$0x7FB]  }
0x175: {  	[tilespmem:s3], [sflag:$0x7] =	stream.linear.gather [hbm4b:s8+s4], $0x80, $0x38;
	[tilespmem:$0x1D400] =	vst v63  }
0x176: {  	_ = 	snop  }
0x177: {  	[tilespmem:s9], [sflag:$0x7] =	stream.linear.gather [hbm4b:s21+s4], $0x80, $0x38;
	[tilespmem:$0x1D400] =	vst v63  }
0x178: {  	_ =	swait.ge [sflag:s18], $0x3E80  }
0x179: {  	[sflag:s18] =	ssyncset.done $0x0  }
0x17a: {  	[sflag:s18] =	ssyncadd.s32 $0xFFFFC180  }
0x17b: {  	[spmem:s2] =	stream.indirect.scatter.add.f32 [tilespmem:s12], [sflag:$0x4], $0x80, s14, s31, $0xb8;
	[tilespmem:$0x1D400] =	vst v63  }
0x17c: {  	_ =	swait.ge [sflag:s19], $0x3E80  }
0x17d: {  	[sflag:s19] =	ssyncset.done $0x0  }
0x17e: {  	[sflag:s19] =	ssyncadd.s32 $0xFFFFC180  }
0x17f: {  	_ =	swait.ge [sflag:s11], $0x80  }
0x180: {  	[sflag:s11] =	ssyncset.done $0x0  }
0x181: {  	[sflag:s11] =	ssyncadd.s32 $0xFFFFFF80  }
0x182: {  	_ =	swait.ge [sflag:s11], $0x80  }
0x183: {  	[sflag:s11] =	ssyncset.done $0x0  }
0x184: {  	s22 =	sld [smem:$0x7FC];
	[sflag:s11] =	ssyncadd.s32 $0xFFFFFF80  }
0x185: {  	[tilespmem:s12], [sflag:$0x2] =	stream.indirect.gather [hbm4b:s5+s31], $0x80, s25, s31, $0xb8;
	[tilespmem:$0x1D400] =	vst v63  }
0x186: {  	s23 =	sld [smem:$0x7FD]  }
0x187: {  	[tilespmem:s13], [sflag:$0x8] =	stream.linear.gather [hbm4b:s22+s4], $0x80, $0x38;
	[tilespmem:$0x1D400] =	vst v63  }
0x188: {  	_ = 	snop  }
0x189: {  	[tilespmem:s14], [sflag:$0x8] =	stream.linear.gather [hbm4b:s23+s4], $0x80, $0x38;
	[tilespmem:$0x1D400] =	vst v63  }
0x18a: {  	_ =	swait.ge [sflag:s15], $0x3E80  }
0x18b: {  	[sflag:s15] =	ssyncset.done $0x0  }
0x18c: {  	[sflag:s15] =	ssyncadd.s32 $0xFFFFC180  }
0x18d: {  	[spmem:s2] =	stream.indirect.scatter.add.f32 [tilespmem:s0], [sflag:$0x3], $0x80, s29, s31, $0xb8;
	[tilespmem:$0x1D400] =	vst v63  }
0x18e: {  	_ =	swait.ge [sflag:s16], $0x3E80  }
0x18f: {  	[sflag:s16] =	ssyncset.done $0x0  }
0x190: {  	[sflag:s16] =	ssyncadd.s32 $0xFFFFC180  }
0x191: {  	_ =	swait.ge [sflag:s17], $0x80  }
0x192: {  	[sflag:s17] =	ssyncset.done $0x0  }
0x193: {  	[sflag:s17] =	ssyncadd.s32 $0xFFFFFF80  }
0x194: {  	_ =	swait.ge [sflag:s17], $0x80  }
0x195: {  	[sflag:s17] =	ssyncset.done $0x0  }
0x196: {  	[sflag:s17] =	ssyncadd.s32 $0xFFFFFF80  }
0x197: {  	[tilespmem:s0], [sflag:$0x1] =	stream.indirect.gather [hbm4b:s5+s31], $0x80, s3, s31, $0xb8;
	[tilespmem:$0x1D400] =	vst v63  }
0x198: {  	_ =	swait.ge [sflag:s18], $0x3E80  }
0x199: {  	[sflag:s18] =	ssyncset.done $0x0  }
0x19a: {  	[sflag:s18] =	ssyncadd.s32 $0xFFFFC180  }
0x19b: {  	[spmem:s2] =	stream.indirect.scatter.add.f32 [tilespmem:s12], [sflag:$0x4], $0x80, s26, s31, $0xb8;
	[tilespmem:$0x1D400] =	vst v63  }
0x19c: {  	_ =	swait.ge [sflag:s19], $0x3E80  }
0x19d: {  	[sflag:s19] =	ssyncset.done $0x0  }
0x19e: {  	[sflag:s19] =	ssyncadd.s32 $0xFFFFC180  }
0x19f: {  	_ =	swait.ge [sflag:s20], $0x80  }
0x1a0: {  	[sflag:s20] =	ssyncset.done $0x0  }
0x1a1: {  	[sflag:s20] =	ssyncadd.s32 $0xFFFFFF80  }
0x1a2: {  	_ =	swait.ge [sflag:s20], $0x80  }
0x1a3: {  	[sflag:s20] =	ssyncset.done $0x0  }
0x1a4: {  	[sflag:s20] =	ssyncadd.s32 $0xFFFFFF80  }
0x1a5: {  	[tilespmem:s12], [sflag:$0x2] =	stream.indirect.gather [hbm4b:s5+s31], $0x80, s13, s31, $0xb8;
	[tilespmem:$0x1D400] =	vst v63  }
0x1a6: {  	_ =	swait.ge [sflag:s15], $0x3E80  }
0x1a7: {  	[sflag:s15] =	ssyncset.done $0x0  }
0x1a8: {  	[sflag:s15] =	ssyncadd.s32 $0xFFFFC180  }
0x1a9: {  	[spmem:s2] =	stream.indirect.scatter.add.f32 [tilespmem:s0], [sflag:$0x3], $0x80, s9, s31, $0xb8;
	[tilespmem:$0x1D400] =	vst v63  }
0x1aa: {  	_ =	swait.ge [sflag:s18], $0x3E80  }
0x1ab: {  	[sflag:s18] =	ssyncset.done $0x0  }
0x1ac: {  	[sflag:s18] =	ssyncadd.s32 $0xFFFFC180  }
0x1ad: {  	[spmem:s2] =	stream.indirect.scatter.add.f32 [tilespmem:s12], [sflag:$0x4], $0x80, s14, s31, $0xb8;
	[tilespmem:$0x1D400] =	vst v63  }
0x1ae: {  	_ =	swait.ge [sflag:s16], $0x3E80  }
0x1af: {  	[sflag:s16] =	ssyncset.done $0x0  }
0x1b0: {  	[sflag:s16] =	ssyncadd.s32 $0xFFFFC180  }
0x1b1: {  	_ =	swait.ge [sflag:s19], $0x3E80  }
0x1b2: {  	[sflag:s19] =	ssyncset.done $0x0  }
0x1b3: {  	s28 =	stileid.u32;
	[sflag:s19] =	ssyncadd.s32 $0xFFFFC180  }
0x1b4: {  	s8 =	sshll.u32 s28, $0x6;
	[bflag:$0x0] =	sbarrier.arrive $0xFFFF  }
0x1b5: {  	s8 =	sor.u32 $0x1C09, s8;
	s21 =	rddreg [dreg:$0x6]  }
0x1b6: {  	s23 =	simm.s32 $0x9;
	s22 =	rddreg [dreg:$0x14];
	s10 =	sshrl.u32 s21, $0x3  }
0x1b7: {  	[hbm:s22], [sflag:s8] =	dma.local [spmem:s10], $0x2800  }
0x1b8: {  	_ =	swait.ge [sflag:s23], $0x2800  }
0x1b9: {  	s10 =	sld [smem:$0x7F3];
	_ =	sdelay $0x2  }
0x1ba: {  	s28 =	rddreg [dreg:$0x15];
	s22 =	sadd.s32 $0x1, s10  }
0x1bb: {  	p0 =	sne.s32 s22, s28  }
.Ltmp2:
0x1bc: {  	_ = 	snop;
	(pc) =	sbr.rel @p0 .LBB2_1-.Ltmp2, $3  }
0x1bd: {  	_ =	sdelay $0x1  }
0x1be: {  	[sflag:s23] =	ssyncset.done $0x0  }
0x1bf: {  	[sflag:s23] =	ssyncadd.s32 $0xFFFFD800;
	s10 =	simm.s32 $0x14000  }
0x1c0: {  	_ =	sfence.sel $0x180000  }
0x1c1: {  	[bflag:$0x0] =	sbarrier.arrive $0xFFFF  }
0x1c2: {  	_ =	strace $0x9000004A  }
0x1c3: {  	s0 =	stileid.u32;
	[bflag:$0x2] =	sbarrier.arrive $0xFFFF  }
0x1c4: {  	p0 =	sne.s32 s0, $0x0;
	s0 =	rddreg [dreg:$0x3]  }
0x1c5: {  	s0 =	sadd.s32 @!p0 $0x100000, s0  }
0x1c6: {  	[sflag:s0] =	ssyncadd.tile.s32 @!p0 $0x1;
	_ =	shalt  }
.Lfunc_end2:
_tile_overlayer_lowered:
.L_overlay_start_2:
0x1c7: {  	(tag) =	ssettag $0x2  }
0x1c8: {  	s0 =	rddreg [dreg:$0x0];
	s2 =	stileid.u32  }
0x1c9: {  	s1 =	rddreg [dreg:$0x1];
	p0 =	sne.s32 s2, $0x0  }
0x1ca: {  	s3 =	rddreg [dreg:$0x2];
	[bflag:$0x3] =	sbarrier.arrive $0xFFFF;
	s2 =	simm.s32 @!p0 $0x1C09  }
0x1cb: {  	[timem:s3], [sflag:s2] =	dma.local @!p0 [hbm:s0], s1  }
0x1cc: {  	s0 =	simm.s32 @!p0 $0x9  }
0x1cd: {  	_ =	swait.ge @!p0 [sflag:s0], s1  }
0x1ce: {  	s1 =	ssub.s32 @!p0 $0x0, s1;
	[sflag:s0] =	ssyncset.done @!p0 $0x0  }
0x1cf: {  	[sflag:s0] =	ssyncadd.s32 @!p0 s1  }
0x1d0: {  	[bflag:$0x3] =	sbarrier.arrive $0xFFFF  }
0x1d1: {  	_ =	shalt  }

// kernel: kernel.14.cloned.1.call-start
scs
__scs_entry_jumppad:
0x0: {  	(pc) =	sbr.rel $0x88, $3  }
0x1: {  	(tag) =	ssettag $0x0;
	lr =	simm.s32 $0x1  }
0x2: {  	[smem:$0x3F9B] =	sst lr;
	_ =	strace $0xD0000000  }
0x3: {  	_ = 	snop  }
0x4: {  	_ = 	snop  }
0x5: {  	_ = 	snop  }
0x6: {  	_ = 	snop  }
0x7: {  	_ = 	snop  }
__scs_overlays_trampoline_lowered:
0x8: {  	[smem:$0x3FAA] =	sst s0  }
0x9: {  	[smem:$0x3FAB] =	sst s1  }
0xa: {  	[smem:$0x3FAC] =	sst s2  }
0xb: {  	[smem:$0x3FAD] =	sst s3  }
0xc: {  	[smem:$0x3FAE] =	sst s4  }
0xd: {  	[smem:$0x3FAF] =	sst s5  }
0xe: {  	[smem:$0x3FB0] =	sst s6  }
0xf: {  	[smem:$0x3FB1] =	sst s7  }
0x10: {  	[smem:$0x3FB2] =	sst s8  }
0x11: {  	[smem:$0x3FB3] =	sst s9;
	s0 =	simm.s32 @!p0 $0x0  }
0x12: {  	s1 =	sld [smem:$0x3F99];
	s0 =	simm.s32 @p0 $0x1  }
0x13: {  	[smem:$0x3FB4] =	sst s0;
	s0 =	simm.s32 @!p1 $0x0  }
0x14: {  	s2 =	sld [smem:$0x3F98];
	s0 =	simm.s32 @p1 $0x1  }
0x15: {  	[smem:$0x3FB5] =	sst s0;
	s0 =	simm.s32 @!p2 $0x0  }
0x16: {  	s3 =	sld [smem:$0x3FDB];
	s0 =	simm.s32 @p2 $0x1  }
0x17: {  	s4 =	simm.s32 $0x1BF5;
	[smem:$0x3FB7] =	sst s0  }
0x18: {  	s0 =	sld [smem:$0x3F9A];
	_ =	swait.ge [sflag:s4], $0x0  }
0x19: {  	s7 =	sld [smem:$0x3F9B]  }
0x1a: {  	s8 =	sadd.s32 $0xFFFFE003, lr  }
0x1b: {  	s9 =	sadd.s32 $0xFFFFFEF7, lr;
	s5 =	simm.s32 $0xFFFFFFFF;
	p2 =	slt.u32 s8, $0xFFFFF086  }
0x1c: {  	p1 =	slt.u32 s9, $0xF7A;
	s5 =	simm.s32 @!p2 $0x0  }
0x1d: {  	s5 =	simm.s32 @p1 $0x1;
	p0 =	seq.s32 s7, s2  }
0x1e: {  	s7 =	smul.u32 @!p0 $0xF7A, s2;
	p2 =	seq.s32 @!p0 s5, $0x0  }
0x1f: {  	s9 =	smul.u32 $0xF7A, s1;
	s8 =	simm.s32 @!p0 $0x1BF5;
	p2 =	por !p2, p0  }
0x20: {  	[sflag:s8] =	ssyncset.s32 @!p0 $0xFFFFF086;
	s6 =	sadd.s32 @!p0 s3, s7;
	s7 =	simm.s32 @!p0 $0x108  }
0x21: {  	s3 =	sadd.s32 s3, s9;
	s6 =	sadd.s32 @!p0 $0x88, s6;
	s7 =	simm.s32 @p2 $0x1082  }
0x22: {  	[simem:s7], [sflag:s8] =	dma.local @!p0 [hbm:s6], $0xF7A  }
0x23: {  	s9 =	sor.u32 $0xD0000000, s2;
	s6 =	simm.s32 $0x108;
	_ =	swait.ge @!p0 [sflag:s8], $0x0  }
0x24: {  	s3 =	sadd.s32 $0x88, s3;
	s6 =	simm.s32 @!p1 $0x1082;
	[sflag:s4] =	ssyncset.s32 $0xFFFFF086  }
0x25: {  	[simem:s6], [sflag:s4] =	dma.local [hbm:s3], $0xF7A  }
0x26: {  	[smem:$0x3F9B] =	sst s1;
	(tag) =	ssettag s2;
	_ =	strace s9  }
0x27: {  	s1 =	sld [smem:$0x3FAB]  }
0x28: {  	s2 =	sld [smem:$0x3FAC]  }
0x29: {  	s4 =	sld [smem:$0x3FAE]  }
0x2a: {  	p0 =	seq.s32 s5, $0x0;
	s5 =	sld [smem:$0x3FAF]  }
0x2b: {  	s6 =	sld [smem:$0x3FB0]  }
0x2c: {  	s7 =	sld [smem:$0x3FB1]  }
0x2d: {  	s3 =	simm.s32 $0x108;
	s8 =	sld [smem:$0x3FB2]  }
0x2e: {  	s3 =	simm.s32 @!p0 $0x1082;
	s9 =	sld [smem:$0x3FB3]  }
0x2f: {  	lr =	sadd.s32 s0, s3;
	s0 =	sld [smem:$0x3FAA]  }
0x30: {  	s3 =	sld [smem:$0x3FAD]  }
0x31: {  	[smem:$0x3FB6] =	sst s10  }
0x32: {  	s10 =	sld [smem:$0x3FB4];
	_ =	sdelay $0x3  }
0x33: {  	p0 =	seq.s32 s10, $0x1;
	s10 =	sld [smem:$0x3FB6];
	_ =	sdelay $0x3  }
0x34: {  	[smem:$0x3FB6] =	sst s10  }
0x35: {  	s10 =	sld [smem:$0x3FB5];
	_ =	sdelay $0x3  }
0x36: {  	p1 =	seq.s32 s10, $0x1;
	s10 =	sld [smem:$0x3FB6];
	_ =	sdelay $0x3  }
0x37: {  	[smem:$0x3FB6] =	sst s10  }
0x38: {  	s10 =	sld [smem:$0x3FB7]  }
0x39: {  	_ = 	snop;
	(pc) =	sbr.ind lr, $3  }
0x3a: {  	_ = 	snop  }
0x3b: {  	_ = 	snop  }
0x3c: {  	p2 =	seq.s32 s10, $0x1;
	s10 =	sld [smem:$0x3FB6]  }
0x3d: {  	_ =	shalt  }
0x3e: {  	_ =	shalt  }
0x3f: {  	_ =	shalt  }
0x40: {  	_ =	shalt  }
0x41: {  	_ =	shalt  }
0x42: {  	_ =	shalt  }
0x43: {  	_ =	shalt  }
0x44: {  	_ =	shalt  }
0x45: {  	_ =	shalt  }
0x46: {  	_ =	shalt  }
0x47: {  	_ =	shalt  }
0x48: {  	_ =	shalt  }
0x49: {  	_ =	shalt  }
0x4a: {  	_ =	shalt  }
0x4b: {  	_ =	shalt  }
0x4c: {  	_ =	shalt  }
0x4d: {  	_ =	shalt  }
0x4e: {  	_ =	shalt  }
0x4f: {  	_ =	shalt  }
0x50: {  	_ =	shalt  }
0x51: {  	_ =	shalt  }
0x52: {  	_ =	shalt  }
0x53: {  	_ =	shalt  }
0x54: {  	_ =	shalt  }
0x55: {  	_ =	shalt  }
0x56: {  	_ =	shalt  }
0x57: {  	_ =	shalt  }
0x58: {  	_ =	shalt  }
0x59: {  	_ =	shalt  }
0x5a: {  	_ =	shalt  }
0x5b: {  	_ =	shalt  }
0x5c: {  	_ =	shalt  }
0x5d: {  	_ =	shalt  }
0x5e: {  	_ =	shalt  }
0x5f: {  	_ =	shalt  }
0x60: {  	_ =	shalt  }
0x61: {  	_ =	shalt  }
0x62: {  	_ =	shalt  }
0x63: {  	_ =	shalt  }
0x64: {  	_ =	shalt  }
0x65: {  	_ =	shalt  }
0x66: {  	_ =	shalt  }
0x67: {  	_ =	shalt  }
0x68: {  	_ =	shalt  }
0x69: {  	_ =	shalt  }
0x6a: {  	_ =	shalt  }
0x6b: {  	_ =	shalt  }
0x6c: {  	_ =	shalt  }
0x6d: {  	_ =	shalt  }
0x6e: {  	_ =	shalt  }
0x6f: {  	_ =	shalt  }
0x70: {  	_ =	shalt  }
0x71: {  	_ =	shalt  }
0x72: {  	_ =	shalt  }
0x73: {  	_ =	shalt  }
0x74: {  	_ =	shalt  }
0x75: {  	_ =	shalt  }
0x76: {  	_ =	shalt  }
0x77: {  	_ =	shalt  }
0x78: {  	_ =	shalt  }
0x79: {  	_ =	shalt  }
0x7a: {  	_ =	shalt  }
0x7b: {  	_ =	shalt  }
0x7c: {  	_ =	shalt  }
0x7d: {  	_ =	shalt  }
0x7e: {  	_ =	shalt  }
0x7f: {  	_ =	shalt  }
0x80: {  	_ =	shalt  }
0x81: {  	_ =	shalt  }
0x82: {  	_ =	shalt  }
0x83: {  	_ =	shalt  }
0x84: {  	_ =	shalt  }
0x85: {  	_ =	shalt  }
0x86: {  	_ =	shalt  }
0x87: {  	_ =	shalt  }
.Lfunc_end0:
.L_simem_size_0:
called_computation.2_lowered:
.L_overlay_start_0:
0x88: {  	s2 =	sld [smem:$0x3FD9]  }
0x89: {  	s3 =	sld [smem:$0x3FFE];
	_ =	sdelay $0x1  }
0x8a: {  	s1 =	srdreg.scid  }
0x8b: {  	s0 =	sand.u32 $0x1, s1  }
0x8c: {  	s17 =	sshll.u32 s0, $0xA;
	s2 =	sadd.s32 s3, s2  }
0x8d: {  	s2 =	sadd.s32 s2, s17  }
0x8e: {  	[smem:$0x3FC2] =	sst s2  }
0x8f: {  	_ = 	snop  }
0x90: {  	s2 =	sld [smem:$0x3FD0];
	(tm) =	ssettm $0x1  }
0x91: {  	s18 =	sld [smem:$0x3FFB];
	_ =	sdelay $0x3  }
0x92: {  	_ =	strace s18  }
0x93: {  	s3 =	sld [smem:$0x3FFC];
	_ =	sdelay $0x3  }
0x94: {  	_ =	strace s3  }
0x95: {  	s3 =	sld [smem:$0x3FFD];
	_ =	sdelay $0x3  }
0x96: {  	_ =	strace s3  }
0x97: {  	_ =	strace $0x8FFFFFFF  }
0x98: {  	s19 =	sld [smem:$0x3FDB];
	_ =	sdelay $0x1  }
0x99: {  	s4 =	simm.s32 $_scs_section_size  }
0x9a: {  	s5 =	simm.s32 $_size__tile_overlayer_lowered;
	s6 =	simm.s32 $_tile_overlayer_lowered  }
0x9b: {  	s22 =	simm.s32 $0x1BFF;
	s21 =	sshll.u32 s6, $0x1;
	s3 =	sadd.s32 s4, s19  }
0x9c: {  	s7 =	simm.s32 $0x0;
	s20 =	sshll.u32 s5, $0x1;
	s5 =	sadd.s32 s21, s3  }
0x9d: {  	[timem:s7], [sflag:s22] =	dma.local [hbm:s5], s20  }
0x9e: {  	_ =	swait.ge [sflag:s22], s20  }
0x9f: {  	s4 =	ssub.s32 $0x0, s20;
	[sflag:s22] =	ssyncset.done $0x0  }
0xa0: {  	[sflag:s22] =	ssyncadd.s32 s4;
	_ =	sdelay $0x1  }
0xa1: {  	s23 =	simm.s32 $0x1B8B  }
0xa2: {  	_ =	swait.ge [sflag:s23], $0x1  }
0xa3: {  	[sflag:s23] =	ssyncset.done $0x0  }
0xa4: {  	s25 =	simm.s32 $0x1B8E;
	s24 =	sld [smem:$0x3FFE];
	[sflag:s23] =	ssyncadd.s32 $0xFFFFFFFF  }
0xa5: {  	s26 =	simm.s32 $execute0_lowered;
	[smem:$0x3FD2] =	sst s25  }
0xa6: {  	s5 =	sshll.u32 s26, $0x1;
	_ =	strace $0x8000004C;
	[dreg:$0x1] =	wrdreg $0xFFFFFFFF  }
0xa7: {  	s28 =	simm.s32 $_size_execute0_lowered;
	s3 =	sadd.s32 s3, s5;
	[dreg:$0x0] =	wrdreg $0x0  }
0xa8: {  	s5 =	sshll.u32 s28, $0x1;
	[dreg:$0x2] =	wrdreg s3  }
0xa9: {  	[dreg:$0x3] =	wrdreg s5  }
0xaa: {  	[dreg:$0x4] =	wrdreg $0xC0  }
0xab: {  	_ =	task [dreg:s7], $0x5FFFF  }
0xac: {  	[dreg:$0x1] =	wrdreg $0xFFFFFFFF  }
0xad: {  	[dreg:$0x0] =	wrdreg $0x60  }
0xae: {  	[dreg:$0x2] =	wrdreg s24  }
0xaf: {  	[dreg:$0x3] =	wrdreg s2  }
0xb0: {  	[dreg:$0x4] =	wrdreg $0x0  }
0xb1: {  	[dreg:$0x5] =	wrdreg $0x9  }
0xb2: {  	_ =	task.clear_ibuf [dreg:s7], $0x6FFFF;
	_ =	strace $0x9000004C  }
0xb3: {  	s29 =	simm.s32 $0x9;
	_ =	strace $0x8000004E  }
0xb4: {  	_ =	swait.ge [sflag:s29], $0x1  }
0xb5: {  	[sflag:s29] =	ssyncadd.s32 $0xFFFFFFFF  }
0xb6: {  	_ =	strace $0x9000004E  }
0xb7: {  	_ =	sfence  }
0xb8: {  	s30 =	sld [smem:$0x0];
	_ =	sdelay $0x2  }
0xb9: {  	s31 =	sshll.u32 s1, $0xD;
	s1 =	sshrl.u32 s1, $0x2  }
0xba: {  	s3 =	sand.u32 $0x4000, s31;
	s1 =	sadd.s32 s1, s30  }
0xbb: {  	s0 =	sor.u32 s3, s0;
	s1 =	sshll.u32 s1, $0x11  }
0xbc: {  	s0 =	sor.u32 s1, s0  }
0xbd: {  	s0 =	sadd.s32 $0x8F2B, s0  }
0xbe: {  	[sflag:s0] =	ssyncadd.remote.s32 $0x1  }
0xbf: {  	_ =	sfence.sel $0xFFFF  }
0xc0: {  	[dreg:$0x0] =	wrdreg $0xFFFFFFFF;
	(pc) =	sbr.abs _section_cstart, $3  }
0xc1: {  	[dreg:$0x1] =	wrdreg $0xFFFFFFFF  }
0xc2: {  	_ =	task.clear_ibuf [dreg:s7], $0x2FFFF;
	_ =	strace $0x9FFFFFFF  }
0xc3: {  	(tm) =	ssettm $0x7FFFFFFF  }
tec
execute0_lowered:
.L_overlay_start_1:
0x0: {  	(tag) =	ssettag $0x1  }
0x1: {  	s9 =	stileid.u32  }
0x2: {  	s7 =	smul.u32 $0x2800, s9  }
0x3: {  	s0 =	rddreg [dreg:$0x0];
	s5 =	sshll.u32 s9, $0x1;
	s9 =	smul.u32 $0x50000, s9  }
0x4: {  	s1 =	rddreg [dreg:$0x1]  }
0x5: {  	s2 =	rddreg [dreg:$0x2];
	s4 =	simm.s32 $0x0;
	s9 =	sshrl.u32 s9, $0x2  }
0x6: {  	[smem:$0x7FF] =	sst s4;
	s21 =	sadd.s32 s9, s2  }
0x7: {  	_ =	strace $0x8000004D;
	s14 =	sadd.s32 $0x1000, s21;
	[dreg:$0x6] =	wrdreg s21  }
0x8: {  	s15 =	sadd.s32 $0x2000, s21;
	[dreg:$0x9] =	wrdreg s14  }
0x9: {  	s16 =	sadd.s32 $0x3000, s21;
	[dreg:$0xa] =	wrdreg s15  }
0xa: {  	s17 =	sadd.s32 $0x4000, s21;
	[dreg:$0xb] =	wrdreg s16  }
0xb: {  	s3 =	srdreg.scid;
	s18 =	sadd.s32 $0x5000, s21;
	[dreg:$0xc] =	wrdreg s17  }
0xc: {  	s3 =	sand.u32 $0x1, s3;
	s19 =	sadd.s32 $0x6000, s21;
	[dreg:$0xd] =	wrdreg s18  }
0xd: {  	s8 =	smul.u32 $0x28000, s3;
	s20 =	sadd.s32 $0x7000, s21;
	[dreg:$0xe] =	wrdreg s19  }
0xe: {  	s6 =	sor.u32 s3, s5;
	s22 =	sadd.s32 $0x8000, s21;
	[dreg:$0xf] =	wrdreg s20  }
0xf: {  	s3 =	ssub.s32 $0x2, s3;
	s23 =	sadd.s32 $0x9000, s21;
	[dreg:$0x10] =	wrdreg s22  }
0x10: {  	s10 =	sshrl.u32 s3, $0x1;
	s24 =	sadd.s32 $0xA000, s21;
	[dreg:$0x11] =	wrdreg s23  }
0x11: {  	s3 =	ssub.s32 s3, s10;
	s25 =	sadd.s32 $0xB000, s21;
	[dreg:$0x12] =	wrdreg s24  }
0x12: {  	s5 =	sadd.s32 $0x52A00, s0;
	s26 =	smax.u32 s3, $0x1;
	[dreg:$0x13] =	wrdreg s25  }
0x13: {  	s6 =	smul.u32 $0x2800, s6;
	s28 =	sadd.s32 $0xC000, s21;
	[dreg:$0x15] =	wrdreg s26  }
0x14: {  	s7 =	sadd.s32 s7, s8;
	s3 =	sadd.s32 $0xD000, s21;
	[dreg:$0x16] =	wrdreg s28  }
0x15: {  	s0 =	sadd.s32 s7, s0;
	s9 =	sadd.s32 $0xE000, s21;
	[dreg:$0x17] =	wrdreg s3  }
0x16: {  	s11 =	sshrl.u32 s6, $0x3;
	s0 =	sadd.s32 $0x7AA00, s0;
	[dreg:$0x18] =	wrdreg s9  }
0x17: {  	s8 =	sadd.s32 s1, s11;
	s11 =	sadd.s32 $0x10000, s21;
	[dreg:$0x14] =	wrdreg s0  }
0x18: {  	s7 =	sadd.s32 $0x50000, s6;
	s14 =	sadd.s32 $0x13000, s21;
	[dreg:$0x1a] =	wrdreg s11  }
0x19: {  	s10 =	sshrl.u32 s7, $0x3;
	[dreg:$0x1d] =	wrdreg s14  }
0x1a: {  	s10 =	sadd.s32 s1, s10;
	[dreg:$0x4] =	wrdreg s8  }
0x1b: {  	s12 =	sadd.s32 $0x10, s8;
	[dreg:$0x5] =	wrdreg s10  }
0x1c: {  	s13 =	sadd.s32 $0xA010, s8;
	[dreg:$0x7] =	wrdreg s12  }
0x1d: {  	s15 =	sadd.s32 $0x20, s8;
	[dreg:$0x8] =	wrdreg s13  }
0x1e: {  	s29 =	simm.s32 $0x14080;
	s16 =	sadd.s32 $0xA020, s8;
	[dreg:$0x1e] =	wrdreg s15  }
0x1f: {  	s30 =	simm.s32 $0x5;
	s17 =	sadd.s32 $0x30, s8;
	[dreg:$0x1f] =	wrdreg s16  }
0x20: {  	s31 =	simm.s32 $0x7D;
	s18 =	sadd.s32 $0xA030, s8;
	[smem:$0x7F4] =	sst s17  }
0x21: {  	s3 =	simm.s32 $0x14200;
	s19 =	sadd.s32 $0x40, s8;
	[smem:$0x7F5] =	sst s18  }
0x22: {  	s9 =	simm.s32 $0x14280;
	s20 =	sadd.s32 $0xA040, s8;
	[smem:$0x7F6] =	sst s19  }
0x23: {  	s22 =	sadd.s32 $0x50, s8;
	s23 =	sadd.s32 $0xA050, s8;
	[smem:$0x7F7] =	sst s20  }
0x24: {  	s24 =	sadd.s32 $0x4E0, s8;
	s25 =	sadd.s32 $0xA4E0, s8;
	[smem:$0x7F8] =	sst s22  }
0x25: {  	s26 =	sadd.s32 $0x4F0, s8;
	s28 =	sadd.s32 $0xA4F0, s8;
	[smem:$0x7F9] =	sst s23  }
0x26: {  	s0 =	simm.s32 $0x14400;
	s11 =	simm.s32 $0x6;
	[smem:$0x7FA] =	sst s24  }
0x27: {  	s14 =	simm.s32 $0x14380;
	s10 =	sadd.s32 $0xF000, s21;
	[smem:$0x7FB] =	sst s25  }
0x28: {  	s12 =	sadd.s32 $0x11000, s21;
	s13 =	sadd.s32 $0x12000, s21;
	[smem:$0x7FC] =	sst s26  }
0x29: {  	[smem:$0x7FD] =	sst s28;
	s25 =	simm.s32 $0x14100;
	s26 =	simm.s32 $0x14180  }
0x2a: {  	s23 =	simm.s32 $0x9;
	s15 =	simm.s32 $0x1;
	s16 =	simm.s32 $0x3  }
0x2b: {  	s17 =	simm.s32 $0x7;
	s18 =	simm.s32 $0x2;
	[dreg:$0x19] =	wrdreg s10  }
0x2c: {  	s19 =	simm.s32 $0x4;
	s20 =	simm.s32 $0x8;
	[dreg:$0x1b] =	wrdreg s12  }
0x2d: {  	s22 =	simm.s32 $0x0;
	s24 =	simm.s32 $0x14000;
	[dreg:$0x1c] =	wrdreg s13  }
0x2e: {  	v0 =	vimm.f32 $0.0e+00;
	s10 =	simm.s32 $0x14000;
	s12 =	simm.s32 $0x18400;
	s13 =	simm.s32 $0x14300  }
.LBB2_1:
0x2f: {  	[smem:$0x7F3] =	sst s22  }
0x30: {  	s8 =	rddreg [dreg:$0x4]  }
0x31: {  	[tilespmem:s10], [sflag:$0x5] =	stream.linear.gather [hbm4b:s8+s4], $0x80, $0x38;
	[tilespmem:$0x1D400] =	vst v63  }
0x32: {  	s28 =	rddreg [dreg:$0x5]  }
0x33: {  	[tilespmem:s29], [sflag:$0x5] =	stream.linear.gather [hbm4b:s28+s4], $0x80, $0x38;
	[tilespmem:$0x1D400] =	vst v63  }
0x34: {  	s22 =	rddreg [dreg:$0x7]  }
0x35: {  	[tilespmem:s25], [sflag:$0x6] =	stream.linear.gather [hbm4b:s22+s4], $0x80, $0x38;
	[tilespmem:$0x1D400] =	vst v63  }
0x36: {  	s8 =	simm.s32 $0x0;
	s28 =	rddreg [dreg:$0x8];
	s22 =	simm.s32 $0x200  }
0x37: {  	[tilespmem:s26], [sflag:$0x6] =	stream.linear.gather [hbm4b:s28+s4], $0x80, $0x38;
	[tilespmem:$0x1D400] =	vst v63  }
.LBB2_2:
0x38: {  	p0 =	sne.s32 s22, $0x3E00;
	[tilespmem:s8+$0x1C470] =	vst v0  }
0x39: {  	[tilespmem:s8+$0x1C400] =	vst v0  }
0x3a: {  	[tilespmem:s8+$0x1C410] =	vst v0  }
.Ltmp0:
0x3b: {  	[tilespmem:s8+$0x1C420] =	vst v0;
	(pc) =	sbr.rel @p0 .LBB2_2-.Ltmp0, $4  }
0x3c: {  	[tilespmem:s8+$0x1C430] =	vst v0  }
0x3d: {  	[tilespmem:s8+$0x1C440] =	vst v0  }
0x3e: {  	[tilespmem:s8+$0x1C450] =	vst v0  }
0x3f: {  	[tilespmem:s8+$0x1C460] =	vst v0;
	s8 =	sshra.s32 s22, $0x2;
	s22 =	sadd.s32 $0x200, s22  }
0x40: {  	[tilespmem:s8+$0x1C470] =	vst v0  }
0x41: {  	[tilespmem:s8+$0x1C400] =	vst v0  }
0x42: {  	[tilespmem:s8+$0x1C410] =	vst v0  }
0x43: {  	[tilespmem:s8+$0x1C420] =	vst v0  }
0x44: {  	[tilespmem:s8+$0x1C430] =	vst v0  }
0x45: {  	[tilespmem:s8+$0x1C440] =	vst v0  }
0x46: {  	[tilespmem:s8+$0x1C450] =	vst v0  }
0x47: {  	[tilespmem:s8+$0x1C460] =	vst v0;
	s22 =	simm.s32 $0x1C400  }
0x48: {  	[spmem:s21] =	stream.linear.scatter [tilespmem:s22], [sflag:$0x9], $0x1000, $0x38;
	[tilespmem:$0x1D400] =	vst v63  }
0x49: {  	_ =	swait.ge [sflag:s23], $0x1000  }
0x4a: {  	[sflag:s23] =	ssyncset.done $0x0  }
0x4b: {  	s28 =	rddreg [dreg:$0x9];
	[sflag:s23] =	ssyncadd.s32 $0xFFFFF000  }
0x4c: {  	[spmem:s28] =	stream.linear.scatter [tilespmem:s22], [sflag:$0x9], $0x1000, $0x38;
	[tilespmem:$0x1D400] =	vst v63  }
0x4d: {  	_ =	swait.ge [sflag:s23], $0x1000  }
0x4e: {  	[sflag:s23] =	ssyncset.done $0x0  }
0x4f: {  	s21 =	rddreg [dreg:$0xa];
	[sflag:s23] =	ssyncadd.s32 $0xFFFFF000  }
0x50: {  	[spmem:s21] =	stream.linear.scatter [tilespmem:s22], [sflag:$0x9], $0x1000, $0x38;
	[tilespmem:$0x1D400] =	vst v63  }
0x51: {  	_ =	swait.ge [sflag:s23], $0x1000  }
0x52: {  	[sflag:s23] =	ssyncset.done $0x0  }
0x53: {  	s28 =	rddreg [dreg:$0xb];
	[sflag:s23] =	ssyncadd.s32 $0xFFFFF000  }
0x54: {  	[spmem:s28] =	stream.linear.scatter [tilespmem:s22], [sflag:$0x9], $0x1000, $0x38;
	[tilespmem:$0x1D400] =	vst v63  }
0x55: {  	_ =	swait.ge [sflag:s23], $0x1000  }
0x56: {  	[sflag:s23] =	ssyncset.done $0x0  }
0x57: {  	s21 =	rddreg [dreg:$0xc];
	[sflag:s23] =	ssyncadd.s32 $0xFFFFF000  }
0x58: {  	[spmem:s21] =	stream.linear.scatter [tilespmem:s22], [sflag:$0x9], $0x1000, $0x38;
	[tilespmem:$0x1D400] =	vst v63  }
0x59: {  	_ =	swait.ge [sflag:s23], $0x1000  }
0x5a: {  	[sflag:s23] =	ssyncset.done $0x0  }
0x5b: {  	s28 =	rddreg [dreg:$0xd];
	[sflag:s23] =	ssyncadd.s32 $0xFFFFF000  }
0x5c: {  	[spmem:s28] =	stream.linear.scatter [tilespmem:s22], [sflag:$0x9], $0x1000, $0x38;
	[tilespmem:$0x1D400] =	vst v63  }
0x5d: {  	_ =	swait.ge [sflag:s23], $0x1000  }
0x5e: {  	[sflag:s23] =	ssyncset.done $0x0  }
0x5f: {  	s21 =	rddreg [dreg:$0xe];
	[sflag:s23] =	ssyncadd.s32 $0xFFFFF000  }
0x60: {  	[spmem:s21] =	stream.linear.scatter [tilespmem:s22], [sflag:$0x9], $0x1000, $0x38;
	[tilespmem:$0x1D400] =	vst v63  }
0x61: {  	_ =	swait.ge [sflag:s23], $0x1000  }
0x62: {  	[sflag:s23] =	ssyncset.done $0x0  }
0x63: {  	s28 =	rddreg [dreg:$0xf];
	[sflag:s23] =	ssyncadd.s32 $0xFFFFF000  }
0x64: {  	[spmem:s28] =	stream.linear.scatter [tilespmem:s22], [sflag:$0x9], $0x1000, $0x38;
	[tilespmem:$0x1D400] =	vst v63  }
0x65: {  	_ =	swait.ge [sflag:s23], $0x1000  }
0x66: {  	[sflag:s23] =	ssyncset.done $0x0  }
0x67: {  	s21 =	rddreg [dreg:$0x10];
	[sflag:s23] =	ssyncadd.s32 $0xFFFFF000  }
0x68: {  	[spmem:s21] =	stream.linear.scatter [tilespmem:s22], [sflag:$0x9], $0x1000, $0x38;
	[tilespmem:$0x1D400] =	vst v63  }
0x69: {  	_ =	swait.ge [sflag:s23], $0x1000  }
0x6a: {  	[sflag:s23] =	ssyncset.done $0x0  }
0x6b: {  	s28 =	rddreg [dreg:$0x11];
	[sflag:s23] =	ssyncadd.s32 $0xFFFFF000  }
0x6c: {  	[spmem:s28] =	stream.linear.scatter [tilespmem:s22], [sflag:$0x9], $0x1000, $0x38;
	[tilespmem:$0x1D400] =	vst v63  }
0x6d: {  	_ =	swait.ge [sflag:s23], $0x1000  }
0x6e: {  	[sflag:s23] =	ssyncset.done $0x0  }
0x6f: {  	s21 =	rddreg [dreg:$0x12];
	[sflag:s23] =	ssyncadd.s32 $0xFFFFF000  }
0x70: {  	[spmem:s21] =	stream.linear.scatter [tilespmem:s22], [sflag:$0x9], $0x1000, $0x38;
	[tilespmem:$0x1D400] =	vst v63  }
0x71: {  	_ =	swait.ge [sflag:s23], $0x1000  }
0x72: {  	[sflag:s23] =	ssyncset.done $0x0  }
0x73: {  	s28 =	rddreg [dreg:$0x13];
	[sflag:s23] =	ssyncadd.s32 $0xFFFFF000  }
0x74: {  	[spmem:s28] =	stream.linear.scatter [tilespmem:s22], [sflag:$0x9], $0x1000, $0x38;
	[tilespmem:$0x1D400] =	vst v63  }
0x75: {  	_ =	swait.ge [sflag:s23], $0x1000  }
0x76: {  	[sflag:s23] =	ssyncset.done $0x0  }
0x77: {  	s21 =	rddreg [dreg:$0x16];
	[sflag:s23] =	ssyncadd.s32 $0xFFFFF000  }
0x78: {  	[spmem:s21] =	stream.linear.scatter [tilespmem:s22], [sflag:$0x9], $0x1000, $0x38;
	[tilespmem:$0x1D400] =	vst v63  }
0x79: {  	_ =	swait.ge [sflag:s23], $0x1000  }
0x7a: {  	[sflag:s23] =	ssyncset.done $0x0  }
0x7b: {  	s28 =	rddreg [dreg:$0x17];
	[sflag:s23] =	ssyncadd.s32 $0xFFFFF000  }
0x7c: {  	[spmem:s28] =	stream.linear.scatter [tilespmem:s22], [sflag:$0x9], $0x1000, $0x38;
	[tilespmem:$0x1D400] =	vst v63  }
0x7d: {  	_ =	swait.ge [sflag:s23], $0x1000  }
0x7e: {  	[sflag:s23] =	ssyncset.done $0x0  }
0x7f: {  	s21 =	rddreg [dreg:$0x18];
	[sflag:s23] =	ssyncadd.s32 $0xFFFFF000  }
0x80: {  	[spmem:s21] =	stream.linear.scatter [tilespmem:s22], [sflag:$0x9], $0x1000, $0x38;
	[tilespmem:$0x1D400] =	vst v63  }
0x81: {  	_ =	swait.ge [sflag:s23], $0x1000  }
0x82: {  	[sflag:s23] =	ssyncset.done $0x0  }
0x83: {  	s28 =	rddreg [dreg:$0x19];
	[sflag:s23] =	ssyncadd.s32 $0xFFFFF000  }
0x84: {  	[spmem:s28] =	stream.linear.scatter [tilespmem:s22], [sflag:$0x9], $0x1000, $0x38;
	[tilespmem:$0x1D400] =	vst v63  }
0x85: {  	_ =	swait.ge [sflag:s23], $0x1000  }
0x86: {  	[sflag:s23] =	ssyncset.done $0x0  }
0x87: {  	s21 =	rddreg [dreg:$0x1a];
	[sflag:s23] =	ssyncadd.s32 $0xFFFFF000  }
0x88: {  	[spmem:s21] =	stream.linear.scatter [tilespmem:s22], [sflag:$0x9], $0x1000, $0x38;
	[tilespmem:$0x1D400] =	vst v63  }
0x89: {  	_ =	swait.ge [sflag:s23], $0x1000  }
0x8a: {  	[sflag:s23] =	ssyncset.done $0x0  }
0x8b: {  	s28 =	rddreg [dreg:$0x1b];
	[sflag:s23] =	ssyncadd.s32 $0xFFFFF000  }
0x8c: {  	[spmem:s28] =	stream.linear.scatter [tilespmem:s22], [sflag:$0x9], $0x1000, $0x38;
	[tilespmem:$0x1D400] =	vst v63  }
0x8d: {  	_ =	swait.ge [sflag:s23], $0x1000  }
0x8e: {  	[sflag:s23] =	ssyncset.done $0x0  }
0x8f: {  	s21 =	rddreg [dreg:$0x1c];
	[sflag:s23] =	ssyncadd.s32 $0xFFFFF000  }
0x90: {  	[spmem:s21] =	stream.linear.scatter [tilespmem:s22], [sflag:$0x9], $0x1000, $0x38;
	[tilespmem:$0x1D400] =	vst v63  }
0x91: {  	_ =	swait.ge [sflag:s23], $0x1000  }
0x92: {  	[sflag:s23] =	ssyncset.done $0x0  }
0x93: {  	s28 =	rddreg [dreg:$0x1d];
	[sflag:s23] =	ssyncadd.s32 $0xFFFFF000  }
0x94: {  	[spmem:s28] =	stream.linear.scatter [tilespmem:s22], [sflag:$0x9], $0x1000, $0x38;
	[tilespmem:$0x1D400] =	vst v63  }
0x95: {  	_ =	swait.ge [sflag:s23], $0x1000  }
0x96: {  	[sflag:s23] =	ssyncset.done $0x0  }
0x97: {  	[sflag:s23] =	ssyncadd.s32 $0xFFFFF000  }
0x98: {  	[bflag:$0x0] =	sbarrier.arrive $0xFFFF  }
0x99: {  	_ =	swait.ge [sflag:s30], $0x80  }
0x9a: {  	[sflag:s30] =	ssyncset.done $0x0  }
0x9b: {  	[sflag:s30] =	ssyncadd.s32 $0xFFFFFF80  }
0x9c: {  	_ =	swait.ge [sflag:s30], $0x80  }
0x9d: {  	[sflag:s30] =	ssyncset.done $0x0  }
0x9e: {  	[sflag:s30] =	ssyncadd.s32 $0xFFFFFF80  }
0x9f: {  	[tilespmem:s0], [sflag:$0x1] =	stream.indirect.gather [hbm4b:s5+s31], $0x80, s10, s31, $0xb8;
	[tilespmem:$0x1D400] =	vst v63  }
0xa0: {  	s21 =	rddreg [dreg:$0x1e]  }
0xa1: {  	[tilespmem:s3], [sflag:$0x7] =	stream.linear.gather [hbm4b:s21+s4], $0x80, $0x38;
	[tilespmem:$0x1D400] =	vst v63  }
0xa2: {  	s22 =	rddreg [dreg:$0x1f]  }
0xa3: {  	[tilespmem:s9], [sflag:$0x7] =	stream.linear.gather [hbm4b:s22+s4], $0x80, $0x38;
	[tilespmem:$0x1D400] =	vst v63  }
0xa4: {  	_ =	swait.ge [sflag:s11], $0x80  }
0xa5: {  	[sflag:s11] =	ssyncset.done $0x0  }
0xa6: {  	[sflag:s11] =	ssyncadd.s32 $0xFFFFFF80  }
0xa7: {  	_ =	swait.ge [sflag:s11], $0x80  }
0xa8: {  	[sflag:s11] =	ssyncset.done $0x0  }
0xa9: {  	s23 =	sld [smem:$0x7F4];
	[sflag:s11] =	ssyncadd.s32 $0xFFFFFF80  }
0xaa: {  	[tilespmem:s12], [sflag:$0x2] =	stream.indirect.gather [hbm4b:s5+s31], $0x80, s25, s31, $0xb8;
	[tilespmem:$0x1D400] =	vst v63  }
0xab: {  	s28 =	sld [smem:$0x7F5]  }
0xac: {  	[tilespmem:s13], [sflag:$0x8] =	stream.linear.gather [hbm4b:s23+s4], $0x80, $0x38;
	[tilespmem:$0x1D400] =	vst v63  }
0xad: {  	_ = 	snop  }
0xae: {  	[tilespmem:s14], [sflag:$0x8] =	stream.linear.gather [hbm4b:s28+s4], $0x80, $0x38;
	[tilespmem:$0x1D400] =	vst v63  }
0xaf: {  	_ =	swait.ge [sflag:s15], $0x3E80  }
0xb0: {  	[sflag:s15] =	ssyncset.done $0x0  }
0xb1: {  	[sflag:s15] =	ssyncadd.s32 $0xFFFFC180  }
0xb2: {  	[spmem:s2] =	stream.indirect.scatter.add.f32 [tilespmem:s0], [sflag:$0x3], $0x80, s29, s31, $0xb8;
	[tilespmem:$0x1D400] =	vst v63  }
0xb3: {  	_ =	swait.ge [sflag:s16], $0x3E80  }
0xb4: {  	[sflag:s16] =	ssyncset.done $0x0  }
0xb5: {  	[sflag:s16] =	ssyncadd.s32 $0xFFFFC180  }
0xb6: {  	_ =	swait.ge [sflag:s17], $0x80  }
0xb7: {  	[sflag:s17] =	ssyncset.done $0x0  }
0xb8: {  	[sflag:s17] =	ssyncadd.s32 $0xFFFFFF80  }
0xb9: {  	_ =	swait.ge [sflag:s17], $0x80  }
0xba: {  	[sflag:s17] =	ssyncset.done $0x0  }
0xbb: {  	s21 =	sld [smem:$0x7F6];
	[sflag:s17] =	ssyncadd.s32 $0xFFFFFF80  }
0xbc: {  	[tilespmem:s0], [sflag:$0x1] =	stream.indirect.gather [hbm4b:s5+s31], $0x80, s3, s31, $0xb8;
	[tilespmem:$0x1D400] =	vst v63  }
0xbd: {  	s22 =	sld [smem:$0x7F7]  }
0xbe: {  	[tilespmem:s10], [sflag:$0x5] =	stream.linear.gather [hbm4b:s21+s4], $0x80, $0x38;
	[tilespmem:$0x1D400] =	vst v63  }
0xbf: {  	_ = 	snop  }
0xc0: {  	[tilespmem:s29], [sflag:$0x5] =	stream.linear.gather [hbm4b:s22+s4], $0x80, $0x38;
	[tilespmem:$0x1D400] =	vst v63  }
0xc1: {  	_ =	swait.ge [sflag:s18], $0x3E80  }
0xc2: {  	[sflag:s18] =	ssyncset.done $0x0  }
0xc3: {  	[sflag:s18] =	ssyncadd.s32 $0xFFFFC180  }
0xc4: {  	[spmem:s2] =	stream.indirect.scatter.add.f32 [tilespmem:s12], [sflag:$0x4], $0x80, s26, s31, $0xb8;
	[tilespmem:$0x1D400] =	vst v63  }
0xc5: {  	_ =	swait.ge [sflag:s19], $0x3E80  }
0xc6: {  	[sflag:s19] =	ssyncset.done $0x0  }
0xc7: {  	[sflag:s19] =	ssyncadd.s32 $0xFFFFC180  }
0xc8: {  	_ =	swait.ge [sflag:s20], $0x80  }
0xc9: {  	[sflag:s20] =	ssyncset.done $0x0  }
0xca: {  	[sflag:s20] =	ssyncadd.s32 $0xFFFFFF80  }
0xcb: {  	_ =	swait.ge [sflag:s20], $0x80  }
0xcc: {  	[sflag:s20] =	ssyncset.done $0x0  }
0xcd: {  	s23 =	sld [smem:$0x7F8];
	[sflag:s20] =	ssyncadd.s32 $0xFFFFFF80  }
0xce: {  	[tilespmem:s12], [sflag:$0x2] =	stream.indirect.gather [hbm4b:s5+s31], $0x80, s13, s31, $0xb8;
	[tilespmem:$0x1D400] =	vst v63  }
0xcf: {  	s28 =	sld [smem:$0x7F9]  }
0xd0: {  	[tilespmem:s25], [sflag:$0x6] =	stream.linear.gather [hbm4b:s23+s4], $0x80, $0x38;
	[tilespmem:$0x1D400] =	vst v63  }
0xd1: {  	_ = 	snop  }
0xd2: {  	[tilespmem:s26], [sflag:$0x6] =	stream.linear.gather [hbm4b:s28+s4], $0x80, $0x38;
	[tilespmem:$0x1D400] =	vst v63  }
0xd3: {  	_ =	swait.ge [sflag:s15], $0x3E80  }
0xd4: {  	[sflag:s15] =	ssyncset.done $0x0  }
0xd5: {  	[sflag:s15] =	ssyncadd.s32 $0xFFFFC180  }
0xd6: {  	[spmem:s2] =	stream.indirect.scatter.add.f32 [tilespmem:s0], [sflag:$0x3], $0x80, s9, s31, $0xb8;
	[tilespmem:$0x1D400] =	vst v63  }
0xd7: {  	_ =	swait.ge [sflag:s16], $0x3E80  }
0xd8: {  	[sflag:s16] =	ssyncset.done $0x0  }
0xd9: {  	[sflag:s16] =	ssyncadd.s32 $0xFFFFC180  }
0xda: {  	_ =	swait.ge [sflag:s30], $0x80  }
0xdb: {  	s10 =	simm.s32 $0x200;
	[sflag:s30] =	ssyncset.done $0x0  }
0xdc: {  	s21 =	sand.u32 $0x3C00, s10;
	s8 =	sand.u32 $0x200, s10;
	[sflag:s30] =	ssyncadd.s32 $0xFFFFFF80  }
0xdd: {  	s10 =	sadd.s32 s6, s21;
	s23 =	sor.u32 $0x100, s8;
	_ =	swait.ge [sflag:s30], $0x80  }
0xde: {  	s22 =	sadd.s32 s7, s21;
	s28 =	sor.u32 s23, s10;
	[sflag:s30] =	ssyncset.done $0x0  }
0xdf: {  	s21 =	sor.u32 s23, s22;
	s28 =	sshrl.u32 s28, $0x3;
	[sflag:s30] =	ssyncadd.s32 $0xFFFFFF80  }
0xe0: {  	[tilespmem:s0], [sflag:$0x1] =	stream.indirect.gather [hbm4b:s5+s31], $0x80, s24, s31, $0xb8;
	[tilespmem:$0x1D400] =	vst v63  }
0xe1: {  	s21 =	sshrl.u32 s21, $0x3;
	s28 =	sadd.s32 s1, s28  }
0xe2: {  	[tilespmem:s3], [sflag:$0x7] =	stream.linear.gather [hbm4b:s28+s4], $0x80, $0x38;
	[tilespmem:$0x1D400] =	vst v63  }
0xe3: {  	s21 =	sadd.s32 s1, s21  }
0xe4: {  	[tilespmem:s9], [sflag:$0x7] =	stream.linear.gather [hbm4b:s21+s4], $0x80, $0x38;
	[tilespmem:$0x1D400] =	vst v63  }
0xe5: {  	_ =	swait.ge [sflag:s18], $0x3E80  }
0xe6: {  	[sflag:s18] =	ssyncset.done $0x0  }
0xe7: {  	[sflag:s18] =	ssyncadd.s32 $0xFFFFC180  }
0xe8: {  	[spmem:s2] =	stream.indirect.scatter.add.f32 [tilespmem:s12], [sflag:$0x4], $0x80, s14, s31, $0xb8;
	[tilespmem:$0x1D400] =	vst v63  }
0xe9: {  	_ =	swait.ge [sflag:s19], $0x3E80  }
0xea: {  	[sflag:s19] =	ssyncset.done $0x0  }
0xeb: {  	[sflag:s19] =	ssyncadd.s32 $0xFFFFC180  }
0xec: {  	_ =	swait.ge [sflag:s11], $0x80  }
0xed: {  	[sflag:s11] =	ssyncset.done $0x0  }
0xee: {  	[sflag:s11] =	ssyncadd.s32 $0xFFFFFF80  }
0xef: {  	s8 =	sor.u32 $0x180, s8;
	_ =	swait.ge [sflag:s11], $0x80  }
0xf0: {  	s10 =	sor.u32 s8, s10;
	[sflag:s11] =	ssyncset.done $0x0  }
0xf1: {  	s8 =	sor.u32 s8, s22;
	s10 =	sshrl.u32 s10, $0x3;
	[sflag:s11] =	ssyncadd.s32 $0xFFFFFF80  }
0xf2: {  	[tilespmem:s12], [sflag:$0x2] =	stream.indirect.gather [hbm4b:s5+s31], $0x80, s25, s31, $0xb8;
	[tilespmem:$0x1D400] =	vst v63  }
0xf3: {  	s8 =	sshrl.u32 s8, $0x3;
	s10 =	sadd.s32 s1, s10  }
0xf4: {  	[tilespmem:s13], [sflag:$0x8] =	stream.linear.gather [hbm4b:s10+s4], $0x80, $0x38;
	[tilespmem:$0x1D400] =	vst v63  }
0xf5: {  	s8 =	sadd.s32 s1, s8  }
0xf6: {  	[tilespmem:s14], [sflag:$0x8] =	stream.linear.gather [hbm4b:s8+s4], $0x80, $0x38;
	[tilespmem:$0x1D400] =	vst v63  }
0xf7: {  	_ =	swait.ge [sflag:s15], $0x3E80  }
0xf8: {  	[sflag:s15] =	ssyncset.done $0x0  }
0xf9: {  	[sflag:s15] =	ssyncadd.s32 $0xFFFFC180  }
0xfa: {  	[spmem:s2] =	stream.indirect.scatter.add.f32 [tilespmem:s0], [sflag:$0x3], $0x80, s29, s31, $0xb8;
	[tilespmem:$0x1D400] =	vst v63  }
0xfb: {  	_ =	swait.ge [sflag:s16], $0x3E80  }
0xfc: {  	[sflag:s16] =	ssyncset.done $0x0  }
0xfd: {  	[sflag:s16] =	ssyncadd.s32 $0xFFFFC180  }
0xfe: {  	_ =	swait.ge [sflag:s17], $0x80  }
0xff: {  	s22 =	simm.s32 $0x400;
	[sflag:s17] =	ssyncset.done $0x0  }
0x100: {  	s23 =	sand.u32 $0x7C00, s22;
	[sflag:s17] =	ssyncadd.s32 $0xFFFFFF80  }
0x101: {  	s28 =	sadd.s32 s6, s23;
	s8 =	sand.u32 $0x200, s22;
	_ =	swait.ge [sflag:s17], $0x80  }
0x102: {  	s10 =	sadd.s32 s7, s23;
	s21 =	sor.u32 s8, s28;
	[sflag:s17] =	ssyncset.done $0x0  }
0x103: {  	s8 =	sor.u32 s8, s10;
	s21 =	sshrl.u32 s21, $0x3;
	[sflag:s17] =	ssyncadd.s32 $0xFFFFFF80  }
0x104: {  	[tilespmem:s0], [sflag:$0x1] =	stream.indirect.gather [hbm4b:s5+s31], $0x80, s3, s31, $0xb8;
	[tilespmem:$0x1D400] =	vst v63  }
0x105: {  	s8 =	sshrl.u32 s8, $0x3;
	s21 =	sadd.s32 s1, s21  }
0x106: {  	[tilespmem:s24], [sflag:$0x5] =	stream.linear.gather [hbm4b:s21+s4], $0x80, $0x38;
	[tilespmem:$0x1D400] =	vst v63  }
0x107: {  	s8 =	sadd.s32 s1, s8  }
0x108: {  	[tilespmem:s29], [sflag:$0x5] =	stream.linear.gather [hbm4b:s8+s4], $0x80, $0x38;
	[tilespmem:$0x1D400] =	vst v63  }
0x109: {  	_ =	swait.ge [sflag:s18], $0x3E80  }
0x10a: {  	[sflag:s18] =	ssyncset.done $0x0  }
0x10b: {  	[sflag:s18] =	ssyncadd.s32 $0xFFFFC180  }
0x10c: {  	[spmem:s2] =	stream.indirect.scatter.add.f32 [tilespmem:s12], [sflag:$0x4], $0x80, s26, s31, $0xb8;
	[tilespmem:$0x1D400] =	vst v63  }
0x10d: {  	_ =	swait.ge [sflag:s19], $0x3E80  }
0x10e: {  	[sflag:s19] =	ssyncset.done $0x0  }
0x10f: {  	[sflag:s19] =	ssyncadd.s32 $0xFFFFC180  }
0x110: {  	_ =	swait.ge [sflag:s20], $0x80  }
0x111: {  	s22 =	simm.s32 $0x480;
	[sflag:s20] =	ssyncset.done $0x0  }
0x112: {  	s23 =	sand.u32 $0x7C00, s22;
	[sflag:s20] =	ssyncadd.s32 $0xFFFFFF80  }
0x113: {  	s28 =	sadd.s32 s6, s23;
	s8 =	sand.u32 $0x280, s22;
	_ =	swait.ge [sflag:s20], $0x80  }
0x114: {  	s10 =	sadd.s32 s7, s23;
	s21 =	sor.u32 s8, s28;
	[sflag:s20] =	ssyncset.done $0x0  }
0x115: {  	s8 =	sor.u32 s8, s10;
	s21 =	sshrl.u32 s21, $0x3;
	[sflag:s20] =	ssyncadd.s32 $0xFFFFFF80  }
0x116: {  	[tilespmem:s12], [sflag:$0x2] =	stream.indirect.gather [hbm4b:s5+s31], $0x80, s13, s31, $0xb8;
	[tilespmem:$0x1D400] =	vst v63  }
0x117: {  	s8 =	sshrl.u32 s8, $0x3;
	s29 =	sadd.s32 s1, s21  }
0x118: {  	[tilespmem:s25], [sflag:$0x6] =	stream.linear.gather [hbm4b:s29+s4], $0x80, $0x38;
	[tilespmem:$0x1D400] =	vst v63  }
0x119: {  	s8 =	sadd.s32 s1, s8  }
0x11a: {  	[tilespmem:s26], [sflag:$0x6] =	stream.linear.gather [hbm4b:s8+s4], $0x80, $0x38;
	[tilespmem:$0x1D400] =	vst v63  }
0x11b: {  	_ =	swait.ge [sflag:s15], $0x3E80  }
0x11c: {  	s22 =	simm.s32 $0x680;
	[sflag:s15] =	ssyncset.done $0x0  }
.LBB2_4:
0x11d: {  	p0 =	sne.s32 s22, $0x2680  }
0x11e: {  	[sflag:s15] =	ssyncadd.s32 $0xFFFFC180;
	s8 =	smov.u32 s22;
	s22 =	sadd.s32 $0x200, s22  }
0x11f: {  	[spmem:s2] =	stream.indirect.scatter.add.f32 [tilespmem:s0], [sflag:$0x3], $0x80, s9, s31, $0xb8;
	[tilespmem:$0x1D400] =	vst v63  }
0x120: {  	_ =	swait.ge [sflag:s16], $0x3E80  }
0x121: {  	[sflag:s16] =	ssyncset.done $0x0  }
0x122: {  	[sflag:s16] =	ssyncadd.s32 $0xFFFFC180  }
0x123: {  	_ =	swait.ge [sflag:s30], $0x80  }
0x124: {  	s10 =	sadd.s32 $0xFFFFFD80, s8;
	[sflag:s30] =	ssyncset.done $0x0  }
0x125: {  	s21 =	sand.u32 $0x3C00, s10;
	[sflag:s30] =	ssyncadd.s32 $0xFFFFFF80  }
0x126: {  	s10 =	sand.u32 $0x200, s10;
	s28 =	sadd.s32 s6, s21;
	_ =	swait.ge [sflag:s30], $0x80  }
0x127: {  	s29 =	sor.u32 $0x100, s10;
	s21 =	sadd.s32 s7, s21;
	[sflag:s30] =	ssyncset.done $0x0  }
0x128: {  	s10 =	sor.u32 $0x180, s10;
	s23 =	sor.u32 s29, s28;
	[sflag:s30] =	ssyncadd.s32 $0xFFFFFF80  }
0x129: {  	[tilespmem:s0], [sflag:$0x1] =	stream.indirect.gather [hbm4b:s5+s31], $0x80, s24, s31, $0xb8;
	[tilespmem:$0x1D400] =	vst v63  }
0x12a: {  	s29 =	sor.u32 s29, s21;
	s28 =	sor.u32 s10, s28;
	s23 =	sshrl.u32 s23, $0x3  }
0x12b: {  	s10 =	sor.u32 s10, s21;
	s29 =	sshrl.u32 s29, $0x3;
	s23 =	sadd.s32 s1, s23  }
0x12c: {  	[tilespmem:s3], [sflag:$0x7] =	stream.linear.gather [hbm4b:s23+s4], $0x80, $0x38;
	[tilespmem:$0x1D400] =	vst v63  }
0x12d: {  	s28 =	sshrl.u32 s28, $0x3;
	s23 =	sadd.s32 s1, s29;
	s29 =	simm.s32 $0x14080  }
0x12e: {  	[tilespmem:s9], [sflag:$0x7] =	stream.linear.gather [hbm4b:s23+s4], $0x80, $0x38;
	[tilespmem:$0x1D400] =	vst v63  }
0x12f: {  	s10 =	sshrl.u32 s10, $0x3;
	_ =	swait.ge [sflag:s18], $0x3E80  }
0x130: {  	[sflag:s18] =	ssyncset.done $0x0  }
0x131: {  	[sflag:s18] =	ssyncadd.s32 $0xFFFFC180  }
0x132: {  	[spmem:s2] =	stream.indirect.scatter.add.f32 [tilespmem:s12], [sflag:$0x4], $0x80, s14, s31, $0xb8;
	[tilespmem:$0x1D400] =	vst v63  }
0x133: {  	_ =	swait.ge [sflag:s19], $0x3E80  }
0x134: {  	[sflag:s19] =	ssyncset.done $0x0  }
0x135: {  	[sflag:s19] =	ssyncadd.s32 $0xFFFFC180  }
0x136: {  	_ =	swait.ge [sflag:s11], $0x80  }
0x137: {  	[sflag:s11] =	ssyncset.done $0x0  }
0x138: {  	[sflag:s11] =	ssyncadd.s32 $0xFFFFFF80  }
0x139: {  	_ =	swait.ge [sflag:s11], $0x80  }
0x13a: {  	[sflag:s11] =	ssyncset.done $0x0  }
0x13b: {  	s21 =	sadd.s32 s1, s28;
	[sflag:s11] =	ssyncadd.s32 $0xFFFFFF80  }
0x13c: {  	[tilespmem:s12], [sflag:$0x2] =	stream.indirect.gather [hbm4b:s5+s31], $0x80, s25, s31, $0xb8;
	[tilespmem:$0x1D400] =	vst v63  }
0x13d: {  	s10 =	sadd.s32 s1, s10  }
0x13e: {  	[tilespmem:s13], [sflag:$0x8] =	stream.linear.gather [hbm4b:s21+s4], $0x80, $0x38;
	[tilespmem:$0x1D400] =	vst v63  }
0x13f: {  	_ = 	snop  }
0x140: {  	[tilespmem:s14], [sflag:$0x8] =	stream.linear.gather [hbm4b:s10+s4], $0x80, $0x38;
	[tilespmem:$0x1D400] =	vst v63  }
0x141: {  	_ =	swait.ge [sflag:s15], $0x3E80  }
0x142: {  	[sflag:s15] =	ssyncset.done $0x0  }
0x143: {  	[sflag:s15] =	ssyncadd.s32 $0xFFFFC180  }
0x144: {  	[spmem:s2] =	stream.indirect.scatter.add.f32 [tilespmem:s0], [sflag:$0x3], $0x80, s29, s31, $0xb8;
	[tilespmem:$0x1D400] =	vst v63  }
0x145: {  	_ =	swait.ge [sflag:s16], $0x3E80  }
0x146: {  	[sflag:s16] =	ssyncset.done $0x0  }
0x147: {  	[sflag:s16] =	ssyncadd.s32 $0xFFFFC180  }
0x148: {  	_ =	swait.ge [sflag:s17], $0x80  }
0x149: {  	s10 =	sadd.s32 $0xFFFFFF80, s8;
	[sflag:s17] =	ssyncset.done $0x0  }
0x14a: {  	s21 =	sand.u32 $0x7C00, s10;
	[sflag:s17] =	ssyncadd.s32 $0xFFFFFF80  }
0x14b: {  	s10 =	sand.u32 $0x200, s10;
	s23 =	sadd.s32 s6, s21;
	_ =	swait.ge [sflag:s17], $0x80  }
0x14c: {  	s21 =	sadd.s32 s7, s21;
	s23 =	sor.u32 s10, s23;
	[sflag:s17] =	ssyncset.done $0x0  }
0x14d: {  	s10 =	sor.u32 s10, s21;
	s23 =	sshrl.u32 s23, $0x3;
	[sflag:s17] =	ssyncadd.s32 $0xFFFFFF80  }
0x14e: {  	[tilespmem:s0], [sflag:$0x1] =	stream.indirect.gather [hbm4b:s5+s31], $0x80, s3, s31, $0xb8;
	[tilespmem:$0x1D400] =	vst v63  }
0x14f: {  	s10 =	sshrl.u32 s10, $0x3;
	s21 =	sadd.s32 s1, s23  }
0x150: {  	[tilespmem:s24], [sflag:$0x5] =	stream.linear.gather [hbm4b:s21+s4], $0x80, $0x38;
	[tilespmem:$0x1D400] =	vst v63  }
0x151: {  	s10 =	sadd.s32 s1, s10  }
0x152: {  	[tilespmem:s29], [sflag:$0x5] =	stream.linear.gather [hbm4b:s10+s4], $0x80, $0x38;
	[tilespmem:$0x1D400] =	vst v63  }
0x153: {  	_ =	swait.ge [sflag:s18], $0x3E80  }
0x154: {  	[sflag:s18] =	ssyncset.done $0x0  }
0x155: {  	[sflag:s18] =	ssyncadd.s32 $0xFFFFC180  }
0x156: {  	[spmem:s2] =	stream.indirect.scatter.add.f32 [tilespmem:s12], [sflag:$0x4], $0x80, s26, s31, $0xb8;
	[tilespmem:$0x1D400] =	vst v63  }
0x157: {  	_ =	swait.ge [sflag:s19], $0x3E80  }
0x158: {  	[sflag:s19] =	ssyncset.done $0x0  }
0x159: {  	[sflag:s19] =	ssyncadd.s32 $0xFFFFC180  }
0x15a: {  	_ =	swait.ge [sflag:s20], $0x80  }
0x15b: {  	[sflag:s20] =	ssyncset.done $0x0  }
0x15c: {  	s10 =	sand.u32 $0x7C00, s8;
	s8 =	sand.u32 $0x280, s8;
	[sflag:s20] =	ssyncadd.s32 $0xFFFFFF80  }
0x15d: {  	s21 =	sadd.s32 s6, s10;
	s10 =	sadd.s32 s7, s10;
	_ =	swait.ge [sflag:s20], $0x80  }
0x15e: {  	s21 =	sor.u32 s8, s21;
	s8 =	sor.u32 s8, s10;
	[sflag:s20] =	ssyncset.done $0x0  }
0x15f: {  	s10 =	sshrl.u32 s21, $0x3;
	s8 =	sshrl.u32 s8, $0x3;
	[sflag:s20] =	ssyncadd.s32 $0xFFFFFF80  }
0x160: {  	[tilespmem:s12], [sflag:$0x2] =	stream.indirect.gather [hbm4b:s5+s31], $0x80, s13, s31, $0xb8;
	[tilespmem:$0x1D400] =	vst v63  }
0x161: {  	s10 =	sadd.s32 s1, s10;
	s8 =	sadd.s32 s1, s8  }
0x162: {  	[tilespmem:s25], [sflag:$0x6] =	stream.linear.gather [hbm4b:s10+s4], $0x80, $0x38;
	[tilespmem:$0x1D400] =	vst v63  }
.Ltmp1:
0x163: {  	_ = 	snop;
	(pc) =	sbr.rel @p0 .LBB2_4-.Ltmp1, $4  }
0x164: {  	_ = 	snop  }
0x165: {  	[tilespmem:s26], [sflag:$0x6] =	stream.linear.gather [hbm4b:s8+s4], $0x80, $0x38;
	[tilespmem:$0x1D400] =	vst v63  }
0x166: {  	_ =	swait.ge [sflag:s15], $0x3E80  }
0x167: {  	[sflag:s15] =	ssyncset.done $0x0  }
0x168: {  	[sflag:s15] =	ssyncadd.s32 $0xFFFFC180  }
0x169: {  	[spmem:s2] =	stream.indirect.scatter.add.f32 [tilespmem:s0], [sflag:$0x3], $0x80, s9, s31, $0xb8;
	[tilespmem:$0x1D400] =	vst v63  }
0x16a: {  	_ =	swait.ge [sflag:s16], $0x3E80  }
0x16b: {  	[sflag:s16] =	ssyncset.done $0x0  }
0x16c: {  	[sflag:s16] =	ssyncadd.s32 $0xFFFFC180  }
0x16d: {  	_ =	swait.ge [sflag:s30], $0x80  }
0x16e: {  	[sflag:s30] =	ssyncset.done $0x0  }
0x16f: {  	[sflag:s30] =	ssyncadd.s32 $0xFFFFFF80  }
0x170: {  	_ =	swait.ge [sflag:s30], $0x80  }
0x171: {  	[sflag:s30] =	ssyncset.done $0x0  }
0x172: {  	s8 =	sld [smem:$0x7FA];
	[sflag:s30] =	ssyncadd.s32 $0xFFFFFF80  }
0x173: {  	[tilespmem:s0], [sflag:$0x1] =	stream.indirect.gather [hbm4b:s5+s31], $0x80, s24, s31, $0xb8;
	[tilespmem:$0x1D400] =	vst v63  }
0x174: {  	s21 =	sld [smem:$0x7FB]  }
0x175: {  	[tilespmem:s3], [sflag:$0x7] =	stream.linear.gather [hbm4b:s8+s4], $0x80, $0x38;
	[tilespmem:$0x1D400] =	vst v63  }
0x176: {  	_ = 	snop  }
0x177: {  	[tilespmem:s9], [sflag:$0x7] =	stream.linear.gather [hbm4b:s21+s4], $0x80, $0x38;
	[tilespmem:$0x1D400] =	vst v63  }
0x178: {  	_ =	swait.ge [sflag:s18], $0x3E80  }
0x179: {  	[sflag:s18] =	ssyncset.done $0x0  }
0x17a: {  	[sflag:s18] =	ssyncadd.s32 $0xFFFFC180  }
0x17b: {  	[spmem:s2] =	stream.indirect.scatter.add.f32 [tilespmem:s12], [sflag:$0x4], $0x80, s14, s31, $0xb8;
	[tilespmem:$0x1D400] =	vst v63  }
0x17c: {  	_ =	swait.ge [sflag:s19], $0x3E80  }
0x17d: {  	[sflag:s19] =	ssyncset.done $0x0  }
0x17e: {  	[sflag:s19] =	ssyncadd.s32 $0xFFFFC180  }
0x17f: {  	_ =	swait.ge [sflag:s11], $0x80  }
0x180: {  	[sflag:s11] =	ssyncset.done $0x0  }
0x181: {  	[sflag:s11] =	ssyncadd.s32 $0xFFFFFF80  }
0x182: {  	_ =	swait.ge [sflag:s11], $0x80  }
0x183: {  	[sflag:s11] =	ssyncset.done $0x0  }
0x184: {  	s22 =	sld [smem:$0x7FC];
	[sflag:s11] =	ssyncadd.s32 $0xFFFFFF80  }
0x185: {  	[tilespmem:s12], [sflag:$0x2] =	stream.indirect.gather [hbm4b:s5+s31], $0x80, s25, s31, $0xb8;
	[tilespmem:$0x1D400] =	vst v63  }
0x186: {  	s23 =	sld [smem:$0x7FD]  }
0x187: {  	[tilespmem:s13], [sflag:$0x8] =	stream.linear.gather [hbm4b:s22+s4], $0x80, $0x38;
	[tilespmem:$0x1D400] =	vst v63  }
0x188: {  	_ = 	snop  }
0x189: {  	[tilespmem:s14], [sflag:$0x8] =	stream.linear.gather [hbm4b:s23+s4], $0x80, $0x38;
	[tilespmem:$0x1D400] =	vst v63  }
0x18a: {  	_ =	swait.ge [sflag:s15], $0x3E80  }
0x18b: {  	[sflag:s15] =	ssyncset.done $0x0  }
0x18c: {  	[sflag:s15] =	ssyncadd.s32 $0xFFFFC180  }
0x18d: {  	[spmem:s2] =	stream.indirect.scatter.add.f32 [tilespmem:s0], [sflag:$0x3], $0x80, s29, s31, $0xb8;
	[tilespmem:$0x1D400] =	vst v63  }
0x18e: {  	_ =	swait.ge [sflag:s16], $0x3E80  }
0x18f: {  	[sflag:s16] =	ssyncset.done $0x0  }
0x190: {  	[sflag:s16] =	ssyncadd.s32 $0xFFFFC180  }
0x191: {  	_ =	swait.ge [sflag:s17], $0x80  }
0x192: {  	[sflag:s17] =	ssyncset.done $0x0  }
0x193: {  	[sflag:s17] =	ssyncadd.s32 $0xFFFFFF80  }
0x194: {  	_ =	swait.ge [sflag:s17], $0x80  }
0x195: {  	[sflag:s17] =	ssyncset.done $0x0  }
0x196: {  	[sflag:s17] =	ssyncadd.s32 $0xFFFFFF80  }
0x197: {  	[tilespmem:s0], [sflag:$0x1] =	stream.indirect.gather [hbm4b:s5+s31], $0x80, s3, s31, $0xb8;
	[tilespmem:$0x1D400] =	vst v63  }
0x198: {  	_ =	swait.ge [sflag:s18], $0x3E80  }
0x199: {  	[sflag:s18] =	ssyncset.done $0x0  }
0x19a: {  	[sflag:s18] =	ssyncadd.s32 $0xFFFFC180  }
0x19b: {  	[spmem:s2] =	stream.indirect.scatter.add.f32 [tilespmem:s12], [sflag:$0x4], $0x80, s26, s31, $0xb8;
	[tilespmem:$0x1D400] =	vst v63  }
0x19c: {  	_ =	swait.ge [sflag:s19], $0x3E80  }
0x19d: {  	[sflag:s19] =	ssyncset.done $0x0  }
0x19e: {  	[sflag:s19] =	ssyncadd.s32 $0xFFFFC180  }
0x19f: {  	_ =	swait.ge [sflag:s20], $0x80  }
0x1a0: {  	[sflag:s20] =	ssyncset.done $0x0  }
0x1a1: {  	[sflag:s20] =	ssyncadd.s32 $0xFFFFFF80  }
0x1a2: {  	_ =	swait.ge [sflag:s20], $0x80  }
0x1a3: {  	[sflag:s20] =	ssyncset.done $0x0  }
0x1a4: {  	[sflag:s20] =	ssyncadd.s32 $0xFFFFFF80  }
0x1a5: {  	[tilespmem:s12], [sflag:$0x2] =	stream.indirect.gather [hbm4b:s5+s31], $0x80, s13, s31, $0xb8;
	[tilespmem:$0x1D400] =	vst v63  }
0x1a6: {  	_ =	swait.ge [sflag:s15], $0x3E80  }
0x1a7: {  	[sflag:s15] =	ssyncset.done $0x0  }
0x1a8: {  	[sflag:s15] =	ssyncadd.s32 $0xFFFFC180  }
0x1a9: {  	[spmem:s2] =	stream.indirect.scatter.add.f32 [tilespmem:s0], [sflag:$0x3], $0x80, s9, s31, $0xb8;
	[tilespmem:$0x1D400] =	vst v63  }
0x1aa: {  	_ =	swait.ge [sflag:s18], $0x3E80  }
0x1ab: {  	[sflag:s18] =	ssyncset.done $0x0  }
0x1ac: {  	[sflag:s18] =	ssyncadd.s32 $0xFFFFC180  }
0x1ad: {  	[spmem:s2] =	stream.indirect.scatter.add.f32 [tilespmem:s12], [sflag:$0x4], $0x80, s14, s31, $0xb8;
	[tilespmem:$0x1D400] =	vst v63  }
0x1ae: {  	_ =	swait.ge [sflag:s16], $0x3E80  }
0x1af: {  	[sflag:s16] =	ssyncset.done $0x0  }
0x1b0: {  	[sflag:s16] =	ssyncadd.s32 $0xFFFFC180  }
0x1b1: {  	_ =	swait.ge [sflag:s19], $0x3E80  }
0x1b2: {  	[sflag:s19] =	ssyncset.done $0x0  }
0x1b3: {  	s28 =	stileid.u32;
	[sflag:s19] =	ssyncadd.s32 $0xFFFFC180  }
0x1b4: {  	s8 =	sshll.u32 s28, $0x6;
	[bflag:$0x0] =	sbarrier.arrive $0xFFFF  }
0x1b5: {  	s8 =	sor.u32 $0x1C09, s8;
	s21 =	rddreg [dreg:$0x6]  }
0x1b6: {  	s23 =	simm.s32 $0x9;
	s22 =	rddreg [dreg:$0x14];
	s10 =	sshrl.u32 s21, $0x3  }
0x1b7: {  	[hbm:s22], [sflag:s8] =	dma.local [spmem:s10], $0x2800  }
0x1b8: {  	_ =	swait.ge [sflag:s23], $0x2800  }
0x1b9: {  	s10 =	sld [smem:$0x7F3];
	_ =	sdelay $0x2  }
0x1ba: {  	s28 =	rddreg [dreg:$0x15];
	s22 =	sadd.s32 $0x1, s10  }
0x1bb: {  	p0 =	sne.s32 s22, s28  }
.Ltmp2:
0x1bc: {  	_ = 	snop;
	(pc) =	sbr.rel @p0 .LBB2_1-.Ltmp2, $3  }
0x1bd: {  	_ =	sdelay $0x1  }
0x1be: {  	[sflag:s23] =	ssyncset.done $0x0  }
0x1bf: {  	[sflag:s23] =	ssyncadd.s32 $0xFFFFD800;
	s10 =	simm.s32 $0x14000  }
0x1c0: {  	_ =	sfence.sel $0x180000  }
0x1c1: {  	[bflag:$0x0] =	sbarrier.arrive $0xFFFF  }
0x1c2: {  	_ =	strace $0x9000004D  }
0x1c3: {  	s0 =	stileid.u32;
	[bflag:$0x2] =	sbarrier.arrive $0xFFFF  }
0x1c4: {  	p0 =	sne.s32 s0, $0x0;
	s0 =	rddreg [dreg:$0x3]  }
0x1c5: {  	s0 =	sadd.s32 @!p0 $0x100000, s0  }
0x1c6: {  	[sflag:s0] =	ssyncadd.tile.s32 @!p0 $0x1;
	_ =	shalt  }
.Lfunc_end2:
_tile_overlayer_lowered:
.L_overlay_start_2:
0x1c7: {  	(tag) =	ssettag $0x2  }
0x1c8: {  	s0 =	rddreg [dreg:$0x0];
	s2 =	stileid.u32  }
0x1c9: {  	s1 =	rddreg [dreg:$0x1];
	p0 =	sne.s32 s2, $0x0  }
0x1ca: {  	s3 =	rddreg [dreg:$0x2];
	[bflag:$0x3] =	sbarrier.arrive $0xFFFF;
	s2 =	simm.s32 @!p0 $0x1C09  }
0x1cb: {  	[timem:s3], [sflag:s2] =	dma.local @!p0 [hbm:s0], s1  }
0x1cc: {  	s0 =	simm.s32 @!p0 $0x9  }
0x1cd: {  	_ =	swait.ge @!p0 [sflag:s0], s1  }
0x1ce: {  	s1 =	ssub.s32 @!p0 $0x0, s1;
	[sflag:s0] =	ssyncset.done @!p0 $0x0  }
0x1cf: {  	[sflag:s0] =	ssyncadd.s32 @!p0 s1  }
0x1d0: {  	[bflag:$0x3] =	sbarrier.arrive $0xFFFF  }
0x1d1: {  	_ =	shalt  }

// kernel: kernel.8.cloned.1.call-start
scs
__scs_entry_jumppad:
0x0: {  	(pc) =	sbr.rel $0x88, $3  }
0x1: {  	(tag) =	ssettag $0x0;
	lr =	simm.s32 $0x1  }
0x2: {  	[smem:$0x3F9B] =	sst lr;
	_ =	strace $0xD0000000  }
0x3: {  	_ = 	snop  }
0x4: {  	_ = 	snop  }
0x5: {  	_ = 	snop  }
0x6: {  	_ = 	snop  }
0x7: {  	_ = 	snop  }
__scs_overlays_trampoline_lowered:
0x8: {  	[smem:$0x3FAA] =	sst s0  }
0x9: {  	[smem:$0x3FAB] =	sst s1  }
0xa: {  	[smem:$0x3FAC] =	sst s2  }
0xb: {  	[smem:$0x3FAD] =	sst s3  }
0xc: {  	[smem:$0x3FAE] =	sst s4  }
0xd: {  	[smem:$0x3FAF] =	sst s5  }
0xe: {  	[smem:$0x3FB0] =	sst s6  }
0xf: {  	[smem:$0x3FB1] =	sst s7  }
0x10: {  	[smem:$0x3FB2] =	sst s8  }
0x11: {  	[smem:$0x3FB3] =	sst s9;
	s0 =	simm.s32 @!p0 $0x0  }
0x12: {  	s1 =	sld [smem:$0x3F99];
	s0 =	simm.s32 @p0 $0x1  }
0x13: {  	[smem:$0x3FB4] =	sst s0;
	s0 =	simm.s32 @!p1 $0x0  }
0x14: {  	s2 =	sld [smem:$0x3F98];
	s0 =	simm.s32 @p1 $0x1  }
0x15: {  	[smem:$0x3FB5] =	sst s0;
	s0 =	simm.s32 @!p2 $0x0  }
0x16: {  	s3 =	sld [smem:$0x3FDB];
	s0 =	simm.s32 @p2 $0x1  }
0x17: {  	s4 =	simm.s32 $0x1BF5;
	[smem:$0x3FB7] =	sst s0  }
0x18: {  	s0 =	sld [smem:$0x3F9A];
	_ =	swait.ge [sflag:s4], $0x0  }
0x19: {  	s7 =	sld [smem:$0x3F9B]  }
0x1a: {  	s8 =	sadd.s32 $0xFFFFE003, lr  }
0x1b: {  	s9 =	sadd.s32 $0xFFFFFEF7, lr;
	s5 =	simm.s32 $0xFFFFFFFF;
	p2 =	slt.u32 s8, $0xFFFFF086  }
0x1c: {  	p1 =	slt.u32 s9, $0xF7A;
	s5 =	simm.s32 @!p2 $0x0  }
0x1d: {  	s5 =	simm.s32 @p1 $0x1;
	p0 =	seq.s32 s7, s2  }
0x1e: {  	s7 =	smul.u32 @!p0 $0xF7A, s2;
	p2 =	seq.s32 @!p0 s5, $0x0  }
0x1f: {  	s9 =	smul.u32 $0xF7A, s1;
	s8 =	simm.s32 @!p0 $0x1BF5;
	p2 =	por !p2, p0  }
0x20: {  	[sflag:s8] =	ssyncset.s32 @!p0 $0xFFFFF086;
	s6 =	sadd.s32 @!p0 s3, s7;
	s7 =	simm.s32 @!p0 $0x108  }
0x21: {  	s3 =	sadd.s32 s3, s9;
	s6 =	sadd.s32 @!p0 $0x88, s6;
	s7 =	simm.s32 @p2 $0x1082  }
0x22: {  	[simem:s7], [sflag:s8] =	dma.local @!p0 [hbm:s6], $0xF7A  }
0x23: {  	s9 =	sor.u32 $0xD0000000, s2;
	s6 =	simm.s32 $0x108;
	_ =	swait.ge @!p0 [sflag:s8], $0x0  }
0x24: {  	s3 =	sadd.s32 $0x88, s3;
	s6 =	simm.s32 @!p1 $0x1082;
	[sflag:s4] =	ssyncset.s32 $0xFFFFF086  }
0x25: {  	[simem:s6], [sflag:s4] =	dma.local [hbm:s3], $0xF7A  }
0x26: {  	[smem:$0x3F9B] =	sst s1;
	(tag) =	ssettag s2;
	_ =	strace s9  }
0x27: {  	s1 =	sld [smem:$0x3FAB]  }
0x28: {  	s2 =	sld [smem:$0x3FAC]  }
0x29: {  	s4 =	sld [smem:$0x3FAE]  }
0x2a: {  	p0 =	seq.s32 s5, $0x0;
	s5 =	sld [smem:$0x3FAF]  }
0x2b: {  	s6 =	sld [smem:$0x3FB0]  }
0x2c: {  	s7 =	sld [smem:$0x3FB1]  }
0x2d: {  	s3 =	simm.s32 $0x108;
	s8 =	sld [smem:$0x3FB2]  }
0x2e: {  	s3 =	simm.s32 @!p0 $0x1082;
	s9 =	sld [smem:$0x3FB3]  }
0x2f: {  	lr =	sadd.s32 s0, s3;
	s0 =	sld [smem:$0x3FAA]  }
0x30: {  	s3 =	sld [smem:$0x3FAD]  }
0x31: {  	[smem:$0x3FB6] =	sst s10  }
0x32: {  	s10 =	sld [smem:$0x3FB4];
	_ =	sdelay $0x3  }
0x33: {  	p0 =	seq.s32 s10, $0x1;
	s10 =	sld [smem:$0x3FB6];
	_ =	sdelay $0x3  }
0x34: {  	[smem:$0x3FB6] =	sst s10  }
0x35: {  	s10 =	sld [smem:$0x3FB5];
	_ =	sdelay $0x3  }
0x36: {  	p1 =	seq.s32 s10, $0x1;
	s10 =	sld [smem:$0x3FB6];
	_ =	sdelay $0x3  }
0x37: {  	[smem:$0x3FB6] =	sst s10  }
0x38: {  	s10 =	sld [smem:$0x3FB7]  }
0x39: {  	_ = 	snop;
	(pc) =	sbr.ind lr, $3  }
0x3a: {  	_ = 	snop  }
0x3b: {  	_ = 	snop  }
0x3c: {  	p2 =	seq.s32 s10, $0x1;
	s10 =	sld [smem:$0x3FB6]  }
0x3d: {  	_ =	shalt  }
0x3e: {  	_ =	shalt  }
0x3f: {  	_ =	shalt  }
0x40: {  	_ =	shalt  }
0x41: {  	_ =	shalt  }
0x42: {  	_ =	shalt  }
0x43: {  	_ =	shalt  }
0x44: {  	_ =	shalt  }
0x45: {  	_ =	shalt  }
0x46: {  	_ =	shalt  }
0x47: {  	_ =	shalt  }
0x48: {  	_ =	shalt  }
0x49: {  	_ =	shalt  }
0x4a: {  	_ =	shalt  }
0x4b: {  	_ =	shalt  }
0x4c: {  	_ =	shalt  }
0x4d: {  	_ =	shalt  }
0x4e: {  	_ =	shalt  }
0x4f: {  	_ =	shalt  }
0x50: {  	_ =	shalt  }
0x51: {  	_ =	shalt  }
0x52: {  	_ =	shalt  }
0x53: {  	_ =	shalt  }
0x54: {  	_ =	shalt  }
0x55: {  	_ =	shalt  }
0x56: {  	_ =	shalt  }
0x57: {  	_ =	shalt  }
0x58: {  	_ =	shalt  }
0x59: {  	_ =	shalt  }
0x5a: {  	_ =	shalt  }
0x5b: {  	_ =	shalt  }
0x5c: {  	_ =	shalt  }
0x5d: {  	_ =	shalt  }
0x5e: {  	_ =	shalt  }
0x5f: {  	_ =	shalt  }
0x60: {  	_ =	shalt  }
0x61: {  	_ =	shalt  }
0x62: {  	_ =	shalt  }
0x63: {  	_ =	shalt  }
0x64: {  	_ =	shalt  }
0x65: {  	_ =	shalt  }
0x66: {  	_ =	shalt  }
0x67: {  	_ =	shalt  }
0x68: {  	_ =	shalt  }
0x69: {  	_ =	shalt  }
0x6a: {  	_ =	shalt  }
0x6b: {  	_ =	shalt  }
0x6c: {  	_ =	shalt  }
0x6d: {  	_ =	shalt  }
0x6e: {  	_ =	shalt  }
0x6f: {  	_ =	shalt  }
0x70: {  	_ =	shalt  }
0x71: {  	_ =	shalt  }
0x72: {  	_ =	shalt  }
0x73: {  	_ =	shalt  }
0x74: {  	_ =	shalt  }
0x75: {  	_ =	shalt  }
0x76: {  	_ =	shalt  }
0x77: {  	_ =	shalt  }
0x78: {  	_ =	shalt  }
0x79: {  	_ =	shalt  }
0x7a: {  	_ =	shalt  }
0x7b: {  	_ =	shalt  }
0x7c: {  	_ =	shalt  }
0x7d: {  	_ =	shalt  }
0x7e: {  	_ =	shalt  }
0x7f: {  	_ =	shalt  }
0x80: {  	_ =	shalt  }
0x81: {  	_ =	shalt  }
0x82: {  	_ =	shalt  }
0x83: {  	_ =	shalt  }
0x84: {  	_ =	shalt  }
0x85: {  	_ =	shalt  }
0x86: {  	_ =	shalt  }
0x87: {  	_ =	shalt  }
.Lfunc_end0:
.L_simem_size_0:
called_computation_lowered:
.L_overlay_start_0:
0x88: {  	s2 =	sld [smem:$0x3FD9]  }
0x89: {  	s3 =	sld [smem:$0x3FFE];
	_ =	sdelay $0x1  }
0x8a: {  	s1 =	srdreg.scid  }
0x8b: {  	s0 =	sand.u32 $0x1, s1  }
0x8c: {  	s17 =	sshll.u32 s0, $0xA;
	s2 =	sadd.s32 s3, s2  }
0x8d: {  	s2 =	sadd.s32 s2, s17  }
0x8e: {  	[smem:$0x3FC2] =	sst s2  }
0x8f: {  	_ = 	snop  }
0x90: {  	s2 =	sld [smem:$0x3FD0];
	(tm) =	ssettm $0x1  }
0x91: {  	s18 =	sld [smem:$0x3FFB];
	_ =	sdelay $0x3  }
0x92: {  	_ =	strace s18  }
0x93: {  	s3 =	sld [smem:$0x3FFC];
	_ =	sdelay $0x3  }
0x94: {  	_ =	strace s3  }
0x95: {  	s3 =	sld [smem:$0x3FFD];
	_ =	sdelay $0x3  }
0x96: {  	_ =	strace s3  }
0x97: {  	_ =	strace $0x8FFFFFFF  }
0x98: {  	s19 =	sld [smem:$0x3FDB];
	_ =	sdelay $0x1  }
0x99: {  	s4 =	simm.s32 $_scs_section_size  }
0x9a: {  	s5 =	simm.s32 $_size__tile_overlayer_lowered;
	s6 =	simm.s32 $_tile_overlayer_lowered  }
0x9b: {  	s22 =	simm.s32 $0x1BFF;
	s21 =	sshll.u32 s6, $0x1;
	s3 =	sadd.s32 s4, s19  }
0x9c: {  	s7 =	simm.s32 $0x0;
	s20 =	sshll.u32 s5, $0x1;
	s5 =	sadd.s32 s21, s3  }
0x9d: {  	[timem:s7], [sflag:s22] =	dma.local [hbm:s5], s20  }
0x9e: {  	_ =	swait.ge [sflag:s22], s20  }
0x9f: {  	s4 =	ssub.s32 $0x0, s20;
	[sflag:s22] =	ssyncset.done $0x0  }
0xa0: {  	[sflag:s22] =	ssyncadd.s32 s4;
	_ =	sdelay $0x1  }
0xa1: {  	s23 =	simm.s32 $0x1B8B  }
0xa2: {  	_ =	swait.ge [sflag:s23], $0x1  }
0xa3: {  	[sflag:s23] =	ssyncset.done $0x0  }
0xa4: {  	s25 =	simm.s32 $0x1B8E;
	s24 =	sld [smem:$0x3FFE];
	[sflag:s23] =	ssyncadd.s32 $0xFFFFFFFF  }
0xa5: {  	s26 =	simm.s32 $execute0_lowered;
	[smem:$0x3FD2] =	sst s25  }
0xa6: {  	s5 =	sshll.u32 s26, $0x1;
	_ =	strace $0x80000046;
	[dreg:$0x1] =	wrdreg $0xFFFFFFFF  }
0xa7: {  	s28 =	simm.s32 $_size_execute0_lowered;
	s3 =	sadd.s32 s3, s5;
	[dreg:$0x0] =	wrdreg $0x0  }
0xa8: {  	s5 =	sshll.u32 s28, $0x1;
	[dreg:$0x2] =	wrdreg s3  }
0xa9: {  	[dreg:$0x3] =	wrdreg s5  }
0xaa: {  	[dreg:$0x4] =	wrdreg $0xC0  }
0xab: {  	_ =	task [dreg:s7], $0x5FFFF  }
0xac: {  	[dreg:$0x1] =	wrdreg $0xFFFFFFFF  }
0xad: {  	[dreg:$0x0] =	wrdreg $0x60  }
0xae: {  	[dreg:$0x2] =	wrdreg s2  }
0xaf: {  	[dreg:$0x3] =	wrdreg s24  }
0xb0: {  	[dreg:$0x4] =	wrdreg $0x0  }
0xb1: {  	[dreg:$0x5] =	wrdreg $0x9  }
0xb2: {  	_ =	task.clear_ibuf [dreg:s7], $0x6FFFF;
	_ =	strace $0x90000046  }
0xb3: {  	s29 =	simm.s32 $0x9;
	_ =	strace $0x80000048  }
0xb4: {  	_ =	swait.ge [sflag:s29], $0x1  }
0xb5: {  	[sflag:s29] =	ssyncadd.s32 $0xFFFFFFFF  }
0xb6: {  	_ =	strace $0x90000048  }
0xb7: {  	_ =	sfence  }
0xb8: {  	s30 =	sld [smem:$0x0];
	_ =	sdelay $0x2  }
0xb9: {  	s31 =	sshll.u32 s1, $0xD;
	s1 =	sshrl.u32 s1, $0x2  }
0xba: {  	s3 =	sand.u32 $0x4000, s31;
	s1 =	sadd.s32 s1, s30  }
0xbb: {  	s0 =	sor.u32 s3, s0;
	s1 =	sshll.u32 s1, $0x11  }
0xbc: {  	s0 =	sor.u32 s1, s0  }
0xbd: {  	s0 =	sadd.s32 $0x8F2B, s0  }
0xbe: {  	[sflag:s0] =	ssyncadd.remote.s32 $0x1  }
0xbf: {  	_ =	sfence.sel $0xFFFF  }
0xc0: {  	[dreg:$0x0] =	wrdreg $0xFFFFFFFF;
	(pc) =	sbr.abs _section_cstart, $3  }
0xc1: {  	[dreg:$0x1] =	wrdreg $0xFFFFFFFF  }
0xc2: {  	_ =	task.clear_ibuf [dreg:s7], $0x2FFFF;
	_ =	strace $0x9FFFFFFF  }
0xc3: {  	(tm) =	ssettm $0x7FFFFFFF  }
tec
execute0_lowered:
.L_overlay_start_1:
0x0: {  	(tag) =	ssettag $0x1  }
0x1: {  	s4 =	rddreg [dreg:$0x0]  }
0x2: {  	s5 =	rddreg [dreg:$0x1]  }
0x3: {  	s2 =	rddreg [dreg:$0x2]  }
0x4: {  	s0 =	rddreg [dreg:$0x3]  }
0x5: {  	s3 =	srdreg.scid;
	s1 =	stileid.u32  }
0x6: {  	s11 =	simm.s32 $0x7D;
	s12 =	simm.s32 $0x2A80;
	s15 =	simm.s32 $0x0  }
0x7: {  	s6 =	sand.u32 $0x1, s3;
	s7 =	smul.u32 $0x280, s1;
	s8 =	sshll.u32 s1, $0x1  }
0x8: {  	s3 =	simm.s32 $0x0;
	s13 =	sshll.u32 s1, $0x6;
	s9 =	smul.u32 $0x2800, s6  }
0x9: {  	s8 =	sor.u32 s6, s8;
	[smem:$0x7FF] =	sst s3;
	s6 =	ssub.s32 $0x2, s6  }
0xa: {  	s13 =	sor.u32 $0x1C01, s13;
	s8 =	smul.u32 $0x2800, s8;
	s10 =	sshrl.u32 s6, $0x1  }
0xb: {  	_ =	strace $0x80000047;
	s9 =	sadd.s32 s7, s9;
	s31 =	ssub.s32 s6, s10  }
0xc: {  	s10 =	simm.s32 $0x2B00;
	s8 =	sshrl.u32 s8, $0x3;
	s9 =	sshrl.u32 s9, $0x3  }
0xd: {  	s4 =	sadd.s32 s4, s8;
	s30 =	sadd.s32 s9, s5;
	s5 =	sadd.s32 s7, s2  }
0xe: {  	s7 =	smax.u32 s31, $0x1;
	s8 =	simm.s32 $0x280;
	s9 =	simm.s32 $0x1  }
0xf: {  	v0 =	vimm.f32 $0.0e+00;
	v1 =	vimm.f32 $1.000000000e+00;
	s4 =	sadd.s32 $0xA000, s4;
	s6 =	sadd.s32 $0x2A00, s30;
	s14 =	sshrl.u32 s5, $0x3  }
.LBB2_1:
0x10: {  	[tilespmem:$0x2B00] =	vst v0  }
0x11: {  	[tilespmem:$0x2B10] =	vst v0  }
0x12: {  	[tilespmem:$0x2B20] =	vst v0  }
0x13: {  	[tilespmem:$0x2B30] =	vst v0  }
0x14: {  	[tilespmem:$0x2B40] =	vst v0  }
0x15: {  	[tilespmem:$0x2B50] =	vst v0  }
0x16: {  	[tilespmem:$0x2B60] =	vst v0  }
0x17: {  	[tilespmem:$0x2B70] =	vst v0  }
0x18: {  	[tilespmem:$0x2B80] =	vst v0  }
0x19: {  	[tilespmem:$0x2B90] =	vst v0  }
0x1a: {  	[tilespmem:$0x2BA0] =	vst v0  }
0x1b: {  	[tilespmem:$0x2BB0] =	vst v0  }
0x1c: {  	[tilespmem:$0x2BC0] =	vst v0  }
0x1d: {  	[tilespmem:$0x2BD0] =	vst v0  }
0x1e: {  	[tilespmem:$0x2BE0] =	vst v0  }
0x1f: {  	[tilespmem:$0x2BF0] =	vst v0  }
0x20: {  	[tilespmem:$0x2C00] =	vst v0  }
0x21: {  	[tilespmem:$0x2C10] =	vst v0  }
0x22: {  	[tilespmem:$0x2C20] =	vst v0  }
0x23: {  	[tilespmem:$0x2C30] =	vst v0  }
0x24: {  	[tilespmem:$0x2C40] =	vst v0  }
0x25: {  	[tilespmem:$0x2C50] =	vst v0  }
0x26: {  	[tilespmem:$0x2C60] =	vst v0  }
0x27: {  	[tilespmem:$0x2C70] =	vst v0  }
0x28: {  	[tilespmem:$0x2C80] =	vst v0  }
0x29: {  	[tilespmem:$0x2C90] =	vst v0  }
0x2a: {  	[tilespmem:$0x2CA0] =	vst v0  }
0x2b: {  	[tilespmem:$0x2CB0] =	vst v0  }
0x2c: {  	[tilespmem:$0x2CC0] =	vst v0  }
0x2d: {  	[tilespmem:$0x2CD0] =	vst v0  }
0x2e: {  	[tilespmem:$0x2CE0] =	vst v0  }
0x2f: {  	[tilespmem:$0x2CF0] =	vst v0  }
0x30: {  	[tilespmem:$0x2D00] =	vst v0  }
0x31: {  	[tilespmem:$0x2D10] =	vst v0  }
0x32: {  	[tilespmem:$0x2D20] =	vst v0  }
0x33: {  	[tilespmem:$0x2D30] =	vst v0  }
0x34: {  	[tilespmem:$0x2D40] =	vst v0  }
0x35: {  	[tilespmem:$0x2D50] =	vst v0  }
0x36: {  	[tilespmem:$0x2D60] =	vst v0  }
0x37: {  	[tilespmem:$0x2D70] =	vst v0  }
0x38: {  	[tilespmem:$0x2A80] =	vst v1  }
0x39: {  	[tilespmem:$0x2A90] =	vst v1  }
0x3a: {  	[tilespmem:$0x2AA0] =	vst v1  }
0x3b: {  	[tilespmem:$0x2AB0] =	vst v1  }
0x3c: {  	[tilespmem:$0x2AC0] =	vst v1  }
0x3d: {  	[tilespmem:$0x2AD0] =	vst v1  }
0x3e: {  	[tilespmem:$0x2AE0] =	vst v1  }
0x3f: {  	[tilespmem:$0x2AF0] =	vst v1  }
0x40: {  	[tilespmem:s8], [sflag:$0x1] =	stream.linear.gather [hbm4b:s4+s3], $0x2800, $0x38;
	[tilespmem:$0x2D80] =	vst v63  }
0x41: {  	_ =	swait.ge [sflag:s9], $0x2800  }
0x42: {  	[sflag:s9] =	ssyncset.done $0x0  }
0x43: {  	[sflag:s9] =	ssyncadd.s32 $0xFFFFD800  }
0x44: {  	[spmem:s5] =	stream.linear.scatter [tilespmem:s10], [sflag:$0x1], $0x280, $0x38;
	[tilespmem:$0x2D80] =	vst v63  }
0x45: {  	_ =	swait.ge [sflag:s9], $0x280  }
0x46: {  	[sflag:s9] =	ssyncset.done $0x0  }
0x47: {  	[sflag:s9] =	ssyncadd.s32 $0xFFFFFD80  }
0x48: {  	s16 =	simm.s32 $0x280;
	[bflag:$0x0] =	sbarrier.arrive $0xFFFF  }
0x49: {  	[spmem:s2] =	stream.indirect.scatter.add.f32 [tilespmem:s12], [sflag:$0x1], $0x1, s16, s11, $0xb8;
	[tilespmem:$0x2D80] =	vst v63  }
0x4a: {  	s16 =	simm.s32 $0x200;
	_ =	swait.ge [sflag:s9], $0x7D  }
.LBB2_2:
0x4b: {  	s17 =	sshra.s32 s16, $0x2;
	[sflag:s9] =	ssyncset.done $0x0;
	p0 =	sne.s32 s16, $0x9E00  }
.Ltmp0:
0x4c: {  	s17 =	sadd.s32 $0x280, s17;
	[sflag:s9] =	ssyncadd.s32 $0xFFFFFF83;
	(pc) =	sbr.rel @p0 .LBB2_2-.Ltmp0, $3  }
0x4d: {  	[spmem:s2] =	stream.indirect.scatter.add.f32 [tilespmem:s12], [sflag:$0x1], $0x1, s17, s11, $0xb8;
	[tilespmem:$0x2D80] =	vst v63  }
0x4e: {  	s16 =	sadd.s32 $0x200, s16;
	_ =	sdelay $0x1  }
0x4f: {  	_ =	swait.ge [sflag:s9], $0x7D  }
0x50: {  	[sflag:s9] =	ssyncset.done $0x0;
	s15 =	sadd.s32 $0x1, s15  }
0x51: {  	[sflag:s9] =	ssyncadd.s32 $0xFFFFFF83;
	p0 =	sne.s32 s15, s7  }
.Ltmp1:
0x52: {  	[bflag:$0x0] =	sbarrier.arrive $0xFFFF;
	(pc) =	sbr.rel @p0 .LBB2_1-.Ltmp1, $4  }
0x53: {  	[hbm:s6], [sflag:s13] =	dma.local [spmem:s14], $0x50  }
0x54: {  	_ =	swait.ge [sflag:s9], $0x50  }
0x55: {  	[sflag:s9] =	ssyncset.done $0x0  }
0x56: {  	[sflag:s9] =	ssyncadd.s32 $0xFFFFFFB0  }
0x57: {  	_ =	sfence.sel $0x180000  }
0x58: {  	[bflag:$0x0] =	sbarrier.arrive $0xFFFF  }
0x59: {  	p0 =	sne.s32 s1, $0x0;
	_ =	strace $0x90000047  }
0x5a: {  	s0 =	sadd.s32 @!p0 $0x100000, s0;
	[bflag:$0x2] =	sbarrier.arrive $0xFFFF  }
0x5b: {  	[sflag:s0] =	ssyncadd.tile.s32 @!p0 $0x1;
	_ =	shalt  }
.Lfunc_end2:
_tile_overlayer_lowered:
.L_overlay_start_2:
0x5c: {  	(tag) =	ssettag $0x2  }
0x5d: {  	s0 =	rddreg [dreg:$0x0];
	s2 =	stileid.u32  }
0x5e: {  	s1 =	rddreg [dreg:$0x1];
	p0 =	sne.s32 s2, $0x0  }
0x5f: {  	s3 =	rddreg [dreg:$0x2];
	[bflag:$0x3] =	sbarrier.arrive $0xFFFF;
	s2 =	simm.s32 @!p0 $0x1C01  }
0x60: {  	[timem:s3], [sflag:s2] =	dma.local @!p0 [hbm:s0], s1  }
0x61: {  	s0 =	simm.s32 @!p0 $0x1  }
0x62: {  	_ =	swait.ge @!p0 [sflag:s0], s1  }
0x63: {  	s1 =	ssub.s32 @!p0 $0x0, s1;
	[sflag:s0] =	ssyncset.done @!p0 $0x0  }
0x64: {  	[sflag:s0] =	ssyncadd.s32 @!p0 s1  }
0x65: {  	[bflag:$0x3] =	sbarrier.arrive $0xFFFF  }
0x66: {  	_ =	shalt  }

</sc_bundles>
